<compile_context>
chip_gen: v7x
topology: tpu7x:2x2x1
jax: 0.10.2.dev20260603
libtpu: 0.0.44.dev20260713+nightly
codegen_flags: <defaults>
</compile_context>

<pallas_src>
import functools

import jax
import jax.numpy as jnp
from jax import lax
from jax.experimental import pallas as pl
from jax.experimental.pallas import tpu as pltpu
from jax.experimental.pallas import tpu_sc as plsc

NUM_ROWS = 1000000
NUM_CLASSES = 16
BATCH = 16384

_NC = 2
_NS = 16
_NW = _NC * _NS
_BPW = BATCH // _NW
_G = 8
_NPAR = 6
_NG = _BPW // _G

_mesh = plsc.VectorSubcoreMesh(core_axis_name="c", subcore_axis_name="s")


@functools.partial(
    pl.kernel,
    mesh=_mesh,
    out_type=jax.ShapeDtypeStruct((NUM_CLASSES, BATCH), jnp.float32),
    scratch_types=[
        pltpu.VMEM((_BPW + 16,), jnp.int32),
        pltpu.VMEM((_NPAR, _G, NUM_CLASSES, 128), jnp.float32),
        pltpu.VMEM((NUM_CLASSES, _BPW), jnp.float32),
    ] + [pltpu.SemaphoreType.DMA] * _NPAR,
    compiler_params=pltpu.CompilerParams(use_tc_tiling_on_sc=True, needs_layout_passes=False),
)
def _gather_kernel(table_t, idx_hbm, out_t, idx_v, slabs, ostage, *sems):
    wid = lax.axis_index("s") * _NC + lax.axis_index("c")
    base = wid * _BPW
    pltpu.sync_copy(idx_hbm.at[pl.ds(base, _BPW)], idx_v.at[pl.ds(0, _BPW)])
    c_vec = lax.iota(jnp.int32, 16)

    def fire(k, par):
        off = pl.multiple_of(k * _G, _G)
        v = idx_v[pl.ds(off, 16)]
        for j in range(_G):
            t0 = pl.multiple_of(jnp.bitwise_and(v[j], -128), 128)
            pltpu.async_copy(
                table_t.at[:, pl.ds(t0, 128)], slabs.at[par, j], sems[par]
            )

    def drain_and_extract(k, par):
        for j in range(_G):
            pltpu.make_async_copy(
                table_t.at[:, pl.ds(0, 128)], slabs.at[par, j], sems[par]
            ).wait()
        off = pl.multiple_of(k * _G, _G)
        v = idx_v[pl.ds(off, 16)]
        l_vec = jnp.bitwise_and(v, 127)
        for j in range(_G):
            l_s = jnp.broadcast_to(l_vec[j], (16,))
            vals = plsc.load_gather(slabs.at[par, j], [c_vec, l_s])
            p_s = jnp.broadcast_to(off + j, (16,))
            plsc.store_scatter(ostage, [c_vec, p_s], vals)

    for g in range(_NPAR - 1):
        fire(g, g)

    def body(k, _):
        for p in range(_NPAR):
            @pl.when(k % _NPAR == p)
            def _(p=p):
                @pl.when(k + _NPAR - 1 < _NG)
                def _():
                    fire(k + _NPAR - 1, (p + _NPAR - 1) % _NPAR)

                drain_and_extract(k, p)

        return ()

    lax.fori_loop(0, _NG, body, ())
    pltpu.sync_copy(ostage, out_t.at[:, pl.ds(base, _BPW)])


def kernel(probs, x):
    out_t = _gather_kernel(probs.T, x.astype(jnp.int32))
    return out_t.T

# --- scband reference (transcript-rebuilt; emitter-appended) ---
"""Pipeline reference for scband-cached-probs-model-27230092657547 (READ-ONLY COPY).

The authoritative reference and input builder live on the scoring server;
editing this copy changes nothing except your own understanding.
"""

import jax, jax.numpy as jnp
import numpy as np

NUM_ROWS = 1000000
NUM_CLASSES = 16
BATCH = 16384

def setup_inputs(seed: int = 0) -> dict:
    key = jax.random.key(seed)
    k_probs, k_idx = jax.random.split(key)
    # Cached probability table (the __init__ `probs` argument), realistic row-stochastic values
    logits = jax.random.normal(k_probs, (NUM_ROWS, NUM_CLASSES), dtype=jnp.float32)
    probs = jax.nn.softmax(logits, axis=-1)
    x = jax.random.randint(k_idx, (BATCH,), 0, NUM_ROWS, dtype=jnp.int64 if jax.config.read('jax_enable_x64') else jnp.int32)
    return {"probs": probs, "x": x}

def reference(probs, x):
    # Faithful translation of CachedProbsModel.forward -> predict_proba:
    #   return self.probs[np.asarray(x, dtype=int)]
    idx = x.astype(jnp.int32)
    return jnp.take(probs, idx, axis=0)

if __name__ == "__main__":
    import jax
    _d = setup_inputs()
    print(jax.jit(kernel)(*tuple(_d.values())))

</pallas_src>

<mosaic_0001>
#map = affine_map<(d0, d1) -> (0, 0)>
#map1 = affine_map<(d0, d1) -> (0)>
module attributes {stable_mosaic.version = 14 : i64} {
  func.func @_gather_kernel(%arg0: i32, %arg1: i32, %arg2: memref<16x1000000xf32, #tpu.memory_space<hbm>>, %arg3: memref<16384xi32, #tpu.memory_space<hbm>>, %arg4: memref<16x16384xf32, #tpu.memory_space<hbm>>, %arg5: memref<528xi32, #tpu.memory_space<vmem>>, %arg6: memref<6x8x16x128xf32, #tpu.memory_space<vmem>>, %arg7: memref<16x512xf32, #tpu.memory_space<vmem>>, %arg8: memref<!tpu.dma_semaphore, #tpu.memory_space<semaphore_mem>>, %arg9: memref<!tpu.dma_semaphore, #tpu.memory_space<semaphore_mem>>, %arg10: memref<!tpu.dma_semaphore, #tpu.memory_space<semaphore_mem>>, %arg11: memref<!tpu.dma_semaphore, #tpu.memory_space<semaphore_mem>>, %arg12: memref<!tpu.dma_semaphore, #tpu.memory_space<semaphore_mem>>, %arg13: memref<!tpu.dma_semaphore, #tpu.memory_space<semaphore_mem>>) attributes {dimension_semantics = [#tpu.dimension_semantics<core_parallel>, #tpu.dimension_semantics<subcore_parallel>], iteration_bounds = array<i64: 2, 16>, scalar_prefetch = 0 : i64, scratch_operands = 9 : i64, tpu.core_type = #tpu.core_type<sc_vector_subcore>, window_params = [{transform_indices = #map}, {transform_indices = #map1}, {transform_indices = #map}]} {
    %mul3A = arith.constant 2 : i32
    %mul3A_0 = arith.muli %arg1, %mul3A : i32
    %add3A = arith.addi %mul3A_0, %arg0 : i32
    %mul3A_1 = arith.constant 512 : i32
    %mul3A_2 = arith.muli %add3A, %mul3A_1 : i32
    "tpu.region"() ({
      %run_scoped3A = tpu.sem_alloc : memref<!tpu.dma_semaphore, #tpu.memory_space<semaphore_mem>>
      %dma_start3A_781 = arith.constant 0 : i32
      %dma_start3A_782 = tpu.memref_slice %arg5[%dma_start3A_781] : memref<528xi32, #tpu.memory_space<vmem>> -> memref<512xi32, #tpu.memory_space<vmem>>
      %dma_start3A_783 = tpu.memref_slice %arg3[%mul3A_2] : memref<16384xi32, #tpu.memory_space<hbm>> -> memref<512xi32, #tpu.memory_space<hbm>>
      %dma_start3A_784 = arith.constant 0 : i32
      %dma_start3A_785 = tpu.memref_slice %arg5[%dma_start3A_784] : memref<528xi32, #tpu.memory_space<vmem>> -> memref<512xi32, #tpu.memory_space<vmem>>
      %dma_start3A_786 = tpu.memref_slice %arg3[%mul3A_2] : memref<16384xi32, #tpu.memory_space<hbm>> -> memref<512xi32, #tpu.memory_space<hbm>>
      tpu.enqueue_dma source(%dma_start3A_786 : memref<512xi32, #tpu.memory_space<hbm>>) target(%dma_start3A_785 : memref<512xi32, #tpu.memory_space<vmem>>) target_semaphore(%run_scoped3A : memref<!tpu.dma_semaphore, #tpu.memory_space<semaphore_mem>>)
      %dma_wait3A = arith.constant 0 : i32
      %dma_wait3A_787 = tpu.memref_slice %arg5[%dma_wait3A] : memref<528xi32, #tpu.memory_space<vmem>> -> memref<512xi32, #tpu.memory_space<vmem>>
      %dma_wait3A_788 = tpu.memref_slice %arg3[%mul3A_2] : memref<16384xi32, #tpu.memory_space<hbm>> -> memref<512xi32, #tpu.memory_space<hbm>>
      %dma_wait3A_789 = arith.constant 0 : i32
      %dma_wait3A_790 = tpu.memref_slice %arg5[%dma_wait3A_789] : memref<528xi32, #tpu.memory_space<vmem>> -> memref<512xi32, #tpu.memory_space<vmem>>
      %dma_wait3A_791 = tpu.memref_slice %arg3[%mul3A_2] : memref<16384xi32, #tpu.memory_space<hbm>> -> memref<512xi32, #tpu.memory_space<hbm>>
      tpu.wait_dma2 semaphore(%run_scoped3A : memref<!tpu.dma_semaphore, #tpu.memory_space<semaphore_mem>>) src(%dma_wait3A_791 : memref<512xi32, #tpu.memory_space<hbm>>) dst(%dma_wait3A_790 : memref<512xi32, #tpu.memory_space<vmem>>)
      tpu.yield
    }) : () -> ()
    %iota3A = tpu.iota {dimensions = array<i32: 0>} : vector<16xi32>
    %multiple_of3A = arith.constant 0 : i32
    %multiple_of3A_3 = tpu.assume_multiple %multiple_of3A, 8 : i32
    %get3A = arith.index_cast %multiple_of3A_3 : i32 to index
    %get3A_4 = tpu.vector_load %arg5[%get3A] {strides = array<i32>} : memref<528xi32, #tpu.memory_space<vmem>>, vector<16xi32>,
    %slice3A = vector.extract_strided_slice %get3A_4 {offsets = [0], sizes = [1], strides = [1]} : vector<16xi32> to vector<1xi32>
    %squeeze3A = vector.extract %slice3A[0] : i32 from vector<1xi32>
    %and3A = arith.constant -128 : i32
    %and3A_5 = arith.andi %squeeze3A, %and3A : i32
    %multiple_of3A_6 = tpu.assume_multiple %and3A_5, 128 : i32
    %dma_start3A = arith.constant 0 : i32
    %dma_start3A_7 = arith.constant 0 : i32
    %dma_start3A_8 = arith.constant 0 : i32
    %dma_start3A_9 = arith.constant 0 : i32
    %dma_start3A_10 = tpu.memref_slice %arg6[%dma_start3A, %dma_start3A_7, %dma_start3A_8, %dma_start3A_9] : memref<6x8x16x128xf32, #tpu.memory_space<vmem>> -> memref<1x1x16x128xf32, #tpu.memory_space<vmem>>
    %dma_start3A_11 = tpu.memref_squeeze %dma_start3A_10 : memref<1x1x16x128xf32, #tpu.memory_space<vmem>> -> memref<16x128xf32, #tpu.memory_space<vmem>>
    %dma_start3A_12 = arith.constant 0 : i32
    %dma_start3A_13 = tpu.memref_slice %arg2[%dma_start3A_12, %multiple_of3A_6] : memref<16x1000000xf32, #tpu.memory_space<hbm>> -> memref<16x128xf32, #tpu.memory_space<hbm>>
    %dma_start3A_14 = arith.constant 0 : i32
    %dma_start3A_15 = arith.constant 0 : i32
    %dma_start3A_16 = tpu.memref_slice %arg6[%dma_start3A, %dma_start3A_7, %dma_start3A_14, %dma_start3A_15] : memref<6x8x16x128xf32, #tpu.memory_space<vmem>> -> memref<1x1x16x128xf32, #tpu.memory_space<vmem>>
    %dma_start3A_17 = tpu.memref_squeeze %dma_start3A_16 : memref<1x1x16x128xf32, #tpu.memory_space<vmem>> -> memref<16x128xf32, #tpu.memory_space<vmem>>
    %dma_start3A_18 = arith.constant 0 : i32
    %dma_start3A_19 = tpu.memref_slice %arg2[%dma_start3A_18, %multiple_of3A_6] : memref<16x1000000xf32, #tpu.memory_space<hbm>> -> memref<16x128xf32, #tpu.memory_space<hbm>>
    tpu.enqueue_dma source(%dma_start3A_19 : memref<16x128xf32, #tpu.memory_space<hbm>>) target(%dma_start3A_17 : memref<16x128xf32, #tpu.memory_space<vmem>>) target_semaphore(%arg8 : memref<!tpu.dma_semaphore, #tpu.memory_space<semaphore_mem>>)
    %slice3A_20 = vector.extract_strided_slice %get3A_4 {offsets = [1], sizes = [1], strides = [1]} : vector<16xi32> to vector<1xi32>
    %squeeze3A_21 = vector.extract %slice3A_20[0] : i32 from vector<1xi32>
    %and3A_22 = arith.constant -128 : i32
    %and3A_23 = arith.andi %squeeze3A_21, %and3A_22 : i32
    %multiple_of3A_24 = tpu.assume_multiple %and3A_23, 128 : i32
    %dma_start3A_25 = arith.constant 0 : i32
    %dma_start3A_26 = arith.constant 1 : i32
    %dma_start3A_27 = arith.constant 0 : i32
    %dma_start3A_28 = arith.constant 0 : i32
    %dma_start3A_29 = tpu.memref_slice %arg6[%dma_start3A_25, %dma_start3A_26, %dma_start3A_27, %dma_start3A_28] : memref<6x8x16x128xf32, #tpu.memory_space<vmem>> -> memref<1x1x16x128xf32, #tpu.memory_space<vmem>>
    %dma_start3A_30 = tpu.memref_squeeze %dma_start3A_29 : memref<1x1x16x128xf32, #tpu.memory_space<vmem>> -> memref<16x128xf32, #tpu.memory_space<vmem>>
    %dma_start3A_31 = arith.constant 0 : i32
    %dma_start3A_32 = tpu.memref_slice %arg2[%dma_start3A_31, %multiple_of3A_24] : memref<16x1000000xf32, #tpu.memory_space<hbm>> -> memref<16x128xf32, #tpu.memory_space<hbm>>
    %dma_start3A_33 = arith.constant 0 : i32
    %dma_start3A_34 = arith.constant 0 : i32
    %dma_start3A_35 = tpu.memref_slice %arg6[%dma_start3A_25, %dma_start3A_26, %dma_start3A_33, %dma_start3A_34] : memref<6x8x16x128xf32, #tpu.memory_space<vmem>> -> memref<1x1x16x128xf32, #tpu.memory_space<vmem>>
    %dma_start3A_36 = tpu.memref_squeeze %dma_start3A_35 : memref<1x1x16x128xf32, #tpu.memory_space<vmem>> -> memref<16x128xf32, #tpu.memory_space<vmem>>
    %dma_start3A_37 = arith.constant 0 : i32
    %dma_start3A_38 = tpu.memref_slice %arg2[%dma_start3A_37, %multiple_of3A_24] : memref<16x1000000xf32, #tpu.memory_space<hbm>> -> memref<16x128xf32, #tpu.memory_space<hbm>>
    tpu.enqueue_dma source(%dma_start3A_38 : memref<16x128xf32, #tpu.memory_space<hbm>>) target(%dma_start3A_36 : memref<16x128xf32, #tpu.memory_space<vmem>>) target_semaphore(%arg8 : memref<!tpu.dma_semaphore, #tpu.memory_space<semaphore_mem>>)
    %slice3A_39 = vector.extract_strided_slice %get3A_4 {offsets = [2], sizes = [1], strides = [1]} : vector<16xi32> to vector<1xi32>
    %squeeze3A_40 = vector.extract %slice3A_39[0] : i32 from vector<1xi32>
    %and3A_41 = arith.constant -128 : i32
    %and3A_42 = arith.andi %squeeze3A_40, %and3A_41 : i32
    %multiple_of3A_43 = tpu.assume_multiple %and3A_42, 128 : i32
    %dma_start3A_44 = arith.constant 0 : i32
    %dma_start3A_45 = arith.constant 2 : i32
    %dma_start3A_46 = arith.constant 0 : i32
    %dma_start3A_47 = arith.constant 0 : i32
    %dma_start3A_48 = tpu.memref_slice %arg6[%dma_start3A_44, %dma_start3A_45, %dma_start3A_46, %dma_start3A_47] : memref<6x8x16x128xf32, #tpu.memory_space<vmem>> -> memref<1x1x16x128xf32, #tpu.memory_space<vmem>>
    %dma_start3A_49 = tpu.memref_squeeze %dma_start3A_48 : memref<1x1x16x128xf32, #tpu.memory_space<vmem>> -> memref<16x128xf32, #tpu.memory_space<vmem>>
    %dma_start3A_50 = arith.constant 0 : i32
    %dma_start3A_51 = tpu.memref_slice %arg2[%dma_start3A_50, %multiple_of3A_43] : memref<16x1000000xf32, #tpu.memory_space<hbm>> -> memref<16x128xf32, #tpu.memory_space<hbm>>
    %dma_start3A_52 = arith.constant 0 : i32
    %dma_start3A_53 = arith.constant 0 : i32
    %dma_start3A_54 = tpu.memref_slice %arg6[%dma_start3A_44, %dma_start3A_45, %dma_start3A_52, %dma_start3A_53] : memref<6x8x16x128xf32, #tpu.memory_space<vmem>> -> memref<1x1x16x128xf32, #tpu.memory_space<vmem>>
    %dma_start3A_55 = tpu.memref_squeeze %dma_start3A_54 : memref<1x1x16x128xf32, #tpu.memory_space<vmem>> -> memref<16x128xf32, #tpu.memory_space<vmem>>
    %dma_start3A_56 = arith.constant 0 : i32
    %dma_start3A_57 = tpu.memref_slice %arg2[%dma_start3A_56, %multiple_of3A_43] : memref<16x1000000xf32, #tpu.memory_space<hbm>> -> memref<16x128xf32, #tpu.memory_space<hbm>>
    tpu.enqueue_dma source(%dma_start3A_57 : memref<16x128xf32, #tpu.memory_space<hbm>>) target(%dma_start3A_55 : memref<16x128xf32, #tpu.memory_space<vmem>>) target_semaphore(%arg8 : memref<!tpu.dma_semaphore, #tpu.memory_space<semaphore_mem>>)
    %slice3A_58 = vector.extract_strided_slice %get3A_4 {offsets = [3], sizes = [1], strides = [1]} : vector<16xi32> to vector<1xi32>
    %squeeze3A_59 = vector.extract %slice3A_58[0] : i32 from vector<1xi32>
    %and3A_60 = arith.constant -128 : i32
    %and3A_61 = arith.andi %squeeze3A_59, %and3A_60 : i32
    %multiple_of3A_62 = tpu.assume_multiple %and3A_61, 128 : i32
    %dma_start3A_63 = arith.constant 0 : i32
    %dma_start3A_64 = arith.constant 3 : i32
    %dma_start3A_65 = arith.constant 0 : i32
    %dma_start3A_66 = arith.constant 0 : i32
    %dma_start3A_67 = tpu.memref_slice %arg6[%dma_start3A_63, %dma_start3A_64, %dma_start3A_65, %dma_start3A_66] : memref<6x8x16x128xf32, #tpu.memory_space<vmem>> -> memref<1x1x16x128xf32, #tpu.memory_space<vmem>>
    %dma_start3A_68 = tpu.memref_squeeze %dma_start3A_67 : memref<1x1x16x128xf32, #tpu.memory_space<vmem>> -> memref<16x128xf32, #tpu.memory_space<vmem>>
    %dma_start3A_69 = arith.constant 0 : i32
    %dma_start3A_70 = tpu.memref_slice %arg2[%dma_start3A_69, %multiple_of3A_62] : memref<16x1000000xf32, #tpu.memory_space<hbm>> -> memref<16x128xf32, #tpu.memory_space<hbm>>
    %dma_start3A_71 = arith.constant 0 : i32
    %dma_start3A_72 = arith.constant 0 : i32
    %dma_start3A_73 = tpu.memref_slice %arg6[%dma_start3A_63, %dma_start3A_64, %dma_start3A_71, %dma_start3A_72] : memref<6x8x16x128xf32, #tpu.memory_space<vmem>> -> memref<1x1x16x128xf32, #tpu.memory_space<vmem>>
    %dma_start3A_74 = tpu.memref_squeeze %dma_start3A_73 : memref<1x1x16x128xf32, #tpu.memory_space<vmem>> -> memref<16x128xf32, #tpu.memory_space<vmem>>
    %dma_start3A_75 = arith.constant 0 : i32
    %dma_start3A_76 = tpu.memref_slice %arg2[%dma_start3A_75, %multiple_of3A_62] : memref<16x1000000xf32, #tpu.memory_space<hbm>> -> memref<16x128xf32, #tpu.memory_space<hbm>>
    tpu.enqueue_dma source(%dma_start3A_76 : memref<16x128xf32, #tpu.memory_space<hbm>>) target(%dma_start3A_74 : memref<16x128xf32, #tpu.memory_space<vmem>>) target_semaphore(%arg8 : memref<!tpu.dma_semaphore, #tpu.memory_space<semaphore_mem>>)
    %slice3A_77 = vector.extract_strided_slice %get3A_4 {offsets = [4], sizes = [1], strides = [1]} : vector<16xi32> to vector<1xi32>
    %squeeze3A_78 = vector.extract %slice3A_77[0] : i32 from vector<1xi32>
    %and3A_79 = arith.constant -128 : i32
    %and3A_80 = arith.andi %squeeze3A_78, %and3A_79 : i32
    %multiple_of3A_81 = tpu.assume_multiple %and3A_80, 128 : i32
    %dma_start3A_82 = arith.constant 0 : i32
    %dma_start3A_83 = arith.constant 4 : i32
    %dma_start3A_84 = arith.constant 0 : i32
    %dma_start3A_85 = arith.constant 0 : i32
    %dma_start3A_86 = tpu.memref_slice %arg6[%dma_start3A_82, %dma_start3A_83, %dma_start3A_84, %dma_start3A_85] : memref<6x8x16x128xf32, #tpu.memory_space<vmem>> -> memref<1x1x16x128xf32, #tpu.memory_space<vmem>>
    %dma_start3A_87 = tpu.memref_squeeze %dma_start3A_86 : memref<1x1x16x128xf32, #tpu.memory_space<vmem>> -> memref<16x128xf32, #tpu.memory_space<vmem>>
    %dma_start3A_88 = arith.constant 0 : i32
    %dma_start3A_89 = tpu.memref_slice %arg2[%dma_start3A_88, %multiple_of3A_81] : memref<16x1000000xf32, #tpu.memory_space<hbm>> -> memref<16x128xf32, #tpu.memory_space<hbm>>
    %dma_start3A_90 = arith.constant 0 : i32
    %dma_start3A_91 = arith.constant 0 : i32
    %dma_start3A_92 = tpu.memref_slice %arg6[%dma_start3A_82, %dma_start3A_83, %dma_start3A_90, %dma_start3A_91] : memref<6x8x16x128xf32, #tpu.memory_space<vmem>> -> memref<1x1x16x128xf32, #tpu.memory_space<vmem>>
    %dma_start3A_93 = tpu.memref_squeeze %dma_start3A_92 : memref<1x1x16x128xf32, #tpu.memory_space<vmem>> -> memref<16x128xf32, #tpu.memory_space<vmem>>
    %dma_start3A_94 = arith.constant 0 : i32
    %dma_start3A_95 = tpu.memref_slice %arg2[%dma_start3A_94, %multiple_of3A_81] : memref<16x1000000xf32, #tpu.memory_space<hbm>> -> memref<16x128xf32, #tpu.memory_space<hbm>>
    tpu.enqueue_dma source(%dma_start3A_95 : memref<16x128xf32, #tpu.memory_space<hbm>>) target(%dma_start3A_93 : memref<16x128xf32, #tpu.memory_space<vmem>>) target_semaphore(%arg8 : memref<!tpu.dma_semaphore, #tpu.memory_space<semaphore_mem>>)
    %slice3A_96 = vector.extract_strided_slice %get3A_4 {offsets = [5], sizes = [1], strides = [1]} : vector<16xi32> to vector<1xi32>
    %squeeze3A_97 = vector.extract %slice3A_96[0] : i32 from vector<1xi32>
    %and3A_98 = arith.constant -128 : i32
    %and3A_99 = arith.andi %squeeze3A_97, %and3A_98 : i32
    %multiple_of3A_100 = tpu.assume_multiple %and3A_99, 128 : i32
    %dma_start3A_101 = arith.constant 0 : i32
    %dma_start3A_102 = arith.constant 5 : i32
    %dma_start3A_103 = arith.constant 0 : i32
    %dma_start3A_104 = arith.constant 0 : i32
    %dma_start3A_105 = tpu.memref_slice %arg6[%dma_start3A_101, %dma_start3A_102, %dma_start3A_103, %dma_start3A_104] : memref<6x8x16x128xf32, #tpu.memory_space<vmem>> -> memref<1x1x16x128xf32, #tpu.memory_space<vmem>>
    %dma_start3A_106 = tpu.memref_squeeze %dma_start3A_105 : memref<1x1x16x128xf32, #tpu.memory_space<vmem>> -> memref<16x128xf32, #tpu.memory_space<vmem>>
    %dma_start3A_107 = arith.constant 0 : i32
    %dma_start3A_108 = tpu.memref_slice %arg2[%dma_start3A_107, %multiple_of3A_100] : memref<16x1000000xf32, #tpu.memory_space<hbm>> -> memref<16x128xf32, #tpu.memory_space<hbm>>
    %dma_start3A_109 = arith.constant 0 : i32
    %dma_start3A_110 = arith.constant 0 : i32
    %dma_start3A_111 = tpu.memref_slice %arg6[%dma_start3A_101, %dma_start3A_102, %dma_start3A_109, %dma_start3A_110] : memref<6x8x16x128xf32, #tpu.memory_space<vmem>> -> memref<1x1x16x128xf32, #tpu.memory_space<vmem>>
    %dma_start3A_112 = tpu.memref_squeeze %dma_start3A_111 : memref<1x1x16x128xf32, #tpu.memory_space<vmem>> -> memref<16x128xf32, #tpu.memory_space<vmem>>
    %dma_start3A_113 = arith.constant 0 : i32
    %dma_start3A_114 = tpu.memref_slice %arg2[%dma_start3A_113, %multiple_of3A_100] : memref<16x1000000xf32, #tpu.memory_space<hbm>> -> memref<16x128xf32, #tpu.memory_space<hbm>>
    tpu.enqueue_dma source(%dma_start3A_114 : memref<16x128xf32, #tpu.memory_space<hbm>>) target(%dma_start3A_112 : memref<16x128xf32, #tpu.memory_space<vmem>>) target_semaphore(%arg8 : memref<!tpu.dma_semaphore, #tpu.memory_space<semaphore_mem>>)
    %slice3A_115 = vector.extract_strided_slice %get3A_4 {offsets = [6], sizes = [1], strides = [1]} : vector<16xi32> to vector<1xi32>
    %squeeze3A_116 = vector.extract %slice3A_115[0] : i32 from vector<1xi32>
    %and3A_117 = arith.constant -128 : i32
    %and3A_118 = arith.andi %squeeze3A_116, %and3A_117 : i32
    %multiple_of3A_119 = tpu.assume_multiple %and3A_118, 128 : i32
    %dma_start3A_120 = arith.constant 0 : i32
    %dma_start3A_121 = arith.constant 6 : i32
    %dma_start3A_122 = arith.constant 0 : i32
    %dma_start3A_123 = arith.constant 0 : i32
    %dma_start3A_124 = tpu.memref_slice %arg6[%dma_start3A_120, %dma_start3A_121, %dma_start3A_122, %dma_start3A_123] : memref<6x8x16x128xf32, #tpu.memory_space<vmem>> -> memref<1x1x16x128xf32, #tpu.memory_space<vmem>>
    %dma_start3A_125 = tpu.memref_squeeze %dma_start3A_124 : memref<1x1x16x128xf32, #tpu.memory_space<vmem>> -> memref<16x128xf32, #tpu.memory_space<vmem>>
    %dma_start3A_126 = arith.constant 0 : i32
    %dma_start3A_127 = tpu.memref_slice %arg2[%dma_start3A_126, %multiple_of3A_119] : memref<16x1000000xf32, #tpu.memory_space<hbm>> -> memref<16x128xf32, #tpu.memory_space<hbm>>
    %dma_start3A_128 = arith.constant 0 : i32
    %dma_start3A_129 = arith.constant 0 : i32
    %dma_start3A_130 = tpu.memref_slice %arg6[%dma_start3A_120, %dma_start3A_121, %dma_start3A_128, %dma_start3A_129] : memref<6x8x16x128xf32, #tpu.memory_space<vmem>> -> memref<1x1x16x128xf32, #tpu.memory_space<vmem>>
    %dma_start3A_131 = tpu.memref_squeeze %dma_start3A_130 : memref<1x1x16x128xf32, #tpu.memory_space<vmem>> -> memref<16x128xf32, #tpu.memory_space<vmem>>
    %dma_start3A_132 = arith.constant 0 : i32
    %dma_start3A_133 = tpu.memref_slice %arg2[%dma_start3A_132, %multiple_of3A_119] : memref<16x1000000xf32, #tpu.memory_space<hbm>> -> memref<16x128xf32, #tpu.memory_space<hbm>>
    tpu.enqueue_dma source(%dma_start3A_133 : memref<16x128xf32, #tpu.memory_space<hbm>>) target(%dma_start3A_131 : memref<16x128xf32, #tpu.memory_space<vmem>>) target_semaphore(%arg8 : memref<!tpu.dma_semaphore, #tpu.memory_space<semaphore_mem>>)
    %slice3A_134 = vector.extract_strided_slice %get3A_4 {offsets = [7], sizes = [1], strides = [1]} : vector<16xi32> to vector<1xi32>
    %squeeze3A_135 = vector.extract %slice3A_134[0] : i32 from vector<1xi32>
    %and3A_136 = arith.constant -128 : i32
    %and3A_137 = arith.andi %squeeze3A_135, %and3A_136 : i32
    %multiple_of3A_138 = tpu.assume_multiple %and3A_137, 128 : i32
    %dma_start3A_139 = arith.constant 0 : i32
    %dma_start3A_140 = arith.constant 7 : i32
    %dma_start3A_141 = arith.constant 0 : i32
    %dma_start3A_142 = arith.constant 0 : i32
    %dma_start3A_143 = tpu.memref_slice %arg6[%dma_start3A_139, %dma_start3A_140, %dma_start3A_141, %dma_start3A_142] : memref<6x8x16x128xf32, #tpu.memory_space<vmem>> -> memref<1x1x16x128xf32, #tpu.memory_space<vmem>>
    %dma_start3A_144 = tpu.memref_squeeze %dma_start3A_143 : memref<1x1x16x128xf32, #tpu.memory_space<vmem>> -> memref<16x128xf32, #tpu.memory_space<vmem>>
    %dma_start3A_145 = arith.constant 0 : i32
    %dma_start3A_146 = tpu.memref_slice %arg2[%dma_start3A_145, %multiple_of3A_138] : memref<16x1000000xf32, #tpu.memory_space<hbm>> -> memref<16x128xf32, #tpu.memory_space<hbm>>
    %dma_start3A_147 = arith.constant 0 : i32
    %dma_start3A_148 = arith.constant 0 : i32
    %dma_start3A_149 = tpu.memref_slice %arg6[%dma_start3A_139, %dma_start3A_140, %dma_start3A_147, %dma_start3A_148] : memref<6x8x16x128xf32, #tpu.memory_space<vmem>> -> memref<1x1x16x128xf32, #tpu.memory_space<vmem>>
    %dma_start3A_150 = tpu.memref_squeeze %dma_start3A_149 : memref<1x1x16x128xf32, #tpu.memory_space<vmem>> -> memref<16x128xf32, #tpu.memory_space<vmem>>
    %dma_start3A_151 = arith.constant 0 : i32
    %dma_start3A_152 = tpu.memref_slice %arg2[%dma_start3A_151, %multiple_of3A_138] : memref<16x1000000xf32, #tpu.memory_space<hbm>> -> memref<16x128xf32, #tpu.memory_space<hbm>>
    tpu.enqueue_dma source(%dma_start3A_152 : memref<16x128xf32, #tpu.memory_space<hbm>>) target(%dma_start3A_150 : memref<16x128xf32, #tpu.memory_space<vmem>>) target_semaphore(%arg8 : memref<!tpu.dma_semaphore, #tpu.memory_space<semaphore_mem>>)
    %multiple_of3A_153 = arith.constant 8 : i32
    %multiple_of3A_154 = tpu.assume_multiple %multiple_of3A_153, 8 : i32
    %get3A_155 = arith.index_cast %multiple_of3A_154 : i32 to index
    %get3A_156 = tpu.vector_load %arg5[%get3A_155] {strides = array<i32>} : memref<528xi32, #tpu.memory_space<vmem>>, vector<16xi32>,
    %slice3A_157 = vector.extract_strided_slice %get3A_156 {offsets = [0], sizes = [1], strides = [1]} : vector<16xi32> to vector<1xi32>
    %squeeze3A_158 = vector.extract %slice3A_157[0] : i32 from vector<1xi32>
    %and3A_159 = arith.constant -128 : i32
    %and3A_160 = arith.andi %squeeze3A_158, %and3A_159 : i32
    %multiple_of3A_161 = tpu.assume_multiple %and3A_160, 128 : i32
    %dma_start3A_162 = arith.constant 1 : i32
    %dma_start3A_163 = arith.constant 0 : i32
    %dma_start3A_164 = arith.constant 0 : i32
    %dma_start3A_165 = arith.constant 0 : i32
    %dma_start3A_166 = tpu.memref_slice %arg6[%dma_start3A_162, %dma_start3A_163, %dma_start3A_164, %dma_start3A_165] : memref<6x8x16x128xf32, #tpu.memory_space<vmem>> -> memref<1x1x16x128xf32, #tpu.memory_space<vmem>>
    %dma_start3A_167 = tpu.memref_squeeze %dma_start3A_166 : memref<1x1x16x128xf32, #tpu.memory_space<vmem>> -> memref<16x128xf32, #tpu.memory_space<vmem>>
    %dma_start3A_168 = arith.constant 0 : i32
    %dma_start3A_169 = tpu.memref_slice %arg2[%dma_start3A_168, %multiple_of3A_161] : memref<16x1000000xf32, #tpu.memory_space<hbm>> -> memref<16x128xf32, #tpu.memory_space<hbm>>
    %dma_start3A_170 = arith.constant 0 : i32
    %dma_start3A_171 = arith.constant 0 : i32
    %dma_start3A_172 = tpu.memref_slice %arg6[%dma_start3A_162, %dma_start3A_163, %dma_start3A_170, %dma_start3A_171] : memref<6x8x16x128xf32, #tpu.memory_space<vmem>> -> memref<1x1x16x128xf32, #tpu.memory_space<vmem>>
    %dma_start3A_173 = tpu.memref_squeeze %dma_start3A_172 : memref<1x1x16x128xf32, #tpu.memory_space<vmem>> -> memref<16x128xf32, #tpu.memory_space<vmem>>
    %dma_start3A_174 = arith.constant 0 : i32
    %dma_start3A_175 = tpu.memref_slice %arg2[%dma_start3A_174, %multiple_of3A_161] : memref<16x1000000xf32, #tpu.memory_space<hbm>> -> memref<16x128xf32, #tpu.memory_space<hbm>>
    tpu.enqueue_dma source(%dma_start3A_175 : memref<16x128xf32, #tpu.memory_space<hbm>>) target(%dma_start3A_173 : memref<16x128xf32, #tpu.memory_space<vmem>>) target_semaphore(%arg9 : memref<!tpu.dma_semaphore, #tpu.memory_space<semaphore_mem>>)
    %slice3A_176 = vector.extract_strided_slice %get3A_156 {offsets = [1], sizes = [1], strides = [1]} : vector<16xi32> to vector<1xi32>
    %squeeze3A_177 = vector.extract %slice3A_176[0] : i32 from vector<1xi32>
    %and3A_178 = arith.constant -128 : i32
    %and3A_179 = arith.andi %squeeze3A_177, %and3A_178 : i32
    %multiple_of3A_180 = tpu.assume_multiple %and3A_179, 128 : i32
    %dma_start3A_181 = arith.constant 1 : i32
    %dma_start3A_182 = arith.constant 1 : i32
    %dma_start3A_183 = arith.constant 0 : i32
    %dma_start3A_184 = arith.constant 0 : i32
    %dma_start3A_185 = tpu.memref_slice %arg6[%dma_start3A_181, %dma_start3A_182, %dma_start3A_183, %dma_start3A_184] : memref<6x8x16x128xf32, #tpu.memory_space<vmem>> -> memref<1x1x16x128xf32, #tpu.memory_space<vmem>>
    %dma_start3A_186 = tpu.memref_squeeze %dma_start3A_185 : memref<1x1x16x128xf32, #tpu.memory_space<vmem>> -> memref<16x128xf32, #tpu.memory_space<vmem>>
    %dma_start3A_187 = arith.constant 0 : i32
    %dma_start3A_188 = tpu.memref_slice %arg2[%dma_start3A_187, %multiple_of3A_180] : memref<16x1000000xf32, #tpu.memory_space<hbm>> -> memref<16x128xf32, #tpu.memory_space<hbm>>
    %dma_start3A_189 = arith.constant 0 : i32
    %dma_start3A_190 = arith.constant 0 : i32
    %dma_start3A_191 = tpu.memref_slice %arg6[%dma_start3A_181, %dma_start3A_182, %dma_start3A_189, %dma_start3A_190] : memref<6x8x16x128xf32, #tpu.memory_space<vmem>> -> memref<1x1x16x128xf32, #tpu.memory_space<vmem>>
    %dma_start3A_192 = tpu.memref_squeeze %dma_start3A_191 : memref<1x1x16x128xf32, #tpu.memory_space<vmem>> -> memref<16x128xf32, #tpu.memory_space<vmem>>
    %dma_start3A_193 = arith.constant 0 : i32
    %dma_start3A_194 = tpu.memref_slice %arg2[%dma_start3A_193, %multiple_of3A_180] : memref<16x1000000xf32, #tpu.memory_space<hbm>> -> memref<16x128xf32, #tpu.memory_space<hbm>>
    tpu.enqueue_dma source(%dma_start3A_194 : memref<16x128xf32, #tpu.memory_space<hbm>>) target(%dma_start3A_192 : memref<16x128xf32, #tpu.memory_space<vmem>>) target_semaphore(%arg9 : memref<!tpu.dma_semaphore, #tpu.memory_space<semaphore_mem>>)
    %slice3A_195 = vector.extract_strided_slice %get3A_156 {offsets = [2], sizes = [1], strides = [1]} : vector<16xi32> to vector<1xi32>
    %squeeze3A_196 = vector.extract %slice3A_195[0] : i32 from vector<1xi32>
    %and3A_197 = arith.constant -128 : i32
    %and3A_198 = arith.andi %squeeze3A_196, %and3A_197 : i32
    %multiple_of3A_199 = tpu.assume_multiple %and3A_198, 128 : i32
    %dma_start3A_200 = arith.constant 1 : i32
    %dma_start3A_201 = arith.constant 2 : i32
    %dma_start3A_202 = arith.constant 0 : i32
    %dma_start3A_203 = arith.constant 0 : i32
    %dma_start3A_204 = tpu.memref_slice %arg6[%dma_start3A_200, %dma_start3A_201, %dma_start3A_202, %dma_start3A_203] : memref<6x8x16x128xf32, #tpu.memory_space<vmem>> -> memref<1x1x16x128xf32, #tpu.memory_space<vmem>>
    %dma_start3A_205 = tpu.memref_squeeze %dma_start3A_204 : memref<1x1x16x128xf32, #tpu.memory_space<vmem>> -> memref<16x128xf32, #tpu.memory_space<vmem>>
    %dma_start3A_206 = arith.constant 0 : i32
    %dma_start3A_207 = tpu.memref_slice %arg2[%dma_start3A_206, %multiple_of3A_199] : memref<16x1000000xf32, #tpu.memory_space<hbm>> -> memref<16x128xf32, #tpu.memory_space<hbm>>
    %dma_start3A_208 = arith.constant 0 : i32
    %dma_start3A_209 = arith.constant 0 : i32
    %dma_start3A_210 = tpu.memref_slice %arg6[%dma_start3A_200, %dma_start3A_201, %dma_start3A_208, %dma_start3A_209] : memref<6x8x16x128xf32, #tpu.memory_space<vmem>> -> memref<1x1x16x128xf32, #tpu.memory_space<vmem>>
    %dma_start3A_211 = tpu.memref_squeeze %dma_start3A_210 : memref<1x1x16x128xf32, #tpu.memory_space<vmem>> -> memref<16x128xf32, #tpu.memory_space<vmem>>
    %dma_start3A_212 = arith.constant 0 : i32
    %dma_start3A_213 = tpu.memref_slice %arg2[%dma_start3A_212, %multiple_of3A_199] : memref<16x1000000xf32, #tpu.memory_space<hbm>> -> memref<16x128xf32, #tpu.memory_space<hbm>>
    tpu.enqueue_dma source(%dma_start3A_213 : memref<16x128xf32, #tpu.memory_space<hbm>>) target(%dma_start3A_211 : memref<16x128xf32, #tpu.memory_space<vmem>>) target_semaphore(%arg9 : memref<!tpu.dma_semaphore, #tpu.memory_space<semaphore_mem>>)
    %slice3A_214 = vector.extract_strided_slice %get3A_156 {offsets = [3], sizes = [1], strides = [1]} : vector<16xi32> to vector<1xi32>
    %squeeze3A_215 = vector.extract %slice3A_214[0] : i32 from vector<1xi32>
    %and3A_216 = arith.constant -128 : i32
    %and3A_217 = arith.andi %squeeze3A_215, %and3A_216 : i32
    %multiple_of3A_218 = tpu.assume_multiple %and3A_217, 128 : i32
    %dma_start3A_219 = arith.constant 1 : i32
    %dma_start3A_220 = arith.constant 3 : i32
    %dma_start3A_221 = arith.constant 0 : i32
    %dma_start3A_222 = arith.constant 0 : i32
    %dma_start3A_223 = tpu.memref_slice %arg6[%dma_start3A_219, %dma_start3A_220, %dma_start3A_221, %dma_start3A_222] : memref<6x8x16x128xf32, #tpu.memory_space<vmem>> -> memref<1x1x16x128xf32, #tpu.memory_space<vmem>>
    %dma_start3A_224 = tpu.memref_squeeze %dma_start3A_223 : memref<1x1x16x128xf32, #tpu.memory_space<vmem>> -> memref<16x128xf32, #tpu.memory_space<vmem>>
    %dma_start3A_225 = arith.constant 0 : i32
    %dma_start3A_226 = tpu.memref_slice %arg2[%dma_start3A_225, %multiple_of3A_218] : memref<16x1000000xf32, #tpu.memory_space<hbm>> -> memref<16x128xf32, #tpu.memory_space<hbm>>
    %dma_start3A_227 = arith.constant 0 : i32
    %dma_start3A_228 = arith.constant 0 : i32
    %dma_start3A_229 = tpu.memref_slice %arg6[%dma_start3A_219, %dma_start3A_220, %dma_start3A_227, %dma_start3A_228] : memref<6x8x16x128xf32, #tpu.memory_space<vmem>> -> memref<1x1x16x128xf32, #tpu.memory_space<vmem>>
    %dma_start3A_230 = tpu.memref_squeeze %dma_start3A_229 : memref<1x1x16x128xf32, #tpu.memory_space<vmem>> -> memref<16x128xf32, #tpu.memory_space<vmem>>
    %dma_start3A_231 = arith.constant 0 : i32
    %dma_start3A_232 = tpu.memref_slice %arg2[%dma_start3A_231, %multiple_of3A_218] : memref<16x1000000xf32, #tpu.memory_space<hbm>> -> memref<16x128xf32, #tpu.memory_space<hbm>>
    tpu.enqueue_dma source(%dma_start3A_232 : memref<16x128xf32, #tpu.memory_space<hbm>>) target(%dma_start3A_230 : memref<16x128xf32, #tpu.memory_space<vmem>>) target_semaphore(%arg9 : memref<!tpu.dma_semaphore, #tpu.memory_space<semaphore_mem>>)
    %slice3A_233 = vector.extract_strided_slice %get3A_156 {offsets = [4], sizes = [1], strides = [1]} : vector<16xi32> to vector<1xi32>
    %squeeze3A_234 = vector.extract %slice3A_233[0] : i32 from vector<1xi32>
    %and3A_235 = arith.constant -128 : i32
    %and3A_236 = arith.andi %squeeze3A_234, %and3A_235 : i32
    %multiple_of3A_237 = tpu.assume_multiple %and3A_236, 128 : i32
    %dma_start3A_238 = arith.constant 1 : i32
    %dma_start3A_239 = arith.constant 4 : i32
    %dma_start3A_240 = arith.constant 0 : i32
    %dma_start3A_241 = arith.constant 0 : i32
    %dma_start3A_242 = tpu.memref_slice %arg6[%dma_start3A_238, %dma_start3A_239, %dma_start3A_240, %dma_start3A_241] : memref<6x8x16x128xf32, #tpu.memory_space<vmem>> -> memref<1x1x16x128xf32, #tpu.memory_space<vmem>>
    %dma_start3A_243 = tpu.memref_squeeze %dma_start3A_242 : memref<1x1x16x128xf32, #tpu.memory_space<vmem>> -> memref<16x128xf32, #tpu.memory_space<vmem>>
    %dma_start3A_244 = arith.constant 0 : i32
    %dma_start3A_245 = tpu.memref_slice %arg2[%dma_start3A_244, %multiple_of3A_237] : memref<16x1000000xf32, #tpu.memory_space<hbm>> -> memref<16x128xf32, #tpu.memory_space<hbm>>
    %dma_start3A_246 = arith.constant 0 : i32
    %dma_start3A_247 = arith.constant 0 : i32
    %dma_start3A_248 = tpu.memref_slice %arg6[%dma_start3A_238, %dma_start3A_239, %dma_start3A_246, %dma_start3A_247] : memref<6x8x16x128xf32, #tpu.memory_space<vmem>> -> memref<1x1x16x128xf32, #tpu.memory_space<vmem>>
    %dma_start3A_249 = tpu.memref_squeeze %dma_start3A_248 : memref<1x1x16x128xf32, #tpu.memory_space<vmem>> -> memref<16x128xf32, #tpu.memory_space<vmem>>
    %dma_start3A_250 = arith.constant 0 : i32
    %dma_start3A_251 = tpu.memref_slice %arg2[%dma_start3A_250, %multiple_of3A_237] : memref<16x1000000xf32, #tpu.memory_space<hbm>> -> memref<16x128xf32, #tpu.memory_space<hbm>>
    tpu.enqueue_dma source(%dma_start3A_251 : memref<16x128xf32, #tpu.memory_space<hbm>>) target(%dma_start3A_249 : memref<16x128xf32, #tpu.memory_space<vmem>>) target_semaphore(%arg9 : memref<!tpu.dma_semaphore, #tpu.memory_space<semaphore_mem>>)
    %slice3A_252 = vector.extract_strided_slice %get3A_156 {offsets = [5], sizes = [1], strides = [1]} : vector<16xi32> to vector<1xi32>
    %squeeze3A_253 = vector.extract %slice3A_252[0] : i32 from vector<1xi32>
    %and3A_254 = arith.constant -128 : i32
    %and3A_255 = arith.andi %squeeze3A_253, %and3A_254 : i32
    %multiple_of3A_256 = tpu.assume_multiple %and3A_255, 128 : i32
    %dma_start3A_257 = arith.constant 1 : i32
    %dma_start3A_258 = arith.constant 5 : i32
    %dma_start3A_259 = arith.constant 0 : i32
    %dma_start3A_260 = arith.constant 0 : i32
    %dma_start3A_261 = tpu.memref_slice %arg6[%dma_start3A_257, %dma_start3A_258, %dma_start3A_259, %dma_start3A_260] : memref<6x8x16x128xf32, #tpu.memory_space<vmem>> -> memref<1x1x16x128xf32, #tpu.memory_space<vmem>>
    %dma_start3A_262 = tpu.memref_squeeze %dma_start3A_261 : memref<1x1x16x128xf32, #tpu.memory_space<vmem>> -> memref<16x128xf32, #tpu.memory_space<vmem>>
    %dma_start3A_263 = arith.constant 0 : i32
    %dma_start3A_264 = tpu.memref_slice %arg2[%dma_start3A_263, %multiple_of3A_256] : memref<16x1000000xf32, #tpu.memory_space<hbm>> -> memref<16x128xf32, #tpu.memory_space<hbm>>
    %dma_start3A_265 = arith.constant 0 : i32
    %dma_start3A_266 = arith.constant 0 : i32
    %dma_start3A_267 = tpu.memref_slice %arg6[%dma_start3A_257, %dma_start3A_258, %dma_start3A_265, %dma_start3A_266] : memref<6x8x16x128xf32, #tpu.memory_space<vmem>> -> memref<1x1x16x128xf32, #tpu.memory_space<vmem>>
    %dma_start3A_268 = tpu.memref_squeeze %dma_start3A_267 : memref<1x1x16x128xf32, #tpu.memory_space<vmem>> -> memref<16x128xf32, #tpu.memory_space<vmem>>
    %dma_start3A_269 = arith.constant 0 : i32
    %dma_start3A_270 = tpu.memref_slice %arg2[%dma_start3A_269, %multiple_of3A_256] : memref<16x1000000xf32, #tpu.memory_space<hbm>> -> memref<16x128xf32, #tpu.memory_space<hbm>>
    tpu.enqueue_dma source(%dma_start3A_270 : memref<16x128xf32, #tpu.memory_space<hbm>>) target(%dma_start3A_268 : memref<16x128xf32, #tpu.memory_space<vmem>>) target_semaphore(%arg9 : memref<!tpu.dma_semaphore, #tpu.memory_space<semaphore_mem>>)
    %slice3A_271 = vector.extract_strided_slice %get3A_156 {offsets = [6], sizes = [1], strides = [1]} : vector<16xi32> to vector<1xi32>
    %squeeze3A_272 = vector.extract %slice3A_271[0] : i32 from vector<1xi32>
    %and3A_273 = arith.constant -128 : i32
    %and3A_274 = arith.andi %squeeze3A_272, %and3A_273 : i32
    %multiple_of3A_275 = tpu.assume_multiple %and3A_274, 128 : i32
    %dma_start3A_276 = arith.constant 1 : i32
    %dma_start3A_277 = arith.constant 6 : i32
    %dma_start3A_278 = arith.constant 0 : i32
    %dma_start3A_279 = arith.constant 0 : i32
    %dma_start3A_280 = tpu.memref_slice %arg6[%dma_start3A_276, %dma_start3A_277, %dma_start3A_278, %dma_start3A_279] : memref<6x8x16x128xf32, #tpu.memory_space<vmem>> -> memref<1x1x16x128xf32, #tpu.memory_space<vmem>>
    %dma_start3A_281 = tpu.memref_squeeze %dma_start3A_280 : memref<1x1x16x128xf32, #tpu.memory_space<vmem>> -> memref<16x128xf32, #tpu.memory_space<vmem>>
    %dma_start3A_282 = arith.constant 0 : i32
    %dma_start3A_283 = tpu.memref_slice %arg2[%dma_start3A_282, %multiple_of3A_275] : memref<16x1000000xf32, #tpu.memory_space<hbm>> -> memref<16x128xf32, #tpu.memory_space<hbm>>
    %dma_start3A_284 = arith.constant 0 : i32
    %dma_start3A_285 = arith.constant 0 : i32
    %dma_start3A_286 = tpu.memref_slice %arg6[%dma_start3A_276, %dma_start3A_277, %dma_start3A_284, %dma_start3A_285] : memref<6x8x16x128xf32, #tpu.memory_space<vmem>> -> memref<1x1x16x128xf32, #tpu.memory_space<vmem>>
    %dma_start3A_287 = tpu.memref_squeeze %dma_start3A_286 : memref<1x1x16x128xf32, #tpu.memory_space<vmem>> -> memref<16x128xf32, #tpu.memory_space<vmem>>
    %dma_start3A_288 = arith.constant 0 : i32
    %dma_start3A_289 = tpu.memref_slice %arg2[%dma_start3A_288, %multiple_of3A_275] : memref<16x1000000xf32, #tpu.memory_space<hbm>> -> memref<16x128xf32, #tpu.memory_space<hbm>>
    tpu.enqueue_dma source(%dma_start3A_289 : memref<16x128xf32, #tpu.memory_space<hbm>>) target(%dma_start3A_287 : memref<16x128xf32, #tpu.memory_space<vmem>>) target_semaphore(%arg9 : memref<!tpu.dma_semaphore, #tpu.memory_space<semaphore_mem>>)
    %slice3A_290 = vector.extract_strided_slice %get3A_156 {offsets = [7], sizes = [1], strides = [1]} : vector<16xi32> to vector<1xi32>
    %squeeze3A_291 = vector.extract %slice3A_290[0] : i32 from vector<1xi32>
    %and3A_292 = arith.constant -128 : i32
    %and3A_293 = arith.andi %squeeze3A_291, %and3A_292 : i32
    %multiple_of3A_294 = tpu.assume_multiple %and3A_293, 128 : i32
    %dma_start3A_295 = arith.constant 1 : i32
    %dma_start3A_296 = arith.constant 7 : i32
    %dma_start3A_297 = arith.constant 0 : i32
    %dma_start3A_298 = arith.constant 0 : i32
    %dma_start3A_299 = tpu.memref_slice %arg6[%dma_start3A_295, %dma_start3A_296, %dma_start3A_297, %dma_start3A_298] : memref<6x8x16x128xf32, #tpu.memory_space<vmem>> -> memref<1x1x16x128xf32, #tpu.memory_space<vmem>>
    %dma_start3A_300 = tpu.memref_squeeze %dma_start3A_299 : memref<1x1x16x128xf32, #tpu.memory_space<vmem>> -> memref<16x128xf32, #tpu.memory_space<vmem>>
    %dma_start3A_301 = arith.constant 0 : i32
    %dma_start3A_302 = tpu.memref_slice %arg2[%dma_start3A_301, %multiple_of3A_294] : memref<16x1000000xf32, #tpu.memory_space<hbm>> -> memref<16x128xf32, #tpu.memory_space<hbm>>
    %dma_start3A_303 = arith.constant 0 : i32
    %dma_start3A_304 = arith.constant 0 : i32
    %dma_start3A_305 = tpu.memref_slice %arg6[%dma_start3A_295, %dma_start3A_296, %dma_start3A_303, %dma_start3A_304] : memref<6x8x16x128xf32, #tpu.memory_space<vmem>> -> memref<1x1x16x128xf32, #tpu.memory_space<vmem>>
    %dma_start3A_306 = tpu.memref_squeeze %dma_start3A_305 : memref<1x1x16x128xf32, #tpu.memory_space<vmem>> -> memref<16x128xf32, #tpu.memory_space<vmem>>
    %dma_start3A_307 = arith.constant 0 : i32
    %dma_start3A_308 = tpu.memref_slice %arg2[%dma_start3A_307, %multiple_of3A_294] : memref<16x1000000xf32, #tpu.memory_space<hbm>> -> memref<16x128xf32, #tpu.memory_space<hbm>>
    tpu.enqueue_dma source(%dma_start3A_308 : memref<16x128xf32, #tpu.memory_space<hbm>>) target(%dma_start3A_306 : memref<16x128xf32, #tpu.memory_space<vmem>>) target_semaphore(%arg9 : memref<!tpu.dma_semaphore, #tpu.memory_space<semaphore_mem>>)
    %multiple_of3A_309 = arith.constant 16 : i32
    %multiple_of3A_310 = tpu.assume_multiple %multiple_of3A_309, 8 : i32
    %get3A_311 = arith.index_cast %multiple_of3A_310 : i32 to index
    %get3A_312 = tpu.vector_load %arg5[%get3A_311] {strides = array<i32>} : memref<528xi32, #tpu.memory_space<vmem>>, vector<16xi32>,
    %slice3A_313 = vector.extract_strided_slice %get3A_312 {offsets = [0], sizes = [1], strides = [1]} : vector<16xi32> to vector<1xi32>
    %squeeze3A_314 = vector.extract %slice3A_313[0] : i32 from vector<1xi32>
    %and3A_315 = arith.constant -128 : i32
    %and3A_316 = arith.andi %squeeze3A_314, %and3A_315 : i32
    %multiple_of3A_317 = tpu.assume_multiple %and3A_316, 128 : i32
    %dma_start3A_318 = arith.constant 2 : i32
    %dma_start3A_319 = arith.constant 0 : i32
    %dma_start3A_320 = arith.constant 0 : i32
    %dma_start3A_321 = arith.constant 0 : i32
    %dma_start3A_322 = tpu.memref_slice %arg6[%dma_start3A_318, %dma_start3A_319, %dma_start3A_320, %dma_start3A_321] : memref<6x8x16x128xf32, #tpu.memory_space<vmem>> -> memref<1x1x16x128xf32, #tpu.memory_space<vmem>>
    %dma_start3A_323 = tpu.memref_squeeze %dma_start3A_322 : memref<1x1x16x128xf32, #tpu.memory_space<vmem>> -> memref<16x128xf32, #tpu.memory_space<vmem>>
    %dma_start3A_324 = arith.constant 0 : i32
    %dma_start3A_325 = tpu.memref_slice %arg2[%dma_start3A_324, %multiple_of3A_317] : memref<16x1000000xf32, #tpu.memory_space<hbm>> -> memref<16x128xf32, #tpu.memory_space<hbm>>
    %dma_start3A_326 = arith.constant 0 : i32
    %dma_start3A_327 = arith.constant 0 : i32
    %dma_start3A_328 = tpu.memref_slice %arg6[%dma_start3A_318, %dma_start3A_319, %dma_start3A_326, %dma_start3A_327] : memref<6x8x16x128xf32, #tpu.memory_space<vmem>> -> memref<1x1x16x128xf32, #tpu.memory_space<vmem>>
    %dma_start3A_329 = tpu.memref_squeeze %dma_start3A_328 : memref<1x1x16x128xf32, #tpu.memory_space<vmem>> -> memref<16x128xf32, #tpu.memory_space<vmem>>
    %dma_start3A_330 = arith.constant 0 : i32
    %dma_start3A_331 = tpu.memref_slice %arg2[%dma_start3A_330, %multiple_of3A_317] : memref<16x1000000xf32, #tpu.memory_space<hbm>> -> memref<16x128xf32, #tpu.memory_space<hbm>>
    tpu.enqueue_dma source(%dma_start3A_331 : memref<16x128xf32, #tpu.memory_space<hbm>>) target(%dma_start3A_329 : memref<16x128xf32, #tpu.memory_space<vmem>>) target_semaphore(%arg10 : memref<!tpu.dma_semaphore, #tpu.memory_space<semaphore_mem>>)
    %slice3A_332 = vector.extract_strided_slice %get3A_312 {offsets = [1], sizes = [1], strides = [1]} : vector<16xi32> to vector<1xi32>
    %squeeze3A_333 = vector.extract %slice3A_332[0] : i32 from vector<1xi32>
    %and3A_334 = arith.constant -128 : i32
    %and3A_335 = arith.andi %squeeze3A_333, %and3A_334 : i32
    %multiple_of3A_336 = tpu.assume_multiple %and3A_335, 128 : i32
    %dma_start3A_337 = arith.constant 2 : i32
    %dma_start3A_338 = arith.constant 1 : i32
    %dma_start3A_339 = arith.constant 0 : i32
    %dma_start3A_340 = arith.constant 0 : i32
    %dma_start3A_341 = tpu.memref_slice %arg6[%dma_start3A_337, %dma_start3A_338, %dma_start3A_339, %dma_start3A_340] : memref<6x8x16x128xf32, #tpu.memory_space<vmem>> -> memref<1x1x16x128xf32, #tpu.memory_space<vmem>>
    %dma_start3A_342 = tpu.memref_squeeze %dma_start3A_341 : memref<1x1x16x128xf32, #tpu.memory_space<vmem>> -> memref<16x128xf32, #tpu.memory_space<vmem>>
    %dma_start3A_343 = arith.constant 0 : i32
    %dma_start3A_344 = tpu.memref_slice %arg2[%dma_start3A_343, %multiple_of3A_336] : memref<16x1000000xf32, #tpu.memory_space<hbm>> -> memref<16x128xf32, #tpu.memory_space<hbm>>
    %dma_start3A_345 = arith.constant 0 : i32
    %dma_start3A_346 = arith.constant 0 : i32
    %dma_start3A_347 = tpu.memref_slice %arg6[%dma_start3A_337, %dma_start3A_338, %dma_start3A_345, %dma_start3A_346] : memref<6x8x16x128xf32, #tpu.memory_space<vmem>> -> memref<1x1x16x128xf32, #tpu.memory_space<vmem>>
    %dma_start3A_348 = tpu.memref_squeeze %dma_start3A_347 : memref<1x1x16x128xf32, #tpu.memory_space<vmem>> -> memref<16x128xf32, #tpu.memory_space<vmem>>
    %dma_start3A_349 = arith.constant 0 : i32
    %dma_start3A_350 = tpu.memref_slice %arg2[%dma_start3A_349, %multiple_of3A_336] : memref<16x1000000xf32, #tpu.memory_space<hbm>> -> memref<16x128xf32, #tpu.memory_space<hbm>>
    tpu.enqueue_dma source(%dma_start3A_350 : memref<16x128xf32, #tpu.memory_space<hbm>>) target(%dma_start3A_348 : memref<16x128xf32, #tpu.memory_space<vmem>>) target_semaphore(%arg10 : memref<!tpu.dma_semaphore, #tpu.memory_space<semaphore_mem>>)
    %slice3A_351 = vector.extract_strided_slice %get3A_312 {offsets = [2], sizes = [1], strides = [1]} : vector<16xi32> to vector<1xi32>
    %squeeze3A_352 = vector.extract %slice3A_351[0] : i32 from vector<1xi32>
    %and3A_353 = arith.constant -128 : i32
    %and3A_354 = arith.andi %squeeze3A_352, %and3A_353 : i32
    %multiple_of3A_355 = tpu.assume_multiple %and3A_354, 128 : i32
    %dma_start3A_356 = arith.constant 2 : i32
    %dma_start3A_357 = arith.constant 2 : i32
    %dma_start3A_358 = arith.constant 0 : i32
    %dma_start3A_359 = arith.constant 0 : i32
    %dma_start3A_360 = tpu.memref_slice %arg6[%dma_start3A_356, %dma_start3A_357, %dma_start3A_358, %dma_start3A_359] : memref<6x8x16x128xf32, #tpu.memory_space<vmem>> -> memref<1x1x16x128xf32, #tpu.memory_space<vmem>>
    %dma_start3A_361 = tpu.memref_squeeze %dma_start3A_360 : memref<1x1x16x128xf32, #tpu.memory_space<vmem>> -> memref<16x128xf32, #tpu.memory_space<vmem>>
    %dma_start3A_362 = arith.constant 0 : i32
    %dma_start3A_363 = tpu.memref_slice %arg2[%dma_start3A_362, %multiple_of3A_355] : memref<16x1000000xf32, #tpu.memory_space<hbm>> -> memref<16x128xf32, #tpu.memory_space<hbm>>
    %dma_start3A_364 = arith.constant 0 : i32
    %dma_start3A_365 = arith.constant 0 : i32
    %dma_start3A_366 = tpu.memref_slice %arg6[%dma_start3A_356, %dma_start3A_357, %dma_start3A_364, %dma_start3A_365] : memref<6x8x16x128xf32, #tpu.memory_space<vmem>> -> memref<1x1x16x128xf32, #tpu.memory_space<vmem>>
    %dma_start3A_367 = tpu.memref_squeeze %dma_start3A_366 : memref<1x1x16x128xf32, #tpu.memory_space<vmem>> -> memref<16x128xf32, #tpu.memory_space<vmem>>
    %dma_start3A_368 = arith.constant 0 : i32
    %dma_start3A_369 = tpu.memref_slice %arg2[%dma_start3A_368, %multiple_of3A_355] : memref<16x1000000xf32, #tpu.memory_space<hbm>> -> memref<16x128xf32, #tpu.memory_space<hbm>>
    tpu.enqueue_dma source(%dma_start3A_369 : memref<16x128xf32, #tpu.memory_space<hbm>>) target(%dma_start3A_367 : memref<16x128xf32, #tpu.memory_space<vmem>>) target_semaphore(%arg10 : memref<!tpu.dma_semaphore, #tpu.memory_space<semaphore_mem>>)
    %slice3A_370 = vector.extract_strided_slice %get3A_312 {offsets = [3], sizes = [1], strides = [1]} : vector<16xi32> to vector<1xi32>
    %squeeze3A_371 = vector.extract %slice3A_370[0] : i32 from vector<1xi32>
    %and3A_372 = arith.constant -128 : i32
    %and3A_373 = arith.andi %squeeze3A_371, %and3A_372 : i32
    %multiple_of3A_374 = tpu.assume_multiple %and3A_373, 128 : i32
    %dma_start3A_375 = arith.constant 2 : i32
    %dma_start3A_376 = arith.constant 3 : i32
    %dma_start3A_377 = arith.constant 0 : i32
    %dma_start3A_378 = arith.constant 0 : i32
    %dma_start3A_379 = tpu.memref_slice %arg6[%dma_start3A_375, %dma_start3A_376, %dma_start3A_377, %dma_start3A_378] : memref<6x8x16x128xf32, #tpu.memory_space<vmem>> -> memref<1x1x16x128xf32, #tpu.memory_space<vmem>>
    %dma_start3A_380 = tpu.memref_squeeze %dma_start3A_379 : memref<1x1x16x128xf32, #tpu.memory_space<vmem>> -> memref<16x128xf32, #tpu.memory_space<vmem>>
    %dma_start3A_381 = arith.constant 0 : i32
    %dma_start3A_382 = tpu.memref_slice %arg2[%dma_start3A_381, %multiple_of3A_374] : memref<16x1000000xf32, #tpu.memory_space<hbm>> -> memref<16x128xf32, #tpu.memory_space<hbm>>
    %dma_start3A_383 = arith.constant 0 : i32
    %dma_start3A_384 = arith.constant 0 : i32
    %dma_start3A_385 = tpu.memref_slice %arg6[%dma_start3A_375, %dma_start3A_376, %dma_start3A_383, %dma_start3A_384] : memref<6x8x16x128xf32, #tpu.memory_space<vmem>> -> memref<1x1x16x128xf32, #tpu.memory_space<vmem>>
    %dma_start3A_386 = tpu.memref_squeeze %dma_start3A_385 : memref<1x1x16x128xf32, #tpu.memory_space<vmem>> -> memref<16x128xf32, #tpu.memory_space<vmem>>
    %dma_start3A_387 = arith.constant 0 : i32
    %dma_start3A_388 = tpu.memref_slice %arg2[%dma_start3A_387, %multiple_of3A_374] : memref<16x1000000xf32, #tpu.memory_space<hbm>> -> memref<16x128xf32, #tpu.memory_space<hbm>>
    tpu.enqueue_dma source(%dma_start3A_388 : memref<16x128xf32, #tpu.memory_space<hbm>>) target(%dma_start3A_386 : memref<16x128xf32, #tpu.memory_space<vmem>>) target_semaphore(%arg10 : memref<!tpu.dma_semaphore, #tpu.memory_space<semaphore_mem>>)
    %slice3A_389 = vector.extract_strided_slice %get3A_312 {offsets = [4], sizes = [1], strides = [1]} : vector<16xi32> to vector<1xi32>
    %squeeze3A_390 = vector.extract %slice3A_389[0] : i32 from vector<1xi32>
    %and3A_391 = arith.constant -128 : i32
    %and3A_392 = arith.andi %squeeze3A_390, %and3A_391 : i32
    %multiple_of3A_393 = tpu.assume_multiple %and3A_392, 128 : i32
    %dma_start3A_394 = arith.constant 2 : i32
    %dma_start3A_395 = arith.constant 4 : i32
    %dma_start3A_396 = arith.constant 0 : i32
    %dma_start3A_397 = arith.constant 0 : i32
    %dma_start3A_398 = tpu.memref_slice %arg6[%dma_start3A_394, %dma_start3A_395, %dma_start3A_396, %dma_start3A_397] : memref<6x8x16x128xf32, #tpu.memory_space<vmem>> -> memref<1x1x16x128xf32, #tpu.memory_space<vmem>>
    %dma_start3A_399 = tpu.memref_squeeze %dma_start3A_398 : memref<1x1x16x128xf32, #tpu.memory_space<vmem>> -> memref<16x128xf32, #tpu.memory_space<vmem>>
    %dma_start3A_400 = arith.constant 0 : i32
    %dma_start3A_401 = tpu.memref_slice %arg2[%dma_start3A_400, %multiple_of3A_393] : memref<16x1000000xf32, #tpu.memory_space<hbm>> -> memref<16x128xf32, #tpu.memory_space<hbm>>
    %dma_start3A_402 = arith.constant 0 : i32
    %dma_start3A_403 = arith.constant 0 : i32
    %dma_start3A_404 = tpu.memref_slice %arg6[%dma_start3A_394, %dma_start3A_395, %dma_start3A_402, %dma_start3A_403] : memref<6x8x16x128xf32, #tpu.memory_space<vmem>> -> memref<1x1x16x128xf32, #tpu.memory_space<vmem>>
    %dma_start3A_405 = tpu.memref_squeeze %dma_start3A_404 : memref<1x1x16x128xf32, #tpu.memory_space<vmem>> -> memref<16x128xf32, #tpu.memory_space<vmem>>
    %dma_start3A_406 = arith.constant 0 : i32
    %dma_start3A_407 = tpu.memref_slice %arg2[%dma_start3A_406, %multiple_of3A_393] : memref<16x1000000xf32, #tpu.memory_space<hbm>> -> memref<16x128xf32, #tpu.memory_space<hbm>>
    tpu.enqueue_dma source(%dma_start3A_407 : memref<16x128xf32, #tpu.memory_space<hbm>>) target(%dma_start3A_405 : memref<16x128xf32, #tpu.memory_space<vmem>>) target_semaphore(%arg10 : memref<!tpu.dma_semaphore, #tpu.memory_space<semaphore_mem>>)
    %slice3A_408 = vector.extract_strided_slice %get3A_312 {offsets = [5], sizes = [1], strides = [1]} : vector<16xi32> to vector<1xi32>
    %squeeze3A_409 = vector.extract %slice3A_408[0] : i32 from vector<1xi32>
    %and3A_410 = arith.constant -128 : i32
    %and3A_411 = arith.andi %squeeze3A_409, %and3A_410 : i32
    %multiple_of3A_412 = tpu.assume_multiple %and3A_411, 128 : i32
    %dma_start3A_413 = arith.constant 2 : i32
    %dma_start3A_414 = arith.constant 5 : i32
    %dma_start3A_415 = arith.constant 0 : i32
    %dma_start3A_416 = arith.constant 0 : i32
    %dma_start3A_417 = tpu.memref_slice %arg6[%dma_start3A_413, %dma_start3A_414, %dma_start3A_415, %dma_start3A_416] : memref<6x8x16x128xf32, #tpu.memory_space<vmem>> -> memref<1x1x16x128xf32, #tpu.memory_space<vmem>>
    %dma_start3A_418 = tpu.memref_squeeze %dma_start3A_417 : memref<1x1x16x128xf32, #tpu.memory_space<vmem>> -> memref<16x128xf32, #tpu.memory_space<vmem>>
    %dma_start3A_419 = arith.constant 0 : i32
    %dma_start3A_420 = tpu.memref_slice %arg2[%dma_start3A_419, %multiple_of3A_412] : memref<16x1000000xf32, #tpu.memory_space<hbm>> -> memref<16x128xf32, #tpu.memory_space<hbm>>
    %dma_start3A_421 = arith.constant 0 : i32
    %dma_start3A_422 = arith.constant 0 : i32
    %dma_start3A_423 = tpu.memref_slice %arg6[%dma_start3A_413, %dma_start3A_414, %dma_start3A_421, %dma_start3A_422] : memref<6x8x16x128xf32, #tpu.memory_space<vmem>> -> memref<1x1x16x128xf32, #tpu.memory_space<vmem>>
    %dma_start3A_424 = tpu.memref_squeeze %dma_start3A_423 : memref<1x1x16x128xf32, #tpu.memory_space<vmem>> -> memref<16x128xf32, #tpu.memory_space<vmem>>
    %dma_start3A_425 = arith.constant 0 : i32
    %dma_start3A_426 = tpu.memref_slice %arg2[%dma_start3A_425, %multiple_of3A_412] : memref<16x1000000xf32, #tpu.memory_space<hbm>> -> memref<16x128xf32, #tpu.memory_space<hbm>>
    tpu.enqueue_dma source(%dma_start3A_426 : memref<16x128xf32, #tpu.memory_space<hbm>>) target(%dma_start3A_424 : memref<16x128xf32, #tpu.memory_space<vmem>>) target_semaphore(%arg10 : memref<!tpu.dma_semaphore, #tpu.memory_space<semaphore_mem>>)
    %slice3A_427 = vector.extract_strided_slice %get3A_312 {offsets = [6], sizes = [1], strides = [1]} : vector<16xi32> to vector<1xi32>
    %squeeze3A_428 = vector.extract %slice3A_427[0] : i32 from vector<1xi32>
    %and3A_429 = arith.constant -128 : i32
    %and3A_430 = arith.andi %squeeze3A_428, %and3A_429 : i32
    %multiple_of3A_431 = tpu.assume_multiple %and3A_430, 128 : i32
    %dma_start3A_432 = arith.constant 2 : i32
    %dma_start3A_433 = arith.constant 6 : i32
    %dma_start3A_434 = arith.constant 0 : i32
    %dma_start3A_435 = arith.constant 0 : i32
    %dma_start3A_436 = tpu.memref_slice %arg6[%dma_start3A_432, %dma_start3A_433, %dma_start3A_434, %dma_start3A_435] : memref<6x8x16x128xf32, #tpu.memory_space<vmem>> -> memref<1x1x16x128xf32, #tpu.memory_space<vmem>>
    %dma_start3A_437 = tpu.memref_squeeze %dma_start3A_436 : memref<1x1x16x128xf32, #tpu.memory_space<vmem>> -> memref<16x128xf32, #tpu.memory_space<vmem>>
    %dma_start3A_438 = arith.constant 0 : i32
    %dma_start3A_439 = tpu.memref_slice %arg2[%dma_start3A_438, %multiple_of3A_431] : memref<16x1000000xf32, #tpu.memory_space<hbm>> -> memref<16x128xf32, #tpu.memory_space<hbm>>
    %dma_start3A_440 = arith.constant 0 : i32
    %dma_start3A_441 = arith.constant 0 : i32
    %dma_start3A_442 = tpu.memref_slice %arg6[%dma_start3A_432, %dma_start3A_433, %dma_start3A_440, %dma_start3A_441] : memref<6x8x16x128xf32, #tpu.memory_space<vmem>> -> memref<1x1x16x128xf32, #tpu.memory_space<vmem>>
    %dma_start3A_443 = tpu.memref_squeeze %dma_start3A_442 : memref<1x1x16x128xf32, #tpu.memory_space<vmem>> -> memref<16x128xf32, #tpu.memory_space<vmem>>
    %dma_start3A_444 = arith.constant 0 : i32
    %dma_start3A_445 = tpu.memref_slice %arg2[%dma_start3A_444, %multiple_of3A_431] : memref<16x1000000xf32, #tpu.memory_space<hbm>> -> memref<16x128xf32, #tpu.memory_space<hbm>>
    tpu.enqueue_dma source(%dma_start3A_445 : memref<16x128xf32, #tpu.memory_space<hbm>>) target(%dma_start3A_443 : memref<16x128xf32, #tpu.memory_space<vmem>>) target_semaphore(%arg10 : memref<!tpu.dma_semaphore, #tpu.memory_space<semaphore_mem>>)
    %slice3A_446 = vector.extract_strided_slice %get3A_312 {offsets = [7], sizes = [1], strides = [1]} : vector<16xi32> to vector<1xi32>
    %squeeze3A_447 = vector.extract %slice3A_446[0] : i32 from vector<1xi32>
    %and3A_448 = arith.constant -128 : i32
    %and3A_449 = arith.andi %squeeze3A_447, %and3A_448 : i32
    %multiple_of3A_450 = tpu.assume_multiple %and3A_449, 128 : i32
    %dma_start3A_451 = arith.constant 2 : i32
    %dma_start3A_452 = arith.constant 7 : i32
    %dma_start3A_453 = arith.constant 0 : i32
    %dma_start3A_454 = arith.constant 0 : i32
    %dma_start3A_455 = tpu.memref_slice %arg6[%dma_start3A_451, %dma_start3A_452, %dma_start3A_453, %dma_start3A_454] : memref<6x8x16x128xf32, #tpu.memory_space<vmem>> -> memref<1x1x16x128xf32, #tpu.memory_space<vmem>>
    %dma_start3A_456 = tpu.memref_squeeze %dma_start3A_455 : memref<1x1x16x128xf32, #tpu.memory_space<vmem>> -> memref<16x128xf32, #tpu.memory_space<vmem>>
    %dma_start3A_457 = arith.constant 0 : i32
    %dma_start3A_458 = tpu.memref_slice %arg2[%dma_start3A_457, %multiple_of3A_450] : memref<16x1000000xf32, #tpu.memory_space<hbm>> -> memref<16x128xf32, #tpu.memory_space<hbm>>
    %dma_start3A_459 = arith.constant 0 : i32
    %dma_start3A_460 = arith.constant 0 : i32
    %dma_start3A_461 = tpu.memref_slice %arg6[%dma_start3A_451, %dma_start3A_452, %dma_start3A_459, %dma_start3A_460] : memref<6x8x16x128xf32, #tpu.memory_space<vmem>> -> memref<1x1x16x128xf32, #tpu.memory_space<vmem>>
    %dma_start3A_462 = tpu.memref_squeeze %dma_start3A_461 : memref<1x1x16x128xf32, #tpu.memory_space<vmem>> -> memref<16x128xf32, #tpu.memory_space<vmem>>
    %dma_start3A_463 = arith.constant 0 : i32
    %dma_start3A_464 = tpu.memref_slice %arg2[%dma_start3A_463, %multiple_of3A_450] : memref<16x1000000xf32, #tpu.memory_space<hbm>> -> memref<16x128xf32, #tpu.memory_space<hbm>>
    tpu.enqueue_dma source(%dma_start3A_464 : memref<16x128xf32, #tpu.memory_space<hbm>>) target(%dma_start3A_462 : memref<16x128xf32, #tpu.memory_space<vmem>>) target_semaphore(%arg10 : memref<!tpu.dma_semaphore, #tpu.memory_space<semaphore_mem>>)
    %multiple_of3A_465 = arith.constant 24 : i32
    %multiple_of3A_466 = tpu.assume_multiple %multiple_of3A_465, 8 : i32
    %get3A_467 = arith.index_cast %multiple_of3A_466 : i32 to index
    %get3A_468 = tpu.vector_load %arg5[%get3A_467] {strides = array<i32>} : memref<528xi32, #tpu.memory_space<vmem>>, vector<16xi32>,
    %slice3A_469 = vector.extract_strided_slice %get3A_468 {offsets = [0], sizes = [1], strides = [1]} : vector<16xi32> to vector<1xi32>
    %squeeze3A_470 = vector.extract %slice3A_469[0] : i32 from vector<1xi32>
    %and3A_471 = arith.constant -128 : i32
    %and3A_472 = arith.andi %squeeze3A_470, %and3A_471 : i32
    %multiple_of3A_473 = tpu.assume_multiple %and3A_472, 128 : i32
    %dma_start3A_474 = arith.constant 3 : i32
    %dma_start3A_475 = arith.constant 0 : i32
    %dma_start3A_476 = arith.constant 0 : i32
    %dma_start3A_477 = arith.constant 0 : i32
    %dma_start3A_478 = tpu.memref_slice %arg6[%dma_start3A_474, %dma_start3A_475, %dma_start3A_476, %dma_start3A_477] : memref<6x8x16x128xf32, #tpu.memory_space<vmem>> -> memref<1x1x16x128xf32, #tpu.memory_space<vmem>>
    %dma_start3A_479 = tpu.memref_squeeze %dma_start3A_478 : memref<1x1x16x128xf32, #tpu.memory_space<vmem>> -> memref<16x128xf32, #tpu.memory_space<vmem>>
    %dma_start3A_480 = arith.constant 0 : i32
    %dma_start3A_481 = tpu.memref_slice %arg2[%dma_start3A_480, %multiple_of3A_473] : memref<16x1000000xf32, #tpu.memory_space<hbm>> -> memref<16x128xf32, #tpu.memory_space<hbm>>
    %dma_start3A_482 = arith.constant 0 : i32
    %dma_start3A_483 = arith.constant 0 : i32
    %dma_start3A_484 = tpu.memref_slice %arg6[%dma_start3A_474, %dma_start3A_475, %dma_start3A_482, %dma_start3A_483] : memref<6x8x16x128xf32, #tpu.memory_space<vmem>> -> memref<1x1x16x128xf32, #tpu.memory_space<vmem>>
    %dma_start3A_485 = tpu.memref_squeeze %dma_start3A_484 : memref<1x1x16x128xf32, #tpu.memory_space<vmem>> -> memref<16x128xf32, #tpu.memory_space<vmem>>
    %dma_start3A_486 = arith.constant 0 : i32
    %dma_start3A_487 = tpu.memref_slice %arg2[%dma_start3A_486, %multiple_of3A_473] : memref<16x1000000xf32, #tpu.memory_space<hbm>> -> memref<16x128xf32, #tpu.memory_space<hbm>>
    tpu.enqueue_dma source(%dma_start3A_487 : memref<16x128xf32, #tpu.memory_space<hbm>>) target(%dma_start3A_485 : memref<16x128xf32, #tpu.memory_space<vmem>>) target_semaphore(%arg11 : memref<!tpu.dma_semaphore, #tpu.memory_space<semaphore_mem>>)
    %slice3A_488 = vector.extract_strided_slice %get3A_468 {offsets = [1], sizes = [1], strides = [1]} : vector<16xi32> to vector<1xi32>
    %squeeze3A_489 = vector.extract %slice3A_488[0] : i32 from vector<1xi32>
    %and3A_490 = arith.constant -128 : i32
    %and3A_491 = arith.andi %squeeze3A_489, %and3A_490 : i32
    %multiple_of3A_492 = tpu.assume_multiple %and3A_491, 128 : i32
    %dma_start3A_493 = arith.constant 3 : i32
    %dma_start3A_494 = arith.constant 1 : i32
    %dma_start3A_495 = arith.constant 0 : i32
    %dma_start3A_496 = arith.constant 0 : i32
    %dma_start3A_497 = tpu.memref_slice %arg6[%dma_start3A_493, %dma_start3A_494, %dma_start3A_495, %dma_start3A_496] : memref<6x8x16x128xf32, #tpu.memory_space<vmem>> -> memref<1x1x16x128xf32, #tpu.memory_space<vmem>>
    %dma_start3A_498 = tpu.memref_squeeze %dma_start3A_497 : memref<1x1x16x128xf32, #tpu.memory_space<vmem>> -> memref<16x128xf32, #tpu.memory_space<vmem>>
    %dma_start3A_499 = arith.constant 0 : i32
    %dma_start3A_500 = tpu.memref_slice %arg2[%dma_start3A_499, %multiple_of3A_492] : memref<16x1000000xf32, #tpu.memory_space<hbm>> -> memref<16x128xf32, #tpu.memory_space<hbm>>
    %dma_start3A_501 = arith.constant 0 : i32
    %dma_start3A_502 = arith.constant 0 : i32
    %dma_start3A_503 = tpu.memref_slice %arg6[%dma_start3A_493, %dma_start3A_494, %dma_start3A_501, %dma_start3A_502] : memref<6x8x16x128xf32, #tpu.memory_space<vmem>> -> memref<1x1x16x128xf32, #tpu.memory_space<vmem>>
    %dma_start3A_504 = tpu.memref_squeeze %dma_start3A_503 : memref<1x1x16x128xf32, #tpu.memory_space<vmem>> -> memref<16x128xf32, #tpu.memory_space<vmem>>
    %dma_start3A_505 = arith.constant 0 : i32
    %dma_start3A_506 = tpu.memref_slice %arg2[%dma_start3A_505, %multiple_of3A_492] : memref<16x1000000xf32, #tpu.memory_space<hbm>> -> memref<16x128xf32, #tpu.memory_space<hbm>>
    tpu.enqueue_dma source(%dma_start3A_506 : memref<16x128xf32, #tpu.memory_space<hbm>>) target(%dma_start3A_504 : memref<16x128xf32, #tpu.memory_space<vmem>>) target_semaphore(%arg11 : memref<!tpu.dma_semaphore, #tpu.memory_space<semaphore_mem>>)
    %slice3A_507 = vector.extract_strided_slice %get3A_468 {offsets = [2], sizes = [1], strides = [1]} : vector<16xi32> to vector<1xi32>
    %squeeze3A_508 = vector.extract %slice3A_507[0] : i32 from vector<1xi32>
    %and3A_509 = arith.constant -128 : i32
    %and3A_510 = arith.andi %squeeze3A_508, %and3A_509 : i32
    %multiple_of3A_511 = tpu.assume_multiple %and3A_510, 128 : i32
    %dma_start3A_512 = arith.constant 3 : i32
    %dma_start3A_513 = arith.constant 2 : i32
    %dma_start3A_514 = arith.constant 0 : i32
    %dma_start3A_515 = arith.constant 0 : i32
    %dma_start3A_516 = tpu.memref_slice %arg6[%dma_start3A_512, %dma_start3A_513, %dma_start3A_514, %dma_start3A_515] : memref<6x8x16x128xf32, #tpu.memory_space<vmem>> -> memref<1x1x16x128xf32, #tpu.memory_space<vmem>>
    %dma_start3A_517 = tpu.memref_squeeze %dma_start3A_516 : memref<1x1x16x128xf32, #tpu.memory_space<vmem>> -> memref<16x128xf32, #tpu.memory_space<vmem>>
    %dma_start3A_518 = arith.constant 0 : i32
    %dma_start3A_519 = tpu.memref_slice %arg2[%dma_start3A_518, %multiple_of3A_511] : memref<16x1000000xf32, #tpu.memory_space<hbm>> -> memref<16x128xf32, #tpu.memory_space<hbm>>
    %dma_start3A_520 = arith.constant 0 : i32
    %dma_start3A_521 = arith.constant 0 : i32
    %dma_start3A_522 = tpu.memref_slice %arg6[%dma_start3A_512, %dma_start3A_513, %dma_start3A_520, %dma_start3A_521] : memref<6x8x16x128xf32, #tpu.memory_space<vmem>> -> memref<1x1x16x128xf32, #tpu.memory_space<vmem>>
    %dma_start3A_523 = tpu.memref_squeeze %dma_start3A_522 : memref<1x1x16x128xf32, #tpu.memory_space<vmem>> -> memref<16x128xf32, #tpu.memory_space<vmem>>
    %dma_start3A_524 = arith.constant 0 : i32
    %dma_start3A_525 = tpu.memref_slice %arg2[%dma_start3A_524, %multiple_of3A_511] : memref<16x1000000xf32, #tpu.memory_space<hbm>> -> memref<16x128xf32, #tpu.memory_space<hbm>>
    tpu.enqueue_dma source(%dma_start3A_525 : memref<16x128xf32, #tpu.memory_space<hbm>>) target(%dma_start3A_523 : memref<16x128xf32, #tpu.memory_space<vmem>>) target_semaphore(%arg11 : memref<!tpu.dma_semaphore, #tpu.memory_space<semaphore_mem>>)
    %slice3A_526 = vector.extract_strided_slice %get3A_468 {offsets = [3], sizes = [1], strides = [1]} : vector<16xi32> to vector<1xi32>
    %squeeze3A_527 = vector.extract %slice3A_526[0] : i32 from vector<1xi32>
    %and3A_528 = arith.constant -128 : i32
    %and3A_529 = arith.andi %squeeze3A_527, %and3A_528 : i32
    %multiple_of3A_530 = tpu.assume_multiple %and3A_529, 128 : i32
    %dma_start3A_531 = arith.constant 3 : i32
    %dma_start3A_532 = arith.constant 3 : i32
    %dma_start3A_533 = arith.constant 0 : i32
    %dma_start3A_534 = arith.constant 0 : i32
    %dma_start3A_535 = tpu.memref_slice %arg6[%dma_start3A_531, %dma_start3A_532, %dma_start3A_533, %dma_start3A_534] : memref<6x8x16x128xf32, #tpu.memory_space<vmem>> -> memref<1x1x16x128xf32, #tpu.memory_space<vmem>>
    %dma_start3A_536 = tpu.memref_squeeze %dma_start3A_535 : memref<1x1x16x128xf32, #tpu.memory_space<vmem>> -> memref<16x128xf32, #tpu.memory_space<vmem>>
    %dma_start3A_537 = arith.constant 0 : i32
    %dma_start3A_538 = tpu.memref_slice %arg2[%dma_start3A_537, %multiple_of3A_530] : memref<16x1000000xf32, #tpu.memory_space<hbm>> -> memref<16x128xf32, #tpu.memory_space<hbm>>
    %dma_start3A_539 = arith.constant 0 : i32
    %dma_start3A_540 = arith.constant 0 : i32
    %dma_start3A_541 = tpu.memref_slice %arg6[%dma_start3A_531, %dma_start3A_532, %dma_start3A_539, %dma_start3A_540] : memref<6x8x16x128xf32, #tpu.memory_space<vmem>> -> memref<1x1x16x128xf32, #tpu.memory_space<vmem>>
    %dma_start3A_542 = tpu.memref_squeeze %dma_start3A_541 : memref<1x1x16x128xf32, #tpu.memory_space<vmem>> -> memref<16x128xf32, #tpu.memory_space<vmem>>
    %dma_start3A_543 = arith.constant 0 : i32
    %dma_start3A_544 = tpu.memref_slice %arg2[%dma_start3A_543, %multiple_of3A_530] : memref<16x1000000xf32, #tpu.memory_space<hbm>> -> memref<16x128xf32, #tpu.memory_space<hbm>>
    tpu.enqueue_dma source(%dma_start3A_544 : memref<16x128xf32, #tpu.memory_space<hbm>>) target(%dma_start3A_542 : memref<16x128xf32, #tpu.memory_space<vmem>>) target_semaphore(%arg11 : memref<!tpu.dma_semaphore, #tpu.memory_space<semaphore_mem>>)
    %slice3A_545 = vector.extract_strided_slice %get3A_468 {offsets = [4], sizes = [1], strides = [1]} : vector<16xi32> to vector<1xi32>
    %squeeze3A_546 = vector.extract %slice3A_545[0] : i32 from vector<1xi32>
    %and3A_547 = arith.constant -128 : i32
    %and3A_548 = arith.andi %squeeze3A_546, %and3A_547 : i32
    %multiple_of3A_549 = tpu.assume_multiple %and3A_548, 128 : i32
    %dma_start3A_550 = arith.constant 3 : i32
    %dma_start3A_551 = arith.constant 4 : i32
    %dma_start3A_552 = arith.constant 0 : i32
    %dma_start3A_553 = arith.constant 0 : i32
    %dma_start3A_554 = tpu.memref_slice %arg6[%dma_start3A_550, %dma_start3A_551, %dma_start3A_552, %dma_start3A_553] : memref<6x8x16x128xf32, #tpu.memory_space<vmem>> -> memref<1x1x16x128xf32, #tpu.memory_space<vmem>>
    %dma_start3A_555 = tpu.memref_squeeze %dma_start3A_554 : memref<1x1x16x128xf32, #tpu.memory_space<vmem>> -> memref<16x128xf32, #tpu.memory_space<vmem>>
    %dma_start3A_556 = arith.constant 0 : i32
    %dma_start3A_557 = tpu.memref_slice %arg2[%dma_start3A_556, %multiple_of3A_549] : memref<16x1000000xf32, #tpu.memory_space<hbm>> -> memref<16x128xf32, #tpu.memory_space<hbm>>
    %dma_start3A_558 = arith.constant 0 : i32
    %dma_start3A_559 = arith.constant 0 : i32
    %dma_start3A_560 = tpu.memref_slice %arg6[%dma_start3A_550, %dma_start3A_551, %dma_start3A_558, %dma_start3A_559] : memref<6x8x16x128xf32, #tpu.memory_space<vmem>> -> memref<1x1x16x128xf32, #tpu.memory_space<vmem>>
    %dma_start3A_561 = tpu.memref_squeeze %dma_start3A_560 : memref<1x1x16x128xf32, #tpu.memory_space<vmem>> -> memref<16x128xf32, #tpu.memory_space<vmem>>
    %dma_start3A_562 = arith.constant 0 : i32
    %dma_start3A_563 = tpu.memref_slice %arg2[%dma_start3A_562, %multiple_of3A_549] : memref<16x1000000xf32, #tpu.memory_space<hbm>> -> memref<16x128xf32, #tpu.memory_space<hbm>>
    tpu.enqueue_dma source(%dma_start3A_563 : memref<16x128xf32, #tpu.memory_space<hbm>>) target(%dma_start3A_561 : memref<16x128xf32, #tpu.memory_space<vmem>>) target_semaphore(%arg11 : memref<!tpu.dma_semaphore, #tpu.memory_space<semaphore_mem>>)
    %slice3A_564 = vector.extract_strided_slice %get3A_468 {offsets = [5], sizes = [1], strides = [1]} : vector<16xi32> to vector<1xi32>
    %squeeze3A_565 = vector.extract %slice3A_564[0] : i32 from vector<1xi32>
    %and3A_566 = arith.constant -128 : i32
    %and3A_567 = arith.andi %squeeze3A_565, %and3A_566 : i32
    %multiple_of3A_568 = tpu.assume_multiple %and3A_567, 128 : i32
    %dma_start3A_569 = arith.constant 3 : i32
    %dma_start3A_570 = arith.constant 5 : i32
    %dma_start3A_571 = arith.constant 0 : i32
    %dma_start3A_572 = arith.constant 0 : i32
    %dma_start3A_573 = tpu.memref_slice %arg6[%dma_start3A_569, %dma_start3A_570, %dma_start3A_571, %dma_start3A_572] : memref<6x8x16x128xf32, #tpu.memory_space<vmem>> -> memref<1x1x16x128xf32, #tpu.memory_space<vmem>>
    %dma_start3A_574 = tpu.memref_squeeze %dma_start3A_573 : memref<1x1x16x128xf32, #tpu.memory_space<vmem>> -> memref<16x128xf32, #tpu.memory_space<vmem>>
    %dma_start3A_575 = arith.constant 0 : i32
    %dma_start3A_576 = tpu.memref_slice %arg2[%dma_start3A_575, %multiple_of3A_568] : memref<16x1000000xf32, #tpu.memory_space<hbm>> -> memref<16x128xf32, #tpu.memory_space<hbm>>
    %dma_start3A_577 = arith.constant 0 : i32
    %dma_start3A_578 = arith.constant 0 : i32
    %dma_start3A_579 = tpu.memref_slice %arg6[%dma_start3A_569, %dma_start3A_570, %dma_start3A_577, %dma_start3A_578] : memref<6x8x16x128xf32, #tpu.memory_space<vmem>> -> memref<1x1x16x128xf32, #tpu.memory_space<vmem>>
    %dma_start3A_580 = tpu.memref_squeeze %dma_start3A_579 : memref<1x1x16x128xf32, #tpu.memory_space<vmem>> -> memref<16x128xf32, #tpu.memory_space<vmem>>
    %dma_start3A_581 = arith.constant 0 : i32
    %dma_start3A_582 = tpu.memref_slice %arg2[%dma_start3A_581, %multiple_of3A_568] : memref<16x1000000xf32, #tpu.memory_space<hbm>> -> memref<16x128xf32, #tpu.memory_space<hbm>>
    tpu.enqueue_dma source(%dma_start3A_582 : memref<16x128xf32, #tpu.memory_space<hbm>>) target(%dma_start3A_580 : memref<16x128xf32, #tpu.memory_space<vmem>>) target_semaphore(%arg11 : memref<!tpu.dma_semaphore, #tpu.memory_space<semaphore_mem>>)
    %slice3A_583 = vector.extract_strided_slice %get3A_468 {offsets = [6], sizes = [1], strides = [1]} : vector<16xi32> to vector<1xi32>
    %squeeze3A_584 = vector.extract %slice3A_583[0] : i32 from vector<1xi32>
    %and3A_585 = arith.constant -128 : i32
    %and3A_586 = arith.andi %squeeze3A_584, %and3A_585 : i32
    %multiple_of3A_587 = tpu.assume_multiple %and3A_586, 128 : i32
    %dma_start3A_588 = arith.constant 3 : i32
    %dma_start3A_589 = arith.constant 6 : i32
    %dma_start3A_590 = arith.constant 0 : i32
    %dma_start3A_591 = arith.constant 0 : i32
    %dma_start3A_592 = tpu.memref_slice %arg6[%dma_start3A_588, %dma_start3A_589, %dma_start3A_590, %dma_start3A_591] : memref<6x8x16x128xf32, #tpu.memory_space<vmem>> -> memref<1x1x16x128xf32, #tpu.memory_space<vmem>>
    %dma_start3A_593 = tpu.memref_squeeze %dma_start3A_592 : memref<1x1x16x128xf32, #tpu.memory_space<vmem>> -> memref<16x128xf32, #tpu.memory_space<vmem>>
    %dma_start3A_594 = arith.constant 0 : i32
    %dma_start3A_595 = tpu.memref_slice %arg2[%dma_start3A_594, %multiple_of3A_587] : memref<16x1000000xf32, #tpu.memory_space<hbm>> -> memref<16x128xf32, #tpu.memory_space<hbm>>
    %dma_start3A_596 = arith.constant 0 : i32
    %dma_start3A_597 = arith.constant 0 : i32
    %dma_start3A_598 = tpu.memref_slice %arg6[%dma_start3A_588, %dma_start3A_589, %dma_start3A_596, %dma_start3A_597] : memref<6x8x16x128xf32, #tpu.memory_space<vmem>> -> memref<1x1x16x128xf32, #tpu.memory_space<vmem>>
    %dma_start3A_599 = tpu.memref_squeeze %dma_start3A_598 : memref<1x1x16x128xf32, #tpu.memory_space<vmem>> -> memref<16x128xf32, #tpu.memory_space<vmem>>
    %dma_start3A_600 = arith.constant 0 : i32
    %dma_start3A_601 = tpu.memref_slice %arg2[%dma_start3A_600, %multiple_of3A_587] : memref<16x1000000xf32, #tpu.memory_space<hbm>> -> memref<16x128xf32, #tpu.memory_space<hbm>>
    tpu.enqueue_dma source(%dma_start3A_601 : memref<16x128xf32, #tpu.memory_space<hbm>>) target(%dma_start3A_599 : memref<16x128xf32, #tpu.memory_space<vmem>>) target_semaphore(%arg11 : memref<!tpu.dma_semaphore, #tpu.memory_space<semaphore_mem>>)
    %slice3A_602 = vector.extract_strided_slice %get3A_468 {offsets = [7], sizes = [1], strides = [1]} : vector<16xi32> to vector<1xi32>
    %squeeze3A_603 = vector.extract %slice3A_602[0] : i32 from vector<1xi32>
    %and3A_604 = arith.constant -128 : i32
    %and3A_605 = arith.andi %squeeze3A_603, %and3A_604 : i32
    %multiple_of3A_606 = tpu.assume_multiple %and3A_605, 128 : i32
    %dma_start3A_607 = arith.constant 3 : i32
    %dma_start3A_608 = arith.constant 7 : i32
    %dma_start3A_609 = arith.constant 0 : i32
    %dma_start3A_610 = arith.constant 0 : i32
    %dma_start3A_611 = tpu.memref_slice %arg6[%dma_start3A_607, %dma_start3A_608, %dma_start3A_609, %dma_start3A_610] : memref<6x8x16x128xf32, #tpu.memory_space<vmem>> -> memref<1x1x16x128xf32, #tpu.memory_space<vmem>>
    %dma_start3A_612 = tpu.memref_squeeze %dma_start3A_611 : memref<1x1x16x128xf32, #tpu.memory_space<vmem>> -> memref<16x128xf32, #tpu.memory_space<vmem>>
    %dma_start3A_613 = arith.constant 0 : i32
    %dma_start3A_614 = tpu.memref_slice %arg2[%dma_start3A_613, %multiple_of3A_606] : memref<16x1000000xf32, #tpu.memory_space<hbm>> -> memref<16x128xf32, #tpu.memory_space<hbm>>
    %dma_start3A_615 = arith.constant 0 : i32
    %dma_start3A_616 = arith.constant 0 : i32
    %dma_start3A_617 = tpu.memref_slice %arg6[%dma_start3A_607, %dma_start3A_608, %dma_start3A_615, %dma_start3A_616] : memref<6x8x16x128xf32, #tpu.memory_space<vmem>> -> memref<1x1x16x128xf32, #tpu.memory_space<vmem>>
    %dma_start3A_618 = tpu.memref_squeeze %dma_start3A_617 : memref<1x1x16x128xf32, #tpu.memory_space<vmem>> -> memref<16x128xf32, #tpu.memory_space<vmem>>
    %dma_start3A_619 = arith.constant 0 : i32
    %dma_start3A_620 = tpu.memref_slice %arg2[%dma_start3A_619, %multiple_of3A_606] : memref<16x1000000xf32, #tpu.memory_space<hbm>> -> memref<16x128xf32, #tpu.memory_space<hbm>>
    tpu.enqueue_dma source(%dma_start3A_620 : memref<16x128xf32, #tpu.memory_space<hbm>>) target(%dma_start3A_618 : memref<16x128xf32, #tpu.memory_space<vmem>>) target_semaphore(%arg11 : memref<!tpu.dma_semaphore, #tpu.memory_space<semaphore_mem>>)
    %multiple_of3A_621 = arith.constant 32 : i32
    %multiple_of3A_622 = tpu.assume_multiple %multiple_of3A_621, 8 : i32
    %get3A_623 = arith.index_cast %multiple_of3A_622 : i32 to index
    %get3A_624 = tpu.vector_load %arg5[%get3A_623] {strides = array<i32>} : memref<528xi32, #tpu.memory_space<vmem>>, vector<16xi32>,
    %slice3A_625 = vector.extract_strided_slice %get3A_624 {offsets = [0], sizes = [1], strides = [1]} : vector<16xi32> to vector<1xi32>
    %squeeze3A_626 = vector.extract %slice3A_625[0] : i32 from vector<1xi32>
    %and3A_627 = arith.constant -128 : i32
    %and3A_628 = arith.andi %squeeze3A_626, %and3A_627 : i32
    %multiple_of3A_629 = tpu.assume_multiple %and3A_628, 128 : i32
    %dma_start3A_630 = arith.constant 4 : i32
    %dma_start3A_631 = arith.constant 0 : i32
    %dma_start3A_632 = arith.constant 0 : i32
    %dma_start3A_633 = arith.constant 0 : i32
    %dma_start3A_634 = tpu.memref_slice %arg6[%dma_start3A_630, %dma_start3A_631, %dma_start3A_632, %dma_start3A_633] : memref<6x8x16x128xf32, #tpu.memory_space<vmem>> -> memref<1x1x16x128xf32, #tpu.memory_space<vmem>>
    %dma_start3A_635 = tpu.memref_squeeze %dma_start3A_634 : memref<1x1x16x128xf32, #tpu.memory_space<vmem>> -> memref<16x128xf32, #tpu.memory_space<vmem>>
    %dma_start3A_636 = arith.constant 0 : i32
    %dma_start3A_637 = tpu.memref_slice %arg2[%dma_start3A_636, %multiple_of3A_629] : memref<16x1000000xf32, #tpu.memory_space<hbm>> -> memref<16x128xf32, #tpu.memory_space<hbm>>
    %dma_start3A_638 = arith.constant 0 : i32
    %dma_start3A_639 = arith.constant 0 : i32
    %dma_start3A_640 = tpu.memref_slice %arg6[%dma_start3A_630, %dma_start3A_631, %dma_start3A_638, %dma_start3A_639] : memref<6x8x16x128xf32, #tpu.memory_space<vmem>> -> memref<1x1x16x128xf32, #tpu.memory_space<vmem>>
    %dma_start3A_641 = tpu.memref_squeeze %dma_start3A_640 : memref<1x1x16x128xf32, #tpu.memory_space<vmem>> -> memref<16x128xf32, #tpu.memory_space<vmem>>
    %dma_start3A_642 = arith.constant 0 : i32
    %dma_start3A_643 = tpu.memref_slice %arg2[%dma_start3A_642, %multiple_of3A_629] : memref<16x1000000xf32, #tpu.memory_space<hbm>> -> memref<16x128xf32, #tpu.memory_space<hbm>>
    tpu.enqueue_dma source(%dma_start3A_643 : memref<16x128xf32, #tpu.memory_space<hbm>>) target(%dma_start3A_641 : memref<16x128xf32, #tpu.memory_space<vmem>>) target_semaphore(%arg12 : memref<!tpu.dma_semaphore, #tpu.memory_space<semaphore_mem>>)
    %slice3A_644 = vector.extract_strided_slice %get3A_624 {offsets = [1], sizes = [1], strides = [1]} : vector<16xi32> to vector<1xi32>
    %squeeze3A_645 = vector.extract %slice3A_644[0] : i32 from vector<1xi32>
    %and3A_646 = arith.constant -128 : i32
    %and3A_647 = arith.andi %squeeze3A_645, %and3A_646 : i32
    %multiple_of3A_648 = tpu.assume_multiple %and3A_647, 128 : i32
    %dma_start3A_649 = arith.constant 4 : i32
    %dma_start3A_650 = arith.constant 1 : i32
    %dma_start3A_651 = arith.constant 0 : i32
    %dma_start3A_652 = arith.constant 0 : i32
    %dma_start3A_653 = tpu.memref_slice %arg6[%dma_start3A_649, %dma_start3A_650, %dma_start3A_651, %dma_start3A_652] : memref<6x8x16x128xf32, #tpu.memory_space<vmem>> -> memref<1x1x16x128xf32, #tpu.memory_space<vmem>>
    %dma_start3A_654 = tpu.memref_squeeze %dma_start3A_653 : memref<1x1x16x128xf32, #tpu.memory_space<vmem>> -> memref<16x128xf32, #tpu.memory_space<vmem>>
    %dma_start3A_655 = arith.constant 0 : i32
    %dma_start3A_656 = tpu.memref_slice %arg2[%dma_start3A_655, %multiple_of3A_648] : memref<16x1000000xf32, #tpu.memory_space<hbm>> -> memref<16x128xf32, #tpu.memory_space<hbm>>
    %dma_start3A_657 = arith.constant 0 : i32
    %dma_start3A_658 = arith.constant 0 : i32
    %dma_start3A_659 = tpu.memref_slice %arg6[%dma_start3A_649, %dma_start3A_650, %dma_start3A_657, %dma_start3A_658] : memref<6x8x16x128xf32, #tpu.memory_space<vmem>> -> memref<1x1x16x128xf32, #tpu.memory_space<vmem>>
    %dma_start3A_660 = tpu.memref_squeeze %dma_start3A_659 : memref<1x1x16x128xf32, #tpu.memory_space<vmem>> -> memref<16x128xf32, #tpu.memory_space<vmem>>
    %dma_start3A_661 = arith.constant 0 : i32
    %dma_start3A_662 = tpu.memref_slice %arg2[%dma_start3A_661, %multiple_of3A_648] : memref<16x1000000xf32, #tpu.memory_space<hbm>> -> memref<16x128xf32, #tpu.memory_space<hbm>>
    tpu.enqueue_dma source(%dma_start3A_662 : memref<16x128xf32, #tpu.memory_space<hbm>>) target(%dma_start3A_660 : memref<16x128xf32, #tpu.memory_space<vmem>>) target_semaphore(%arg12 : memref<!tpu.dma_semaphore, #tpu.memory_space<semaphore_mem>>)
    %slice3A_663 = vector.extract_strided_slice %get3A_624 {offsets = [2], sizes = [1], strides = [1]} : vector<16xi32> to vector<1xi32>
    %squeeze3A_664 = vector.extract %slice3A_663[0] : i32 from vector<1xi32>
    %and3A_665 = arith.constant -128 : i32
    %and3A_666 = arith.andi %squeeze3A_664, %and3A_665 : i32
    %multiple_of3A_667 = tpu.assume_multiple %and3A_666, 128 : i32
    %dma_start3A_668 = arith.constant 4 : i32
    %dma_start3A_669 = arith.constant 2 : i32
    %dma_start3A_670 = arith.constant 0 : i32
    %dma_start3A_671 = arith.constant 0 : i32
    %dma_start3A_672 = tpu.memref_slice %arg6[%dma_start3A_668, %dma_start3A_669, %dma_start3A_670, %dma_start3A_671] : memref<6x8x16x128xf32, #tpu.memory_space<vmem>> -> memref<1x1x16x128xf32, #tpu.memory_space<vmem>>
    %dma_start3A_673 = tpu.memref_squeeze %dma_start3A_672 : memref<1x1x16x128xf32, #tpu.memory_space<vmem>> -> memref<16x128xf32, #tpu.memory_space<vmem>>
    %dma_start3A_674 = arith.constant 0 : i32
    %dma_start3A_675 = tpu.memref_slice %arg2[%dma_start3A_674, %multiple_of3A_667] : memref<16x1000000xf32, #tpu.memory_space<hbm>> -> memref<16x128xf32, #tpu.memory_space<hbm>>
    %dma_start3A_676 = arith.constant 0 : i32
    %dma_start3A_677 = arith.constant 0 : i32
    %dma_start3A_678 = tpu.memref_slice %arg6[%dma_start3A_668, %dma_start3A_669, %dma_start3A_676, %dma_start3A_677] : memref<6x8x16x128xf32, #tpu.memory_space<vmem>> -> memref<1x1x16x128xf32, #tpu.memory_space<vmem>>
    %dma_start3A_679 = tpu.memref_squeeze %dma_start3A_678 : memref<1x1x16x128xf32, #tpu.memory_space<vmem>> -> memref<16x128xf32, #tpu.memory_space<vmem>>
    %dma_start3A_680 = arith.constant 0 : i32
    %dma_start3A_681 = tpu.memref_slice %arg2[%dma_start3A_680, %multiple_of3A_667] : memref<16x1000000xf32, #tpu.memory_space<hbm>> -> memref<16x128xf32, #tpu.memory_space<hbm>>
    tpu.enqueue_dma source(%dma_start3A_681 : memref<16x128xf32, #tpu.memory_space<hbm>>) target(%dma_start3A_679 : memref<16x128xf32, #tpu.memory_space<vmem>>) target_semaphore(%arg12 : memref<!tpu.dma_semaphore, #tpu.memory_space<semaphore_mem>>)
    %slice3A_682 = vector.extract_strided_slice %get3A_624 {offsets = [3], sizes = [1], strides = [1]} : vector<16xi32> to vector<1xi32>
    %squeeze3A_683 = vector.extract %slice3A_682[0] : i32 from vector<1xi32>
    %and3A_684 = arith.constant -128 : i32
    %and3A_685 = arith.andi %squeeze3A_683, %and3A_684 : i32
    %multiple_of3A_686 = tpu.assume_multiple %and3A_685, 128 : i32
    %dma_start3A_687 = arith.constant 4 : i32
    %dma_start3A_688 = arith.constant 3 : i32
    %dma_start3A_689 = arith.constant 0 : i32
    %dma_start3A_690 = arith.constant 0 : i32
    %dma_start3A_691 = tpu.memref_slice %arg6[%dma_start3A_687, %dma_start3A_688, %dma_start3A_689, %dma_start3A_690] : memref<6x8x16x128xf32, #tpu.memory_space<vmem>> -> memref<1x1x16x128xf32, #tpu.memory_space<vmem>>
    %dma_start3A_692 = tpu.memref_squeeze %dma_start3A_691 : memref<1x1x16x128xf32, #tpu.memory_space<vmem>> -> memref<16x128xf32, #tpu.memory_space<vmem>>
    %dma_start3A_693 = arith.constant 0 : i32
    %dma_start3A_694 = tpu.memref_slice %arg2[%dma_start3A_693, %multiple_of3A_686] : memref<16x1000000xf32, #tpu.memory_space<hbm>> -> memref<16x128xf32, #tpu.memory_space<hbm>>
    %dma_start3A_695 = arith.constant 0 : i32
    %dma_start3A_696 = arith.constant 0 : i32
    %dma_start3A_697 = tpu.memref_slice %arg6[%dma_start3A_687, %dma_start3A_688, %dma_start3A_695, %dma_start3A_696] : memref<6x8x16x128xf32, #tpu.memory_space<vmem>> -> memref<1x1x16x128xf32, #tpu.memory_space<vmem>>
    %dma_start3A_698 = tpu.memref_squeeze %dma_start3A_697 : memref<1x1x16x128xf32, #tpu.memory_space<vmem>> -> memref<16x128xf32, #tpu.memory_space<vmem>>
    %dma_start3A_699 = arith.constant 0 : i32
    %dma_start3A_700 = tpu.memref_slice %arg2[%dma_start3A_699, %multiple_of3A_686] : memref<16x1000000xf32, #tpu.memory_space<hbm>> -> memref<16x128xf32, #tpu.memory_space<hbm>>
    tpu.enqueue_dma source(%dma_start3A_700 : memref<16x128xf32, #tpu.memory_space<hbm>>) target(%dma_start3A_698 : memref<16x128xf32, #tpu.memory_space<vmem>>) target_semaphore(%arg12 : memref<!tpu.dma_semaphore, #tpu.memory_space<semaphore_mem>>)
    %slice3A_701 = vector.extract_strided_slice %get3A_624 {offsets = [4], sizes = [1], strides = [1]} : vector<16xi32> to vector<1xi32>
    %squeeze3A_702 = vector.extract %slice3A_701[0] : i32 from vector<1xi32>
    %and3A_703 = arith.constant -128 : i32
    %and3A_704 = arith.andi %squeeze3A_702, %and3A_703 : i32
    %multiple_of3A_705 = tpu.assume_multiple %and3A_704, 128 : i32
    %dma_start3A_706 = arith.constant 4 : i32
    %dma_start3A_707 = arith.constant 4 : i32
    %dma_start3A_708 = arith.constant 0 : i32
    %dma_start3A_709 = arith.constant 0 : i32
    %dma_start3A_710 = tpu.memref_slice %arg6[%dma_start3A_706, %dma_start3A_707, %dma_start3A_708, %dma_start3A_709] : memref<6x8x16x128xf32, #tpu.memory_space<vmem>> -> memref<1x1x16x128xf32, #tpu.memory_space<vmem>>
    %dma_start3A_711 = tpu.memref_squeeze %dma_start3A_710 : memref<1x1x16x128xf32, #tpu.memory_space<vmem>> -> memref<16x128xf32, #tpu.memory_space<vmem>>
    %dma_start3A_712 = arith.constant 0 : i32
    %dma_start3A_713 = tpu.memref_slice %arg2[%dma_start3A_712, %multiple_of3A_705] : memref<16x1000000xf32, #tpu.memory_space<hbm>> -> memref<16x128xf32, #tpu.memory_space<hbm>>
    %dma_start3A_714 = arith.constant 0 : i32
    %dma_start3A_715 = arith.constant 0 : i32
    %dma_start3A_716 = tpu.memref_slice %arg6[%dma_start3A_706, %dma_start3A_707, %dma_start3A_714, %dma_start3A_715] : memref<6x8x16x128xf32, #tpu.memory_space<vmem>> -> memref<1x1x16x128xf32, #tpu.memory_space<vmem>>
    %dma_start3A_717 = tpu.memref_squeeze %dma_start3A_716 : memref<1x1x16x128xf32, #tpu.memory_space<vmem>> -> memref<16x128xf32, #tpu.memory_space<vmem>>
    %dma_start3A_718 = arith.constant 0 : i32
    %dma_start3A_719 = tpu.memref_slice %arg2[%dma_start3A_718, %multiple_of3A_705] : memref<16x1000000xf32, #tpu.memory_space<hbm>> -> memref<16x128xf32, #tpu.memory_space<hbm>>
    tpu.enqueue_dma source(%dma_start3A_719 : memref<16x128xf32, #tpu.memory_space<hbm>>) target(%dma_start3A_717 : memref<16x128xf32, #tpu.memory_space<vmem>>) target_semaphore(%arg12 : memref<!tpu.dma_semaphore, #tpu.memory_space<semaphore_mem>>)
    %slice3A_720 = vector.extract_strided_slice %get3A_624 {offsets = [5], sizes = [1], strides = [1]} : vector<16xi32> to vector<1xi32>
    %squeeze3A_721 = vector.extract %slice3A_720[0] : i32 from vector<1xi32>
    %and3A_722 = arith.constant -128 : i32
    %and3A_723 = arith.andi %squeeze3A_721, %and3A_722 : i32
    %multiple_of3A_724 = tpu.assume_multiple %and3A_723, 128 : i32
    %dma_start3A_725 = arith.constant 4 : i32
    %dma_start3A_726 = arith.constant 5 : i32
    %dma_start3A_727 = arith.constant 0 : i32
    %dma_start3A_728 = arith.constant 0 : i32
    %dma_start3A_729 = tpu.memref_slice %arg6[%dma_start3A_725, %dma_start3A_726, %dma_start3A_727, %dma_start3A_728] : memref<6x8x16x128xf32, #tpu.memory_space<vmem>> -> memref<1x1x16x128xf32, #tpu.memory_space<vmem>>
    %dma_start3A_730 = tpu.memref_squeeze %dma_start3A_729 : memref<1x1x16x128xf32, #tpu.memory_space<vmem>> -> memref<16x128xf32, #tpu.memory_space<vmem>>
    %dma_start3A_731 = arith.constant 0 : i32
    %dma_start3A_732 = tpu.memref_slice %arg2[%dma_start3A_731, %multiple_of3A_724] : memref<16x1000000xf32, #tpu.memory_space<hbm>> -> memref<16x128xf32, #tpu.memory_space<hbm>>
    %dma_start3A_733 = arith.constant 0 : i32
    %dma_start3A_734 = arith.constant 0 : i32
    %dma_start3A_735 = tpu.memref_slice %arg6[%dma_start3A_725, %dma_start3A_726, %dma_start3A_733, %dma_start3A_734] : memref<6x8x16x128xf32, #tpu.memory_space<vmem>> -> memref<1x1x16x128xf32, #tpu.memory_space<vmem>>
    %dma_start3A_736 = tpu.memref_squeeze %dma_start3A_735 : memref<1x1x16x128xf32, #tpu.memory_space<vmem>> -> memref<16x128xf32, #tpu.memory_space<vmem>>
    %dma_start3A_737 = arith.constant 0 : i32
    %dma_start3A_738 = tpu.memref_slice %arg2[%dma_start3A_737, %multiple_of3A_724] : memref<16x1000000xf32, #tpu.memory_space<hbm>> -> memref<16x128xf32, #tpu.memory_space<hbm>>
    tpu.enqueue_dma source(%dma_start3A_738 : memref<16x128xf32, #tpu.memory_space<hbm>>) target(%dma_start3A_736 : memref<16x128xf32, #tpu.memory_space<vmem>>) target_semaphore(%arg12 : memref<!tpu.dma_semaphore, #tpu.memory_space<semaphore_mem>>)
    %slice3A_739 = vector.extract_strided_slice %get3A_624 {offsets = [6], sizes = [1], strides = [1]} : vector<16xi32> to vector<1xi32>
    %squeeze3A_740 = vector.extract %slice3A_739[0] : i32 from vector<1xi32>
    %and3A_741 = arith.constant -128 : i32
    %and3A_742 = arith.andi %squeeze3A_740, %and3A_741 : i32
    %multiple_of3A_743 = tpu.assume_multiple %and3A_742, 128 : i32
    %dma_start3A_744 = arith.constant 4 : i32
    %dma_start3A_745 = arith.constant 6 : i32
    %dma_start3A_746 = arith.constant 0 : i32
    %dma_start3A_747 = arith.constant 0 : i32
    %dma_start3A_748 = tpu.memref_slice %arg6[%dma_start3A_744, %dma_start3A_745, %dma_start3A_746, %dma_start3A_747] : memref<6x8x16x128xf32, #tpu.memory_space<vmem>> -> memref<1x1x16x128xf32, #tpu.memory_space<vmem>>
    %dma_start3A_749 = tpu.memref_squeeze %dma_start3A_748 : memref<1x1x16x128xf32, #tpu.memory_space<vmem>> -> memref<16x128xf32, #tpu.memory_space<vmem>>
    %dma_start3A_750 = arith.constant 0 : i32
    %dma_start3A_751 = tpu.memref_slice %arg2[%dma_start3A_750, %multiple_of3A_743] : memref<16x1000000xf32, #tpu.memory_space<hbm>> -> memref<16x128xf32, #tpu.memory_space<hbm>>
    %dma_start3A_752 = arith.constant 0 : i32
    %dma_start3A_753 = arith.constant 0 : i32
    %dma_start3A_754 = tpu.memref_slice %arg6[%dma_start3A_744, %dma_start3A_745, %dma_start3A_752, %dma_start3A_753] : memref<6x8x16x128xf32, #tpu.memory_space<vmem>> -> memref<1x1x16x128xf32, #tpu.memory_space<vmem>>
    %dma_start3A_755 = tpu.memref_squeeze %dma_start3A_754 : memref<1x1x16x128xf32, #tpu.memory_space<vmem>> -> memref<16x128xf32, #tpu.memory_space<vmem>>
    %dma_start3A_756 = arith.constant 0 : i32
    %dma_start3A_757 = tpu.memref_slice %arg2[%dma_start3A_756, %multiple_of3A_743] : memref<16x1000000xf32, #tpu.memory_space<hbm>> -> memref<16x128xf32, #tpu.memory_space<hbm>>
    tpu.enqueue_dma source(%dma_start3A_757 : memref<16x128xf32, #tpu.memory_space<hbm>>) target(%dma_start3A_755 : memref<16x128xf32, #tpu.memory_space<vmem>>) target_semaphore(%arg12 : memref<!tpu.dma_semaphore, #tpu.memory_space<semaphore_mem>>)
    %slice3A_758 = vector.extract_strided_slice %get3A_624 {offsets = [7], sizes = [1], strides = [1]} : vector<16xi32> to vector<1xi32>
    %squeeze3A_759 = vector.extract %slice3A_758[0] : i32 from vector<1xi32>
    %and3A_760 = arith.constant -128 : i32
    %and3A_761 = arith.andi %squeeze3A_759, %and3A_760 : i32
    %multiple_of3A_762 = tpu.assume_multiple %and3A_761, 128 : i32
    %dma_start3A_763 = arith.constant 4 : i32
    %dma_start3A_764 = arith.constant 7 : i32
    %dma_start3A_765 = arith.constant 0 : i32
    %dma_start3A_766 = arith.constant 0 : i32
    %dma_start3A_767 = tpu.memref_slice %arg6[%dma_start3A_763, %dma_start3A_764, %dma_start3A_765, %dma_start3A_766] : memref<6x8x16x128xf32, #tpu.memory_space<vmem>> -> memref<1x1x16x128xf32, #tpu.memory_space<vmem>>
    %dma_start3A_768 = tpu.memref_squeeze %dma_start3A_767 : memref<1x1x16x128xf32, #tpu.memory_space<vmem>> -> memref<16x128xf32, #tpu.memory_space<vmem>>
    %dma_start3A_769 = arith.constant 0 : i32
    %dma_start3A_770 = tpu.memref_slice %arg2[%dma_start3A_769, %multiple_of3A_762] : memref<16x1000000xf32, #tpu.memory_space<hbm>> -> memref<16x128xf32, #tpu.memory_space<hbm>>
    %dma_start3A_771 = arith.constant 0 : i32
    %dma_start3A_772 = arith.constant 0 : i32
    %dma_start3A_773 = tpu.memref_slice %arg6[%dma_start3A_763, %dma_start3A_764, %dma_start3A_771, %dma_start3A_772] : memref<6x8x16x128xf32, #tpu.memory_space<vmem>> -> memref<1x1x16x128xf32, #tpu.memory_space<vmem>>
    %dma_start3A_774 = tpu.memref_squeeze %dma_start3A_773 : memref<1x1x16x128xf32, #tpu.memory_space<vmem>> -> memref<16x128xf32, #tpu.memory_space<vmem>>
    %dma_start3A_775 = arith.constant 0 : i32
    %dma_start3A_776 = tpu.memref_slice %arg2[%dma_start3A_775, %multiple_of3A_762] : memref<16x1000000xf32, #tpu.memory_space<hbm>> -> memref<16x128xf32, #tpu.memory_space<hbm>>
    tpu.enqueue_dma source(%dma_start3A_776 : memref<16x128xf32, #tpu.memory_space<hbm>>) target(%dma_start3A_774 : memref<16x128xf32, #tpu.memory_space<vmem>>) target_semaphore(%arg12 : memref<!tpu.dma_semaphore, #tpu.memory_space<semaphore_mem>>)
    %scan3A = arith.constant 0 : i32
    %scan3A_777 = arith.constant 64 : i32
    %scan3A_778 = arith.addi %scan3A, %scan3A_777 : i32
    %scan3A_779 = arith.constant 1 : i32
    scf.for %scan3A_781 = %scan3A to %scan3A_778 step %scan3A_779  : i32 {
      %jit3A = arith.constant 6 : i32
      %eq3A = arith.constant 0 : i32
      %eq3A_782 = arith.cmpi eq, %jit3A, %eq3A : i32
      %jit3A_783 = arith.constant 1 : i32
      %select_n3A = arith.select %eq3A_782, %jit3A_783, %jit3A : i32
      %rem3A = arith.remsi %scan3A_781, %select_n3A : i32
      %ne3A = arith.constant 0 : i32
      %ne3A_784 = arith.cmpi ne, %rem3A, %ne3A : i32
      %lt3A = arith.constant 0 : i32
      %lt3A_785 = arith.cmpi slt, %rem3A, %lt3A : i32
      %lt3A_786 = arith.constant 0 : i32
      %lt3A_787 = arith.cmpi slt, %select_n3A, %lt3A_786 : i32
      %ne3A_788 = arith.xori %lt3A_785, %lt3A_787 : i1
      %and3A_789 = arith.andi %ne3A_788, %ne3A_784 : i1
      %add3A_790 = arith.addi %rem3A, %select_n3A : i32
      %select_n3A_791 = arith.select %and3A_789, %add3A_790, %rem3A : i32
      %eq3A_792 = arith.constant 0 : i32
      %eq3A_793 = arith.cmpi eq, %select_n3A_791, %eq3A_792 : i32
      %convert_element_type3A = arith.extui %eq3A_793 : i1 to i32
      %cond3A = arith.constant 0 : i32
      %cond3A_794 = arith.cmpi ne, %convert_element_type3A, %cond3A : i32
      scf.if %cond3A_794 {
        %add3A_900 = arith.constant 6 : i32
        %add3A_901 = arith.addi %scan3A_781, %add3A_900 : i32
        %sub3A = arith.constant 1 : i32
        %sub3A_902 = arith.subi %add3A_901, %sub3A : i32
        %lt3A_903 = arith.constant 64 : i32
        %lt3A_904 = arith.cmpi slt, %sub3A_902, %lt3A_903 : i32
        %convert_element_type3A_905 = arith.extui %lt3A_904 : i1 to i32
        %cond3A_906 = arith.constant 0 : i32
        %cond3A_907 = arith.cmpi ne, %convert_element_type3A_905, %cond3A_906 : i32
        scf.if %cond3A_907 {
          %add3A_1145 = arith.constant 6 : i32
          %add3A_1146 = arith.addi %scan3A_781, %add3A_1145 : i32
          %sub3A_1147 = arith.constant 1 : i32
          %sub3A_1148 = arith.subi %add3A_1146, %sub3A_1147 : i32
          %mul3A_1149 = arith.constant 8 : i32
          %mul3A_1150 = arith.muli %sub3A_1148, %mul3A_1149 : i32
          %multiple_of3A_1151 = tpu.assume_multiple %mul3A_1150, 8 : i32
          %get3A_1152 = arith.index_cast %multiple_of3A_1151 : i32 to index
          %get3A_1153 = tpu.vector_load %arg5[%get3A_1152] {strides = array<i32>} : memref<528xi32, #tpu.memory_space<vmem>>, vector<16xi32>,
          %slice3A_1154 = vector.extract_strided_slice %get3A_1153 {offsets = [0], sizes = [1], strides = [1]} : vector<16xi32> to vector<1xi32>
          %squeeze3A_1155 = vector.extract %slice3A_1154[0] : i32 from vector<1xi32>
          %and3A_1156 = arith.constant -128 : i32
          %and3A_1157 = arith.andi %squeeze3A_1155, %and3A_1156 : i32
          %multiple_of3A_1158 = tpu.assume_multiple %and3A_1157, 128 : i32
          %dma_start3A_1159 = arith.constant 5 : i32
          %dma_start3A_1160 = arith.constant 0 : i32
          %dma_start3A_1161 = arith.constant 0 : i32
          %dma_start3A_1162 = arith.constant 0 : i32
          %dma_start3A_1163 = tpu.memref_slice %arg6[%dma_start3A_1159, %dma_start3A_1160, %dma_start3A_1161, %dma_start3A_1162] : memref<6x8x16x128xf32, #tpu.memory_space<vmem>> -> memref<1x1x16x128xf32, #tpu.memory_space<vmem>>
          %dma_start3A_1164 = tpu.memref_squeeze %dma_start3A_1163 : memref<1x1x16x128xf32, #tpu.memory_space<vmem>> -> memref<16x128xf32, #tpu.memory_space<vmem>>
          %dma_start3A_1165 = arith.constant 0 : i32
          %dma_start3A_1166 = tpu.memref_slice %arg2[%dma_start3A_1165, %multiple_of3A_1158] : memref<16x1000000xf32, #tpu.memory_space<hbm>> -> memref<16x128xf32, #tpu.memory_space<hbm>>
          %dma_start3A_1167 = arith.constant 0 : i32
          %dma_start3A_1168 = arith.constant 0 : i32
          %dma_start3A_1169 = tpu.memref_slice %arg6[%dma_start3A_1159, %dma_start3A_1160, %dma_start3A_1167, %dma_start3A_1168] : memref<6x8x16x128xf32, #tpu.memory_space<vmem>> -> memref<1x1x16x128xf32, #tpu.memory_space<vmem>>
          %dma_start3A_1170 = tpu.memref_squeeze %dma_start3A_1169 : memref<1x1x16x128xf32, #tpu.memory_space<vmem>> -> memref<16x128xf32, #tpu.memory_space<vmem>>
          %dma_start3A_1171 = arith.constant 0 : i32
          %dma_start3A_1172 = tpu.memref_slice %arg2[%dma_start3A_1171, %multiple_of3A_1158] : memref<16x1000000xf32, #tpu.memory_space<hbm>> -> memref<16x128xf32, #tpu.memory_space<hbm>>
          tpu.enqueue_dma source(%dma_start3A_1172 : memref<16x128xf32, #tpu.memory_space<hbm>>) target(%dma_start3A_1170 : memref<16x128xf32, #tpu.memory_space<vmem>>) target_semaphore(%arg13 : memref<!tpu.dma_semaphore, #tpu.memory_space<semaphore_mem>>)
          %slice3A_1173 = vector.extract_strided_slice %get3A_1153 {offsets = [1], sizes = [1], strides = [1]} : vector<16xi32> to vector<1xi32>
          %squeeze3A_1174 = vector.extract %slice3A_1173[0] : i32 from vector<1xi32>
          %and3A_1175 = arith.constant -128 : i32
          %and3A_1176 = arith.andi %squeeze3A_1174, %and3A_1175 : i32
          %multiple_of3A_1177 = tpu.assume_multiple %and3A_1176, 128 : i32
          %dma_start3A_1178 = arith.constant 5 : i32
          %dma_start3A_1179 = arith.constant 1 : i32
          %dma_start3A_1180 = arith.constant 0 : i32
          %dma_start3A_1181 = arith.constant 0 : i32
          %dma_start3A_1182 = tpu.memref_slice %arg6[%dma_start3A_1178, %dma_start3A_1179, %dma_start3A_1180, %dma_start3A_1181] : memref<6x8x16x128xf32, #tpu.memory_space<vmem>> -> memref<1x1x16x128xf32, #tpu.memory_space<vmem>>
          %dma_start3A_1183 = tpu.memref_squeeze %dma_start3A_1182 : memref<1x1x16x128xf32, #tpu.memory_space<vmem>> -> memref<16x128xf32, #tpu.memory_space<vmem>>
          %dma_start3A_1184 = arith.constant 0 : i32
          %dma_start3A_1185 = tpu.memref_slice %arg2[%dma_start3A_1184, %multiple_of3A_1177] : memref<16x1000000xf32, #tpu.memory_space<hbm>> -> memref<16x128xf32, #tpu.memory_space<hbm>>
          %dma_start3A_1186 = arith.constant 0 : i32
          %dma_start3A_1187 = arith.constant 0 : i32
          %dma_start3A_1188 = tpu.memref_slice %arg6[%dma_start3A_1178, %dma_start3A_1179, %dma_start3A_1186, %dma_start3A_1187] : memref<6x8x16x128xf32, #tpu.memory_space<vmem>> -> memref<1x1x16x128xf32, #tpu.memory_space<vmem>>
          %dma_start3A_1189 = tpu.memref_squeeze %dma_start3A_1188 : memref<1x1x16x128xf32, #tpu.memory_space<vmem>> -> memref<16x128xf32, #tpu.memory_space<vmem>>
          %dma_start3A_1190 = arith.constant 0 : i32
          %dma_start3A_1191 = tpu.memref_slice %arg2[%dma_start3A_1190, %multiple_of3A_1177] : memref<16x1000000xf32, #tpu.memory_space<hbm>> -> memref<16x128xf32, #tpu.memory_space<hbm>>
          tpu.enqueue_dma source(%dma_start3A_1191 : memref<16x128xf32, #tpu.memory_space<hbm>>) target(%dma_start3A_1189 : memref<16x128xf32, #tpu.memory_space<vmem>>) target_semaphore(%arg13 : memref<!tpu.dma_semaphore, #tpu.memory_space<semaphore_mem>>)
          %slice3A_1192 = vector.extract_strided_slice %get3A_1153 {offsets = [2], sizes = [1], strides = [1]} : vector<16xi32> to vector<1xi32>
          %squeeze3A_1193 = vector.extract %slice3A_1192[0] : i32 from vector<1xi32>
          %and3A_1194 = arith.constant -128 : i32
          %and3A_1195 = arith.andi %squeeze3A_1193, %and3A_1194 : i32
          %multiple_of3A_1196 = tpu.assume_multiple %and3A_1195, 128 : i32
          %dma_start3A_1197 = arith.constant 5 : i32
          %dma_start3A_1198 = arith.constant 2 : i32
          %dma_start3A_1199 = arith.constant 0 : i32
          %dma_start3A_1200 = arith.constant 0 : i32
          %dma_start3A_1201 = tpu.memref_slice %arg6[%dma_start3A_1197, %dma_start3A_1198, %dma_start3A_1199, %dma_start3A_1200] : memref<6x8x16x128xf32, #tpu.memory_space<vmem>> -> memref<1x1x16x128xf32, #tpu.memory_space<vmem>>
          %dma_start3A_1202 = tpu.memref_squeeze %dma_start3A_1201 : memref<1x1x16x128xf32, #tpu.memory_space<vmem>> -> memref<16x128xf32, #tpu.memory_space<vmem>>
          %dma_start3A_1203 = arith.constant 0 : i32
          %dma_start3A_1204 = tpu.memref_slice %arg2[%dma_start3A_1203, %multiple_of3A_1196] : memref<16x1000000xf32, #tpu.memory_space<hbm>> -> memref<16x128xf32, #tpu.memory_space<hbm>>
          %dma_start3A_1205 = arith.constant 0 : i32
          %dma_start3A_1206 = arith.constant 0 : i32
          %dma_start3A_1207 = tpu.memref_slice %arg6[%dma_start3A_1197, %dma_start3A_1198, %dma_start3A_1205, %dma_start3A_1206] : memref<6x8x16x128xf32, #tpu.memory_space<vmem>> -> memref<1x1x16x128xf32, #tpu.memory_space<vmem>>
          %dma_start3A_1208 = tpu.memref_squeeze %dma_start3A_1207 : memref<1x1x16x128xf32, #tpu.memory_space<vmem>> -> memref<16x128xf32, #tpu.memory_space<vmem>>
          %dma_start3A_1209 = arith.constant 0 : i32
          %dma_start3A_1210 = tpu.memref_slice %arg2[%dma_start3A_1209, %multiple_of3A_1196] : memref<16x1000000xf32, #tpu.memory_space<hbm>> -> memref<16x128xf32, #tpu.memory_space<hbm>>
          tpu.enqueue_dma source(%dma_start3A_1210 : memref<16x128xf32, #tpu.memory_space<hbm>>) target(%dma_start3A_1208 : memref<16x128xf32, #tpu.memory_space<vmem>>) target_semaphore(%arg13 : memref<!tpu.dma_semaphore, #tpu.memory_space<semaphore_mem>>)
          %slice3A_1211 = vector.extract_strided_slice %get3A_1153 {offsets = [3], sizes = [1], strides = [1]} : vector<16xi32> to vector<1xi32>
          %squeeze3A_1212 = vector.extract %slice3A_1211[0] : i32 from vector<1xi32>
          %and3A_1213 = arith.constant -128 : i32
          %and3A_1214 = arith.andi %squeeze3A_1212, %and3A_1213 : i32
          %multiple_of3A_1215 = tpu.assume_multiple %and3A_1214, 128 : i32
          %dma_start3A_1216 = arith.constant 5 : i32
          %dma_start3A_1217 = arith.constant 3 : i32
          %dma_start3A_1218 = arith.constant 0 : i32
          %dma_start3A_1219 = arith.constant 0 : i32
          %dma_start3A_1220 = tpu.memref_slice %arg6[%dma_start3A_1216, %dma_start3A_1217, %dma_start3A_1218, %dma_start3A_1219] : memref<6x8x16x128xf32, #tpu.memory_space<vmem>> -> memref<1x1x16x128xf32, #tpu.memory_space<vmem>>
          %dma_start3A_1221 = tpu.memref_squeeze %dma_start3A_1220 : memref<1x1x16x128xf32, #tpu.memory_space<vmem>> -> memref<16x128xf32, #tpu.memory_space<vmem>>
          %dma_start3A_1222 = arith.constant 0 : i32
          %dma_start3A_1223 = tpu.memref_slice %arg2[%dma_start3A_1222, %multiple_of3A_1215] : memref<16x1000000xf32, #tpu.memory_space<hbm>> -> memref<16x128xf32, #tpu.memory_space<hbm>>
          %dma_start3A_1224 = arith.constant 0 : i32
          %dma_start3A_1225 = arith.constant 0 : i32
          %dma_start3A_1226 = tpu.memref_slice %arg6[%dma_start3A_1216, %dma_start3A_1217, %dma_start3A_1224, %dma_start3A_1225] : memref<6x8x16x128xf32, #tpu.memory_space<vmem>> -> memref<1x1x16x128xf32, #tpu.memory_space<vmem>>
          %dma_start3A_1227 = tpu.memref_squeeze %dma_start3A_1226 : memref<1x1x16x128xf32, #tpu.memory_space<vmem>> -> memref<16x128xf32, #tpu.memory_space<vmem>>
          %dma_start3A_1228 = arith.constant 0 : i32
          %dma_start3A_1229 = tpu.memref_slice %arg2[%dma_start3A_1228, %multiple_of3A_1215] : memref<16x1000000xf32, #tpu.memory_space<hbm>> -> memref<16x128xf32, #tpu.memory_space<hbm>>
          tpu.enqueue_dma source(%dma_start3A_1229 : memref<16x128xf32, #tpu.memory_space<hbm>>) target(%dma_start3A_1227 : memref<16x128xf32, #tpu.memory_space<vmem>>) target_semaphore(%arg13 : memref<!tpu.dma_semaphore, #tpu.memory_space<semaphore_mem>>)
          %slice3A_1230 = vector.extract_strided_slice %get3A_1153 {offsets = [4], sizes = [1], strides = [1]} : vector<16xi32> to vector<1xi32>
          %squeeze3A_1231 = vector.extract %slice3A_1230[0] : i32 from vector<1xi32>
          %and3A_1232 = arith.constant -128 : i32
          %and3A_1233 = arith.andi %squeeze3A_1231, %and3A_1232 : i32
          %multiple_of3A_1234 = tpu.assume_multiple %and3A_1233, 128 : i32
          %dma_start3A_1235 = arith.constant 5 : i32
          %dma_start3A_1236 = arith.constant 4 : i32
          %dma_start3A_1237 = arith.constant 0 : i32
          %dma_start3A_1238 = arith.constant 0 : i32
          %dma_start3A_1239 = tpu.memref_slice %arg6[%dma_start3A_1235, %dma_start3A_1236, %dma_start3A_1237, %dma_start3A_1238] : memref<6x8x16x128xf32, #tpu.memory_space<vmem>> -> memref<1x1x16x128xf32, #tpu.memory_space<vmem>>
          %dma_start3A_1240 = tpu.memref_squeeze %dma_start3A_1239 : memref<1x1x16x128xf32, #tpu.memory_space<vmem>> -> memref<16x128xf32, #tpu.memory_space<vmem>>
          %dma_start3A_1241 = arith.constant 0 : i32
          %dma_start3A_1242 = tpu.memref_slice %arg2[%dma_start3A_1241, %multiple_of3A_1234] : memref<16x1000000xf32, #tpu.memory_space<hbm>> -> memref<16x128xf32, #tpu.memory_space<hbm>>
          %dma_start3A_1243 = arith.constant 0 : i32
          %dma_start3A_1244 = arith.constant 0 : i32
          %dma_start3A_1245 = tpu.memref_slice %arg6[%dma_start3A_1235, %dma_start3A_1236, %dma_start3A_1243, %dma_start3A_1244] : memref<6x8x16x128xf32, #tpu.memory_space<vmem>> -> memref<1x1x16x128xf32, #tpu.memory_space<vmem>>
          %dma_start3A_1246 = tpu.memref_squeeze %dma_start3A_1245 : memref<1x1x16x128xf32, #tpu.memory_space<vmem>> -> memref<16x128xf32, #tpu.memory_space<vmem>>
          %dma_start3A_1247 = arith.constant 0 : i32
          %dma_start3A_1248 = tpu.memref_slice %arg2[%dma_start3A_1247, %multiple_of3A_1234] : memref<16x1000000xf32, #tpu.memory_space<hbm>> -> memref<16x128xf32, #tpu.memory_space<hbm>>
          tpu.enqueue_dma source(%dma_start3A_1248 : memref<16x128xf32, #tpu.memory_space<hbm>>) target(%dma_start3A_1246 : memref<16x128xf32, #tpu.memory_space<vmem>>) target_semaphore(%arg13 : memref<!tpu.dma_semaphore, #tpu.memory_space<semaphore_mem>>)
          %slice3A_1249 = vector.extract_strided_slice %get3A_1153 {offsets = [5], sizes = [1], strides = [1]} : vector<16xi32> to vector<1xi32>
          %squeeze3A_1250 = vector.extract %slice3A_1249[0] : i32 from vector<1xi32>
          %and3A_1251 = arith.constant -128 : i32
          %and3A_1252 = arith.andi %squeeze3A_1250, %and3A_1251 : i32
          %multiple_of3A_1253 = tpu.assume_multiple %and3A_1252, 128 : i32
          %dma_start3A_1254 = arith.constant 5 : i32
          %dma_start3A_1255 = arith.constant 5 : i32
          %dma_start3A_1256 = arith.constant 0 : i32
          %dma_start3A_1257 = arith.constant 0 : i32
          %dma_start3A_1258 = tpu.memref_slice %arg6[%dma_start3A_1254, %dma_start3A_1255, %dma_start3A_1256, %dma_start3A_1257] : memref<6x8x16x128xf32, #tpu.memory_space<vmem>> -> memref<1x1x16x128xf32, #tpu.memory_space<vmem>>
          %dma_start3A_1259 = tpu.memref_squeeze %dma_start3A_1258 : memref<1x1x16x128xf32, #tpu.memory_space<vmem>> -> memref<16x128xf32, #tpu.memory_space<vmem>>
          %dma_start3A_1260 = arith.constant 0 : i32
          %dma_start3A_1261 = tpu.memref_slice %arg2[%dma_start3A_1260, %multiple_of3A_1253] : memref<16x1000000xf32, #tpu.memory_space<hbm>> -> memref<16x128xf32, #tpu.memory_space<hbm>>
          %dma_start3A_1262 = arith.constant 0 : i32
          %dma_start3A_1263 = arith.constant 0 : i32
          %dma_start3A_1264 = tpu.memref_slice %arg6[%dma_start3A_1254, %dma_start3A_1255, %dma_start3A_1262, %dma_start3A_1263] : memref<6x8x16x128xf32, #tpu.memory_space<vmem>> -> memref<1x1x16x128xf32, #tpu.memory_space<vmem>>
          %dma_start3A_1265 = tpu.memref_squeeze %dma_start3A_1264 : memref<1x1x16x128xf32, #tpu.memory_space<vmem>> -> memref<16x128xf32, #tpu.memory_space<vmem>>
          %dma_start3A_1266 = arith.constant 0 : i32
          %dma_start3A_1267 = tpu.memref_slice %arg2[%dma_start3A_1266, %multiple_of3A_1253] : memref<16x1000000xf32, #tpu.memory_space<hbm>> -> memref<16x128xf32, #tpu.memory_space<hbm>>
          tpu.enqueue_dma source(%dma_start3A_1267 : memref<16x128xf32, #tpu.memory_space<hbm>>) target(%dma_start3A_1265 : memref<16x128xf32, #tpu.memory_space<vmem>>) target_semaphore(%arg13 : memref<!tpu.dma_semaphore, #tpu.memory_space<semaphore_mem>>)
          %slice3A_1268 = vector.extract_strided_slice %get3A_1153 {offsets = [6], sizes = [1], strides = [1]} : vector<16xi32> to vector<1xi32>
          %squeeze3A_1269 = vector.extract %slice3A_1268[0] : i32 from vector<1xi32>
          %and3A_1270 = arith.constant -128 : i32
          %and3A_1271 = arith.andi %squeeze3A_1269, %and3A_1270 : i32
          %multiple_of3A_1272 = tpu.assume_multiple %and3A_1271, 128 : i32
          %dma_start3A_1273 = arith.constant 5 : i32
          %dma_start3A_1274 = arith.constant 6 : i32
          %dma_start3A_1275 = arith.constant 0 : i32
          %dma_start3A_1276 = arith.constant 0 : i32
          %dma_start3A_1277 = tpu.memref_slice %arg6[%dma_start3A_1273, %dma_start3A_1274, %dma_start3A_1275, %dma_start3A_1276] : memref<6x8x16x128xf32, #tpu.memory_space<vmem>> -> memref<1x1x16x128xf32, #tpu.memory_space<vmem>>
          %dma_start3A_1278 = tpu.memref_squeeze %dma_start3A_1277 : memref<1x1x16x128xf32, #tpu.memory_space<vmem>> -> memref<16x128xf32, #tpu.memory_space<vmem>>
          %dma_start3A_1279 = arith.constant 0 : i32
          %dma_start3A_1280 = tpu.memref_slice %arg2[%dma_start3A_1279, %multiple_of3A_1272] : memref<16x1000000xf32, #tpu.memory_space<hbm>> -> memref<16x128xf32, #tpu.memory_space<hbm>>
          %dma_start3A_1281 = arith.constant 0 : i32
          %dma_start3A_1282 = arith.constant 0 : i32
          %dma_start3A_1283 = tpu.memref_slice %arg6[%dma_start3A_1273, %dma_start3A_1274, %dma_start3A_1281, %dma_start3A_1282] : memref<6x8x16x128xf32, #tpu.memory_space<vmem>> -> memref<1x1x16x128xf32, #tpu.memory_space<vmem>>
          %dma_start3A_1284 = tpu.memref_squeeze %dma_start3A_1283 : memref<1x1x16x128xf32, #tpu.memory_space<vmem>> -> memref<16x128xf32, #tpu.memory_space<vmem>>
          %dma_start3A_1285 = arith.constant 0 : i32
          %dma_start3A_1286 = tpu.memref_slice %arg2[%dma_start3A_1285, %multiple_of3A_1272] : memref<16x1000000xf32, #tpu.memory_space<hbm>> -> memref<16x128xf32, #tpu.memory_space<hbm>>
          tpu.enqueue_dma source(%dma_start3A_1286 : memref<16x128xf32, #tpu.memory_space<hbm>>) target(%dma_start3A_1284 : memref<16x128xf32, #tpu.memory_space<vmem>>) target_semaphore(%arg13 : memref<!tpu.dma_semaphore, #tpu.memory_space<semaphore_mem>>)
          %slice3A_1287 = vector.extract_strided_slice %get3A_1153 {offsets = [7], sizes = [1], strides = [1]} : vector<16xi32> to vector<1xi32>
          %squeeze3A_1288 = vector.extract %slice3A_1287[0] : i32 from vector<1xi32>
          %and3A_1289 = arith.constant -128 : i32
          %and3A_1290 = arith.andi %squeeze3A_1288, %and3A_1289 : i32
          %multiple_of3A_1291 = tpu.assume_multiple %and3A_1290, 128 : i32
          %dma_start3A_1292 = arith.constant 5 : i32
          %dma_start3A_1293 = arith.constant 7 : i32
          %dma_start3A_1294 = arith.constant 0 : i32
          %dma_start3A_1295 = arith.constant 0 : i32
          %dma_start3A_1296 = tpu.memref_slice %arg6[%dma_start3A_1292, %dma_start3A_1293, %dma_start3A_1294, %dma_start3A_1295] : memref<6x8x16x128xf32, #tpu.memory_space<vmem>> -> memref<1x1x16x128xf32, #tpu.memory_space<vmem>>
          %dma_start3A_1297 = tpu.memref_squeeze %dma_start3A_1296 : memref<1x1x16x128xf32, #tpu.memory_space<vmem>> -> memref<16x128xf32, #tpu.memory_space<vmem>>
          %dma_start3A_1298 = arith.constant 0 : i32
          %dma_start3A_1299 = tpu.memref_slice %arg2[%dma_start3A_1298, %multiple_of3A_1291] : memref<16x1000000xf32, #tpu.memory_space<hbm>> -> memref<16x128xf32, #tpu.memory_space<hbm>>
          %dma_start3A_1300 = arith.constant 0 : i32
          %dma_start3A_1301 = arith.constant 0 : i32
          %dma_start3A_1302 = tpu.memref_slice %arg6[%dma_start3A_1292, %dma_start3A_1293, %dma_start3A_1300, %dma_start3A_1301] : memref<6x8x16x128xf32, #tpu.memory_space<vmem>> -> memref<1x1x16x128xf32, #tpu.memory_space<vmem>>
          %dma_start3A_1303 = tpu.memref_squeeze %dma_start3A_1302 : memref<1x1x16x128xf32, #tpu.memory_space<vmem>> -> memref<16x128xf32, #tpu.memory_space<vmem>>
          %dma_start3A_1304 = arith.constant 0 : i32
          %dma_start3A_1305 = tpu.memref_slice %arg2[%dma_start3A_1304, %multiple_of3A_1291] : memref<16x1000000xf32, #tpu.memory_space<hbm>> -> memref<16x128xf32, #tpu.memory_space<hbm>>
          tpu.enqueue_dma source(%dma_start3A_1305 : memref<16x128xf32, #tpu.memory_space<hbm>>) target(%dma_start3A_1303 : memref<16x128xf32, #tpu.memory_space<vmem>>) target_semaphore(%arg13 : memref<!tpu.dma_semaphore, #tpu.memory_space<semaphore_mem>>)
        } else {
        }
        %dma_wait3A = arith.constant 0 : i32
        %dma_wait3A_908 = arith.constant 0 : i32
        %dma_wait3A_909 = arith.constant 0 : i32
        %dma_wait3A_910 = arith.constant 0 : i32
        %dma_wait3A_911 = tpu.memref_slice %arg6[%dma_wait3A, %dma_wait3A_908, %dma_wait3A_909, %dma_wait3A_910] : memref<6x8x16x128xf32, #tpu.memory_space<vmem>> -> memref<1x1x16x128xf32, #tpu.memory_space<vmem>>
        %dma_wait3A_912 = tpu.memref_squeeze %dma_wait3A_911 : memref<1x1x16x128xf32, #tpu.memory_space<vmem>> -> memref<16x128xf32, #tpu.memory_space<vmem>>
        %dma_wait3A_913 = arith.constant 0 : i32
        %dma_wait3A_914 = arith.constant 0 : i32
        %dma_wait3A_915 = tpu.memref_slice %arg2[%dma_wait3A_913, %dma_wait3A_914] : memref<16x1000000xf32, #tpu.memory_space<hbm>> -> memref<16x128xf32, #tpu.memory_space<hbm>>
        %dma_wait3A_916 = arith.constant 0 : i32
        %dma_wait3A_917 = arith.constant 0 : i32
        %dma_wait3A_918 = tpu.memref_slice %arg6[%dma_wait3A, %dma_wait3A_908, %dma_wait3A_916, %dma_wait3A_917] : memref<6x8x16x128xf32, #tpu.memory_space<vmem>> -> memref<1x1x16x128xf32, #tpu.memory_space<vmem>>
        %dma_wait3A_919 = tpu.memref_squeeze %dma_wait3A_918 : memref<1x1x16x128xf32, #tpu.memory_space<vmem>> -> memref<16x128xf32, #tpu.memory_space<vmem>>
        %dma_wait3A_920 = arith.constant 0 : i32
        %dma_wait3A_921 = arith.constant 0 : i32
        %dma_wait3A_922 = tpu.memref_slice %arg2[%dma_wait3A_920, %dma_wait3A_921] : memref<16x1000000xf32, #tpu.memory_space<hbm>> -> memref<16x128xf32, #tpu.memory_space<hbm>>
        tpu.wait_dma2 semaphore(%arg8 : memref<!tpu.dma_semaphore, #tpu.memory_space<semaphore_mem>>) src(%dma_wait3A_922 : memref<16x128xf32, #tpu.memory_space<hbm>>) dst(%dma_wait3A_919 : memref<16x128xf32, #tpu.memory_space<vmem>>)
        %dma_wait3A_923 = arith.constant 0 : i32
        %dma_wait3A_924 = arith.constant 1 : i32
        %dma_wait3A_925 = arith.constant 0 : i32
        %dma_wait3A_926 = arith.constant 0 : i32
        %dma_wait3A_927 = tpu.memref_slice %arg6[%dma_wait3A_923, %dma_wait3A_924, %dma_wait3A_925, %dma_wait3A_926] : memref<6x8x16x128xf32, #tpu.memory_space<vmem>> -> memref<1x1x16x128xf32, #tpu.memory_space<vmem>>
        %dma_wait3A_928 = tpu.memref_squeeze %dma_wait3A_927 : memref<1x1x16x128xf32, #tpu.memory_space<vmem>> -> memref<16x128xf32, #tpu.memory_space<vmem>>
        %dma_wait3A_929 = arith.constant 0 : i32
        %dma_wait3A_930 = arith.constant 0 : i32
        %dma_wait3A_931 = tpu.memref_slice %arg2[%dma_wait3A_929, %dma_wait3A_930] : memref<16x1000000xf32, #tpu.memory_space<hbm>> -> memref<16x128xf32, #tpu.memory_space<hbm>>
        %dma_wait3A_932 = arith.constant 0 : i32
        %dma_wait3A_933 = arith.constant 0 : i32
        %dma_wait3A_934 = tpu.memref_slice %arg6[%dma_wait3A_923, %dma_wait3A_924, %dma_wait3A_932, %dma_wait3A_933] : memref<6x8x16x128xf32, #tpu.memory_space<vmem>> -> memref<1x1x16x128xf32, #tpu.memory_space<vmem>>
        %dma_wait3A_935 = tpu.memref_squeeze %dma_wait3A_934 : memref<1x1x16x128xf32, #tpu.memory_space<vmem>> -> memref<16x128xf32, #tpu.memory_space<vmem>>
        %dma_wait3A_936 = arith.constant 0 : i32
        %dma_wait3A_937 = arith.constant 0 : i32
        %dma_wait3A_938 = tpu.memref_slice %arg2[%dma_wait3A_936, %dma_wait3A_937] : memref<16x1000000xf32, #tpu.memory_space<hbm>> -> memref<16x128xf32, #tpu.memory_space<hbm>>
        tpu.wait_dma2 semaphore(%arg8 : memref<!tpu.dma_semaphore, #tpu.memory_space<semaphore_mem>>) src(%dma_wait3A_938 : memref<16x128xf32, #tpu.memory_space<hbm>>) dst(%dma_wait3A_935 : memref<16x128xf32, #tpu.memory_space<vmem>>)
        %dma_wait3A_939 = arith.constant 0 : i32
        %dma_wait3A_940 = arith.constant 2 : i32
        %dma_wait3A_941 = arith.constant 0 : i32
        %dma_wait3A_942 = arith.constant 0 : i32
        %dma_wait3A_943 = tpu.memref_slice %arg6[%dma_wait3A_939, %dma_wait3A_940, %dma_wait3A_941, %dma_wait3A_942] : memref<6x8x16x128xf32, #tpu.memory_space<vmem>> -> memref<1x1x16x128xf32, #tpu.memory_space<vmem>>
        %dma_wait3A_944 = tpu.memref_squeeze %dma_wait3A_943 : memref<1x1x16x128xf32, #tpu.memory_space<vmem>> -> memref<16x128xf32, #tpu.memory_space<vmem>>
        %dma_wait3A_945 = arith.constant 0 : i32
        %dma_wait3A_946 = arith.constant 0 : i32
        %dma_wait3A_947 = tpu.memref_slice %arg2[%dma_wait3A_945, %dma_wait3A_946] : memref<16x1000000xf32, #tpu.memory_space<hbm>> -> memref<16x128xf32, #tpu.memory_space<hbm>>
        %dma_wait3A_948 = arith.constant 0 : i32
        %dma_wait3A_949 = arith.constant 0 : i32
        %dma_wait3A_950 = tpu.memref_slice %arg6[%dma_wait3A_939, %dma_wait3A_940, %dma_wait3A_948, %dma_wait3A_949] : memref<6x8x16x128xf32, #tpu.memory_space<vmem>> -> memref<1x1x16x128xf32, #tpu.memory_space<vmem>>
        %dma_wait3A_951 = tpu.memref_squeeze %dma_wait3A_950 : memref<1x1x16x128xf32, #tpu.memory_space<vmem>> -> memref<16x128xf32, #tpu.memory_space<vmem>>
        %dma_wait3A_952 = arith.constant 0 : i32
        %dma_wait3A_953 = arith.constant 0 : i32
        %dma_wait3A_954 = tpu.memref_slice %arg2[%dma_wait3A_952, %dma_wait3A_953] : memref<16x1000000xf32, #tpu.memory_space<hbm>> -> memref<16x128xf32, #tpu.memory_space<hbm>>
        tpu.wait_dma2 semaphore(%arg8 : memref<!tpu.dma_semaphore, #tpu.memory_space<semaphore_mem>>) src(%dma_wait3A_954 : memref<16x128xf32, #tpu.memory_space<hbm>>) dst(%dma_wait3A_951 : memref<16x128xf32, #tpu.memory_space<vmem>>)
        %dma_wait3A_955 = arith.constant 0 : i32
        %dma_wait3A_956 = arith.constant 3 : i32
        %dma_wait3A_957 = arith.constant 0 : i32
        %dma_wait3A_958 = arith.constant 0 : i32
        %dma_wait3A_959 = tpu.memref_slice %arg6[%dma_wait3A_955, %dma_wait3A_956, %dma_wait3A_957, %dma_wait3A_958] : memref<6x8x16x128xf32, #tpu.memory_space<vmem>> -> memref<1x1x16x128xf32, #tpu.memory_space<vmem>>
        %dma_wait3A_960 = tpu.memref_squeeze %dma_wait3A_959 : memref<1x1x16x128xf32, #tpu.memory_space<vmem>> -> memref<16x128xf32, #tpu.memory_space<vmem>>
        %dma_wait3A_961 = arith.constant 0 : i32
        %dma_wait3A_962 = arith.constant 0 : i32
        %dma_wait3A_963 = tpu.memref_slice %arg2[%dma_wait3A_961, %dma_wait3A_962] : memref<16x1000000xf32, #tpu.memory_space<hbm>> -> memref<16x128xf32, #tpu.memory_space<hbm>>
        %dma_wait3A_964 = arith.constant 0 : i32
        %dma_wait3A_965 = arith.constant 0 : i32
        %dma_wait3A_966 = tpu.memref_slice %arg6[%dma_wait3A_955, %dma_wait3A_956, %dma_wait3A_964, %dma_wait3A_965] : memref<6x8x16x128xf32, #tpu.memory_space<vmem>> -> memref<1x1x16x128xf32, #tpu.memory_space<vmem>>
        %dma_wait3A_967 = tpu.memref_squeeze %dma_wait3A_966 : memref<1x1x16x128xf32, #tpu.memory_space<vmem>> -> memref<16x128xf32, #tpu.memory_space<vmem>>
        %dma_wait3A_968 = arith.constant 0 : i32
        %dma_wait3A_969 = arith.constant 0 : i32
        %dma_wait3A_970 = tpu.memref_slice %arg2[%dma_wait3A_968, %dma_wait3A_969] : memref<16x1000000xf32, #tpu.memory_space<hbm>> -> memref<16x128xf32, #tpu.memory_space<hbm>>
        tpu.wait_dma2 semaphore(%arg8 : memref<!tpu.dma_semaphore, #tpu.memory_space<semaphore_mem>>) src(%dma_wait3A_970 : memref<16x128xf32, #tpu.memory_space<hbm>>) dst(%dma_wait3A_967 : memref<16x128xf32, #tpu.memory_space<vmem>>)
        %dma_wait3A_971 = arith.constant 0 : i32
        %dma_wait3A_972 = arith.constant 4 : i32
        %dma_wait3A_973 = arith.constant 0 : i32
        %dma_wait3A_974 = arith.constant 0 : i32
        %dma_wait3A_975 = tpu.memref_slice %arg6[%dma_wait3A_971, %dma_wait3A_972, %dma_wait3A_973, %dma_wait3A_974] : memref<6x8x16x128xf32, #tpu.memory_space<vmem>> -> memref<1x1x16x128xf32, #tpu.memory_space<vmem>>
        %dma_wait3A_976 = tpu.memref_squeeze %dma_wait3A_975 : memref<1x1x16x128xf32, #tpu.memory_space<vmem>> -> memref<16x128xf32, #tpu.memory_space<vmem>>
        %dma_wait3A_977 = arith.constant 0 : i32
        %dma_wait3A_978 = arith.constant 0 : i32
        %dma_wait3A_979 = tpu.memref_slice %arg2[%dma_wait3A_977, %dma_wait3A_978] : memref<16x1000000xf32, #tpu.memory_space<hbm>> -> memref<16x128xf32, #tpu.memory_space<hbm>>
        %dma_wait3A_980 = arith.constant 0 : i32
        %dma_wait3A_981 = arith.constant 0 : i32
        %dma_wait3A_982 = tpu.memref_slice %arg6[%dma_wait3A_971, %dma_wait3A_972, %dma_wait3A_980, %dma_wait3A_981] : memref<6x8x16x128xf32, #tpu.memory_space<vmem>> -> memref<1x1x16x128xf32, #tpu.memory_space<vmem>>
        %dma_wait3A_983 = tpu.memref_squeeze %dma_wait3A_982 : memref<1x1x16x128xf32, #tpu.memory_space<vmem>> -> memref<16x128xf32, #tpu.memory_space<vmem>>
        %dma_wait3A_984 = arith.constant 0 : i32
        %dma_wait3A_985 = arith.constant 0 : i32
        %dma_wait3A_986 = tpu.memref_slice %arg2[%dma_wait3A_984, %dma_wait3A_985] : memref<16x1000000xf32, #tpu.memory_space<hbm>> -> memref<16x128xf32, #tpu.memory_space<hbm>>
        tpu.wait_dma2 semaphore(%arg8 : memref<!tpu.dma_semaphore, #tpu.memory_space<semaphore_mem>>) src(%dma_wait3A_986 : memref<16x128xf32, #tpu.memory_space<hbm>>) dst(%dma_wait3A_983 : memref<16x128xf32, #tpu.memory_space<vmem>>)
        %dma_wait3A_987 = arith.constant 0 : i32
        %dma_wait3A_988 = arith.constant 5 : i32
        %dma_wait3A_989 = arith.constant 0 : i32
        %dma_wait3A_990 = arith.constant 0 : i32
        %dma_wait3A_991 = tpu.memref_slice %arg6[%dma_wait3A_987, %dma_wait3A_988, %dma_wait3A_989, %dma_wait3A_990] : memref<6x8x16x128xf32, #tpu.memory_space<vmem>> -> memref<1x1x16x128xf32, #tpu.memory_space<vmem>>
        %dma_wait3A_992 = tpu.memref_squeeze %dma_wait3A_991 : memref<1x1x16x128xf32, #tpu.memory_space<vmem>> -> memref<16x128xf32, #tpu.memory_space<vmem>>
        %dma_wait3A_993 = arith.constant 0 : i32
        %dma_wait3A_994 = arith.constant 0 : i32
        %dma_wait3A_995 = tpu.memref_slice %arg2[%dma_wait3A_993, %dma_wait3A_994] : memref<16x1000000xf32, #tpu.memory_space<hbm>> -> memref<16x128xf32, #tpu.memory_space<hbm>>
        %dma_wait3A_996 = arith.constant 0 : i32
        %dma_wait3A_997 = arith.constant 0 : i32
        %dma_wait3A_998 = tpu.memref_slice %arg6[%dma_wait3A_987, %dma_wait3A_988, %dma_wait3A_996, %dma_wait3A_997] : memref<6x8x16x128xf32, #tpu.memory_space<vmem>> -> memref<1x1x16x128xf32, #tpu.memory_space<vmem>>
        %dma_wait3A_999 = tpu.memref_squeeze %dma_wait3A_998 : memref<1x1x16x128xf32, #tpu.memory_space<vmem>> -> memref<16x128xf32, #tpu.memory_space<vmem>>
        %dma_wait3A_1000 = arith.constant 0 : i32
        %dma_wait3A_1001 = arith.constant 0 : i32
        %dma_wait3A_1002 = tpu.memref_slice %arg2[%dma_wait3A_1000, %dma_wait3A_1001] : memref<16x1000000xf32, #tpu.memory_space<hbm>> -> memref<16x128xf32, #tpu.memory_space<hbm>>
        tpu.wait_dma2 semaphore(%arg8 : memref<!tpu.dma_semaphore, #tpu.memory_space<semaphore_mem>>) src(%dma_wait3A_1002 : memref<16x128xf32, #tpu.memory_space<hbm>>) dst(%dma_wait3A_999 : memref<16x128xf32, #tpu.memory_space<vmem>>)
        %dma_wait3A_1003 = arith.constant 0 : i32
        %dma_wait3A_1004 = arith.constant 6 : i32
        %dma_wait3A_1005 = arith.constant 0 : i32
        %dma_wait3A_1006 = arith.constant 0 : i32
        %dma_wait3A_1007 = tpu.memref_slice %arg6[%dma_wait3A_1003, %dma_wait3A_1004, %dma_wait3A_1005, %dma_wait3A_1006] : memref<6x8x16x128xf32, #tpu.memory_space<vmem>> -> memref<1x1x16x128xf32, #tpu.memory_space<vmem>>
        %dma_wait3A_1008 = tpu.memref_squeeze %dma_wait3A_1007 : memref<1x1x16x128xf32, #tpu.memory_space<vmem>> -> memref<16x128xf32, #tpu.memory_space<vmem>>
        %dma_wait3A_1009 = arith.constant 0 : i32
        %dma_wait3A_1010 = arith.constant 0 : i32
        %dma_wait3A_1011 = tpu.memref_slice %arg2[%dma_wait3A_1009, %dma_wait3A_1010] : memref<16x1000000xf32, #tpu.memory_space<hbm>> -> memref<16x128xf32, #tpu.memory_space<hbm>>
        %dma_wait3A_1012 = arith.constant 0 : i32
        %dma_wait3A_1013 = arith.constant 0 : i32
        %dma_wait3A_1014 = tpu.memref_slice %arg6[%dma_wait3A_1003, %dma_wait3A_1004, %dma_wait3A_1012, %dma_wait3A_1013] : memref<6x8x16x128xf32, #tpu.memory_space<vmem>> -> memref<1x1x16x128xf32, #tpu.memory_space<vmem>>
        %dma_wait3A_1015 = tpu.memref_squeeze %dma_wait3A_1014 : memref<1x1x16x128xf32, #tpu.memory_space<vmem>> -> memref<16x128xf32, #tpu.memory_space<vmem>>
        %dma_wait3A_1016 = arith.constant 0 : i32
        %dma_wait3A_1017 = arith.constant 0 : i32
        %dma_wait3A_1018 = tpu.memref_slice %arg2[%dma_wait3A_1016, %dma_wait3A_1017] : memref<16x1000000xf32, #tpu.memory_space<hbm>> -> memref<16x128xf32, #tpu.memory_space<hbm>>
        tpu.wait_dma2 semaphore(%arg8 : memref<!tpu.dma_semaphore, #tpu.memory_space<semaphore_mem>>) src(%dma_wait3A_1018 : memref<16x128xf32, #tpu.memory_space<hbm>>) dst(%dma_wait3A_1015 : memref<16x128xf32, #tpu.memory_space<vmem>>)
        %dma_wait3A_1019 = arith.constant 0 : i32
        %dma_wait3A_1020 = arith.constant 7 : i32
        %dma_wait3A_1021 = arith.constant 0 : i32
        %dma_wait3A_1022 = arith.constant 0 : i32
        %dma_wait3A_1023 = tpu.memref_slice %arg6[%dma_wait3A_1019, %dma_wait3A_1020, %dma_wait3A_1021, %dma_wait3A_1022] : memref<6x8x16x128xf32, #tpu.memory_space<vmem>> -> memref<1x1x16x128xf32, #tpu.memory_space<vmem>>
        %dma_wait3A_1024 = tpu.memref_squeeze %dma_wait3A_1023 : memref<1x1x16x128xf32, #tpu.memory_space<vmem>> -> memref<16x128xf32, #tpu.memory_space<vmem>>
        %dma_wait3A_1025 = arith.constant 0 : i32
        %dma_wait3A_1026 = arith.constant 0 : i32
        %dma_wait3A_1027 = tpu.memref_slice %arg2[%dma_wait3A_1025, %dma_wait3A_1026] : memref<16x1000000xf32, #tpu.memory_space<hbm>> -> memref<16x128xf32, #tpu.memory_space<hbm>>
        %dma_wait3A_1028 = arith.constant 0 : i32
        %dma_wait3A_1029 = arith.constant 0 : i32
        %dma_wait3A_1030 = tpu.memref_slice %arg6[%dma_wait3A_1019, %dma_wait3A_1020, %dma_wait3A_1028, %dma_wait3A_1029] : memref<6x8x16x128xf32, #tpu.memory_space<vmem>> -> memref<1x1x16x128xf32, #tpu.memory_space<vmem>>
        %dma_wait3A_1031 = tpu.memref_squeeze %dma_wait3A_1030 : memref<1x1x16x128xf32, #tpu.memory_space<vmem>> -> memref<16x128xf32, #tpu.memory_space<vmem>>
        %dma_wait3A_1032 = arith.constant 0 : i32
        %dma_wait3A_1033 = arith.constant 0 : i32
        %dma_wait3A_1034 = tpu.memref_slice %arg2[%dma_wait3A_1032, %dma_wait3A_1033] : memref<16x1000000xf32, #tpu.memory_space<hbm>> -> memref<16x128xf32, #tpu.memory_space<hbm>>
        tpu.wait_dma2 semaphore(%arg8 : memref<!tpu.dma_semaphore, #tpu.memory_space<semaphore_mem>>) src(%dma_wait3A_1034 : memref<16x128xf32, #tpu.memory_space<hbm>>) dst(%dma_wait3A_1031 : memref<16x128xf32, #tpu.memory_space<vmem>>)
        %mul3A_1035 = arith.constant 8 : i32
        %mul3A_1036 = arith.muli %scan3A_781, %mul3A_1035 : i32
        %multiple_of3A_1037 = tpu.assume_multiple %mul3A_1036, 8 : i32
        %get3A_1038 = arith.index_cast %multiple_of3A_1037 : i32 to index
        %get3A_1039 = tpu.vector_load %arg5[%get3A_1038] {strides = array<i32>} : memref<528xi32, #tpu.memory_space<vmem>>, vector<16xi32>,
        %and3A_1040 = arith.constant 127 : i32
        %and3A_1041 = vector.broadcast %and3A_1040 : i32 to vector<16xi32>
        %and3A_1042 = arith.andi %get3A_1039, %and3A_1041 : vector<16xi32>
        %slice3A_1043 = vector.extract_strided_slice %and3A_1042 {offsets = [0], sizes = [1], strides = [1]} : vector<16xi32> to vector<1xi32>
        %squeeze3A_1044 = vector.extract %slice3A_1043[0] : i32 from vector<1xi32>
        %broadcast_in_dim3A = vector.broadcast %squeeze3A_1044 : i32 to vector<16xi32>
        %gather3A = arith.constant 0 : i32
        %gather3A_1045 = arith.constant 0 : i32
        %gather3A_1046 = arith.constant 0 : i32
        %gather3A_1047 = arith.constant 0 : i32
        %gather3A_1048 = tpu.memref_slice %arg6[%gather3A, %gather3A_1045, %gather3A_1046, %gather3A_1047] : memref<6x8x16x128xf32, #tpu.memory_space<vmem>> -> memref<1x1x16x128xf32, #tpu.memory_space<vmem>>
        %gather3A_1049 = tpu.memref_squeeze %gather3A_1048 : memref<1x1x16x128xf32, #tpu.memory_space<vmem>> -> memref<16x128xf32, #tpu.memory_space<vmem>>
        %gather3A_1050 = tpu.vector_load_idx %gather3A_1049[%iota3A, %broadcast_in_dim3A] : memref<16x128xf32, #tpu.memory_space<vmem>>[vector<16xi32>, vector<16xi32>], vector<16xf32>,
        %add3A_1051 = arith.constant 0 : i32
        %add3A_1052 = arith.addi %multiple_of3A_1037, %add3A_1051 : i32
        %broadcast_in_dim3A_1053 = vector.broadcast %add3A_1052 : i32 to vector<16xi32>
        tpu.vector_store_idx %arg7[%iota3A, %broadcast_in_dim3A_1053], %gather3A_1050 : memref<16x512xf32, #tpu.memory_space<vmem>>[vector<16xi32>, vector<16xi32>], vector<16xf32>,
        %slice3A_1054 = vector.extract_strided_slice %and3A_1042 {offsets = [1], sizes = [1], strides = [1]} : vector<16xi32> to vector<1xi32>
        %squeeze3A_1055 = vector.extract %slice3A_1054[0] : i32 from vector<1xi32>
        %broadcast_in_dim3A_1056 = vector.broadcast %squeeze3A_1055 : i32 to vector<16xi32>
        %gather3A_1057 = arith.constant 0 : i32
        %gather3A_1058 = arith.constant 1 : i32
        %gather3A_1059 = arith.constant 0 : i32
        %gather3A_1060 = arith.constant 0 : i32
        %gather3A_1061 = tpu.memref_slice %arg6[%gather3A_1057, %gather3A_1058, %gather3A_1059, %gather3A_1060] : memref<6x8x16x128xf32, #tpu.memory_space<vmem>> -> memref<1x1x16x128xf32, #tpu.memory_space<vmem>>
        %gather3A_1062 = tpu.memref_squeeze %gather3A_1061 : memref<1x1x16x128xf32, #tpu.memory_space<vmem>> -> memref<16x128xf32, #tpu.memory_space<vmem>>
        %gather3A_1063 = tpu.vector_load_idx %gather3A_1062[%iota3A, %broadcast_in_dim3A_1056] : memref<16x128xf32, #tpu.memory_space<vmem>>[vector<16xi32>, vector<16xi32>], vector<16xf32>,
        %add3A_1064 = arith.constant 1 : i32
        %add3A_1065 = arith.addi %multiple_of3A_1037, %add3A_1064 : i32
        %broadcast_in_dim3A_1066 = vector.broadcast %add3A_1065 : i32 to vector<16xi32>
        tpu.vector_store_idx %arg7[%iota3A, %broadcast_in_dim3A_1066], %gather3A_1063 : memref<16x512xf32, #tpu.memory_space<vmem>>[vector<16xi32>, vector<16xi32>], vector<16xf32>,
        %slice3A_1067 = vector.extract_strided_slice %and3A_1042 {offsets = [2], sizes = [1], strides = [1]} : vector<16xi32> to vector<1xi32>
        %squeeze3A_1068 = vector.extract %slice3A_1067[0] : i32 from vector<1xi32>
        %broadcast_in_dim3A_1069 = vector.broadcast %squeeze3A_1068 : i32 to vector<16xi32>
        %gather3A_1070 = arith.constant 0 : i32
        %gather3A_1071 = arith.constant 2 : i32
        %gather3A_1072 = arith.constant 0 : i32
        %gather3A_1073 = arith.constant 0 : i32
        %gather3A_1074 = tpu.memref_slice %arg6[%gather3A_1070, %gather3A_1071, %gather3A_1072, %gather3A_1073] : memref<6x8x16x128xf32, #tpu.memory_space<vmem>> -> memref<1x1x16x128xf32, #tpu.memory_space<vmem>>
        %gather3A_1075 = tpu.memref_squeeze %gather3A_1074 : memref<1x1x16x128xf32, #tpu.memory_space<vmem>> -> memref<16x128xf32, #tpu.memory_space<vmem>>
        %gather3A_1076 = tpu.vector_load_idx %gather3A_1075[%iota3A, %broadcast_in_dim3A_1069] : memref<16x128xf32, #tpu.memory_space<vmem>>[vector<16xi32>, vector<16xi32>], vector<16xf32>,
        %add3A_1077 = arith.constant 2 : i32
        %add3A_1078 = arith.addi %multiple_of3A_1037, %add3A_1077 : i32
        %broadcast_in_dim3A_1079 = vector.broadcast %add3A_1078 : i32 to vector<16xi32>
        tpu.vector_store_idx %arg7[%iota3A, %broadcast_in_dim3A_1079], %gather3A_1076 : memref<16x512xf32, #tpu.memory_space<vmem>>[vector<16xi32>, vector<16xi32>], vector<16xf32>,
        %slice3A_1080 = vector.extract_strided_slice %and3A_1042 {offsets = [3], sizes = [1], strides = [1]} : vector<16xi32> to vector<1xi32>
        %squeeze3A_1081 = vector.extract %slice3A_1080[0] : i32 from vector<1xi32>
        %broadcast_in_dim3A_1082 = vector.broadcast %squeeze3A_1081 : i32 to vector<16xi32>
        %gather3A_1083 = arith.constant 0 : i32
        %gather3A_1084 = arith.constant 3 : i32
        %gather3A_1085 = arith.constant 0 : i32
        %gather3A_1086 = arith.constant 0 : i32
        %gather3A_1087 = tpu.memref_slice %arg6[%gather3A_1083, %gather3A_1084, %gather3A_1085, %gather3A_1086] : memref<6x8x16x128xf32, #tpu.memory_space<vmem>> -> memref<1x1x16x128xf32, #tpu.memory_space<vmem>>
        %gather3A_1088 = tpu.memref_squeeze %gather3A_1087 : memref<1x1x16x128xf32, #tpu.memory_space<vmem>> -> memref<16x128xf32, #tpu.memory_space<vmem>>
        %gather3A_1089 = tpu.vector_load_idx %gather3A_1088[%iota3A, %broadcast_in_dim3A_1082] : memref<16x128xf32, #tpu.memory_space<vmem>>[vector<16xi32>, vector<16xi32>], vector<16xf32>,
        %add3A_1090 = arith.constant 3 : i32
        %add3A_1091 = arith.addi %multiple_of3A_1037, %add3A_1090 : i32
        %broadcast_in_dim3A_1092 = vector.broadcast %add3A_1091 : i32 to vector<16xi32>
        tpu.vector_store_idx %arg7[%iota3A, %broadcast_in_dim3A_1092], %gather3A_1089 : memref<16x512xf32, #tpu.memory_space<vmem>>[vector<16xi32>, vector<16xi32>], vector<16xf32>,
        %slice3A_1093 = vector.extract_strided_slice %and3A_1042 {offsets = [4], sizes = [1], strides = [1]} : vector<16xi32> to vector<1xi32>
        %squeeze3A_1094 = vector.extract %slice3A_1093[0] : i32 from vector<1xi32>
        %broadcast_in_dim3A_1095 = vector.broadcast %squeeze3A_1094 : i32 to vector<16xi32>
        %gather3A_1096 = arith.constant 0 : i32
        %gather3A_1097 = arith.constant 4 : i32
        %gather3A_1098 = arith.constant 0 : i32
        %gather3A_1099 = arith.constant 0 : i32
        %gather3A_1100 = tpu.memref_slice %arg6[%gather3A_1096, %gather3A_1097, %gather3A_1098, %gather3A_1099] : memref<6x8x16x128xf32, #tpu.memory_space<vmem>> -> memref<1x1x16x128xf32, #tpu.memory_space<vmem>>
        %gather3A_1101 = tpu.memref_squeeze %gather3A_1100 : memref<1x1x16x128xf32, #tpu.memory_space<vmem>> -> memref<16x128xf32, #tpu.memory_space<vmem>>
        %gather3A_1102 = tpu.vector_load_idx %gather3A_1101[%iota3A, %broadcast_in_dim3A_1095] : memref<16x128xf32, #tpu.memory_space<vmem>>[vector<16xi32>, vector<16xi32>], vector<16xf32>,
        %add3A_1103 = arith.constant 4 : i32
        %add3A_1104 = arith.addi %multiple_of3A_1037, %add3A_1103 : i32
        %broadcast_in_dim3A_1105 = vector.broadcast %add3A_1104 : i32 to vector<16xi32>
        tpu.vector_store_idx %arg7[%iota3A, %broadcast_in_dim3A_1105], %gather3A_1102 : memref<16x512xf32, #tpu.memory_space<vmem>>[vector<16xi32>, vector<16xi32>], vector<16xf32>,
        %slice3A_1106 = vector.extract_strided_slice %and3A_1042 {offsets = [5], sizes = [1], strides = [1]} : vector<16xi32> to vector<1xi32>
        %squeeze3A_1107 = vector.extract %slice3A_1106[0] : i32 from vector<1xi32>
        %broadcast_in_dim3A_1108 = vector.broadcast %squeeze3A_1107 : i32 to vector<16xi32>
        %gather3A_1109 = arith.constant 0 : i32
        %gather3A_1110 = arith.constant 5 : i32
        %gather3A_1111 = arith.constant 0 : i32
        %gather3A_1112 = arith.constant 0 : i32
        %gather3A_1113 = tpu.memref_slice %arg6[%gather3A_1109, %gather3A_1110, %gather3A_1111, %gather3A_1112] : memref<6x8x16x128xf32, #tpu.memory_space<vmem>> -> memref<1x1x16x128xf32, #tpu.memory_space<vmem>>
        %gather3A_1114 = tpu.memref_squeeze %gather3A_1113 : memref<1x1x16x128xf32, #tpu.memory_space<vmem>> -> memref<16x128xf32, #tpu.memory_space<vmem>>
        %gather3A_1115 = tpu.vector_load_idx %gather3A_1114[%iota3A, %broadcast_in_dim3A_1108] : memref<16x128xf32, #tpu.memory_space<vmem>>[vector<16xi32>, vector<16xi32>], vector<16xf32>,
        %add3A_1116 = arith.constant 5 : i32
        %add3A_1117 = arith.addi %multiple_of3A_1037, %add3A_1116 : i32
        %broadcast_in_dim3A_1118 = vector.broadcast %add3A_1117 : i32 to vector<16xi32>
        tpu.vector_store_idx %arg7[%iota3A, %broadcast_in_dim3A_1118], %gather3A_1115 : memref<16x512xf32, #tpu.memory_space<vmem>>[vector<16xi32>, vector<16xi32>], vector<16xf32>,
        %slice3A_1119 = vector.extract_strided_slice %and3A_1042 {offsets = [6], sizes = [1], strides = [1]} : vector<16xi32> to vector<1xi32>
        %squeeze3A_1120 = vector.extract %slice3A_1119[0] : i32 from vector<1xi32>
        %broadcast_in_dim3A_1121 = vector.broadcast %squeeze3A_1120 : i32 to vector<16xi32>
        %gather3A_1122 = arith.constant 0 : i32
        %gather3A_1123 = arith.constant 6 : i32
        %gather3A_1124 = arith.constant 0 : i32
        %gather3A_1125 = arith.constant 0 : i32
        %gather3A_1126 = tpu.memref_slice %arg6[%gather3A_1122, %gather3A_1123, %gather3A_1124, %gather3A_1125] : memref<6x8x16x128xf32, #tpu.memory_space<vmem>> -> memref<1x1x16x128xf32, #tpu.memory_space<vmem>>
        %gather3A_1127 = tpu.memref_squeeze %gather3A_1126 : memref<1x1x16x128xf32, #tpu.memory_space<vmem>> -> memref<16x128xf32, #tpu.memory_space<vmem>>
        %gather3A_1128 = tpu.vector_load_idx %gather3A_1127[%iota3A, %broadcast_in_dim3A_1121] : memref<16x128xf32, #tpu.memory_space<vmem>>[vector<16xi32>, vector<16xi32>], vector<16xf32>,
        %add3A_1129 = arith.constant 6 : i32
        %add3A_1130 = arith.addi %multiple_of3A_1037, %add3A_1129 : i32
        %broadcast_in_dim3A_1131 = vector.broadcast %add3A_1130 : i32 to vector<16xi32>
        tpu.vector_store_idx %arg7[%iota3A, %broadcast_in_dim3A_1131], %gather3A_1128 : memref<16x512xf32, #tpu.memory_space<vmem>>[vector<16xi32>, vector<16xi32>], vector<16xf32>,
        %slice3A_1132 = vector.extract_strided_slice %and3A_1042 {offsets = [7], sizes = [1], strides = [1]} : vector<16xi32> to vector<1xi32>
        %squeeze3A_1133 = vector.extract %slice3A_1132[0] : i32 from vector<1xi32>
        %broadcast_in_dim3A_1134 = vector.broadcast %squeeze3A_1133 : i32 to vector<16xi32>
        %gather3A_1135 = arith.constant 0 : i32
        %gather3A_1136 = arith.constant 7 : i32
        %gather3A_1137 = arith.constant 0 : i32
        %gather3A_1138 = arith.constant 0 : i32
        %gather3A_1139 = tpu.memref_slice %arg6[%gather3A_1135, %gather3A_1136, %gather3A_1137, %gather3A_1138] : memref<6x8x16x128xf32, #tpu.memory_space<vmem>> -> memref<1x1x16x128xf32, #tpu.memory_space<vmem>>
        %gather3A_1140 = tpu.memref_squeeze %gather3A_1139 : memref<1x1x16x128xf32, #tpu.memory_space<vmem>> -> memref<16x128xf32, #tpu.memory_space<vmem>>
        %gather3A_1141 = tpu.vector_load_idx %gather3A_1140[%iota3A, %broadcast_in_dim3A_1134] : memref<16x128xf32, #tpu.memory_space<vmem>>[vector<16xi32>, vector<16xi32>], vector<16xf32>,
        %add3A_1142 = arith.constant 7 : i32
        %add3A_1143 = arith.addi %multiple_of3A_1037, %add3A_1142 : i32
        %broadcast_in_dim3A_1144 = vector.broadcast %add3A_1143 : i32 to vector<16xi32>
        tpu.vector_store_idx %arg7[%iota3A, %broadcast_in_dim3A_1144], %gather3A_1141 : memref<16x512xf32, #tpu.memory_space<vmem>>[vector<16xi32>, vector<16xi32>], vector<16xf32>,
      } else {
      }
      %jit3A_795 = arith.constant 6 : i32
      %eq3A_796 = arith.constant 0 : i32
      %eq3A_797 = arith.cmpi eq, %jit3A_795, %eq3A_796 : i32
      %jit3A_798 = arith.constant 1 : i32
      %select_n3A_799 = arith.select %eq3A_797, %jit3A_798, %jit3A_795 : i32
      %rem3A_800 = arith.remsi %scan3A_781, %select_n3A_799 : i32
      %ne3A_801 = arith.constant 0 : i32
      %ne3A_802 = arith.cmpi ne, %rem3A_800, %ne3A_801 : i32
      %lt3A_803 = arith.constant 0 : i32
      %lt3A_804 = arith.cmpi slt, %rem3A_800, %lt3A_803 : i32
      %lt3A_805 = arith.constant 0 : i32
      %lt3A_806 = arith.cmpi slt, %select_n3A_799, %lt3A_805 : i32
      %ne3A_807 = arith.xori %lt3A_804, %lt3A_806 : i1
      %and3A_808 = arith.andi %ne3A_807, %ne3A_802 : i1
      %add3A_809 = arith.addi %rem3A_800, %select_n3A_799 : i32
      %select_n3A_810 = arith.select %and3A_808, %add3A_809, %rem3A_800 : i32
      %eq3A_811 = arith.constant 1 : i32
      %eq3A_812 = arith.cmpi eq, %select_n3A_810, %eq3A_811 : i32
      %convert_element_type3A_813 = arith.extui %eq3A_812 : i1 to i32
      %cond3A_814 = arith.constant 0 : i32
      %cond3A_815 = arith.cmpi ne, %convert_element_type3A_813, %cond3A_814 : i32
      scf.if %cond3A_815 {
        %add3A_900 = arith.constant 6 : i32
        %add3A_901 = arith.addi %scan3A_781, %add3A_900 : i32
        %sub3A = arith.constant 1 : i32
        %sub3A_902 = arith.subi %add3A_901, %sub3A : i32
        %lt3A_903 = arith.constant 64 : i32
        %lt3A_904 = arith.cmpi slt, %sub3A_902, %lt3A_903 : i32
        %convert_element_type3A_905 = arith.extui %lt3A_904 : i1 to i32
        %cond3A_906 = arith.constant 0 : i32
        %cond3A_907 = arith.cmpi ne, %convert_element_type3A_905, %cond3A_906 : i32
        scf.if %cond3A_907 {
          %add3A_1145 = arith.constant 6 : i32
          %add3A_1146 = arith.addi %scan3A_781, %add3A_1145 : i32
          %sub3A_1147 = arith.constant 1 : i32
          %sub3A_1148 = arith.subi %add3A_1146, %sub3A_1147 : i32
          %mul3A_1149 = arith.constant 8 : i32
          %mul3A_1150 = arith.muli %sub3A_1148, %mul3A_1149 : i32
          %multiple_of3A_1151 = tpu.assume_multiple %mul3A_1150, 8 : i32
          %get3A_1152 = arith.index_cast %multiple_of3A_1151 : i32 to index
          %get3A_1153 = tpu.vector_load %arg5[%get3A_1152] {strides = array<i32>} : memref<528xi32, #tpu.memory_space<vmem>>, vector<16xi32>,
          %slice3A_1154 = vector.extract_strided_slice %get3A_1153 {offsets = [0], sizes = [1], strides = [1]} : vector<16xi32> to vector<1xi32>
          %squeeze3A_1155 = vector.extract %slice3A_1154[0] : i32 from vector<1xi32>
          %and3A_1156 = arith.constant -128 : i32
          %and3A_1157 = arith.andi %squeeze3A_1155, %and3A_1156 : i32
          %multiple_of3A_1158 = tpu.assume_multiple %and3A_1157, 128 : i32
          %dma_start3A_1159 = arith.constant 0 : i32
          %dma_start3A_1160 = arith.constant 0 : i32
          %dma_start3A_1161 = arith.constant 0 : i32
          %dma_start3A_1162 = arith.constant 0 : i32
          %dma_start3A_1163 = tpu.memref_slice %arg6[%dma_start3A_1159, %dma_start3A_1160, %dma_start3A_1161, %dma_start3A_1162] : memref<6x8x16x128xf32, #tpu.memory_space<vmem>> -> memref<1x1x16x128xf32, #tpu.memory_space<vmem>>
          %dma_start3A_1164 = tpu.memref_squeeze %dma_start3A_1163 : memref<1x1x16x128xf32, #tpu.memory_space<vmem>> -> memref<16x128xf32, #tpu.memory_space<vmem>>
          %dma_start3A_1165 = arith.constant 0 : i32
          %dma_start3A_1166 = tpu.memref_slice %arg2[%dma_start3A_1165, %multiple_of3A_1158] : memref<16x1000000xf32, #tpu.memory_space<hbm>> -> memref<16x128xf32, #tpu.memory_space<hbm>>
          %dma_start3A_1167 = arith.constant 0 : i32
          %dma_start3A_1168 = arith.constant 0 : i32
          %dma_start3A_1169 = tpu.memref_slice %arg6[%dma_start3A_1159, %dma_start3A_1160, %dma_start3A_1167, %dma_start3A_1168] : memref<6x8x16x128xf32, #tpu.memory_space<vmem>> -> memref<1x1x16x128xf32, #tpu.memory_space<vmem>>
          %dma_start3A_1170 = tpu.memref_squeeze %dma_start3A_1169 : memref<1x1x16x128xf32, #tpu.memory_space<vmem>> -> memref<16x128xf32, #tpu.memory_space<vmem>>
          %dma_start3A_1171 = arith.constant 0 : i32
          %dma_start3A_1172 = tpu.memref_slice %arg2[%dma_start3A_1171, %multiple_of3A_1158] : memref<16x1000000xf32, #tpu.memory_space<hbm>> -> memref<16x128xf32, #tpu.memory_space<hbm>>
          tpu.enqueue_dma source(%dma_start3A_1172 : memref<16x128xf32, #tpu.memory_space<hbm>>) target(%dma_start3A_1170 : memref<16x128xf32, #tpu.memory_space<vmem>>) target_semaphore(%arg8 : memref<!tpu.dma_semaphore, #tpu.memory_space<semaphore_mem>>)
          %slice3A_1173 = vector.extract_strided_slice %get3A_1153 {offsets = [1], sizes = [1], strides = [1]} : vector<16xi32> to vector<1xi32>
          %squeeze3A_1174 = vector.extract %slice3A_1173[0] : i32 from vector<1xi32>
          %and3A_1175 = arith.constant -128 : i32
          %and3A_1176 = arith.andi %squeeze3A_1174, %and3A_1175 : i32
          %multiple_of3A_1177 = tpu.assume_multiple %and3A_1176, 128 : i32
          %dma_start3A_1178 = arith.constant 0 : i32
          %dma_start3A_1179 = arith.constant 1 : i32
          %dma_start3A_1180 = arith.constant 0 : i32
          %dma_start3A_1181 = arith.constant 0 : i32
          %dma_start3A_1182 = tpu.memref_slice %arg6[%dma_start3A_1178, %dma_start3A_1179, %dma_start3A_1180, %dma_start3A_1181] : memref<6x8x16x128xf32, #tpu.memory_space<vmem>> -> memref<1x1x16x128xf32, #tpu.memory_space<vmem>>
          %dma_start3A_1183 = tpu.memref_squeeze %dma_start3A_1182 : memref<1x1x16x128xf32, #tpu.memory_space<vmem>> -> memref<16x128xf32, #tpu.memory_space<vmem>>
          %dma_start3A_1184 = arith.constant 0 : i32
          %dma_start3A_1185 = tpu.memref_slice %arg2[%dma_start3A_1184, %multiple_of3A_1177] : memref<16x1000000xf32, #tpu.memory_space<hbm>> -> memref<16x128xf32, #tpu.memory_space<hbm>>
          %dma_start3A_1186 = arith.constant 0 : i32
          %dma_start3A_1187 = arith.constant 0 : i32
          %dma_start3A_1188 = tpu.memref_slice %arg6[%dma_start3A_1178, %dma_start3A_1179, %dma_start3A_1186, %dma_start3A_1187] : memref<6x8x16x128xf32, #tpu.memory_space<vmem>> -> memref<1x1x16x128xf32, #tpu.memory_space<vmem>>
          %dma_start3A_1189 = tpu.memref_squeeze %dma_start3A_1188 : memref<1x1x16x128xf32, #tpu.memory_space<vmem>> -> memref<16x128xf32, #tpu.memory_space<vmem>>
          %dma_start3A_1190 = arith.constant 0 : i32
          %dma_start3A_1191 = tpu.memref_slice %arg2[%dma_start3A_1190, %multiple_of3A_1177] : memref<16x1000000xf32, #tpu.memory_space<hbm>> -> memref<16x128xf32, #tpu.memory_space<hbm>>
          tpu.enqueue_dma source(%dma_start3A_1191 : memref<16x128xf32, #tpu.memory_space<hbm>>) target(%dma_start3A_1189 : memref<16x128xf32, #tpu.memory_space<vmem>>) target_semaphore(%arg8 : memref<!tpu.dma_semaphore, #tpu.memory_space<semaphore_mem>>)
          %slice3A_1192 = vector.extract_strided_slice %get3A_1153 {offsets = [2], sizes = [1], strides = [1]} : vector<16xi32> to vector<1xi32>
          %squeeze3A_1193 = vector.extract %slice3A_1192[0] : i32 from vector<1xi32>
          %and3A_1194 = arith.constant -128 : i32
          %and3A_1195 = arith.andi %squeeze3A_1193, %and3A_1194 : i32
          %multiple_of3A_1196 = tpu.assume_multiple %and3A_1195, 128 : i32
          %dma_start3A_1197 = arith.constant 0 : i32
          %dma_start3A_1198 = arith.constant 2 : i32
          %dma_start3A_1199 = arith.constant 0 : i32
          %dma_start3A_1200 = arith.constant 0 : i32
          %dma_start3A_1201 = tpu.memref_slice %arg6[%dma_start3A_1197, %dma_start3A_1198, %dma_start3A_1199, %dma_start3A_1200] : memref<6x8x16x128xf32, #tpu.memory_space<vmem>> -> memref<1x1x16x128xf32, #tpu.memory_space<vmem>>
          %dma_start3A_1202 = tpu.memref_squeeze %dma_start3A_1201 : memref<1x1x16x128xf32, #tpu.memory_space<vmem>> -> memref<16x128xf32, #tpu.memory_space<vmem>>
          %dma_start3A_1203 = arith.constant 0 : i32
          %dma_start3A_1204 = tpu.memref_slice %arg2[%dma_start3A_1203, %multiple_of3A_1196] : memref<16x1000000xf32, #tpu.memory_space<hbm>> -> memref<16x128xf32, #tpu.memory_space<hbm>>
          %dma_start3A_1205 = arith.constant 0 : i32
          %dma_start3A_1206 = arith.constant 0 : i32
          %dma_start3A_1207 = tpu.memref_slice %arg6[%dma_start3A_1197, %dma_start3A_1198, %dma_start3A_1205, %dma_start3A_1206] : memref<6x8x16x128xf32, #tpu.memory_space<vmem>> -> memref<1x1x16x128xf32, #tpu.memory_space<vmem>>
          %dma_start3A_1208 = tpu.memref_squeeze %dma_start3A_1207 : memref<1x1x16x128xf32, #tpu.memory_space<vmem>> -> memref<16x128xf32, #tpu.memory_space<vmem>>
          %dma_start3A_1209 = arith.constant 0 : i32
          %dma_start3A_1210 = tpu.memref_slice %arg2[%dma_start3A_1209, %multiple_of3A_1196] : memref<16x1000000xf32, #tpu.memory_space<hbm>> -> memref<16x128xf32, #tpu.memory_space<hbm>>
          tpu.enqueue_dma source(%dma_start3A_1210 : memref<16x128xf32, #tpu.memory_space<hbm>>) target(%dma_start3A_1208 : memref<16x128xf32, #tpu.memory_space<vmem>>) target_semaphore(%arg8 : memref<!tpu.dma_semaphore, #tpu.memory_space<semaphore_mem>>)
          %slice3A_1211 = vector.extract_strided_slice %get3A_1153 {offsets = [3], sizes = [1], strides = [1]} : vector<16xi32> to vector<1xi32>
          %squeeze3A_1212 = vector.extract %slice3A_1211[0] : i32 from vector<1xi32>
          %and3A_1213 = arith.constant -128 : i32
          %and3A_1214 = arith.andi %squeeze3A_1212, %and3A_1213 : i32
          %multiple_of3A_1215 = tpu.assume_multiple %and3A_1214, 128 : i32
          %dma_start3A_1216 = arith.constant 0 : i32
          %dma_start3A_1217 = arith.constant 3 : i32
          %dma_start3A_1218 = arith.constant 0 : i32
          %dma_start3A_1219 = arith.constant 0 : i32
          %dma_start3A_1220 = tpu.memref_slice %arg6[%dma_start3A_1216, %dma_start3A_1217, %dma_start3A_1218, %dma_start3A_1219] : memref<6x8x16x128xf32, #tpu.memory_space<vmem>> -> memref<1x1x16x128xf32, #tpu.memory_space<vmem>>
          %dma_start3A_1221 = tpu.memref_squeeze %dma_start3A_1220 : memref<1x1x16x128xf32, #tpu.memory_space<vmem>> -> memref<16x128xf32, #tpu.memory_space<vmem>>
          %dma_start3A_1222 = arith.constant 0 : i32
          %dma_start3A_1223 = tpu.memref_slice %arg2[%dma_start3A_1222, %multiple_of3A_1215] : memref<16x1000000xf32, #tpu.memory_space<hbm>> -> memref<16x128xf32, #tpu.memory_space<hbm>>
          %dma_start3A_1224 = arith.constant 0 : i32
          %dma_start3A_1225 = arith.constant 0 : i32
          %dma_start3A_1226 = tpu.memref_slice %arg6[%dma_start3A_1216, %dma_start3A_1217, %dma_start3A_1224, %dma_start3A_1225] : memref<6x8x16x128xf32, #tpu.memory_space<vmem>> -> memref<1x1x16x128xf32, #tpu.memory_space<vmem>>
          %dma_start3A_1227 = tpu.memref_squeeze %dma_start3A_1226 : memref<1x1x16x128xf32, #tpu.memory_space<vmem>> -> memref<16x128xf32, #tpu.memory_space<vmem>>
          %dma_start3A_1228 = arith.constant 0 : i32
          %dma_start3A_1229 = tpu.memref_slice %arg2[%dma_start3A_1228, %multiple_of3A_1215] : memref<16x1000000xf32, #tpu.memory_space<hbm>> -> memref<16x128xf32, #tpu.memory_space<hbm>>
          tpu.enqueue_dma source(%dma_start3A_1229 : memref<16x128xf32, #tpu.memory_space<hbm>>) target(%dma_start3A_1227 : memref<16x128xf32, #tpu.memory_space<vmem>>) target_semaphore(%arg8 : memref<!tpu.dma_semaphore, #tpu.memory_space<semaphore_mem>>)
          %slice3A_1230 = vector.extract_strided_slice %get3A_1153 {offsets = [4], sizes = [1], strides = [1]} : vector<16xi32> to vector<1xi32>
          %squeeze3A_1231 = vector.extract %slice3A_1230[0] : i32 from vector<1xi32>
          %and3A_1232 = arith.constant -128 : i32
          %and3A_1233 = arith.andi %squeeze3A_1231, %and3A_1232 : i32
          %multiple_of3A_1234 = tpu.assume_multiple %and3A_1233, 128 : i32
          %dma_start3A_1235 = arith.constant 0 : i32
          %dma_start3A_1236 = arith.constant 4 : i32
          %dma_start3A_1237 = arith.constant 0 : i32
          %dma_start3A_1238 = arith.constant 0 : i32
          %dma_start3A_1239 = tpu.memref_slice %arg6[%dma_start3A_1235, %dma_start3A_1236, %dma_start3A_1237, %dma_start3A_1238] : memref<6x8x16x128xf32, #tpu.memory_space<vmem>> -> memref<1x1x16x128xf32, #tpu.memory_space<vmem>>
          %dma_start3A_1240 = tpu.memref_squeeze %dma_start3A_1239 : memref<1x1x16x128xf32, #tpu.memory_space<vmem>> -> memref<16x128xf32, #tpu.memory_space<vmem>>
          %dma_start3A_1241 = arith.constant 0 : i32
          %dma_start3A_1242 = tpu.memref_slice %arg2[%dma_start3A_1241, %multiple_of3A_1234] : memref<16x1000000xf32, #tpu.memory_space<hbm>> -> memref<16x128xf32, #tpu.memory_space<hbm>>
          %dma_start3A_1243 = arith.constant 0 : i32
          %dma_start3A_1244 = arith.constant 0 : i32
          %dma_start3A_1245 = tpu.memref_slice %arg6[%dma_start3A_1235, %dma_start3A_1236, %dma_start3A_1243, %dma_start3A_1244] : memref<6x8x16x128xf32, #tpu.memory_space<vmem>> -> memref<1x1x16x128xf32, #tpu.memory_space<vmem>>
          %dma_start3A_1246 = tpu.memref_squeeze %dma_start3A_1245 : memref<1x1x16x128xf32, #tpu.memory_space<vmem>> -> memref<16x128xf32, #tpu.memory_space<vmem>>
          %dma_start3A_1247 = arith.constant 0 : i32
          %dma_start3A_1248 = tpu.memref_slice %arg2[%dma_start3A_1247, %multiple_of3A_1234] : memref<16x1000000xf32, #tpu.memory_space<hbm>> -> memref<16x128xf32, #tpu.memory_space<hbm>>
          tpu.enqueue_dma source(%dma_start3A_1248 : memref<16x128xf32, #tpu.memory_space<hbm>>) target(%dma_start3A_1246 : memref<16x128xf32, #tpu.memory_space<vmem>>) target_semaphore(%arg8 : memref<!tpu.dma_semaphore, #tpu.memory_space<semaphore_mem>>)
          %slice3A_1249 = vector.extract_strided_slice %get3A_1153 {offsets = [5], sizes = [1], strides = [1]} : vector<16xi32> to vector<1xi32>
          %squeeze3A_1250 = vector.extract %slice3A_1249[0] : i32 from vector<1xi32>
          %and3A_1251 = arith.constant -128 : i32
          %and3A_1252 = arith.andi %squeeze3A_1250, %and3A_1251 : i32
          %multiple_of3A_1253 = tpu.assume_multiple %and3A_1252, 128 : i32
          %dma_start3A_1254 = arith.constant 0 : i32
          %dma_start3A_1255 = arith.constant 5 : i32
          %dma_start3A_1256 = arith.constant 0 : i32
          %dma_start3A_1257 = arith.constant 0 : i32
          %dma_start3A_1258 = tpu.memref_slice %arg6[%dma_start3A_1254, %dma_start3A_1255, %dma_start3A_1256, %dma_start3A_1257] : memref<6x8x16x128xf32, #tpu.memory_space<vmem>> -> memref<1x1x16x128xf32, #tpu.memory_space<vmem>>
          %dma_start3A_1259 = tpu.memref_squeeze %dma_start3A_1258 : memref<1x1x16x128xf32, #tpu.memory_space<vmem>> -> memref<16x128xf32, #tpu.memory_space<vmem>>
          %dma_start3A_1260 = arith.constant 0 : i32
          %dma_start3A_1261 = tpu.memref_slice %arg2[%dma_start3A_1260, %multiple_of3A_1253] : memref<16x1000000xf32, #tpu.memory_space<hbm>> -> memref<16x128xf32, #tpu.memory_space<hbm>>
          %dma_start3A_1262 = arith.constant 0 : i32
          %dma_start3A_1263 = arith.constant 0 : i32
          %dma_start3A_1264 = tpu.memref_slice %arg6[%dma_start3A_1254, %dma_start3A_1255, %dma_start3A_1262, %dma_start3A_1263] : memref<6x8x16x128xf32, #tpu.memory_space<vmem>> -> memref<1x1x16x128xf32, #tpu.memory_space<vmem>>
          %dma_start3A_1265 = tpu.memref_squeeze %dma_start3A_1264 : memref<1x1x16x128xf32, #tpu.memory_space<vmem>> -> memref<16x128xf32, #tpu.memory_space<vmem>>
          %dma_start3A_1266 = arith.constant 0 : i32
          %dma_start3A_1267 = tpu.memref_slice %arg2[%dma_start3A_1266, %multiple_of3A_1253] : memref<16x1000000xf32, #tpu.memory_space<hbm>> -> memref<16x128xf32, #tpu.memory_space<hbm>>
          tpu.enqueue_dma source(%dma_start3A_1267 : memref<16x128xf32, #tpu.memory_space<hbm>>) target(%dma_start3A_1265 : memref<16x128xf32, #tpu.memory_space<vmem>>) target_semaphore(%arg8 : memref<!tpu.dma_semaphore, #tpu.memory_space<semaphore_mem>>)
          %slice3A_1268 = vector.extract_strided_slice %get3A_1153 {offsets = [6], sizes = [1], strides = [1]} : vector<16xi32> to vector<1xi32>
          %squeeze3A_1269 = vector.extract %slice3A_1268[0] : i32 from vector<1xi32>
          %and3A_1270 = arith.constant -128 : i32
          %and3A_1271 = arith.andi %squeeze3A_1269, %and3A_1270 : i32
          %multiple_of3A_1272 = tpu.assume_multiple %and3A_1271, 128 : i32
          %dma_start3A_1273 = arith.constant 0 : i32
          %dma_start3A_1274 = arith.constant 6 : i32
          %dma_start3A_1275 = arith.constant 0 : i32
          %dma_start3A_1276 = arith.constant 0 : i32
          %dma_start3A_1277 = tpu.memref_slice %arg6[%dma_start3A_1273, %dma_start3A_1274, %dma_start3A_1275, %dma_start3A_1276] : memref<6x8x16x128xf32, #tpu.memory_space<vmem>> -> memref<1x1x16x128xf32, #tpu.memory_space<vmem>>
          %dma_start3A_1278 = tpu.memref_squeeze %dma_start3A_1277 : memref<1x1x16x128xf32, #tpu.memory_space<vmem>> -> memref<16x128xf32, #tpu.memory_space<vmem>>
          %dma_start3A_1279 = arith.constant 0 : i32
          %dma_start3A_1280 = tpu.memref_slice %arg2[%dma_start3A_1279, %multiple_of3A_1272] : memref<16x1000000xf32, #tpu.memory_space<hbm>> -> memref<16x128xf32, #tpu.memory_space<hbm>>
          %dma_start3A_1281 = arith.constant 0 : i32
          %dma_start3A_1282 = arith.constant 0 : i32
          %dma_start3A_1283 = tpu.memref_slice %arg6[%dma_start3A_1273, %dma_start3A_1274, %dma_start3A_1281, %dma_start3A_1282] : memref<6x8x16x128xf32, #tpu.memory_space<vmem>> -> memref<1x1x16x128xf32, #tpu.memory_space<vmem>>
          %dma_start3A_1284 = tpu.memref_squeeze %dma_start3A_1283 : memref<1x1x16x128xf32, #tpu.memory_space<vmem>> -> memref<16x128xf32, #tpu.memory_space<vmem>>
          %dma_start3A_1285 = arith.constant 0 : i32
          %dma_start3A_1286 = tpu.memref_slice %arg2[%dma_start3A_1285, %multiple_of3A_1272] : memref<16x1000000xf32, #tpu.memory_space<hbm>> -> memref<16x128xf32, #tpu.memory_space<hbm>>
          tpu.enqueue_dma source(%dma_start3A_1286 : memref<16x128xf32, #tpu.memory_space<hbm>>) target(%dma_start3A_1284 : memref<16x128xf32, #tpu.memory_space<vmem>>) target_semaphore(%arg8 : memref<!tpu.dma_semaphore, #tpu.memory_space<semaphore_mem>>)
          %slice3A_1287 = vector.extract_strided_slice %get3A_1153 {offsets = [7], sizes = [1], strides = [1]} : vector<16xi32> to vector<1xi32>
          %squeeze3A_1288 = vector.extract %slice3A_1287[0] : i32 from vector<1xi32>
          %and3A_1289 = arith.constant -128 : i32
          %and3A_1290 = arith.andi %squeeze3A_1288, %and3A_1289 : i32
          %multiple_of3A_1291 = tpu.assume_multiple %and3A_1290, 128 : i32
          %dma_start3A_1292 = arith.constant 0 : i32
          %dma_start3A_1293 = arith.constant 7 : i32
          %dma_start3A_1294 = arith.constant 0 : i32
          %dma_start3A_1295 = arith.constant 0 : i32
          %dma_start3A_1296 = tpu.memref_slice %arg6[%dma_start3A_1292, %dma_start3A_1293, %dma_start3A_1294, %dma_start3A_1295] : memref<6x8x16x128xf32, #tpu.memory_space<vmem>> -> memref<1x1x16x128xf32, #tpu.memory_space<vmem>>
          %dma_start3A_1297 = tpu.memref_squeeze %dma_start3A_1296 : memref<1x1x16x128xf32, #tpu.memory_space<vmem>> -> memref<16x128xf32, #tpu.memory_space<vmem>>
          %dma_start3A_1298 = arith.constant 0 : i32
          %dma_start3A_1299 = tpu.memref_slice %arg2[%dma_start3A_1298, %multiple_of3A_1291] : memref<16x1000000xf32, #tpu.memory_space<hbm>> -> memref<16x128xf32, #tpu.memory_space<hbm>>
          %dma_start3A_1300 = arith.constant 0 : i32
          %dma_start3A_1301 = arith.constant 0 : i32
          %dma_start3A_1302 = tpu.memref_slice %arg6[%dma_start3A_1292, %dma_start3A_1293, %dma_start3A_1300, %dma_start3A_1301] : memref<6x8x16x128xf32, #tpu.memory_space<vmem>> -> memref<1x1x16x128xf32, #tpu.memory_space<vmem>>
          %dma_start3A_1303 = tpu.memref_squeeze %dma_start3A_1302 : memref<1x1x16x128xf32, #tpu.memory_space<vmem>> -> memref<16x128xf32, #tpu.memory_space<vmem>>
          %dma_start3A_1304 = arith.constant 0 : i32
          %dma_start3A_1305 = tpu.memref_slice %arg2[%dma_start3A_1304, %multiple_of3A_1291] : memref<16x1000000xf32, #tpu.memory_space<hbm>> -> memref<16x128xf32, #tpu.memory_space<hbm>>
          tpu.enqueue_dma source(%dma_start3A_1305 : memref<16x128xf32, #tpu.memory_space<hbm>>) target(%dma_start3A_1303 : memref<16x128xf32, #tpu.memory_space<vmem>>) target_semaphore(%arg8 : memref<!tpu.dma_semaphore, #tpu.memory_space<semaphore_mem>>)
        } else {
        }
        %dma_wait3A = arith.constant 1 : i32
        %dma_wait3A_908 = arith.constant 0 : i32
        %dma_wait3A_909 = arith.constant 0 : i32
        %dma_wait3A_910 = arith.constant 0 : i32
        %dma_wait3A_911 = tpu.memref_slice %arg6[%dma_wait3A, %dma_wait3A_908, %dma_wait3A_909, %dma_wait3A_910] : memref<6x8x16x128xf32, #tpu.memory_space<vmem>> -> memref<1x1x16x128xf32, #tpu.memory_space<vmem>>
        %dma_wait3A_912 = tpu.memref_squeeze %dma_wait3A_911 : memref<1x1x16x128xf32, #tpu.memory_space<vmem>> -> memref<16x128xf32, #tpu.memory_space<vmem>>
        %dma_wait3A_913 = arith.constant 0 : i32
        %dma_wait3A_914 = arith.constant 0 : i32
        %dma_wait3A_915 = tpu.memref_slice %arg2[%dma_wait3A_913, %dma_wait3A_914] : memref<16x1000000xf32, #tpu.memory_space<hbm>> -> memref<16x128xf32, #tpu.memory_space<hbm>>
        %dma_wait3A_916 = arith.constant 0 : i32
        %dma_wait3A_917 = arith.constant 0 : i32
        %dma_wait3A_918 = tpu.memref_slice %arg6[%dma_wait3A, %dma_wait3A_908, %dma_wait3A_916, %dma_wait3A_917] : memref<6x8x16x128xf32, #tpu.memory_space<vmem>> -> memref<1x1x16x128xf32, #tpu.memory_space<vmem>>
        %dma_wait3A_919 = tpu.memref_squeeze %dma_wait3A_918 : memref<1x1x16x128xf32, #tpu.memory_space<vmem>> -> memref<16x128xf32, #tpu.memory_space<vmem>>
        %dma_wait3A_920 = arith.constant 0 : i32
        %dma_wait3A_921 = arith.constant 0 : i32
        %dma_wait3A_922 = tpu.memref_slice %arg2[%dma_wait3A_920, %dma_wait3A_921] : memref<16x1000000xf32, #tpu.memory_space<hbm>> -> memref<16x128xf32, #tpu.memory_space<hbm>>
        tpu.wait_dma2 semaphore(%arg9 : memref<!tpu.dma_semaphore, #tpu.memory_space<semaphore_mem>>) src(%dma_wait3A_922 : memref<16x128xf32, #tpu.memory_space<hbm>>) dst(%dma_wait3A_919 : memref<16x128xf32, #tpu.memory_space<vmem>>)
        %dma_wait3A_923 = arith.constant 1 : i32
        %dma_wait3A_924 = arith.constant 1 : i32
        %dma_wait3A_925 = arith.constant 0 : i32
        %dma_wait3A_926 = arith.constant 0 : i32
        %dma_wait3A_927 = tpu.memref_slice %arg6[%dma_wait3A_923, %dma_wait3A_924, %dma_wait3A_925, %dma_wait3A_926] : memref<6x8x16x128xf32, #tpu.memory_space<vmem>> -> memref<1x1x16x128xf32, #tpu.memory_space<vmem>>
        %dma_wait3A_928 = tpu.memref_squeeze %dma_wait3A_927 : memref<1x1x16x128xf32, #tpu.memory_space<vmem>> -> memref<16x128xf32, #tpu.memory_space<vmem>>
        %dma_wait3A_929 = arith.constant 0 : i32
        %dma_wait3A_930 = arith.constant 0 : i32
        %dma_wait3A_931 = tpu.memref_slice %arg2[%dma_wait3A_929, %dma_wait3A_930] : memref<16x1000000xf32, #tpu.memory_space<hbm>> -> memref<16x128xf32, #tpu.memory_space<hbm>>
        %dma_wait3A_932 = arith.constant 0 : i32
        %dma_wait3A_933 = arith.constant 0 : i32
        %dma_wait3A_934 = tpu.memref_slice %arg6[%dma_wait3A_923, %dma_wait3A_924, %dma_wait3A_932, %dma_wait3A_933] : memref<6x8x16x128xf32, #tpu.memory_space<vmem>> -> memref<1x1x16x128xf32, #tpu.memory_space<vmem>>
        %dma_wait3A_935 = tpu.memref_squeeze %dma_wait3A_934 : memref<1x1x16x128xf32, #tpu.memory_space<vmem>> -> memref<16x128xf32, #tpu.memory_space<vmem>>
        %dma_wait3A_936 = arith.constant 0 : i32
        %dma_wait3A_937 = arith.constant 0 : i32
        %dma_wait3A_938 = tpu.memref_slice %arg2[%dma_wait3A_936, %dma_wait3A_937] : memref<16x1000000xf32, #tpu.memory_space<hbm>> -> memref<16x128xf32, #tpu.memory_space<hbm>>
        tpu.wait_dma2 semaphore(%arg9 : memref<!tpu.dma_semaphore, #tpu.memory_space<semaphore_mem>>) src(%dma_wait3A_938 : memref<16x128xf32, #tpu.memory_space<hbm>>) dst(%dma_wait3A_935 : memref<16x128xf32, #tpu.memory_space<vmem>>)
        %dma_wait3A_939 = arith.constant 1 : i32
        %dma_wait3A_940 = arith.constant 2 : i32
        %dma_wait3A_941 = arith.constant 0 : i32
        %dma_wait3A_942 = arith.constant 0 : i32
        %dma_wait3A_943 = tpu.memref_slice %arg6[%dma_wait3A_939, %dma_wait3A_940, %dma_wait3A_941, %dma_wait3A_942] : memref<6x8x16x128xf32, #tpu.memory_space<vmem>> -> memref<1x1x16x128xf32, #tpu.memory_space<vmem>>
        %dma_wait3A_944 = tpu.memref_squeeze %dma_wait3A_943 : memref<1x1x16x128xf32, #tpu.memory_space<vmem>> -> memref<16x128xf32, #tpu.memory_space<vmem>>
        %dma_wait3A_945 = arith.constant 0 : i32
        %dma_wait3A_946 = arith.constant 0 : i32
        %dma_wait3A_947 = tpu.memref_slice %arg2[%dma_wait3A_945, %dma_wait3A_946] : memref<16x1000000xf32, #tpu.memory_space<hbm>> -> memref<16x128xf32, #tpu.memory_space<hbm>>
        %dma_wait3A_948 = arith.constant 0 : i32
        %dma_wait3A_949 = arith.constant 0 : i32
        %dma_wait3A_950 = tpu.memref_slice %arg6[%dma_wait3A_939, %dma_wait3A_940, %dma_wait3A_948, %dma_wait3A_949] : memref<6x8x16x128xf32, #tpu.memory_space<vmem>> -> memref<1x1x16x128xf32, #tpu.memory_space<vmem>>
        %dma_wait3A_951 = tpu.memref_squeeze %dma_wait3A_950 : memref<1x1x16x128xf32, #tpu.memory_space<vmem>> -> memref<16x128xf32, #tpu.memory_space<vmem>>
        %dma_wait3A_952 = arith.constant 0 : i32
        %dma_wait3A_953 = arith.constant 0 : i32
        %dma_wait3A_954 = tpu.memref_slice %arg2[%dma_wait3A_952, %dma_wait3A_953] : memref<16x1000000xf32, #tpu.memory_space<hbm>> -> memref<16x128xf32, #tpu.memory_space<hbm>>
        tpu.wait_dma2 semaphore(%arg9 : memref<!tpu.dma_semaphore, #tpu.memory_space<semaphore_mem>>) src(%dma_wait3A_954 : memref<16x128xf32, #tpu.memory_space<hbm>>) dst(%dma_wait3A_951 : memref<16x128xf32, #tpu.memory_space<vmem>>)
        %dma_wait3A_955 = arith.constant 1 : i32
        %dma_wait3A_956 = arith.constant 3 : i32
        %dma_wait3A_957 = arith.constant 0 : i32
        %dma_wait3A_958 = arith.constant 0 : i32
        %dma_wait3A_959 = tpu.memref_slice %arg6[%dma_wait3A_955, %dma_wait3A_956, %dma_wait3A_957, %dma_wait3A_958] : memref<6x8x16x128xf32, #tpu.memory_space<vmem>> -> memref<1x1x16x128xf32, #tpu.memory_space<vmem>>
        %dma_wait3A_960 = tpu.memref_squeeze %dma_wait3A_959 : memref<1x1x16x128xf32, #tpu.memory_space<vmem>> -> memref<16x128xf32, #tpu.memory_space<vmem>>
        %dma_wait3A_961 = arith.constant 0 : i32
        %dma_wait3A_962 = arith.constant 0 : i32
        %dma_wait3A_963 = tpu.memref_slice %arg2[%dma_wait3A_961, %dma_wait3A_962] : memref<16x1000000xf32, #tpu.memory_space<hbm>> -> memref<16x128xf32, #tpu.memory_space<hbm>>
        %dma_wait3A_964 = arith.constant 0 : i32
        %dma_wait3A_965 = arith.constant 0 : i32
        %dma_wait3A_966 = tpu.memref_slice %arg6[%dma_wait3A_955, %dma_wait3A_956, %dma_wait3A_964, %dma_wait3A_965] : memref<6x8x16x128xf32, #tpu.memory_space<vmem>> -> memref<1x1x16x128xf32, #tpu.memory_space<vmem>>
        %dma_wait3A_967 = tpu.memref_squeeze %dma_wait3A_966 : memref<1x1x16x128xf32, #tpu.memory_space<vmem>> -> memref<16x128xf32, #tpu.memory_space<vmem>>
        %dma_wait3A_968 = arith.constant 0 : i32
        %dma_wait3A_969 = arith.constant 0 : i32
        %dma_wait3A_970 = tpu.memref_slice %arg2[%dma_wait3A_968, %dma_wait3A_969] : memref<16x1000000xf32, #tpu.memory_space<hbm>> -> memref<16x128xf32, #tpu.memory_space<hbm>>
        tpu.wait_dma2 semaphore(%arg9 : memref<!tpu.dma_semaphore, #tpu.memory_space<semaphore_mem>>) src(%dma_wait3A_970 : memref<16x128xf32, #tpu.memory_space<hbm>>) dst(%dma_wait3A_967 : memref<16x128xf32, #tpu.memory_space<vmem>>)
        %dma_wait3A_971 = arith.constant 1 : i32
        %dma_wait3A_972 = arith.constant 4 : i32
        %dma_wait3A_973 = arith.constant 0 : i32
        %dma_wait3A_974 = arith.constant 0 : i32
        %dma_wait3A_975 = tpu.memref_slice %arg6[%dma_wait3A_971, %dma_wait3A_972, %dma_wait3A_973, %dma_wait3A_974] : memref<6x8x16x128xf32, #tpu.memory_space<vmem>> -> memref<1x1x16x128xf32, #tpu.memory_space<vmem>>
        %dma_wait3A_976 = tpu.memref_squeeze %dma_wait3A_975 : memref<1x1x16x128xf32, #tpu.memory_space<vmem>> -> memref<16x128xf32, #tpu.memory_space<vmem>>
        %dma_wait3A_977 = arith.constant 0 : i32
        %dma_wait3A_978 = arith.constant 0 : i32
        %dma_wait3A_979 = tpu.memref_slice %arg2[%dma_wait3A_977, %dma_wait3A_978] : memref<16x1000000xf32, #tpu.memory_space<hbm>> -> memref<16x128xf32, #tpu.memory_space<hbm>>
        %dma_wait3A_980 = arith.constant 0 : i32
        %dma_wait3A_981 = arith.constant 0 : i32
        %dma_wait3A_982 = tpu.memref_slice %arg6[%dma_wait3A_971, %dma_wait3A_972, %dma_wait3A_980, %dma_wait3A_981] : memref<6x8x16x128xf32, #tpu.memory_space<vmem>> -> memref<1x1x16x128xf32, #tpu.memory_space<vmem>>
        %dma_wait3A_983 = tpu.memref_squeeze %dma_wait3A_982 : memref<1x1x16x128xf32, #tpu.memory_space<vmem>> -> memref<16x128xf32, #tpu.memory_space<vmem>>
        %dma_wait3A_984 = arith.constant 0 : i32
        %dma_wait3A_985 = arith.constant 0 : i32
        %dma_wait3A_986 = tpu.memref_slice %arg2[%dma_wait3A_984, %dma_wait3A_985] : memref<16x1000000xf32, #tpu.memory_space<hbm>> -> memref<16x128xf32, #tpu.memory_space<hbm>>
        tpu.wait_dma2 semaphore(%arg9 : memref<!tpu.dma_semaphore, #tpu.memory_space<semaphore_mem>>) src(%dma_wait3A_986 : memref<16x128xf32, #tpu.memory_space<hbm>>) dst(%dma_wait3A_983 : memref<16x128xf32, #tpu.memory_space<vmem>>)
        %dma_wait3A_987 = arith.constant 1 : i32
        %dma_wait3A_988 = arith.constant 5 : i32
        %dma_wait3A_989 = arith.constant 0 : i32
        %dma_wait3A_990 = arith.constant 0 : i32
        %dma_wait3A_991 = tpu.memref_slice %arg6[%dma_wait3A_987, %dma_wait3A_988, %dma_wait3A_989, %dma_wait3A_990] : memref<6x8x16x128xf32, #tpu.memory_space<vmem>> -> memref<1x1x16x128xf32, #tpu.memory_space<vmem>>
        %dma_wait3A_992 = tpu.memref_squeeze %dma_wait3A_991 : memref<1x1x16x128xf32, #tpu.memory_space<vmem>> -> memref<16x128xf32, #tpu.memory_space<vmem>>
        %dma_wait3A_993 = arith.constant 0 : i32
        %dma_wait3A_994 = arith.constant 0 : i32
        %dma_wait3A_995 = tpu.memref_slice %arg2[%dma_wait3A_993, %dma_wait3A_994] : memref<16x1000000xf32, #tpu.memory_space<hbm>> -> memref<16x128xf32, #tpu.memory_space<hbm>>
        %dma_wait3A_996 = arith.constant 0 : i32
        %dma_wait3A_997 = arith.constant 0 : i32
        %dma_wait3A_998 = tpu.memref_slice %arg6[%dma_wait3A_987, %dma_wait3A_988, %dma_wait3A_996, %dma_wait3A_997] : memref<6x8x16x128xf32, #tpu.memory_space<vmem>> -> memref<1x1x16x128xf32, #tpu.memory_space<vmem>>
        %dma_wait3A_999 = tpu.memref_squeeze %dma_wait3A_998 : memref<1x1x16x128xf32, #tpu.memory_space<vmem>> -> memref<16x128xf32, #tpu.memory_space<vmem>>
        %dma_wait3A_1000 = arith.constant 0 : i32
        %dma_wait3A_1001 = arith.constant 0 : i32
        %dma_wait3A_1002 = tpu.memref_slice %arg2[%dma_wait3A_1000, %dma_wait3A_1001] : memref<16x1000000xf32, #tpu.memory_space<hbm>> -> memref<16x128xf32, #tpu.memory_space<hbm>>
        tpu.wait_dma2 semaphore(%arg9 : memref<!tpu.dma_semaphore, #tpu.memory_space<semaphore_mem>>) src(%dma_wait3A_1002 : memref<16x128xf32, #tpu.memory_space<hbm>>) dst(%dma_wait3A_999 : memref<16x128xf32, #tpu.memory_space<vmem>>)
        %dma_wait3A_1003 = arith.constant 1 : i32
        %dma_wait3A_1004 = arith.constant 6 : i32
        %dma_wait3A_1005 = arith.constant 0 : i32
        %dma_wait3A_1006 = arith.constant 0 : i32
        %dma_wait3A_1007 = tpu.memref_slice %arg6[%dma_wait3A_1003, %dma_wait3A_1004, %dma_wait3A_1005, %dma_wait3A_1006] : memref<6x8x16x128xf32, #tpu.memory_space<vmem>> -> memref<1x1x16x128xf32, #tpu.memory_space<vmem>>
        %dma_wait3A_1008 = tpu.memref_squeeze %dma_wait3A_1007 : memref<1x1x16x128xf32, #tpu.memory_space<vmem>> -> memref<16x128xf32, #tpu.memory_space<vmem>>
        %dma_wait3A_1009 = arith.constant 0 : i32
        %dma_wait3A_1010 = arith.constant 0 : i32
        %dma_wait3A_1011 = tpu.memref_slice %arg2[%dma_wait3A_1009, %dma_wait3A_1010] : memref<16x1000000xf32, #tpu.memory_space<hbm>> -> memref<16x128xf32, #tpu.memory_space<hbm>>
        %dma_wait3A_1012 = arith.constant 0 : i32
        %dma_wait3A_1013 = arith.constant 0 : i32
        %dma_wait3A_1014 = tpu.memref_slice %arg6[%dma_wait3A_1003, %dma_wait3A_1004, %dma_wait3A_1012, %dma_wait3A_1013] : memref<6x8x16x128xf32, #tpu.memory_space<vmem>> -> memref<1x1x16x128xf32, #tpu.memory_space<vmem>>
        %dma_wait3A_1015 = tpu.memref_squeeze %dma_wait3A_1014 : memref<1x1x16x128xf32, #tpu.memory_space<vmem>> -> memref<16x128xf32, #tpu.memory_space<vmem>>
        %dma_wait3A_1016 = arith.constant 0 : i32
        %dma_wait3A_1017 = arith.constant 0 : i32
        %dma_wait3A_1018 = tpu.memref_slice %arg2[%dma_wait3A_1016, %dma_wait3A_1017] : memref<16x1000000xf32, #tpu.memory_space<hbm>> -> memref<16x128xf32, #tpu.memory_space<hbm>>
        tpu.wait_dma2 semaphore(%arg9 : memref<!tpu.dma_semaphore, #tpu.memory_space<semaphore_mem>>) src(%dma_wait3A_1018 : memref<16x128xf32, #tpu.memory_space<hbm>>) dst(%dma_wait3A_1015 : memref<16x128xf32, #tpu.memory_space<vmem>>)
        %dma_wait3A_1019 = arith.constant 1 : i32
        %dma_wait3A_1020 = arith.constant 7 : i32
        %dma_wait3A_1021 = arith.constant 0 : i32
        %dma_wait3A_1022 = arith.constant 0 : i32
        %dma_wait3A_1023 = tpu.memref_slice %arg6[%dma_wait3A_1019, %dma_wait3A_1020, %dma_wait3A_1021, %dma_wait3A_1022] : memref<6x8x16x128xf32, #tpu.memory_space<vmem>> -> memref<1x1x16x128xf32, #tpu.memory_space<vmem>>
        %dma_wait3A_1024 = tpu.memref_squeeze %dma_wait3A_1023 : memref<1x1x16x128xf32, #tpu.memory_space<vmem>> -> memref<16x128xf32, #tpu.memory_space<vmem>>
        %dma_wait3A_1025 = arith.constant 0 : i32
        %dma_wait3A_1026 = arith.constant 0 : i32
        %dma_wait3A_1027 = tpu.memref_slice %arg2[%dma_wait3A_1025, %dma_wait3A_1026] : memref<16x1000000xf32, #tpu.memory_space<hbm>> -> memref<16x128xf32, #tpu.memory_space<hbm>>
        %dma_wait3A_1028 = arith.constant 0 : i32
        %dma_wait3A_1029 = arith.constant 0 : i32
        %dma_wait3A_1030 = tpu.memref_slice %arg6[%dma_wait3A_1019, %dma_wait3A_1020, %dma_wait3A_1028, %dma_wait3A_1029] : memref<6x8x16x128xf32, #tpu.memory_space<vmem>> -> memref<1x1x16x128xf32, #tpu.memory_space<vmem>>
        %dma_wait3A_1031 = tpu.memref_squeeze %dma_wait3A_1030 : memref<1x1x16x128xf32, #tpu.memory_space<vmem>> -> memref<16x128xf32, #tpu.memory_space<vmem>>
        %dma_wait3A_1032 = arith.constant 0 : i32
        %dma_wait3A_1033 = arith.constant 0 : i32
        %dma_wait3A_1034 = tpu.memref_slice %arg2[%dma_wait3A_1032, %dma_wait3A_1033] : memref<16x1000000xf32, #tpu.memory_space<hbm>> -> memref<16x128xf32, #tpu.memory_space<hbm>>
        tpu.wait_dma2 semaphore(%arg9 : memref<!tpu.dma_semaphore, #tpu.memory_space<semaphore_mem>>) src(%dma_wait3A_1034 : memref<16x128xf32, #tpu.memory_space<hbm>>) dst(%dma_wait3A_1031 : memref<16x128xf32, #tpu.memory_space<vmem>>)
        %mul3A_1035 = arith.constant 8 : i32
        %mul3A_1036 = arith.muli %scan3A_781, %mul3A_1035 : i32
        %multiple_of3A_1037 = tpu.assume_multiple %mul3A_1036, 8 : i32
        %get3A_1038 = arith.index_cast %multiple_of3A_1037 : i32 to index
        %get3A_1039 = tpu.vector_load %arg5[%get3A_1038] {strides = array<i32>} : memref<528xi32, #tpu.memory_space<vmem>>, vector<16xi32>,
        %and3A_1040 = arith.constant 127 : i32
        %and3A_1041 = vector.broadcast %and3A_1040 : i32 to vector<16xi32>
        %and3A_1042 = arith.andi %get3A_1039, %and3A_1041 : vector<16xi32>
        %slice3A_1043 = vector.extract_strided_slice %and3A_1042 {offsets = [0], sizes = [1], strides = [1]} : vector<16xi32> to vector<1xi32>
        %squeeze3A_1044 = vector.extract %slice3A_1043[0] : i32 from vector<1xi32>
        %broadcast_in_dim3A = vector.broadcast %squeeze3A_1044 : i32 to vector<16xi32>
        %gather3A = arith.constant 1 : i32
        %gather3A_1045 = arith.constant 0 : i32
        %gather3A_1046 = arith.constant 0 : i32
        %gather3A_1047 = arith.constant 0 : i32
        %gather3A_1048 = tpu.memref_slice %arg6[%gather3A, %gather3A_1045, %gather3A_1046, %gather3A_1047] : memref<6x8x16x128xf32, #tpu.memory_space<vmem>> -> memref<1x1x16x128xf32, #tpu.memory_space<vmem>>
        %gather3A_1049 = tpu.memref_squeeze %gather3A_1048 : memref<1x1x16x128xf32, #tpu.memory_space<vmem>> -> memref<16x128xf32, #tpu.memory_space<vmem>>
        %gather3A_1050 = tpu.vector_load_idx %gather3A_1049[%iota3A, %broadcast_in_dim3A] : memref<16x128xf32, #tpu.memory_space<vmem>>[vector<16xi32>, vector<16xi32>], vector<16xf32>,
        %add3A_1051 = arith.constant 0 : i32
        %add3A_1052 = arith.addi %multiple_of3A_1037, %add3A_1051 : i32
        %broadcast_in_dim3A_1053 = vector.broadcast %add3A_1052 : i32 to vector<16xi32>
        tpu.vector_store_idx %arg7[%iota3A, %broadcast_in_dim3A_1053], %gather3A_1050 : memref<16x512xf32, #tpu.memory_space<vmem>>[vector<16xi32>, vector<16xi32>], vector<16xf32>,
        %slice3A_1054 = vector.extract_strided_slice %and3A_1042 {offsets = [1], sizes = [1], strides = [1]} : vector<16xi32> to vector<1xi32>
        %squeeze3A_1055 = vector.extract %slice3A_1054[0] : i32 from vector<1xi32>
        %broadcast_in_dim3A_1056 = vector.broadcast %squeeze3A_1055 : i32 to vector<16xi32>
        %gather3A_1057 = arith.constant 1 : i32
        %gather3A_1058 = arith.constant 1 : i32
        %gather3A_1059 = arith.constant 0 : i32
        %gather3A_1060 = arith.constant 0 : i32
        %gather3A_1061 = tpu.memref_slice %arg6[%gather3A_1057, %gather3A_1058, %gather3A_1059, %gather3A_1060] : memref<6x8x16x128xf32, #tpu.memory_space<vmem>> -> memref<1x1x16x128xf32, #tpu.memory_space<vmem>>
        %gather3A_1062 = tpu.memref_squeeze %gather3A_1061 : memref<1x1x16x128xf32, #tpu.memory_space<vmem>> -> memref<16x128xf32, #tpu.memory_space<vmem>>
        %gather3A_1063 = tpu.vector_load_idx %gather3A_1062[%iota3A, %broadcast_in_dim3A_1056] : memref<16x128xf32, #tpu.memory_space<vmem>>[vector<16xi32>, vector<16xi32>], vector<16xf32>,
        %add3A_1064 = arith.constant 1 : i32
        %add3A_1065 = arith.addi %multiple_of3A_1037, %add3A_1064 : i32
        %broadcast_in_dim3A_1066 = vector.broadcast %add3A_1065 : i32 to vector<16xi32>
        tpu.vector_store_idx %arg7[%iota3A, %broadcast_in_dim3A_1066], %gather3A_1063 : memref<16x512xf32, #tpu.memory_space<vmem>>[vector<16xi32>, vector<16xi32>], vector<16xf32>,
        %slice3A_1067 = vector.extract_strided_slice %and3A_1042 {offsets = [2], sizes = [1], strides = [1]} : vector<16xi32> to vector<1xi32>
        %squeeze3A_1068 = vector.extract %slice3A_1067[0] : i32 from vector<1xi32>
        %broadcast_in_dim3A_1069 = vector.broadcast %squeeze3A_1068 : i32 to vector<16xi32>
        %gather3A_1070 = arith.constant 1 : i32
        %gather3A_1071 = arith.constant 2 : i32
        %gather3A_1072 = arith.constant 0 : i32
        %gather3A_1073 = arith.constant 0 : i32
        %gather3A_1074 = tpu.memref_slice %arg6[%gather3A_1070, %gather3A_1071, %gather3A_1072, %gather3A_1073] : memref<6x8x16x128xf32, #tpu.memory_space<vmem>> -> memref<1x1x16x128xf32, #tpu.memory_space<vmem>>
        %gather3A_1075 = tpu.memref_squeeze %gather3A_1074 : memref<1x1x16x128xf32, #tpu.memory_space<vmem>> -> memref<16x128xf32, #tpu.memory_space<vmem>>
        %gather3A_1076 = tpu.vector_load_idx %gather3A_1075[%iota3A, %broadcast_in_dim3A_1069] : memref<16x128xf32, #tpu.memory_space<vmem>>[vector<16xi32>, vector<16xi32>], vector<16xf32>,
        %add3A_1077 = arith.constant 2 : i32
        %add3A_1078 = arith.addi %multiple_of3A_1037, %add3A_1077 : i32
        %broadcast_in_dim3A_1079 = vector.broadcast %add3A_1078 : i32 to vector<16xi32>
        tpu.vector_store_idx %arg7[%iota3A, %broadcast_in_dim3A_1079], %gather3A_1076 : memref<16x512xf32, #tpu.memory_space<vmem>>[vector<16xi32>, vector<16xi32>], vector<16xf32>,
        %slice3A_1080 = vector.extract_strided_slice %and3A_1042 {offsets = [3], sizes = [1], strides = [1]} : vector<16xi32> to vector<1xi32>
        %squeeze3A_1081 = vector.extract %slice3A_1080[0] : i32 from vector<1xi32>
        %broadcast_in_dim3A_1082 = vector.broadcast %squeeze3A_1081 : i32 to vector<16xi32>
        %gather3A_1083 = arith.constant 1 : i32
        %gather3A_1084 = arith.constant 3 : i32
        %gather3A_1085 = arith.constant 0 : i32
        %gather3A_1086 = arith.constant 0 : i32
        %gather3A_1087 = tpu.memref_slice %arg6[%gather3A_1083, %gather3A_1084, %gather3A_1085, %gather3A_1086] : memref<6x8x16x128xf32, #tpu.memory_space<vmem>> -> memref<1x1x16x128xf32, #tpu.memory_space<vmem>>
        %gather3A_1088 = tpu.memref_squeeze %gather3A_1087 : memref<1x1x16x128xf32, #tpu.memory_space<vmem>> -> memref<16x128xf32, #tpu.memory_space<vmem>>
        %gather3A_1089 = tpu.vector_load_idx %gather3A_1088[%iota3A, %broadcast_in_dim3A_1082] : memref<16x128xf32, #tpu.memory_space<vmem>>[vector<16xi32>, vector<16xi32>], vector<16xf32>,
        %add3A_1090 = arith.constant 3 : i32
        %add3A_1091 = arith.addi %multiple_of3A_1037, %add3A_1090 : i32
        %broadcast_in_dim3A_1092 = vector.broadcast %add3A_1091 : i32 to vector<16xi32>
        tpu.vector_store_idx %arg7[%iota3A, %broadcast_in_dim3A_1092], %gather3A_1089 : memref<16x512xf32, #tpu.memory_space<vmem>>[vector<16xi32>, vector<16xi32>], vector<16xf32>,
        %slice3A_1093 = vector.extract_strided_slice %and3A_1042 {offsets = [4], sizes = [1], strides = [1]} : vector<16xi32> to vector<1xi32>
        %squeeze3A_1094 = vector.extract %slice3A_1093[0] : i32 from vector<1xi32>
        %broadcast_in_dim3A_1095 = vector.broadcast %squeeze3A_1094 : i32 to vector<16xi32>
        %gather3A_1096 = arith.constant 1 : i32
        %gather3A_1097 = arith.constant 4 : i32
        %gather3A_1098 = arith.constant 0 : i32
        %gather3A_1099 = arith.constant 0 : i32
        %gather3A_1100 = tpu.memref_slice %arg6[%gather3A_1096, %gather3A_1097, %gather3A_1098, %gather3A_1099] : memref<6x8x16x128xf32, #tpu.memory_space<vmem>> -> memref<1x1x16x128xf32, #tpu.memory_space<vmem>>
        %gather3A_1101 = tpu.memref_squeeze %gather3A_1100 : memref<1x1x16x128xf32, #tpu.memory_space<vmem>> -> memref<16x128xf32, #tpu.memory_space<vmem>>
        %gather3A_1102 = tpu.vector_load_idx %gather3A_1101[%iota3A, %broadcast_in_dim3A_1095] : memref<16x128xf32, #tpu.memory_space<vmem>>[vector<16xi32>, vector<16xi32>], vector<16xf32>,
        %add3A_1103 = arith.constant 4 : i32
        %add3A_1104 = arith.addi %multiple_of3A_1037, %add3A_1103 : i32
        %broadcast_in_dim3A_1105 = vector.broadcast %add3A_1104 : i32 to vector<16xi32>
        tpu.vector_store_idx %arg7[%iota3A, %broadcast_in_dim3A_1105], %gather3A_1102 : memref<16x512xf32, #tpu.memory_space<vmem>>[vector<16xi32>, vector<16xi32>], vector<16xf32>,
        %slice3A_1106 = vector.extract_strided_slice %and3A_1042 {offsets = [5], sizes = [1], strides = [1]} : vector<16xi32> to vector<1xi32>
        %squeeze3A_1107 = vector.extract %slice3A_1106[0] : i32 from vector<1xi32>
        %broadcast_in_dim3A_1108 = vector.broadcast %squeeze3A_1107 : i32 to vector<16xi32>
        %gather3A_1109 = arith.constant 1 : i32
        %gather3A_1110 = arith.constant 5 : i32
        %gather3A_1111 = arith.constant 0 : i32
        %gather3A_1112 = arith.constant 0 : i32
        %gather3A_1113 = tpu.memref_slice %arg6[%gather3A_1109, %gather3A_1110, %gather3A_1111, %gather3A_1112] : memref<6x8x16x128xf32, #tpu.memory_space<vmem>> -> memref<1x1x16x128xf32, #tpu.memory_space<vmem>>
        %gather3A_1114 = tpu.memref_squeeze %gather3A_1113 : memref<1x1x16x128xf32, #tpu.memory_space<vmem>> -> memref<16x128xf32, #tpu.memory_space<vmem>>
        %gather3A_1115 = tpu.vector_load_idx %gather3A_1114[%iota3A, %broadcast_in_dim3A_1108] : memref<16x128xf32, #tpu.memory_space<vmem>>[vector<16xi32>, vector<16xi32>], vector<16xf32>,
        %add3A_1116 = arith.constant 5 : i32
        %add3A_1117 = arith.addi %multiple_of3A_1037, %add3A_1116 : i32
        %broadcast_in_dim3A_1118 = vector.broadcast %add3A_1117 : i32 to vector<16xi32>
        tpu.vector_store_idx %arg7[%iota3A, %broadcast_in_dim3A_1118], %gather3A_1115 : memref<16x512xf32, #tpu.memory_space<vmem>>[vector<16xi32>, vector<16xi32>], vector<16xf32>,
        %slice3A_1119 = vector.extract_strided_slice %and3A_1042 {offsets = [6], sizes = [1], strides = [1]} : vector<16xi32> to vector<1xi32>
        %squeeze3A_1120 = vector.extract %slice3A_1119[0] : i32 from vector<1xi32>
        %broadcast_in_dim3A_1121 = vector.broadcast %squeeze3A_1120 : i32 to vector<16xi32>
        %gather3A_1122 = arith.constant 1 : i32
        %gather3A_1123 = arith.constant 6 : i32
        %gather3A_1124 = arith.constant 0 : i32
        %gather3A_1125 = arith.constant 0 : i32
        %gather3A_1126 = tpu.memref_slice %arg6[%gather3A_1122, %gather3A_1123, %gather3A_1124, %gather3A_1125] : memref<6x8x16x128xf32, #tpu.memory_space<vmem>> -> memref<1x1x16x128xf32, #tpu.memory_space<vmem>>
        %gather3A_1127 = tpu.memref_squeeze %gather3A_1126 : memref<1x1x16x128xf32, #tpu.memory_space<vmem>> -> memref<16x128xf32, #tpu.memory_space<vmem>>
        %gather3A_1128 = tpu.vector_load_idx %gather3A_1127[%iota3A, %broadcast_in_dim3A_1121] : memref<16x128xf32, #tpu.memory_space<vmem>>[vector<16xi32>, vector<16xi32>], vector<16xf32>,
        %add3A_1129 = arith.constant 6 : i32
        %add3A_1130 = arith.addi %multiple_of3A_1037, %add3A_1129 : i32
        %broadcast_in_dim3A_1131 = vector.broadcast %add3A_1130 : i32 to vector<16xi32>
        tpu.vector_store_idx %arg7[%iota3A, %broadcast_in_dim3A_1131], %gather3A_1128 : memref<16x512xf32, #tpu.memory_space<vmem>>[vector<16xi32>, vector<16xi32>], vector<16xf32>,
        %slice3A_1132 = vector.extract_strided_slice %and3A_1042 {offsets = [7], sizes = [1], strides = [1]} : vector<16xi32> to vector<1xi32>
        %squeeze3A_1133 = vector.extract %slice3A_1132[0] : i32 from vector<1xi32>
        %broadcast_in_dim3A_1134 = vector.broadcast %squeeze3A_1133 : i32 to vector<16xi32>
        %gather3A_1135 = arith.constant 1 : i32
        %gather3A_1136 = arith.constant 7 : i32
        %gather3A_1137 = arith.constant 0 : i32
        %gather3A_1138 = arith.constant 0 : i32
        %gather3A_1139 = tpu.memref_slice %arg6[%gather3A_1135, %gather3A_1136, %gather3A_1137, %gather3A_1138] : memref<6x8x16x128xf32, #tpu.memory_space<vmem>> -> memref<1x1x16x128xf32, #tpu.memory_space<vmem>>
        %gather3A_1140 = tpu.memref_squeeze %gather3A_1139 : memref<1x1x16x128xf32, #tpu.memory_space<vmem>> -> memref<16x128xf32, #tpu.memory_space<vmem>>
        %gather3A_1141 = tpu.vector_load_idx %gather3A_1140[%iota3A, %broadcast_in_dim3A_1134] : memref<16x128xf32, #tpu.memory_space<vmem>>[vector<16xi32>, vector<16xi32>], vector<16xf32>,
        %add3A_1142 = arith.constant 7 : i32
        %add3A_1143 = arith.addi %multiple_of3A_1037, %add3A_1142 : i32
        %broadcast_in_dim3A_1144 = vector.broadcast %add3A_1143 : i32 to vector<16xi32>
        tpu.vector_store_idx %arg7[%iota3A, %broadcast_in_dim3A_1144], %gather3A_1141 : memref<16x512xf32, #tpu.memory_space<vmem>>[vector<16xi32>, vector<16xi32>], vector<16xf32>,
      } else {
      }
      %jit3A_816 = arith.constant 6 : i32
      %eq3A_817 = arith.constant 0 : i32
      %eq3A_818 = arith.cmpi eq, %jit3A_816, %eq3A_817 : i32
      %jit3A_819 = arith.constant 1 : i32
      %select_n3A_820 = arith.select %eq3A_818, %jit3A_819, %jit3A_816 : i32
      %rem3A_821 = arith.remsi %scan3A_781, %select_n3A_820 : i32
      %ne3A_822 = arith.constant 0 : i32
      %ne3A_823 = arith.cmpi ne, %rem3A_821, %ne3A_822 : i32
      %lt3A_824 = arith.constant 0 : i32
      %lt3A_825 = arith.cmpi slt, %rem3A_821, %lt3A_824 : i32
      %lt3A_826 = arith.constant 0 : i32
      %lt3A_827 = arith.cmpi slt, %select_n3A_820, %lt3A_826 : i32
      %ne3A_828 = arith.xori %lt3A_825, %lt3A_827 : i1
      %and3A_829 = arith.andi %ne3A_828, %ne3A_823 : i1
      %add3A_830 = arith.addi %rem3A_821, %select_n3A_820 : i32
      %select_n3A_831 = arith.select %and3A_829, %add3A_830, %rem3A_821 : i32
      %eq3A_832 = arith.constant 2 : i32
      %eq3A_833 = arith.cmpi eq, %select_n3A_831, %eq3A_832 : i32
      %convert_element_type3A_834 = arith.extui %eq3A_833 : i1 to i32
      %cond3A_835 = arith.constant 0 : i32
      %cond3A_836 = arith.cmpi ne, %convert_element_type3A_834, %cond3A_835 : i32
      scf.if %cond3A_836 {
        %add3A_900 = arith.constant 6 : i32
        %add3A_901 = arith.addi %scan3A_781, %add3A_900 : i32
        %sub3A = arith.constant 1 : i32
        %sub3A_902 = arith.subi %add3A_901, %sub3A : i32
        %lt3A_903 = arith.constant 64 : i32
        %lt3A_904 = arith.cmpi slt, %sub3A_902, %lt3A_903 : i32
        %convert_element_type3A_905 = arith.extui %lt3A_904 : i1 to i32
        %cond3A_906 = arith.constant 0 : i32
        %cond3A_907 = arith.cmpi ne, %convert_element_type3A_905, %cond3A_906 : i32
        scf.if %cond3A_907 {
          %add3A_1145 = arith.constant 6 : i32
          %add3A_1146 = arith.addi %scan3A_781, %add3A_1145 : i32
          %sub3A_1147 = arith.constant 1 : i32
          %sub3A_1148 = arith.subi %add3A_1146, %sub3A_1147 : i32
          %mul3A_1149 = arith.constant 8 : i32
          %mul3A_1150 = arith.muli %sub3A_1148, %mul3A_1149 : i32
          %multiple_of3A_1151 = tpu.assume_multiple %mul3A_1150, 8 : i32
          %get3A_1152 = arith.index_cast %multiple_of3A_1151 : i32 to index
          %get3A_1153 = tpu.vector_load %arg5[%get3A_1152] {strides = array<i32>} : memref<528xi32, #tpu.memory_space<vmem>>, vector<16xi32>,
          %slice3A_1154 = vector.extract_strided_slice %get3A_1153 {offsets = [0], sizes = [1], strides = [1]} : vector<16xi32> to vector<1xi32>
          %squeeze3A_1155 = vector.extract %slice3A_1154[0] : i32 from vector<1xi32>
          %and3A_1156 = arith.constant -128 : i32
          %and3A_1157 = arith.andi %squeeze3A_1155, %and3A_1156 : i32
          %multiple_of3A_1158 = tpu.assume_multiple %and3A_1157, 128 : i32
          %dma_start3A_1159 = arith.constant 1 : i32
          %dma_start3A_1160 = arith.constant 0 : i32
          %dma_start3A_1161 = arith.constant 0 : i32
          %dma_start3A_1162 = arith.constant 0 : i32
          %dma_start3A_1163 = tpu.memref_slice %arg6[%dma_start3A_1159, %dma_start3A_1160, %dma_start3A_1161, %dma_start3A_1162] : memref<6x8x16x128xf32, #tpu.memory_space<vmem>> -> memref<1x1x16x128xf32, #tpu.memory_space<vmem>>
          %dma_start3A_1164 = tpu.memref_squeeze %dma_start3A_1163 : memref<1x1x16x128xf32, #tpu.memory_space<vmem>> -> memref<16x128xf32, #tpu.memory_space<vmem>>
          %dma_start3A_1165 = arith.constant 0 : i32
          %dma_start3A_1166 = tpu.memref_slice %arg2[%dma_start3A_1165, %multiple_of3A_1158] : memref<16x1000000xf32, #tpu.memory_space<hbm>> -> memref<16x128xf32, #tpu.memory_space<hbm>>
          %dma_start3A_1167 = arith.constant 0 : i32
          %dma_start3A_1168 = arith.constant 0 : i32
          %dma_start3A_1169 = tpu.memref_slice %arg6[%dma_start3A_1159, %dma_start3A_1160, %dma_start3A_1167, %dma_start3A_1168] : memref<6x8x16x128xf32, #tpu.memory_space<vmem>> -> memref<1x1x16x128xf32, #tpu.memory_space<vmem>>
          %dma_start3A_1170 = tpu.memref_squeeze %dma_start3A_1169 : memref<1x1x16x128xf32, #tpu.memory_space<vmem>> -> memref<16x128xf32, #tpu.memory_space<vmem>>
          %dma_start3A_1171 = arith.constant 0 : i32
          %dma_start3A_1172 = tpu.memref_slice %arg2[%dma_start3A_1171, %multiple_of3A_1158] : memref<16x1000000xf32, #tpu.memory_space<hbm>> -> memref<16x128xf32, #tpu.memory_space<hbm>>
          tpu.enqueue_dma source(%dma_start3A_1172 : memref<16x128xf32, #tpu.memory_space<hbm>>) target(%dma_start3A_1170 : memref<16x128xf32, #tpu.memory_space<vmem>>) target_semaphore(%arg9 : memref<!tpu.dma_semaphore, #tpu.memory_space<semaphore_mem>>)
          %slice3A_1173 = vector.extract_strided_slice %get3A_1153 {offsets = [1], sizes = [1], strides = [1]} : vector<16xi32> to vector<1xi32>
          %squeeze3A_1174 = vector.extract %slice3A_1173[0] : i32 from vector<1xi32>
          %and3A_1175 = arith.constant -128 : i32
          %and3A_1176 = arith.andi %squeeze3A_1174, %and3A_1175 : i32
          %multiple_of3A_1177 = tpu.assume_multiple %and3A_1176, 128 : i32
          %dma_start3A_1178 = arith.constant 1 : i32
          %dma_start3A_1179 = arith.constant 1 : i32
          %dma_start3A_1180 = arith.constant 0 : i32
          %dma_start3A_1181 = arith.constant 0 : i32
          %dma_start3A_1182 = tpu.memref_slice %arg6[%dma_start3A_1178, %dma_start3A_1179, %dma_start3A_1180, %dma_start3A_1181] : memref<6x8x16x128xf32, #tpu.memory_space<vmem>> -> memref<1x1x16x128xf32, #tpu.memory_space<vmem>>
          %dma_start3A_1183 = tpu.memref_squeeze %dma_start3A_1182 : memref<1x1x16x128xf32, #tpu.memory_space<vmem>> -> memref<16x128xf32, #tpu.memory_space<vmem>>
          %dma_start3A_1184 = arith.constant 0 : i32
          %dma_start3A_1185 = tpu.memref_slice %arg2[%dma_start3A_1184, %multiple_of3A_1177] : memref<16x1000000xf32, #tpu.memory_space<hbm>> -> memref<16x128xf32, #tpu.memory_space<hbm>>
          %dma_start3A_1186 = arith.constant 0 : i32
          %dma_start3A_1187 = arith.constant 0 : i32
          %dma_start3A_1188 = tpu.memref_slice %arg6[%dma_start3A_1178, %dma_start3A_1179, %dma_start3A_1186, %dma_start3A_1187] : memref<6x8x16x128xf32, #tpu.memory_space<vmem>> -> memref<1x1x16x128xf32, #tpu.memory_space<vmem>>
          %dma_start3A_1189 = tpu.memref_squeeze %dma_start3A_1188 : memref<1x1x16x128xf32, #tpu.memory_space<vmem>> -> memref<16x128xf32, #tpu.memory_space<vmem>>
          %dma_start3A_1190 = arith.constant 0 : i32
          %dma_start3A_1191 = tpu.memref_slice %arg2[%dma_start3A_1190, %multiple_of3A_1177] : memref<16x1000000xf32, #tpu.memory_space<hbm>> -> memref<16x128xf32, #tpu.memory_space<hbm>>
          tpu.enqueue_dma source(%dma_start3A_1191 : memref<16x128xf32, #tpu.memory_space<hbm>>) target(%dma_start3A_1189 : memref<16x128xf32, #tpu.memory_space<vmem>>) target_semaphore(%arg9 : memref<!tpu.dma_semaphore, #tpu.memory_space<semaphore_mem>>)
          %slice3A_1192 = vector.extract_strided_slice %get3A_1153 {offsets = [2], sizes = [1], strides = [1]} : vector<16xi32> to vector<1xi32>
          %squeeze3A_1193 = vector.extract %slice3A_1192[0] : i32 from vector<1xi32>
          %and3A_1194 = arith.constant -128 : i32
          %and3A_1195 = arith.andi %squeeze3A_1193, %and3A_1194 : i32
          %multiple_of3A_1196 = tpu.assume_multiple %and3A_1195, 128 : i32
          %dma_start3A_1197 = arith.constant 1 : i32
          %dma_start3A_1198 = arith.constant 2 : i32
          %dma_start3A_1199 = arith.constant 0 : i32
          %dma_start3A_1200 = arith.constant 0 : i32
          %dma_start3A_1201 = tpu.memref_slice %arg6[%dma_start3A_1197, %dma_start3A_1198, %dma_start3A_1199, %dma_start3A_1200] : memref<6x8x16x128xf32, #tpu.memory_space<vmem>> -> memref<1x1x16x128xf32, #tpu.memory_space<vmem>>
          %dma_start3A_1202 = tpu.memref_squeeze %dma_start3A_1201 : memref<1x1x16x128xf32, #tpu.memory_space<vmem>> -> memref<16x128xf32, #tpu.memory_space<vmem>>
          %dma_start3A_1203 = arith.constant 0 : i32
          %dma_start3A_1204 = tpu.memref_slice %arg2[%dma_start3A_1203, %multiple_of3A_1196] : memref<16x1000000xf32, #tpu.memory_space<hbm>> -> memref<16x128xf32, #tpu.memory_space<hbm>>
          %dma_start3A_1205 = arith.constant 0 : i32
          %dma_start3A_1206 = arith.constant 0 : i32
          %dma_start3A_1207 = tpu.memref_slice %arg6[%dma_start3A_1197, %dma_start3A_1198, %dma_start3A_1205, %dma_start3A_1206] : memref<6x8x16x128xf32, #tpu.memory_space<vmem>> -> memref<1x1x16x128xf32, #tpu.memory_space<vmem>>
          %dma_start3A_1208 = tpu.memref_squeeze %dma_start3A_1207 : memref<1x1x16x128xf32, #tpu.memory_space<vmem>> -> memref<16x128xf32, #tpu.memory_space<vmem>>
          %dma_start3A_1209 = arith.constant 0 : i32
          %dma_start3A_1210 = tpu.memref_slice %arg2[%dma_start3A_1209, %multiple_of3A_1196] : memref<16x1000000xf32, #tpu.memory_space<hbm>> -> memref<16x128xf32, #tpu.memory_space<hbm>>
          tpu.enqueue_dma source(%dma_start3A_1210 : memref<16x128xf32, #tpu.memory_space<hbm>>) target(%dma_start3A_1208 : memref<16x128xf32, #tpu.memory_space<vmem>>) target_semaphore(%arg9 : memref<!tpu.dma_semaphore, #tpu.memory_space<semaphore_mem>>)
          %slice3A_1211 = vector.extract_strided_slice %get3A_1153 {offsets = [3], sizes = [1], strides = [1]} : vector<16xi32> to vector<1xi32>
          %squeeze3A_1212 = vector.extract %slice3A_1211[0] : i32 from vector<1xi32>
          %and3A_1213 = arith.constant -128 : i32
          %and3A_1214 = arith.andi %squeeze3A_1212, %and3A_1213 : i32
          %multiple_of3A_1215 = tpu.assume_multiple %and3A_1214, 128 : i32
          %dma_start3A_1216 = arith.constant 1 : i32
          %dma_start3A_1217 = arith.constant 3 : i32
          %dma_start3A_1218 = arith.constant 0 : i32
          %dma_start3A_1219 = arith.constant 0 : i32
          %dma_start3A_1220 = tpu.memref_slice %arg6[%dma_start3A_1216, %dma_start3A_1217, %dma_start3A_1218, %dma_start3A_1219] : memref<6x8x16x128xf32, #tpu.memory_space<vmem>> -> memref<1x1x16x128xf32, #tpu.memory_space<vmem>>
          %dma_start3A_1221 = tpu.memref_squeeze %dma_start3A_1220 : memref<1x1x16x128xf32, #tpu.memory_space<vmem>> -> memref<16x128xf32, #tpu.memory_space<vmem>>
          %dma_start3A_1222 = arith.constant 0 : i32
          %dma_start3A_1223 = tpu.memref_slice %arg2[%dma_start3A_1222, %multiple_of3A_1215] : memref<16x1000000xf32, #tpu.memory_space<hbm>> -> memref<16x128xf32, #tpu.memory_space<hbm>>
          %dma_start3A_1224 = arith.constant 0 : i32
          %dma_start3A_1225 = arith.constant 0 : i32
          %dma_start3A_1226 = tpu.memref_slice %arg6[%dma_start3A_1216, %dma_start3A_1217, %dma_start3A_1224, %dma_start3A_1225] : memref<6x8x16x128xf32, #tpu.memory_space<vmem>> -> memref<1x1x16x128xf32, #tpu.memory_space<vmem>>
          %dma_start3A_1227 = tpu.memref_squeeze %dma_start3A_1226 : memref<1x1x16x128xf32, #tpu.memory_space<vmem>> -> memref<16x128xf32, #tpu.memory_space<vmem>>
          %dma_start3A_1228 = arith.constant 0 : i32
          %dma_start3A_1229 = tpu.memref_slice %arg2[%dma_start3A_1228, %multiple_of3A_1215] : memref<16x1000000xf32, #tpu.memory_space<hbm>> -> memref<16x128xf32, #tpu.memory_space<hbm>>
          tpu.enqueue_dma source(%dma_start3A_1229 : memref<16x128xf32, #tpu.memory_space<hbm>>) target(%dma_start3A_1227 : memref<16x128xf32, #tpu.memory_space<vmem>>) target_semaphore(%arg9 : memref<!tpu.dma_semaphore, #tpu.memory_space<semaphore_mem>>)
          %slice3A_1230 = vector.extract_strided_slice %get3A_1153 {offsets = [4], sizes = [1], strides = [1]} : vector<16xi32> to vector<1xi32>
          %squeeze3A_1231 = vector.extract %slice3A_1230[0] : i32 from vector<1xi32>
          %and3A_1232 = arith.constant -128 : i32
          %and3A_1233 = arith.andi %squeeze3A_1231, %and3A_1232 : i32
          %multiple_of3A_1234 = tpu.assume_multiple %and3A_1233, 128 : i32
          %dma_start3A_1235 = arith.constant 1 : i32
          %dma_start3A_1236 = arith.constant 4 : i32
          %dma_start3A_1237 = arith.constant 0 : i32
          %dma_start3A_1238 = arith.constant 0 : i32
          %dma_start3A_1239 = tpu.memref_slice %arg6[%dma_start3A_1235, %dma_start3A_1236, %dma_start3A_1237, %dma_start3A_1238] : memref<6x8x16x128xf32, #tpu.memory_space<vmem>> -> memref<1x1x16x128xf32, #tpu.memory_space<vmem>>
          %dma_start3A_1240 = tpu.memref_squeeze %dma_start3A_1239 : memref<1x1x16x128xf32, #tpu.memory_space<vmem>> -> memref<16x128xf32, #tpu.memory_space<vmem>>
          %dma_start3A_1241 = arith.constant 0 : i32
          %dma_start3A_1242 = tpu.memref_slice %arg2[%dma_start3A_1241, %multiple_of3A_1234] : memref<16x1000000xf32, #tpu.memory_space<hbm>> -> memref<16x128xf32, #tpu.memory_space<hbm>>
          %dma_start3A_1243 = arith.constant 0 : i32
          %dma_start3A_1244 = arith.constant 0 : i32
          %dma_start3A_1245 = tpu.memref_slice %arg6[%dma_start3A_1235, %dma_start3A_1236, %dma_start3A_1243, %dma_start3A_1244] : memref<6x8x16x128xf32, #tpu.memory_space<vmem>> -> memref<1x1x16x128xf32, #tpu.memory_space<vmem>>
          %dma_start3A_1246 = tpu.memref_squeeze %dma_start3A_1245 : memref<1x1x16x128xf32, #tpu.memory_space<vmem>> -> memref<16x128xf32, #tpu.memory_space<vmem>>
          %dma_start3A_1247 = arith.constant 0 : i32
          %dma_start3A_1248 = tpu.memref_slice %arg2[%dma_start3A_1247, %multiple_of3A_1234] : memref<16x1000000xf32, #tpu.memory_space<hbm>> -> memref<16x128xf32, #tpu.memory_space<hbm>>
          tpu.enqueue_dma source(%dma_start3A_1248 : memref<16x128xf32, #tpu.memory_space<hbm>>) target(%dma_start3A_1246 : memref<16x128xf32, #tpu.memory_space<vmem>>) target_semaphore(%arg9 : memref<!tpu.dma_semaphore, #tpu.memory_space<semaphore_mem>>)
          %slice3A_1249 = vector.extract_strided_slice %get3A_1153 {offsets = [5], sizes = [1], strides = [1]} : vector<16xi32> to vector<1xi32>
          %squeeze3A_1250 = vector.extract %slice3A_1249[0] : i32 from vector<1xi32>
          %and3A_1251 = arith.constant -128 : i32
          %and3A_1252 = arith.andi %squeeze3A_1250, %and3A_1251 : i32
          %multiple_of3A_1253 = tpu.assume_multiple %and3A_1252, 128 : i32
          %dma_start3A_1254 = arith.constant 1 : i32
          %dma_start3A_1255 = arith.constant 5 : i32
          %dma_start3A_1256 = arith.constant 0 : i32
          %dma_start3A_1257 = arith.constant 0 : i32
          %dma_start3A_1258 = tpu.memref_slice %arg6[%dma_start3A_1254, %dma_start3A_1255, %dma_start3A_1256, %dma_start3A_1257] : memref<6x8x16x128xf32, #tpu.memory_space<vmem>> -> memref<1x1x16x128xf32, #tpu.memory_space<vmem>>
          %dma_start3A_1259 = tpu.memref_squeeze %dma_start3A_1258 : memref<1x1x16x128xf32, #tpu.memory_space<vmem>> -> memref<16x128xf32, #tpu.memory_space<vmem>>
          %dma_start3A_1260 = arith.constant 0 : i32
          %dma_start3A_1261 = tpu.memref_slice %arg2[%dma_start3A_1260, %multiple_of3A_1253] : memref<16x1000000xf32, #tpu.memory_space<hbm>> -> memref<16x128xf32, #tpu.memory_space<hbm>>
          %dma_start3A_1262 = arith.constant 0 : i32
          %dma_start3A_1263 = arith.constant 0 : i32
          %dma_start3A_1264 = tpu.memref_slice %arg6[%dma_start3A_1254, %dma_start3A_1255, %dma_start3A_1262, %dma_start3A_1263] : memref<6x8x16x128xf32, #tpu.memory_space<vmem>> -> memref<1x1x16x128xf32, #tpu.memory_space<vmem>>
          %dma_start3A_1265 = tpu.memref_squeeze %dma_start3A_1264 : memref<1x1x16x128xf32, #tpu.memory_space<vmem>> -> memref<16x128xf32, #tpu.memory_space<vmem>>
          %dma_start3A_1266 = arith.constant 0 : i32
          %dma_start3A_1267 = tpu.memref_slice %arg2[%dma_start3A_1266, %multiple_of3A_1253] : memref<16x1000000xf32, #tpu.memory_space<hbm>> -> memref<16x128xf32, #tpu.memory_space<hbm>>
          tpu.enqueue_dma source(%dma_start3A_1267 : memref<16x128xf32, #tpu.memory_space<hbm>>) target(%dma_start3A_1265 : memref<16x128xf32, #tpu.memory_space<vmem>>) target_semaphore(%arg9 : memref<!tpu.dma_semaphore, #tpu.memory_space<semaphore_mem>>)
          %slice3A_1268 = vector.extract_strided_slice %get3A_1153 {offsets = [6], sizes = [1], strides = [1]} : vector<16xi32> to vector<1xi32>
          %squeeze3A_1269 = vector.extract %slice3A_1268[0] : i32 from vector<1xi32>
          %and3A_1270 = arith.constant -128 : i32
          %and3A_1271 = arith.andi %squeeze3A_1269, %and3A_1270 : i32
          %multiple_of3A_1272 = tpu.assume_multiple %and3A_1271, 128 : i32
          %dma_start3A_1273 = arith.constant 1 : i32
          %dma_start3A_1274 = arith.constant 6 : i32
          %dma_start3A_1275 = arith.constant 0 : i32
          %dma_start3A_1276 = arith.constant 0 : i32
          %dma_start3A_1277 = tpu.memref_slice %arg6[%dma_start3A_1273, %dma_start3A_1274, %dma_start3A_1275, %dma_start3A_1276] : memref<6x8x16x128xf32, #tpu.memory_space<vmem>> -> memref<1x1x16x128xf32, #tpu.memory_space<vmem>>
          %dma_start3A_1278 = tpu.memref_squeeze %dma_start3A_1277 : memref<1x1x16x128xf32, #tpu.memory_space<vmem>> -> memref<16x128xf32, #tpu.memory_space<vmem>>
          %dma_start3A_1279 = arith.constant 0 : i32
          %dma_start3A_1280 = tpu.memref_slice %arg2[%dma_start3A_1279, %multiple_of3A_1272] : memref<16x1000000xf32, #tpu.memory_space<hbm>> -> memref<16x128xf32, #tpu.memory_space<hbm>>
          %dma_start3A_1281 = arith.constant 0 : i32
          %dma_start3A_1282 = arith.constant 0 : i32
          %dma_start3A_1283 = tpu.memref_slice %arg6[%dma_start3A_1273, %dma_start3A_1274, %dma_start3A_1281, %dma_start3A_1282] : memref<6x8x16x128xf32, #tpu.memory_space<vmem>> -> memref<1x1x16x128xf32, #tpu.memory_space<vmem>>
          %dma_start3A_1284 = tpu.memref_squeeze %dma_start3A_1283 : memref<1x1x16x128xf32, #tpu.memory_space<vmem>> -> memref<16x128xf32, #tpu.memory_space<vmem>>
          %dma_start3A_1285 = arith.constant 0 : i32
          %dma_start3A_1286 = tpu.memref_slice %arg2[%dma_start3A_1285, %multiple_of3A_1272] : memref<16x1000000xf32, #tpu.memory_space<hbm>> -> memref<16x128xf32, #tpu.memory_space<hbm>>
          tpu.enqueue_dma source(%dma_start3A_1286 : memref<16x128xf32, #tpu.memory_space<hbm>>) target(%dma_start3A_1284 : memref<16x128xf32, #tpu.memory_space<vmem>>) target_semaphore(%arg9 : memref<!tpu.dma_semaphore, #tpu.memory_space<semaphore_mem>>)
          %slice3A_1287 = vector.extract_strided_slice %get3A_1153 {offsets = [7], sizes = [1], strides = [1]} : vector<16xi32> to vector<1xi32>
          %squeeze3A_1288 = vector.extract %slice3A_1287[0] : i32 from vector<1xi32>
          %and3A_1289 = arith.constant -128 : i32
          %and3A_1290 = arith.andi %squeeze3A_1288, %and3A_1289 : i32
          %multiple_of3A_1291 = tpu.assume_multiple %and3A_1290, 128 : i32
          %dma_start3A_1292 = arith.constant 1 : i32
          %dma_start3A_1293 = arith.constant 7 : i32
          %dma_start3A_1294 = arith.constant 0 : i32
          %dma_start3A_1295 = arith.constant 0 : i32
          %dma_start3A_1296 = tpu.memref_slice %arg6[%dma_start3A_1292, %dma_start3A_1293, %dma_start3A_1294, %dma_start3A_1295] : memref<6x8x16x128xf32, #tpu.memory_space<vmem>> -> memref<1x1x16x128xf32, #tpu.memory_space<vmem>>
          %dma_start3A_1297 = tpu.memref_squeeze %dma_start3A_1296 : memref<1x1x16x128xf32, #tpu.memory_space<vmem>> -> memref<16x128xf32, #tpu.memory_space<vmem>>
          %dma_start3A_1298 = arith.constant 0 : i32
          %dma_start3A_1299 = tpu.memref_slice %arg2[%dma_start3A_1298, %multiple_of3A_1291] : memref<16x1000000xf32, #tpu.memory_space<hbm>> -> memref<16x128xf32, #tpu.memory_space<hbm>>
          %dma_start3A_1300 = arith.constant 0 : i32
          %dma_start3A_1301 = arith.constant 0 : i32
          %dma_start3A_1302 = tpu.memref_slice %arg6[%dma_start3A_1292, %dma_start3A_1293, %dma_start3A_1300, %dma_start3A_1301] : memref<6x8x16x128xf32, #tpu.memory_space<vmem>> -> memref<1x1x16x128xf32, #tpu.memory_space<vmem>>
          %dma_start3A_1303 = tpu.memref_squeeze %dma_start3A_1302 : memref<1x1x16x128xf32, #tpu.memory_space<vmem>> -> memref<16x128xf32, #tpu.memory_space<vmem>>
          %dma_start3A_1304 = arith.constant 0 : i32
          %dma_start3A_1305 = tpu.memref_slice %arg2[%dma_start3A_1304, %multiple_of3A_1291] : memref<16x1000000xf32, #tpu.memory_space<hbm>> -> memref<16x128xf32, #tpu.memory_space<hbm>>
          tpu.enqueue_dma source(%dma_start3A_1305 : memref<16x128xf32, #tpu.memory_space<hbm>>) target(%dma_start3A_1303 : memref<16x128xf32, #tpu.memory_space<vmem>>) target_semaphore(%arg9 : memref<!tpu.dma_semaphore, #tpu.memory_space<semaphore_mem>>)
        } else {
        }
        %dma_wait3A = arith.constant 2 : i32
        %dma_wait3A_908 = arith.constant 0 : i32
        %dma_wait3A_909 = arith.constant 0 : i32
        %dma_wait3A_910 = arith.constant 0 : i32
        %dma_wait3A_911 = tpu.memref_slice %arg6[%dma_wait3A, %dma_wait3A_908, %dma_wait3A_909, %dma_wait3A_910] : memref<6x8x16x128xf32, #tpu.memory_space<vmem>> -> memref<1x1x16x128xf32, #tpu.memory_space<vmem>>
        %dma_wait3A_912 = tpu.memref_squeeze %dma_wait3A_911 : memref<1x1x16x128xf32, #tpu.memory_space<vmem>> -> memref<16x128xf32, #tpu.memory_space<vmem>>
        %dma_wait3A_913 = arith.constant 0 : i32
        %dma_wait3A_914 = arith.constant 0 : i32
        %dma_wait3A_915 = tpu.memref_slice %arg2[%dma_wait3A_913, %dma_wait3A_914] : memref<16x1000000xf32, #tpu.memory_space<hbm>> -> memref<16x128xf32, #tpu.memory_space<hbm>>
        %dma_wait3A_916 = arith.constant 0 : i32
        %dma_wait3A_917 = arith.constant 0 : i32
        %dma_wait3A_918 = tpu.memref_slice %arg6[%dma_wait3A, %dma_wait3A_908, %dma_wait3A_916, %dma_wait3A_917] : memref<6x8x16x128xf32, #tpu.memory_space<vmem>> -> memref<1x1x16x128xf32, #tpu.memory_space<vmem>>
        %dma_wait3A_919 = tpu.memref_squeeze %dma_wait3A_918 : memref<1x1x16x128xf32, #tpu.memory_space<vmem>> -> memref<16x128xf32, #tpu.memory_space<vmem>>
        %dma_wait3A_920 = arith.constant 0 : i32
        %dma_wait3A_921 = arith.constant 0 : i32
        %dma_wait3A_922 = tpu.memref_slice %arg2[%dma_wait3A_920, %dma_wait3A_921] : memref<16x1000000xf32, #tpu.memory_space<hbm>> -> memref<16x128xf32, #tpu.memory_space<hbm>>
        tpu.wait_dma2 semaphore(%arg10 : memref<!tpu.dma_semaphore, #tpu.memory_space<semaphore_mem>>) src(%dma_wait3A_922 : memref<16x128xf32, #tpu.memory_space<hbm>>) dst(%dma_wait3A_919 : memref<16x128xf32, #tpu.memory_space<vmem>>)
        %dma_wait3A_923 = arith.constant 2 : i32
        %dma_wait3A_924 = arith.constant 1 : i32
        %dma_wait3A_925 = arith.constant 0 : i32
        %dma_wait3A_926 = arith.constant 0 : i32
        %dma_wait3A_927 = tpu.memref_slice %arg6[%dma_wait3A_923, %dma_wait3A_924, %dma_wait3A_925, %dma_wait3A_926] : memref<6x8x16x128xf32, #tpu.memory_space<vmem>> -> memref<1x1x16x128xf32, #tpu.memory_space<vmem>>
        %dma_wait3A_928 = tpu.memref_squeeze %dma_wait3A_927 : memref<1x1x16x128xf32, #tpu.memory_space<vmem>> -> memref<16x128xf32, #tpu.memory_space<vmem>>
        %dma_wait3A_929 = arith.constant 0 : i32
        %dma_wait3A_930 = arith.constant 0 : i32
        %dma_wait3A_931 = tpu.memref_slice %arg2[%dma_wait3A_929, %dma_wait3A_930] : memref<16x1000000xf32, #tpu.memory_space<hbm>> -> memref<16x128xf32, #tpu.memory_space<hbm>>
        %dma_wait3A_932 = arith.constant 0 : i32
        %dma_wait3A_933 = arith.constant 0 : i32
        %dma_wait3A_934 = tpu.memref_slice %arg6[%dma_wait3A_923, %dma_wait3A_924, %dma_wait3A_932, %dma_wait3A_933] : memref<6x8x16x128xf32, #tpu.memory_space<vmem>> -> memref<1x1x16x128xf32, #tpu.memory_space<vmem>>
        %dma_wait3A_935 = tpu.memref_squeeze %dma_wait3A_934 : memref<1x1x16x128xf32, #tpu.memory_space<vmem>> -> memref<16x128xf32, #tpu.memory_space<vmem>>
        %dma_wait3A_936 = arith.constant 0 : i32
        %dma_wait3A_937 = arith.constant 0 : i32
        %dma_wait3A_938 = tpu.memref_slice %arg2[%dma_wait3A_936, %dma_wait3A_937] : memref<16x1000000xf32, #tpu.memory_space<hbm>> -> memref<16x128xf32, #tpu.memory_space<hbm>>
        tpu.wait_dma2 semaphore(%arg10 : memref<!tpu.dma_semaphore, #tpu.memory_space<semaphore_mem>>) src(%dma_wait3A_938 : memref<16x128xf32, #tpu.memory_space<hbm>>) dst(%dma_wait3A_935 : memref<16x128xf32, #tpu.memory_space<vmem>>)
        %dma_wait3A_939 = arith.constant 2 : i32
        %dma_wait3A_940 = arith.constant 2 : i32
        %dma_wait3A_941 = arith.constant 0 : i32
        %dma_wait3A_942 = arith.constant 0 : i32
        %dma_wait3A_943 = tpu.memref_slice %arg6[%dma_wait3A_939, %dma_wait3A_940, %dma_wait3A_941, %dma_wait3A_942] : memref<6x8x16x128xf32, #tpu.memory_space<vmem>> -> memref<1x1x16x128xf32, #tpu.memory_space<vmem>>
        %dma_wait3A_944 = tpu.memref_squeeze %dma_wait3A_943 : memref<1x1x16x128xf32, #tpu.memory_space<vmem>> -> memref<16x128xf32, #tpu.memory_space<vmem>>
        %dma_wait3A_945 = arith.constant 0 : i32
        %dma_wait3A_946 = arith.constant 0 : i32
        %dma_wait3A_947 = tpu.memref_slice %arg2[%dma_wait3A_945, %dma_wait3A_946] : memref<16x1000000xf32, #tpu.memory_space<hbm>> -> memref<16x128xf32, #tpu.memory_space<hbm>>
        %dma_wait3A_948 = arith.constant 0 : i32
        %dma_wait3A_949 = arith.constant 0 : i32
        %dma_wait3A_950 = tpu.memref_slice %arg6[%dma_wait3A_939, %dma_wait3A_940, %dma_wait3A_948, %dma_wait3A_949] : memref<6x8x16x128xf32, #tpu.memory_space<vmem>> -> memref<1x1x16x128xf32, #tpu.memory_space<vmem>>
        %dma_wait3A_951 = tpu.memref_squeeze %dma_wait3A_950 : memref<1x1x16x128xf32, #tpu.memory_space<vmem>> -> memref<16x128xf32, #tpu.memory_space<vmem>>
        %dma_wait3A_952 = arith.constant 0 : i32
        %dma_wait3A_953 = arith.constant 0 : i32
        %dma_wait3A_954 = tpu.memref_slice %arg2[%dma_wait3A_952, %dma_wait3A_953] : memref<16x1000000xf32, #tpu.memory_space<hbm>> -> memref<16x128xf32, #tpu.memory_space<hbm>>
        tpu.wait_dma2 semaphore(%arg10 : memref<!tpu.dma_semaphore, #tpu.memory_space<semaphore_mem>>) src(%dma_wait3A_954 : memref<16x128xf32, #tpu.memory_space<hbm>>) dst(%dma_wait3A_951 : memref<16x128xf32, #tpu.memory_space<vmem>>)
        %dma_wait3A_955 = arith.constant 2 : i32
        %dma_wait3A_956 = arith.constant 3 : i32
        %dma_wait3A_957 = arith.constant 0 : i32
        %dma_wait3A_958 = arith.constant 0 : i32
        %dma_wait3A_959 = tpu.memref_slice %arg6[%dma_wait3A_955, %dma_wait3A_956, %dma_wait3A_957, %dma_wait3A_958] : memref<6x8x16x128xf32, #tpu.memory_space<vmem>> -> memref<1x1x16x128xf32, #tpu.memory_space<vmem>>
        %dma_wait3A_960 = tpu.memref_squeeze %dma_wait3A_959 : memref<1x1x16x128xf32, #tpu.memory_space<vmem>> -> memref<16x128xf32, #tpu.memory_space<vmem>>
        %dma_wait3A_961 = arith.constant 0 : i32
        %dma_wait3A_962 = arith.constant 0 : i32
        %dma_wait3A_963 = tpu.memref_slice %arg2[%dma_wait3A_961, %dma_wait3A_962] : memref<16x1000000xf32, #tpu.memory_space<hbm>> -> memref<16x128xf32, #tpu.memory_space<hbm>>
        %dma_wait3A_964 = arith.constant 0 : i32
        %dma_wait3A_965 = arith.constant 0 : i32
        %dma_wait3A_966 = tpu.memref_slice %arg6[%dma_wait3A_955, %dma_wait3A_956, %dma_wait3A_964, %dma_wait3A_965] : memref<6x8x16x128xf32, #tpu.memory_space<vmem>> -> memref<1x1x16x128xf32, #tpu.memory_space<vmem>>
        %dma_wait3A_967 = tpu.memref_squeeze %dma_wait3A_966 : memref<1x1x16x128xf32, #tpu.memory_space<vmem>> -> memref<16x128xf32, #tpu.memory_space<vmem>>
        %dma_wait3A_968 = arith.constant 0 : i32
        %dma_wait3A_969 = arith.constant 0 : i32
        %dma_wait3A_970 = tpu.memref_slice %arg2[%dma_wait3A_968, %dma_wait3A_969] : memref<16x1000000xf32, #tpu.memory_space<hbm>> -> memref<16x128xf32, #tpu.memory_space<hbm>>
        tpu.wait_dma2 semaphore(%arg10 : memref<!tpu.dma_semaphore, #tpu.memory_space<semaphore_mem>>) src(%dma_wait3A_970 : memref<16x128xf32, #tpu.memory_space<hbm>>) dst(%dma_wait3A_967 : memref<16x128xf32, #tpu.memory_space<vmem>>)
        %dma_wait3A_971 = arith.constant 2 : i32
        %dma_wait3A_972 = arith.constant 4 : i32
        %dma_wait3A_973 = arith.constant 0 : i32
        %dma_wait3A_974 = arith.constant 0 : i32
        %dma_wait3A_975 = tpu.memref_slice %arg6[%dma_wait3A_971, %dma_wait3A_972, %dma_wait3A_973, %dma_wait3A_974] : memref<6x8x16x128xf32, #tpu.memory_space<vmem>> -> memref<1x1x16x128xf32, #tpu.memory_space<vmem>>
        %dma_wait3A_976 = tpu.memref_squeeze %dma_wait3A_975 : memref<1x1x16x128xf32, #tpu.memory_space<vmem>> -> memref<16x128xf32, #tpu.memory_space<vmem>>
        %dma_wait3A_977 = arith.constant 0 : i32
        %dma_wait3A_978 = arith.constant 0 : i32
        %dma_wait3A_979 = tpu.memref_slice %arg2[%dma_wait3A_977, %dma_wait3A_978] : memref<16x1000000xf32, #tpu.memory_space<hbm>> -> memref<16x128xf32, #tpu.memory_space<hbm>>
        %dma_wait3A_980 = arith.constant 0 : i32
        %dma_wait3A_981 = arith.constant 0 : i32
        %dma_wait3A_982 = tpu.memref_slice %arg6[%dma_wait3A_971, %dma_wait3A_972, %dma_wait3A_980, %dma_wait3A_981] : memref<6x8x16x128xf32, #tpu.memory_space<vmem>> -> memref<1x1x16x128xf32, #tpu.memory_space<vmem>>
        %dma_wait3A_983 = tpu.memref_squeeze %dma_wait3A_982 : memref<1x1x16x128xf32, #tpu.memory_space<vmem>> -> memref<16x128xf32, #tpu.memory_space<vmem>>
        %dma_wait3A_984 = arith.constant 0 : i32
        %dma_wait3A_985 = arith.constant 0 : i32
        %dma_wait3A_986 = tpu.memref_slice %arg2[%dma_wait3A_984, %dma_wait3A_985] : memref<16x1000000xf32, #tpu.memory_space<hbm>> -> memref<16x128xf32, #tpu.memory_space<hbm>>
        tpu.wait_dma2 semaphore(%arg10 : memref<!tpu.dma_semaphore, #tpu.memory_space<semaphore_mem>>) src(%dma_wait3A_986 : memref<16x128xf32, #tpu.memory_space<hbm>>) dst(%dma_wait3A_983 : memref<16x128xf32, #tpu.memory_space<vmem>>)
        %dma_wait3A_987 = arith.constant 2 : i32
        %dma_wait3A_988 = arith.constant 5 : i32
        %dma_wait3A_989 = arith.constant 0 : i32
        %dma_wait3A_990 = arith.constant 0 : i32
        %dma_wait3A_991 = tpu.memref_slice %arg6[%dma_wait3A_987, %dma_wait3A_988, %dma_wait3A_989, %dma_wait3A_990] : memref<6x8x16x128xf32, #tpu.memory_space<vmem>> -> memref<1x1x16x128xf32, #tpu.memory_space<vmem>>
        %dma_wait3A_992 = tpu.memref_squeeze %dma_wait3A_991 : memref<1x1x16x128xf32, #tpu.memory_space<vmem>> -> memref<16x128xf32, #tpu.memory_space<vmem>>
        %dma_wait3A_993 = arith.constant 0 : i32
        %dma_wait3A_994 = arith.constant 0 : i32
        %dma_wait3A_995 = tpu.memref_slice %arg2[%dma_wait3A_993, %dma_wait3A_994] : memref<16x1000000xf32, #tpu.memory_space<hbm>> -> memref<16x128xf32, #tpu.memory_space<hbm>>
        %dma_wait3A_996 = arith.constant 0 : i32
        %dma_wait3A_997 = arith.constant 0 : i32
        %dma_wait3A_998 = tpu.memref_slice %arg6[%dma_wait3A_987, %dma_wait3A_988, %dma_wait3A_996, %dma_wait3A_997] : memref<6x8x16x128xf32, #tpu.memory_space<vmem>> -> memref<1x1x16x128xf32, #tpu.memory_space<vmem>>
        %dma_wait3A_999 = tpu.memref_squeeze %dma_wait3A_998 : memref<1x1x16x128xf32, #tpu.memory_space<vmem>> -> memref<16x128xf32, #tpu.memory_space<vmem>>
        %dma_wait3A_1000 = arith.constant 0 : i32
        %dma_wait3A_1001 = arith.constant 0 : i32
        %dma_wait3A_1002 = tpu.memref_slice %arg2[%dma_wait3A_1000, %dma_wait3A_1001] : memref<16x1000000xf32, #tpu.memory_space<hbm>> -> memref<16x128xf32, #tpu.memory_space<hbm>>
        tpu.wait_dma2 semaphore(%arg10 : memref<!tpu.dma_semaphore, #tpu.memory_space<semaphore_mem>>) src(%dma_wait3A_1002 : memref<16x128xf32, #tpu.memory_space<hbm>>) dst(%dma_wait3A_999 : memref<16x128xf32, #tpu.memory_space<vmem>>)
        %dma_wait3A_1003 = arith.constant 2 : i32
        %dma_wait3A_1004 = arith.constant 6 : i32
        %dma_wait3A_1005 = arith.constant 0 : i32
        %dma_wait3A_1006 = arith.constant 0 : i32
        %dma_wait3A_1007 = tpu.memref_slice %arg6[%dma_wait3A_1003, %dma_wait3A_1004, %dma_wait3A_1005, %dma_wait3A_1006] : memref<6x8x16x128xf32, #tpu.memory_space<vmem>> -> memref<1x1x16x128xf32, #tpu.memory_space<vmem>>
        %dma_wait3A_1008 = tpu.memref_squeeze %dma_wait3A_1007 : memref<1x1x16x128xf32, #tpu.memory_space<vmem>> -> memref<16x128xf32, #tpu.memory_space<vmem>>
        %dma_wait3A_1009 = arith.constant 0 : i32
        %dma_wait3A_1010 = arith.constant 0 : i32
        %dma_wait3A_1011 = tpu.memref_slice %arg2[%dma_wait3A_1009, %dma_wait3A_1010] : memref<16x1000000xf32, #tpu.memory_space<hbm>> -> memref<16x128xf32, #tpu.memory_space<hbm>>
        %dma_wait3A_1012 = arith.constant 0 : i32
        %dma_wait3A_1013 = arith.constant 0 : i32
        %dma_wait3A_1014 = tpu.memref_slice %arg6[%dma_wait3A_1003, %dma_wait3A_1004, %dma_wait3A_1012, %dma_wait3A_1013] : memref<6x8x16x128xf32, #tpu.memory_space<vmem>> -> memref<1x1x16x128xf32, #tpu.memory_space<vmem>>
        %dma_wait3A_1015 = tpu.memref_squeeze %dma_wait3A_1014 : memref<1x1x16x128xf32, #tpu.memory_space<vmem>> -> memref<16x128xf32, #tpu.memory_space<vmem>>
        %dma_wait3A_1016 = arith.constant 0 : i32
        %dma_wait3A_1017 = arith.constant 0 : i32
        %dma_wait3A_1018 = tpu.memref_slice %arg2[%dma_wait3A_1016, %dma_wait3A_1017] : memref<16x1000000xf32, #tpu.memory_space<hbm>> -> memref<16x128xf32, #tpu.memory_space<hbm>>
        tpu.wait_dma2 semaphore(%arg10 : memref<!tpu.dma_semaphore, #tpu.memory_space<semaphore_mem>>) src(%dma_wait3A_1018 : memref<16x128xf32, #tpu.memory_space<hbm>>) dst(%dma_wait3A_1015 : memref<16x128xf32, #tpu.memory_space<vmem>>)
        %dma_wait3A_1019 = arith.constant 2 : i32
        %dma_wait3A_1020 = arith.constant 7 : i32
        %dma_wait3A_1021 = arith.constant 0 : i32
        %dma_wait3A_1022 = arith.constant 0 : i32
        %dma_wait3A_1023 = tpu.memref_slice %arg6[%dma_wait3A_1019, %dma_wait3A_1020, %dma_wait3A_1021, %dma_wait3A_1022] : memref<6x8x16x128xf32, #tpu.memory_space<vmem>> -> memref<1x1x16x128xf32, #tpu.memory_space<vmem>>
        %dma_wait3A_1024 = tpu.memref_squeeze %dma_wait3A_1023 : memref<1x1x16x128xf32, #tpu.memory_space<vmem>> -> memref<16x128xf32, #tpu.memory_space<vmem>>
        %dma_wait3A_1025 = arith.constant 0 : i32
        %dma_wait3A_1026 = arith.constant 0 : i32
        %dma_wait3A_1027 = tpu.memref_slice %arg2[%dma_wait3A_1025, %dma_wait3A_1026] : memref<16x1000000xf32, #tpu.memory_space<hbm>> -> memref<16x128xf32, #tpu.memory_space<hbm>>
        %dma_wait3A_1028 = arith.constant 0 : i32
        %dma_wait3A_1029 = arith.constant 0 : i32
        %dma_wait3A_1030 = tpu.memref_slice %arg6[%dma_wait3A_1019, %dma_wait3A_1020, %dma_wait3A_1028, %dma_wait3A_1029] : memref<6x8x16x128xf32, #tpu.memory_space<vmem>> -> memref<1x1x16x128xf32, #tpu.memory_space<vmem>>
        %dma_wait3A_1031 = tpu.memref_squeeze %dma_wait3A_1030 : memref<1x1x16x128xf32, #tpu.memory_space<vmem>> -> memref<16x128xf32, #tpu.memory_space<vmem>>
        %dma_wait3A_1032 = arith.constant 0 : i32
        %dma_wait3A_1033 = arith.constant 0 : i32
        %dma_wait3A_1034 = tpu.memref_slice %arg2[%dma_wait3A_1032, %dma_wait3A_1033] : memref<16x1000000xf32, #tpu.memory_space<hbm>> -> memref<16x128xf32, #tpu.memory_space<hbm>>
        tpu.wait_dma2 semaphore(%arg10 : memref<!tpu.dma_semaphore, #tpu.memory_space<semaphore_mem>>) src(%dma_wait3A_1034 : memref<16x128xf32, #tpu.memory_space<hbm>>) dst(%dma_wait3A_1031 : memref<16x128xf32, #tpu.memory_space<vmem>>)
        %mul3A_1035 = arith.constant 8 : i32
        %mul3A_1036 = arith.muli %scan3A_781, %mul3A_1035 : i32
        %multiple_of3A_1037 = tpu.assume_multiple %mul3A_1036, 8 : i32
        %get3A_1038 = arith.index_cast %multiple_of3A_1037 : i32 to index
        %get3A_1039 = tpu.vector_load %arg5[%get3A_1038] {strides = array<i32>} : memref<528xi32, #tpu.memory_space<vmem>>, vector<16xi32>,
        %and3A_1040 = arith.constant 127 : i32
        %and3A_1041 = vector.broadcast %and3A_1040 : i32 to vector<16xi32>
        %and3A_1042 = arith.andi %get3A_1039, %and3A_1041 : vector<16xi32>
        %slice3A_1043 = vector.extract_strided_slice %and3A_1042 {offsets = [0], sizes = [1], strides = [1]} : vector<16xi32> to vector<1xi32>
        %squeeze3A_1044 = vector.extract %slice3A_1043[0] : i32 from vector<1xi32>
        %broadcast_in_dim3A = vector.broadcast %squeeze3A_1044 : i32 to vector<16xi32>
        %gather3A = arith.constant 2 : i32
        %gather3A_1045 = arith.constant 0 : i32
        %gather3A_1046 = arith.constant 0 : i32
        %gather3A_1047 = arith.constant 0 : i32
        %gather3A_1048 = tpu.memref_slice %arg6[%gather3A, %gather3A_1045, %gather3A_1046, %gather3A_1047] : memref<6x8x16x128xf32, #tpu.memory_space<vmem>> -> memref<1x1x16x128xf32, #tpu.memory_space<vmem>>
        %gather3A_1049 = tpu.memref_squeeze %gather3A_1048 : memref<1x1x16x128xf32, #tpu.memory_space<vmem>> -> memref<16x128xf32, #tpu.memory_space<vmem>>
        %gather3A_1050 = tpu.vector_load_idx %gather3A_1049[%iota3A, %broadcast_in_dim3A] : memref<16x128xf32, #tpu.memory_space<vmem>>[vector<16xi32>, vector<16xi32>], vector<16xf32>,
        %add3A_1051 = arith.constant 0 : i32
        %add3A_1052 = arith.addi %multiple_of3A_1037, %add3A_1051 : i32
        %broadcast_in_dim3A_1053 = vector.broadcast %add3A_1052 : i32 to vector<16xi32>
        tpu.vector_store_idx %arg7[%iota3A, %broadcast_in_dim3A_1053], %gather3A_1050 : memref<16x512xf32, #tpu.memory_space<vmem>>[vector<16xi32>, vector<16xi32>], vector<16xf32>,
        %slice3A_1054 = vector.extract_strided_slice %and3A_1042 {offsets = [1], sizes = [1], strides = [1]} : vector<16xi32> to vector<1xi32>
        %squeeze3A_1055 = vector.extract %slice3A_1054[0] : i32 from vector<1xi32>
        %broadcast_in_dim3A_1056 = vector.broadcast %squeeze3A_1055 : i32 to vector<16xi32>
        %gather3A_1057 = arith.constant 2 : i32
        %gather3A_1058 = arith.constant 1 : i32
        %gather3A_1059 = arith.constant 0 : i32
        %gather3A_1060 = arith.constant 0 : i32
        %gather3A_1061 = tpu.memref_slice %arg6[%gather3A_1057, %gather3A_1058, %gather3A_1059, %gather3A_1060] : memref<6x8x16x128xf32, #tpu.memory_space<vmem>> -> memref<1x1x16x128xf32, #tpu.memory_space<vmem>>
        %gather3A_1062 = tpu.memref_squeeze %gather3A_1061 : memref<1x1x16x128xf32, #tpu.memory_space<vmem>> -> memref<16x128xf32, #tpu.memory_space<vmem>>
        %gather3A_1063 = tpu.vector_load_idx %gather3A_1062[%iota3A, %broadcast_in_dim3A_1056] : memref<16x128xf32, #tpu.memory_space<vmem>>[vector<16xi32>, vector<16xi32>], vector<16xf32>,
        %add3A_1064 = arith.constant 1 : i32
        %add3A_1065 = arith.addi %multiple_of3A_1037, %add3A_1064 : i32
        %broadcast_in_dim3A_1066 = vector.broadcast %add3A_1065 : i32 to vector<16xi32>
        tpu.vector_store_idx %arg7[%iota3A, %broadcast_in_dim3A_1066], %gather3A_1063 : memref<16x512xf32, #tpu.memory_space<vmem>>[vector<16xi32>, vector<16xi32>], vector<16xf32>,
        %slice3A_1067 = vector.extract_strided_slice %and3A_1042 {offsets = [2], sizes = [1], strides = [1]} : vector<16xi32> to vector<1xi32>
        %squeeze3A_1068 = vector.extract %slice3A_1067[0] : i32 from vector<1xi32>
        %broadcast_in_dim3A_1069 = vector.broadcast %squeeze3A_1068 : i32 to vector<16xi32>
        %gather3A_1070 = arith.constant 2 : i32
        %gather3A_1071 = arith.constant 2 : i32
        %gather3A_1072 = arith.constant 0 : i32
        %gather3A_1073 = arith.constant 0 : i32
        %gather3A_1074 = tpu.memref_slice %arg6[%gather3A_1070, %gather3A_1071, %gather3A_1072, %gather3A_1073] : memref<6x8x16x128xf32, #tpu.memory_space<vmem>> -> memref<1x1x16x128xf32, #tpu.memory_space<vmem>>
        %gather3A_1075 = tpu.memref_squeeze %gather3A_1074 : memref<1x1x16x128xf32, #tpu.memory_space<vmem>> -> memref<16x128xf32, #tpu.memory_space<vmem>>
        %gather3A_1076 = tpu.vector_load_idx %gather3A_1075[%iota3A, %broadcast_in_dim3A_1069] : memref<16x128xf32, #tpu.memory_space<vmem>>[vector<16xi32>, vector<16xi32>], vector<16xf32>,
        %add3A_1077 = arith.constant 2 : i32
        %add3A_1078 = arith.addi %multiple_of3A_1037, %add3A_1077 : i32
        %broadcast_in_dim3A_1079 = vector.broadcast %add3A_1078 : i32 to vector<16xi32>
        tpu.vector_store_idx %arg7[%iota3A, %broadcast_in_dim3A_1079], %gather3A_1076 : memref<16x512xf32, #tpu.memory_space<vmem>>[vector<16xi32>, vector<16xi32>], vector<16xf32>,
        %slice3A_1080 = vector.extract_strided_slice %and3A_1042 {offsets = [3], sizes = [1], strides = [1]} : vector<16xi32> to vector<1xi32>
        %squeeze3A_1081 = vector.extract %slice3A_1080[0] : i32 from vector<1xi32>
        %broadcast_in_dim3A_1082 = vector.broadcast %squeeze3A_1081 : i32 to vector<16xi32>
        %gather3A_1083 = arith.constant 2 : i32
        %gather3A_1084 = arith.constant 3 : i32
        %gather3A_1085 = arith.constant 0 : i32
        %gather3A_1086 = arith.constant 0 : i32
        %gather3A_1087 = tpu.memref_slice %arg6[%gather3A_1083, %gather3A_1084, %gather3A_1085, %gather3A_1086] : memref<6x8x16x128xf32, #tpu.memory_space<vmem>> -> memref<1x1x16x128xf32, #tpu.memory_space<vmem>>
        %gather3A_1088 = tpu.memref_squeeze %gather3A_1087 : memref<1x1x16x128xf32, #tpu.memory_space<vmem>> -> memref<16x128xf32, #tpu.memory_space<vmem>>
        %gather3A_1089 = tpu.vector_load_idx %gather3A_1088[%iota3A, %broadcast_in_dim3A_1082] : memref<16x128xf32, #tpu.memory_space<vmem>>[vector<16xi32>, vector<16xi32>], vector<16xf32>,
        %add3A_1090 = arith.constant 3 : i32
        %add3A_1091 = arith.addi %multiple_of3A_1037, %add3A_1090 : i32
        %broadcast_in_dim3A_1092 = vector.broadcast %add3A_1091 : i32 to vector<16xi32>
        tpu.vector_store_idx %arg7[%iota3A, %broadcast_in_dim3A_1092], %gather3A_1089 : memref<16x512xf32, #tpu.memory_space<vmem>>[vector<16xi32>, vector<16xi32>], vector<16xf32>,
        %slice3A_1093 = vector.extract_strided_slice %and3A_1042 {offsets = [4], sizes = [1], strides = [1]} : vector<16xi32> to vector<1xi32>
        %squeeze3A_1094 = vector.extract %slice3A_1093[0] : i32 from vector<1xi32>
        %broadcast_in_dim3A_1095 = vector.broadcast %squeeze3A_1094 : i32 to vector<16xi32>
        %gather3A_1096 = arith.constant 2 : i32
        %gather3A_1097 = arith.constant 4 : i32
        %gather3A_1098 = arith.constant 0 : i32
        %gather3A_1099 = arith.constant 0 : i32
        %gather3A_1100 = tpu.memref_slice %arg6[%gather3A_1096, %gather3A_1097, %gather3A_1098, %gather3A_1099] : memref<6x8x16x128xf32, #tpu.memory_space<vmem>> -> memref<1x1x16x128xf32, #tpu.memory_space<vmem>>
        %gather3A_1101 = tpu.memref_squeeze %gather3A_1100 : memref<1x1x16x128xf32, #tpu.memory_space<vmem>> -> memref<16x128xf32, #tpu.memory_space<vmem>>
        %gather3A_1102 = tpu.vector_load_idx %gather3A_1101[%iota3A, %broadcast_in_dim3A_1095] : memref<16x128xf32, #tpu.memory_space<vmem>>[vector<16xi32>, vector<16xi32>], vector<16xf32>,
        %add3A_1103 = arith.constant 4 : i32
        %add3A_1104 = arith.addi %multiple_of3A_1037, %add3A_1103 : i32
        %broadcast_in_dim3A_1105 = vector.broadcast %add3A_1104 : i32 to vector<16xi32>
        tpu.vector_store_idx %arg7[%iota3A, %broadcast_in_dim3A_1105], %gather3A_1102 : memref<16x512xf32, #tpu.memory_space<vmem>>[vector<16xi32>, vector<16xi32>], vector<16xf32>,
        %slice3A_1106 = vector.extract_strided_slice %and3A_1042 {offsets = [5], sizes = [1], strides = [1]} : vector<16xi32> to vector<1xi32>
        %squeeze3A_1107 = vector.extract %slice3A_1106[0] : i32 from vector<1xi32>
        %broadcast_in_dim3A_1108 = vector.broadcast %squeeze3A_1107 : i32 to vector<16xi32>
        %gather3A_1109 = arith.constant 2 : i32
        %gather3A_1110 = arith.constant 5 : i32
        %gather3A_1111 = arith.constant 0 : i32
        %gather3A_1112 = arith.constant 0 : i32
        %gather3A_1113 = tpu.memref_slice %arg6[%gather3A_1109, %gather3A_1110, %gather3A_1111, %gather3A_1112] : memref<6x8x16x128xf32, #tpu.memory_space<vmem>> -> memref<1x1x16x128xf32, #tpu.memory_space<vmem>>
        %gather3A_1114 = tpu.memref_squeeze %gather3A_1113 : memref<1x1x16x128xf32, #tpu.memory_space<vmem>> -> memref<16x128xf32, #tpu.memory_space<vmem>>
        %gather3A_1115 = tpu.vector_load_idx %gather3A_1114[%iota3A, %broadcast_in_dim3A_1108] : memref<16x128xf32, #tpu.memory_space<vmem>>[vector<16xi32>, vector<16xi32>], vector<16xf32>,
        %add3A_1116 = arith.constant 5 : i32
        %add3A_1117 = arith.addi %multiple_of3A_1037, %add3A_1116 : i32
        %broadcast_in_dim3A_1118 = vector.broadcast %add3A_1117 : i32 to vector<16xi32>
        tpu.vector_store_idx %arg7[%iota3A, %broadcast_in_dim3A_1118], %gather3A_1115 : memref<16x512xf32, #tpu.memory_space<vmem>>[vector<16xi32>, vector<16xi32>], vector<16xf32>,
        %slice3A_1119 = vector.extract_strided_slice %and3A_1042 {offsets = [6], sizes = [1], strides = [1]} : vector<16xi32> to vector<1xi32>
        %squeeze3A_1120 = vector.extract %slice3A_1119[0] : i32 from vector<1xi32>
        %broadcast_in_dim3A_1121 = vector.broadcast %squeeze3A_1120 : i32 to vector<16xi32>
        %gather3A_1122 = arith.constant 2 : i32
        %gather3A_1123 = arith.constant 6 : i32
        %gather3A_1124 = arith.constant 0 : i32
        %gather3A_1125 = arith.constant 0 : i32
        %gather3A_1126 = tpu.memref_slice %arg6[%gather3A_1122, %gather3A_1123, %gather3A_1124, %gather3A_1125] : memref<6x8x16x128xf32, #tpu.memory_space<vmem>> -> memref<1x1x16x128xf32, #tpu.memory_space<vmem>>
        %gather3A_1127 = tpu.memref_squeeze %gather3A_1126 : memref<1x1x16x128xf32, #tpu.memory_space<vmem>> -> memref<16x128xf32, #tpu.memory_space<vmem>>
        %gather3A_1128 = tpu.vector_load_idx %gather3A_1127[%iota3A, %broadcast_in_dim3A_1121] : memref<16x128xf32, #tpu.memory_space<vmem>>[vector<16xi32>, vector<16xi32>], vector<16xf32>,
        %add3A_1129 = arith.constant 6 : i32
        %add3A_1130 = arith.addi %multiple_of3A_1037, %add3A_1129 : i32
        %broadcast_in_dim3A_1131 = vector.broadcast %add3A_1130 : i32 to vector<16xi32>
        tpu.vector_store_idx %arg7[%iota3A, %broadcast_in_dim3A_1131], %gather3A_1128 : memref<16x512xf32, #tpu.memory_space<vmem>>[vector<16xi32>, vector<16xi32>], vector<16xf32>,
        %slice3A_1132 = vector.extract_strided_slice %and3A_1042 {offsets = [7], sizes = [1], strides = [1]} : vector<16xi32> to vector<1xi32>
        %squeeze3A_1133 = vector.extract %slice3A_1132[0] : i32 from vector<1xi32>
        %broadcast_in_dim3A_1134 = vector.broadcast %squeeze3A_1133 : i32 to vector<16xi32>
        %gather3A_1135 = arith.constant 2 : i32
        %gather3A_1136 = arith.constant 7 : i32
        %gather3A_1137 = arith.constant 0 : i32
        %gather3A_1138 = arith.constant 0 : i32
        %gather3A_1139 = tpu.memref_slice %arg6[%gather3A_1135, %gather3A_1136, %gather3A_1137, %gather3A_1138] : memref<6x8x16x128xf32, #tpu.memory_space<vmem>> -> memref<1x1x16x128xf32, #tpu.memory_space<vmem>>
        %gather3A_1140 = tpu.memref_squeeze %gather3A_1139 : memref<1x1x16x128xf32, #tpu.memory_space<vmem>> -> memref<16x128xf32, #tpu.memory_space<vmem>>
        %gather3A_1141 = tpu.vector_load_idx %gather3A_1140[%iota3A, %broadcast_in_dim3A_1134] : memref<16x128xf32, #tpu.memory_space<vmem>>[vector<16xi32>, vector<16xi32>], vector<16xf32>,
        %add3A_1142 = arith.constant 7 : i32
        %add3A_1143 = arith.addi %multiple_of3A_1037, %add3A_1142 : i32
        %broadcast_in_dim3A_1144 = vector.broadcast %add3A_1143 : i32 to vector<16xi32>
        tpu.vector_store_idx %arg7[%iota3A, %broadcast_in_dim3A_1144], %gather3A_1141 : memref<16x512xf32, #tpu.memory_space<vmem>>[vector<16xi32>, vector<16xi32>], vector<16xf32>,
      } else {
      }
      %jit3A_837 = arith.constant 6 : i32
      %eq3A_838 = arith.constant 0 : i32
      %eq3A_839 = arith.cmpi eq, %jit3A_837, %eq3A_838 : i32
      %jit3A_840 = arith.constant 1 : i32
      %select_n3A_841 = arith.select %eq3A_839, %jit3A_840, %jit3A_837 : i32
      %rem3A_842 = arith.remsi %scan3A_781, %select_n3A_841 : i32
      %ne3A_843 = arith.constant 0 : i32
      %ne3A_844 = arith.cmpi ne, %rem3A_842, %ne3A_843 : i32
      %lt3A_845 = arith.constant 0 : i32
      %lt3A_846 = arith.cmpi slt, %rem3A_842, %lt3A_845 : i32
      %lt3A_847 = arith.constant 0 : i32
      %lt3A_848 = arith.cmpi slt, %select_n3A_841, %lt3A_847 : i32
      %ne3A_849 = arith.xori %lt3A_846, %lt3A_848 : i1
      %and3A_850 = arith.andi %ne3A_849, %ne3A_844 : i1
      %add3A_851 = arith.addi %rem3A_842, %select_n3A_841 : i32
      %select_n3A_852 = arith.select %and3A_850, %add3A_851, %rem3A_842 : i32
      %eq3A_853 = arith.constant 3 : i32
      %eq3A_854 = arith.cmpi eq, %select_n3A_852, %eq3A_853 : i32
      %convert_element_type3A_855 = arith.extui %eq3A_854 : i1 to i32
      %cond3A_856 = arith.constant 0 : i32
      %cond3A_857 = arith.cmpi ne, %convert_element_type3A_855, %cond3A_856 : i32
      scf.if %cond3A_857 {
        %add3A_900 = arith.constant 6 : i32
        %add3A_901 = arith.addi %scan3A_781, %add3A_900 : i32
        %sub3A = arith.constant 1 : i32
        %sub3A_902 = arith.subi %add3A_901, %sub3A : i32
        %lt3A_903 = arith.constant 64 : i32
        %lt3A_904 = arith.cmpi slt, %sub3A_902, %lt3A_903 : i32
        %convert_element_type3A_905 = arith.extui %lt3A_904 : i1 to i32
        %cond3A_906 = arith.constant 0 : i32
        %cond3A_907 = arith.cmpi ne, %convert_element_type3A_905, %cond3A_906 : i32
        scf.if %cond3A_907 {
          %add3A_1145 = arith.constant 6 : i32
          %add3A_1146 = arith.addi %scan3A_781, %add3A_1145 : i32
          %sub3A_1147 = arith.constant 1 : i32
          %sub3A_1148 = arith.subi %add3A_1146, %sub3A_1147 : i32
          %mul3A_1149 = arith.constant 8 : i32
          %mul3A_1150 = arith.muli %sub3A_1148, %mul3A_1149 : i32
          %multiple_of3A_1151 = tpu.assume_multiple %mul3A_1150, 8 : i32
          %get3A_1152 = arith.index_cast %multiple_of3A_1151 : i32 to index
          %get3A_1153 = tpu.vector_load %arg5[%get3A_1152] {strides = array<i32>} : memref<528xi32, #tpu.memory_space<vmem>>, vector<16xi32>,
          %slice3A_1154 = vector.extract_strided_slice %get3A_1153 {offsets = [0], sizes = [1], strides = [1]} : vector<16xi32> to vector<1xi32>
          %squeeze3A_1155 = vector.extract %slice3A_1154[0] : i32 from vector<1xi32>
          %and3A_1156 = arith.constant -128 : i32
          %and3A_1157 = arith.andi %squeeze3A_1155, %and3A_1156 : i32
          %multiple_of3A_1158 = tpu.assume_multiple %and3A_1157, 128 : i32
          %dma_start3A_1159 = arith.constant 2 : i32
          %dma_start3A_1160 = arith.constant 0 : i32
          %dma_start3A_1161 = arith.constant 0 : i32
          %dma_start3A_1162 = arith.constant 0 : i32
          %dma_start3A_1163 = tpu.memref_slice %arg6[%dma_start3A_1159, %dma_start3A_1160, %dma_start3A_1161, %dma_start3A_1162] : memref<6x8x16x128xf32, #tpu.memory_space<vmem>> -> memref<1x1x16x128xf32, #tpu.memory_space<vmem>>
          %dma_start3A_1164 = tpu.memref_squeeze %dma_start3A_1163 : memref<1x1x16x128xf32, #tpu.memory_space<vmem>> -> memref<16x128xf32, #tpu.memory_space<vmem>>
          %dma_start3A_1165 = arith.constant 0 : i32
          %dma_start3A_1166 = tpu.memref_slice %arg2[%dma_start3A_1165, %multiple_of3A_1158] : memref<16x1000000xf32, #tpu.memory_space<hbm>> -> memref<16x128xf32, #tpu.memory_space<hbm>>
          %dma_start3A_1167 = arith.constant 0 : i32
          %dma_start3A_1168 = arith.constant 0 : i32
          %dma_start3A_1169 = tpu.memref_slice %arg6[%dma_start3A_1159, %dma_start3A_1160, %dma_start3A_1167, %dma_start3A_1168] : memref<6x8x16x128xf32, #tpu.memory_space<vmem>> -> memref<1x1x16x128xf32, #tpu.memory_space<vmem>>
          %dma_start3A_1170 = tpu.memref_squeeze %dma_start3A_1169 : memref<1x1x16x128xf32, #tpu.memory_space<vmem>> -> memref<16x128xf32, #tpu.memory_space<vmem>>
          %dma_start3A_1171 = arith.constant 0 : i32
          %dma_start3A_1172 = tpu.memref_slice %arg2[%dma_start3A_1171, %multiple_of3A_1158] : memref<16x1000000xf32, #tpu.memory_space<hbm>> -> memref<16x128xf32, #tpu.memory_space<hbm>>
          tpu.enqueue_dma source(%dma_start3A_1172 : memref<16x128xf32, #tpu.memory_space<hbm>>) target(%dma_start3A_1170 : memref<16x128xf32, #tpu.memory_space<vmem>>) target_semaphore(%arg10 : memref<!tpu.dma_semaphore, #tpu.memory_space<semaphore_mem>>)
          %slice3A_1173 = vector.extract_strided_slice %get3A_1153 {offsets = [1], sizes = [1], strides = [1]} : vector<16xi32> to vector<1xi32>
          %squeeze3A_1174 = vector.extract %slice3A_1173[0] : i32 from vector<1xi32>
          %and3A_1175 = arith.constant -128 : i32
          %and3A_1176 = arith.andi %squeeze3A_1174, %and3A_1175 : i32
          %multiple_of3A_1177 = tpu.assume_multiple %and3A_1176, 128 : i32
          %dma_start3A_1178 = arith.constant 2 : i32
          %dma_start3A_1179 = arith.constant 1 : i32
          %dma_start3A_1180 = arith.constant 0 : i32
          %dma_start3A_1181 = arith.constant 0 : i32
          %dma_start3A_1182 = tpu.memref_slice %arg6[%dma_start3A_1178, %dma_start3A_1179, %dma_start3A_1180, %dma_start3A_1181] : memref<6x8x16x128xf32, #tpu.memory_space<vmem>> -> memref<1x1x16x128xf32, #tpu.memory_space<vmem>>
          %dma_start3A_1183 = tpu.memref_squeeze %dma_start3A_1182 : memref<1x1x16x128xf32, #tpu.memory_space<vmem>> -> memref<16x128xf32, #tpu.memory_space<vmem>>
          %dma_start3A_1184 = arith.constant 0 : i32
          %dma_start3A_1185 = tpu.memref_slice %arg2[%dma_start3A_1184, %multiple_of3A_1177] : memref<16x1000000xf32, #tpu.memory_space<hbm>> -> memref<16x128xf32, #tpu.memory_space<hbm>>
          %dma_start3A_1186 = arith.constant 0 : i32
          %dma_start3A_1187 = arith.constant 0 : i32
          %dma_start3A_1188 = tpu.memref_slice %arg6[%dma_start3A_1178, %dma_start3A_1179, %dma_start3A_1186, %dma_start3A_1187] : memref<6x8x16x128xf32, #tpu.memory_space<vmem>> -> memref<1x1x16x128xf32, #tpu.memory_space<vmem>>
          %dma_start3A_1189 = tpu.memref_squeeze %dma_start3A_1188 : memref<1x1x16x128xf32, #tpu.memory_space<vmem>> -> memref<16x128xf32, #tpu.memory_space<vmem>>
          %dma_start3A_1190 = arith.constant 0 : i32
          %dma_start3A_1191 = tpu.memref_slice %arg2[%dma_start3A_1190, %multiple_of3A_1177] : memref<16x1000000xf32, #tpu.memory_space<hbm>> -> memref<16x128xf32, #tpu.memory_space<hbm>>
          tpu.enqueue_dma source(%dma_start3A_1191 : memref<16x128xf32, #tpu.memory_space<hbm>>) target(%dma_start3A_1189 : memref<16x128xf32, #tpu.memory_space<vmem>>) target_semaphore(%arg10 : memref<!tpu.dma_semaphore, #tpu.memory_space<semaphore_mem>>)
          %slice3A_1192 = vector.extract_strided_slice %get3A_1153 {offsets = [2], sizes = [1], strides = [1]} : vector<16xi32> to vector<1xi32>
          %squeeze3A_1193 = vector.extract %slice3A_1192[0] : i32 from vector<1xi32>
          %and3A_1194 = arith.constant -128 : i32
          %and3A_1195 = arith.andi %squeeze3A_1193, %and3A_1194 : i32
          %multiple_of3A_1196 = tpu.assume_multiple %and3A_1195, 128 : i32
          %dma_start3A_1197 = arith.constant 2 : i32
          %dma_start3A_1198 = arith.constant 2 : i32
          %dma_start3A_1199 = arith.constant 0 : i32
          %dma_start3A_1200 = arith.constant 0 : i32
          %dma_start3A_1201 = tpu.memref_slice %arg6[%dma_start3A_1197, %dma_start3A_1198, %dma_start3A_1199, %dma_start3A_1200] : memref<6x8x16x128xf32, #tpu.memory_space<vmem>> -> memref<1x1x16x128xf32, #tpu.memory_space<vmem>>
          %dma_start3A_1202 = tpu.memref_squeeze %dma_start3A_1201 : memref<1x1x16x128xf32, #tpu.memory_space<vmem>> -> memref<16x128xf32, #tpu.memory_space<vmem>>
          %dma_start3A_1203 = arith.constant 0 : i32
          %dma_start3A_1204 = tpu.memref_slice %arg2[%dma_start3A_1203, %multiple_of3A_1196] : memref<16x1000000xf32, #tpu.memory_space<hbm>> -> memref<16x128xf32, #tpu.memory_space<hbm>>
          %dma_start3A_1205 = arith.constant 0 : i32
          %dma_start3A_1206 = arith.constant 0 : i32
          %dma_start3A_1207 = tpu.memref_slice %arg6[%dma_start3A_1197, %dma_start3A_1198, %dma_start3A_1205, %dma_start3A_1206] : memref<6x8x16x128xf32, #tpu.memory_space<vmem>> -> memref<1x1x16x128xf32, #tpu.memory_space<vmem>>
          %dma_start3A_1208 = tpu.memref_squeeze %dma_start3A_1207 : memref<1x1x16x128xf32, #tpu.memory_space<vmem>> -> memref<16x128xf32, #tpu.memory_space<vmem>>
          %dma_start3A_1209 = arith.constant 0 : i32
          %dma_start3A_1210 = tpu.memref_slice %arg2[%dma_start3A_1209, %multiple_of3A_1196] : memref<16x1000000xf32, #tpu.memory_space<hbm>> -> memref<16x128xf32, #tpu.memory_space<hbm>>
          tpu.enqueue_dma source(%dma_start3A_1210 : memref<16x128xf32, #tpu.memory_space<hbm>>) target(%dma_start3A_1208 : memref<16x128xf32, #tpu.memory_space<vmem>>) target_semaphore(%arg10 : memref<!tpu.dma_semaphore, #tpu.memory_space<semaphore_mem>>)
          %slice3A_1211 = vector.extract_strided_slice %get3A_1153 {offsets = [3], sizes = [1], strides = [1]} : vector<16xi32> to vector<1xi32>
          %squeeze3A_1212 = vector.extract %slice3A_1211[0] : i32 from vector<1xi32>
          %and3A_1213 = arith.constant -128 : i32
          %and3A_1214 = arith.andi %squeeze3A_1212, %and3A_1213 : i32
          %multiple_of3A_1215 = tpu.assume_multiple %and3A_1214, 128 : i32
          %dma_start3A_1216 = arith.constant 2 : i32
          %dma_start3A_1217 = arith.constant 3 : i32
          %dma_start3A_1218 = arith.constant 0 : i32
          %dma_start3A_1219 = arith.constant 0 : i32
          %dma_start3A_1220 = tpu.memref_slice %arg6[%dma_start3A_1216, %dma_start3A_1217, %dma_start3A_1218, %dma_start3A_1219] : memref<6x8x16x128xf32, #tpu.memory_space<vmem>> -> memref<1x1x16x128xf32, #tpu.memory_space<vmem>>
          %dma_start3A_1221 = tpu.memref_squeeze %dma_start3A_1220 : memref<1x1x16x128xf32, #tpu.memory_space<vmem>> -> memref<16x128xf32, #tpu.memory_space<vmem>>
          %dma_start3A_1222 = arith.constant 0 : i32
          %dma_start3A_1223 = tpu.memref_slice %arg2[%dma_start3A_1222, %multiple_of3A_1215] : memref<16x1000000xf32, #tpu.memory_space<hbm>> -> memref<16x128xf32, #tpu.memory_space<hbm>>
          %dma_start3A_1224 = arith.constant 0 : i32
          %dma_start3A_1225 = arith.constant 0 : i32
          %dma_start3A_1226 = tpu.memref_slice %arg6[%dma_start3A_1216, %dma_start3A_1217, %dma_start3A_1224, %dma_start3A_1225] : memref<6x8x16x128xf32, #tpu.memory_space<vmem>> -> memref<1x1x16x128xf32, #tpu.memory_space<vmem>>
          %dma_start3A_1227 = tpu.memref_squeeze %dma_start3A_1226 : memref<1x1x16x128xf32, #tpu.memory_space<vmem>> -> memref<16x128xf32, #tpu.memory_space<vmem>>
          %dma_start3A_1228 = arith.constant 0 : i32
          %dma_start3A_1229 = tpu.memref_slice %arg2[%dma_start3A_1228, %multiple_of3A_1215] : memref<16x1000000xf32, #tpu.memory_space<hbm>> -> memref<16x128xf32, #tpu.memory_space<hbm>>
          tpu.enqueue_dma source(%dma_start3A_1229 : memref<16x128xf32, #tpu.memory_space<hbm>>) target(%dma_start3A_1227 : memref<16x128xf32, #tpu.memory_space<vmem>>) target_semaphore(%arg10 : memref<!tpu.dma_semaphore, #tpu.memory_space<semaphore_mem>>)
          %slice3A_1230 = vector.extract_strided_slice %get3A_1153 {offsets = [4], sizes = [1], strides = [1]} : vector<16xi32> to vector<1xi32>
          %squeeze3A_1231 = vector.extract %slice3A_1230[0] : i32 from vector<1xi32>
          %and3A_1232 = arith.constant -128 : i32
          %and3A_1233 = arith.andi %squeeze3A_1231, %and3A_1232 : i32
          %multiple_of3A_1234 = tpu.assume_multiple %and3A_1233, 128 : i32
          %dma_start3A_1235 = arith.constant 2 : i32
          %dma_start3A_1236 = arith.constant 4 : i32
          %dma_start3A_1237 = arith.constant 0 : i32
          %dma_start3A_1238 = arith.constant 0 : i32
          %dma_start3A_1239 = tpu.memref_slice %arg6[%dma_start3A_1235, %dma_start3A_1236, %dma_start3A_1237, %dma_start3A_1238] : memref<6x8x16x128xf32, #tpu.memory_space<vmem>> -> memref<1x1x16x128xf32, #tpu.memory_space<vmem>>
          %dma_start3A_1240 = tpu.memref_squeeze %dma_start3A_1239 : memref<1x1x16x128xf32, #tpu.memory_space<vmem>> -> memref<16x128xf32, #tpu.memory_space<vmem>>
          %dma_start3A_1241 = arith.constant 0 : i32
          %dma_start3A_1242 = tpu.memref_slice %arg2[%dma_start3A_1241, %multiple_of3A_1234] : memref<16x1000000xf32, #tpu.memory_space<hbm>> -> memref<16x128xf32, #tpu.memory_space<hbm>>
          %dma_start3A_1243 = arith.constant 0 : i32
          %dma_start3A_1244 = arith.constant 0 : i32
          %dma_start3A_1245 = tpu.memref_slice %arg6[%dma_start3A_1235, %dma_start3A_1236, %dma_start3A_1243, %dma_start3A_1244] : memref<6x8x16x128xf32, #tpu.memory_space<vmem>> -> memref<1x1x16x128xf32, #tpu.memory_space<vmem>>
          %dma_start3A_1246 = tpu.memref_squeeze %dma_start3A_1245 : memref<1x1x16x128xf32, #tpu.memory_space<vmem>> -> memref<16x128xf32, #tpu.memory_space<vmem>>
          %dma_start3A_1247 = arith.constant 0 : i32
          %dma_start3A_1248 = tpu.memref_slice %arg2[%dma_start3A_1247, %multiple_of3A_1234] : memref<16x1000000xf32, #tpu.memory_space<hbm>> -> memref<16x128xf32, #tpu.memory_space<hbm>>
          tpu.enqueue_dma source(%dma_start3A_1248 : memref<16x128xf32, #tpu.memory_space<hbm>>) target(%dma_start3A_1246 : memref<16x128xf32, #tpu.memory_space<vmem>>) target_semaphore(%arg10 : memref<!tpu.dma_semaphore, #tpu.memory_space<semaphore_mem>>)
          %slice3A_1249 = vector.extract_strided_slice %get3A_1153 {offsets = [5], sizes = [1], strides = [1]} : vector<16xi32> to vector<1xi32>
          %squeeze3A_1250 = vector.extract %slice3A_1249[0] : i32 from vector<1xi32>
          %and3A_1251 = arith.constant -128 : i32
          %and3A_1252 = arith.andi %squeeze3A_1250, %and3A_1251 : i32
          %multiple_of3A_1253 = tpu.assume_multiple %and3A_1252, 128 : i32
          %dma_start3A_1254 = arith.constant 2 : i32
          %dma_start3A_1255 = arith.constant 5 : i32
          %dma_start3A_1256 = arith.constant 0 : i32
          %dma_start3A_1257 = arith.constant 0 : i32
          %dma_start3A_1258 = tpu.memref_slice %arg6[%dma_start3A_1254, %dma_start3A_1255, %dma_start3A_1256, %dma_start3A_1257] : memref<6x8x16x128xf32, #tpu.memory_space<vmem>> -> memref<1x1x16x128xf32, #tpu.memory_space<vmem>>
          %dma_start3A_1259 = tpu.memref_squeeze %dma_start3A_1258 : memref<1x1x16x128xf32, #tpu.memory_space<vmem>> -> memref<16x128xf32, #tpu.memory_space<vmem>>
          %dma_start3A_1260 = arith.constant 0 : i32
          %dma_start3A_1261 = tpu.memref_slice %arg2[%dma_start3A_1260, %multiple_of3A_1253] : memref<16x1000000xf32, #tpu.memory_space<hbm>> -> memref<16x128xf32, #tpu.memory_space<hbm>>
          %dma_start3A_1262 = arith.constant 0 : i32
          %dma_start3A_1263 = arith.constant 0 : i32
          %dma_start3A_1264 = tpu.memref_slice %arg6[%dma_start3A_1254, %dma_start3A_1255, %dma_start3A_1262, %dma_start3A_1263] : memref<6x8x16x128xf32, #tpu.memory_space<vmem>> -> memref<1x1x16x128xf32, #tpu.memory_space<vmem>>
          %dma_start3A_1265 = tpu.memref_squeeze %dma_start3A_1264 : memref<1x1x16x128xf32, #tpu.memory_space<vmem>> -> memref<16x128xf32, #tpu.memory_space<vmem>>
          %dma_start3A_1266 = arith.constant 0 : i32
          %dma_start3A_1267 = tpu.memref_slice %arg2[%dma_start3A_1266, %multiple_of3A_1253] : memref<16x1000000xf32, #tpu.memory_space<hbm>> -> memref<16x128xf32, #tpu.memory_space<hbm>>
          tpu.enqueue_dma source(%dma_start3A_1267 : memref<16x128xf32, #tpu.memory_space<hbm>>) target(%dma_start3A_1265 : memref<16x128xf32, #tpu.memory_space<vmem>>) target_semaphore(%arg10 : memref<!tpu.dma_semaphore, #tpu.memory_space<semaphore_mem>>)
          %slice3A_1268 = vector.extract_strided_slice %get3A_1153 {offsets = [6], sizes = [1], strides = [1]} : vector<16xi32> to vector<1xi32>
          %squeeze3A_1269 = vector.extract %slice3A_1268[0] : i32 from vector<1xi32>
          %and3A_1270 = arith.constant -128 : i32
          %and3A_1271 = arith.andi %squeeze3A_1269, %and3A_1270 : i32
          %multiple_of3A_1272 = tpu.assume_multiple %and3A_1271, 128 : i32
          %dma_start3A_1273 = arith.constant 2 : i32
          %dma_start3A_1274 = arith.constant 6 : i32
          %dma_start3A_1275 = arith.constant 0 : i32
          %dma_start3A_1276 = arith.constant 0 : i32
          %dma_start3A_1277 = tpu.memref_slice %arg6[%dma_start3A_1273, %dma_start3A_1274, %dma_start3A_1275, %dma_start3A_1276] : memref<6x8x16x128xf32, #tpu.memory_space<vmem>> -> memref<1x1x16x128xf32, #tpu.memory_space<vmem>>
          %dma_start3A_1278 = tpu.memref_squeeze %dma_start3A_1277 : memref<1x1x16x128xf32, #tpu.memory_space<vmem>> -> memref<16x128xf32, #tpu.memory_space<vmem>>
          %dma_start3A_1279 = arith.constant 0 : i32
          %dma_start3A_1280 = tpu.memref_slice %arg2[%dma_start3A_1279, %multiple_of3A_1272] : memref<16x1000000xf32, #tpu.memory_space<hbm>> -> memref<16x128xf32, #tpu.memory_space<hbm>>
          %dma_start3A_1281 = arith.constant 0 : i32
          %dma_start3A_1282 = arith.constant 0 : i32
          %dma_start3A_1283 = tpu.memref_slice %arg6[%dma_start3A_1273, %dma_start3A_1274, %dma_start3A_1281, %dma_start3A_1282] : memref<6x8x16x128xf32, #tpu.memory_space<vmem>> -> memref<1x1x16x128xf32, #tpu.memory_space<vmem>>
          %dma_start3A_1284 = tpu.memref_squeeze %dma_start3A_1283 : memref<1x1x16x128xf32, #tpu.memory_space<vmem>> -> memref<16x128xf32, #tpu.memory_space<vmem>>
          %dma_start3A_1285 = arith.constant 0 : i32
          %dma_start3A_1286 = tpu.memref_slice %arg2[%dma_start3A_1285, %multiple_of3A_1272] : memref<16x1000000xf32, #tpu.memory_space<hbm>> -> memref<16x128xf32, #tpu.memory_space<hbm>>
          tpu.enqueue_dma source(%dma_start3A_1286 : memref<16x128xf32, #tpu.memory_space<hbm>>) target(%dma_start3A_1284 : memref<16x128xf32, #tpu.memory_space<vmem>>) target_semaphore(%arg10 : memref<!tpu.dma_semaphore, #tpu.memory_space<semaphore_mem>>)
          %slice3A_1287 = vector.extract_strided_slice %get3A_1153 {offsets = [7], sizes = [1], strides = [1]} : vector<16xi32> to vector<1xi32>
          %squeeze3A_1288 = vector.extract %slice3A_1287[0] : i32 from vector<1xi32>
          %and3A_1289 = arith.constant -128 : i32
          %and3A_1290 = arith.andi %squeeze3A_1288, %and3A_1289 : i32
          %multiple_of3A_1291 = tpu.assume_multiple %and3A_1290, 128 : i32
          %dma_start3A_1292 = arith.constant 2 : i32
          %dma_start3A_1293 = arith.constant 7 : i32
          %dma_start3A_1294 = arith.constant 0 : i32
          %dma_start3A_1295 = arith.constant 0 : i32
          %dma_start3A_1296 = tpu.memref_slice %arg6[%dma_start3A_1292, %dma_start3A_1293, %dma_start3A_1294, %dma_start3A_1295] : memref<6x8x16x128xf32, #tpu.memory_space<vmem>> -> memref<1x1x16x128xf32, #tpu.memory_space<vmem>>
          %dma_start3A_1297 = tpu.memref_squeeze %dma_start3A_1296 : memref<1x1x16x128xf32, #tpu.memory_space<vmem>> -> memref<16x128xf32, #tpu.memory_space<vmem>>
          %dma_start3A_1298 = arith.constant 0 : i32
          %dma_start3A_1299 = tpu.memref_slice %arg2[%dma_start3A_1298, %multiple_of3A_1291] : memref<16x1000000xf32, #tpu.memory_space<hbm>> -> memref<16x128xf32, #tpu.memory_space<hbm>>
          %dma_start3A_1300 = arith.constant 0 : i32
          %dma_start3A_1301 = arith.constant 0 : i32
          %dma_start3A_1302 = tpu.memref_slice %arg6[%dma_start3A_1292, %dma_start3A_1293, %dma_start3A_1300, %dma_start3A_1301] : memref<6x8x16x128xf32, #tpu.memory_space<vmem>> -> memref<1x1x16x128xf32, #tpu.memory_space<vmem>>
          %dma_start3A_1303 = tpu.memref_squeeze %dma_start3A_1302 : memref<1x1x16x128xf32, #tpu.memory_space<vmem>> -> memref<16x128xf32, #tpu.memory_space<vmem>>
          %dma_start3A_1304 = arith.constant 0 : i32
          %dma_start3A_1305 = tpu.memref_slice %arg2[%dma_start3A_1304, %multiple_of3A_1291] : memref<16x1000000xf32, #tpu.memory_space<hbm>> -> memref<16x128xf32, #tpu.memory_space<hbm>>
          tpu.enqueue_dma source(%dma_start3A_1305 : memref<16x128xf32, #tpu.memory_space<hbm>>) target(%dma_start3A_1303 : memref<16x128xf32, #tpu.memory_space<vmem>>) target_semaphore(%arg10 : memref<!tpu.dma_semaphore, #tpu.memory_space<semaphore_mem>>)
        } else {
        }
        %dma_wait3A = arith.constant 3 : i32
        %dma_wait3A_908 = arith.constant 0 : i32
        %dma_wait3A_909 = arith.constant 0 : i32
        %dma_wait3A_910 = arith.constant 0 : i32
        %dma_wait3A_911 = tpu.memref_slice %arg6[%dma_wait3A, %dma_wait3A_908, %dma_wait3A_909, %dma_wait3A_910] : memref<6x8x16x128xf32, #tpu.memory_space<vmem>> -> memref<1x1x16x128xf32, #tpu.memory_space<vmem>>
        %dma_wait3A_912 = tpu.memref_squeeze %dma_wait3A_911 : memref<1x1x16x128xf32, #tpu.memory_space<vmem>> -> memref<16x128xf32, #tpu.memory_space<vmem>>
        %dma_wait3A_913 = arith.constant 0 : i32
        %dma_wait3A_914 = arith.constant 0 : i32
        %dma_wait3A_915 = tpu.memref_slice %arg2[%dma_wait3A_913, %dma_wait3A_914] : memref<16x1000000xf32, #tpu.memory_space<hbm>> -> memref<16x128xf32, #tpu.memory_space<hbm>>
        %dma_wait3A_916 = arith.constant 0 : i32
        %dma_wait3A_917 = arith.constant 0 : i32
        %dma_wait3A_918 = tpu.memref_slice %arg6[%dma_wait3A, %dma_wait3A_908, %dma_wait3A_916, %dma_wait3A_917] : memref<6x8x16x128xf32, #tpu.memory_space<vmem>> -> memref<1x1x16x128xf32, #tpu.memory_space<vmem>>
        %dma_wait3A_919 = tpu.memref_squeeze %dma_wait3A_918 : memref<1x1x16x128xf32, #tpu.memory_space<vmem>> -> memref<16x128xf32, #tpu.memory_space<vmem>>
        %dma_wait3A_920 = arith.constant 0 : i32
        %dma_wait3A_921 = arith.constant 0 : i32
        %dma_wait3A_922 = tpu.memref_slice %arg2[%dma_wait3A_920, %dma_wait3A_921] : memref<16x1000000xf32, #tpu.memory_space<hbm>> -> memref<16x128xf32, #tpu.memory_space<hbm>>
        tpu.wait_dma2 semaphore(%arg11 : memref<!tpu.dma_semaphore, #tpu.memory_space<semaphore_mem>>) src(%dma_wait3A_922 : memref<16x128xf32, #tpu.memory_space<hbm>>) dst(%dma_wait3A_919 : memref<16x128xf32, #tpu.memory_space<vmem>>)
        %dma_wait3A_923 = arith.constant 3 : i32
        %dma_wait3A_924 = arith.constant 1 : i32
        %dma_wait3A_925 = arith.constant 0 : i32
        %dma_wait3A_926 = arith.constant 0 : i32
        %dma_wait3A_927 = tpu.memref_slice %arg6[%dma_wait3A_923, %dma_wait3A_924, %dma_wait3A_925, %dma_wait3A_926] : memref<6x8x16x128xf32, #tpu.memory_space<vmem>> -> memref<1x1x16x128xf32, #tpu.memory_space<vmem>>
        %dma_wait3A_928 = tpu.memref_squeeze %dma_wait3A_927 : memref<1x1x16x128xf32, #tpu.memory_space<vmem>> -> memref<16x128xf32, #tpu.memory_space<vmem>>
        %dma_wait3A_929 = arith.constant 0 : i32
        %dma_wait3A_930 = arith.constant 0 : i32
        %dma_wait3A_931 = tpu.memref_slice %arg2[%dma_wait3A_929, %dma_wait3A_930] : memref<16x1000000xf32, #tpu.memory_space<hbm>> -> memref<16x128xf32, #tpu.memory_space<hbm>>
        %dma_wait3A_932 = arith.constant 0 : i32
        %dma_wait3A_933 = arith.constant 0 : i32
        %dma_wait3A_934 = tpu.memref_slice %arg6[%dma_wait3A_923, %dma_wait3A_924, %dma_wait3A_932, %dma_wait3A_933] : memref<6x8x16x128xf32, #tpu.memory_space<vmem>> -> memref<1x1x16x128xf32, #tpu.memory_space<vmem>>
        %dma_wait3A_935 = tpu.memref_squeeze %dma_wait3A_934 : memref<1x1x16x128xf32, #tpu.memory_space<vmem>> -> memref<16x128xf32, #tpu.memory_space<vmem>>
        %dma_wait3A_936 = arith.constant 0 : i32
        %dma_wait3A_937 = arith.constant 0 : i32
        %dma_wait3A_938 = tpu.memref_slice %arg2[%dma_wait3A_936, %dma_wait3A_937] : memref<16x1000000xf32, #tpu.memory_space<hbm>> -> memref<16x128xf32, #tpu.memory_space<hbm>>
        tpu.wait_dma2 semaphore(%arg11 : memref<!tpu.dma_semaphore, #tpu.memory_space<semaphore_mem>>) src(%dma_wait3A_938 : memref<16x128xf32, #tpu.memory_space<hbm>>) dst(%dma_wait3A_935 : memref<16x128xf32, #tpu.memory_space<vmem>>)
        %dma_wait3A_939 = arith.constant 3 : i32
        %dma_wait3A_940 = arith.constant 2 : i32
        %dma_wait3A_941 = arith.constant 0 : i32
        %dma_wait3A_942 = arith.constant 0 : i32
        %dma_wait3A_943 = tpu.memref_slice %arg6[%dma_wait3A_939, %dma_wait3A_940, %dma_wait3A_941, %dma_wait3A_942] : memref<6x8x16x128xf32, #tpu.memory_space<vmem>> -> memref<1x1x16x128xf32, #tpu.memory_space<vmem>>
        %dma_wait3A_944 = tpu.memref_squeeze %dma_wait3A_943 : memref<1x1x16x128xf32, #tpu.memory_space<vmem>> -> memref<16x128xf32, #tpu.memory_space<vmem>>
        %dma_wait3A_945 = arith.constant 0 : i32
        %dma_wait3A_946 = arith.constant 0 : i32
        %dma_wait3A_947 = tpu.memref_slice %arg2[%dma_wait3A_945, %dma_wait3A_946] : memref<16x1000000xf32, #tpu.memory_space<hbm>> -> memref<16x128xf32, #tpu.memory_space<hbm>>
        %dma_wait3A_948 = arith.constant 0 : i32
        %dma_wait3A_949 = arith.constant 0 : i32
        %dma_wait3A_950 = tpu.memref_slice %arg6[%dma_wait3A_939, %dma_wait3A_940, %dma_wait3A_948, %dma_wait3A_949] : memref<6x8x16x128xf32, #tpu.memory_space<vmem>> -> memref<1x1x16x128xf32, #tpu.memory_space<vmem>>
        %dma_wait3A_951 = tpu.memref_squeeze %dma_wait3A_950 : memref<1x1x16x128xf32, #tpu.memory_space<vmem>> -> memref<16x128xf32, #tpu.memory_space<vmem>>
        %dma_wait3A_952 = arith.constant 0 : i32
        %dma_wait3A_953 = arith.constant 0 : i32
        %dma_wait3A_954 = tpu.memref_slice %arg2[%dma_wait3A_952, %dma_wait3A_953] : memref<16x1000000xf32, #tpu.memory_space<hbm>> -> memref<16x128xf32, #tpu.memory_space<hbm>>
        tpu.wait_dma2 semaphore(%arg11 : memref<!tpu.dma_semaphore, #tpu.memory_space<semaphore_mem>>) src(%dma_wait3A_954 : memref<16x128xf32, #tpu.memory_space<hbm>>) dst(%dma_wait3A_951 : memref<16x128xf32, #tpu.memory_space<vmem>>)
        %dma_wait3A_955 = arith.constant 3 : i32
        %dma_wait3A_956 = arith.constant 3 : i32
        %dma_wait3A_957 = arith.constant 0 : i32
        %dma_wait3A_958 = arith.constant 0 : i32
        %dma_wait3A_959 = tpu.memref_slice %arg6[%dma_wait3A_955, %dma_wait3A_956, %dma_wait3A_957, %dma_wait3A_958] : memref<6x8x16x128xf32, #tpu.memory_space<vmem>> -> memref<1x1x16x128xf32, #tpu.memory_space<vmem>>
        %dma_wait3A_960 = tpu.memref_squeeze %dma_wait3A_959 : memref<1x1x16x128xf32, #tpu.memory_space<vmem>> -> memref<16x128xf32, #tpu.memory_space<vmem>>
        %dma_wait3A_961 = arith.constant 0 : i32
        %dma_wait3A_962 = arith.constant 0 : i32
        %dma_wait3A_963 = tpu.memref_slice %arg2[%dma_wait3A_961, %dma_wait3A_962] : memref<16x1000000xf32, #tpu.memory_space<hbm>> -> memref<16x128xf32, #tpu.memory_space<hbm>>
        %dma_wait3A_964 = arith.constant 0 : i32
        %dma_wait3A_965 = arith.constant 0 : i32
        %dma_wait3A_966 = tpu.memref_slice %arg6[%dma_wait3A_955, %dma_wait3A_956, %dma_wait3A_964, %dma_wait3A_965] : memref<6x8x16x128xf32, #tpu.memory_space<vmem>> -> memref<1x1x16x128xf32, #tpu.memory_space<vmem>>
        %dma_wait3A_967 = tpu.memref_squeeze %dma_wait3A_966 : memref<1x1x16x128xf32, #tpu.memory_space<vmem>> -> memref<16x128xf32, #tpu.memory_space<vmem>>
        %dma_wait3A_968 = arith.constant 0 : i32
        %dma_wait3A_969 = arith.constant 0 : i32
        %dma_wait3A_970 = tpu.memref_slice %arg2[%dma_wait3A_968, %dma_wait3A_969] : memref<16x1000000xf32, #tpu.memory_space<hbm>> -> memref<16x128xf32, #tpu.memory_space<hbm>>
        tpu.wait_dma2 semaphore(%arg11 : memref<!tpu.dma_semaphore, #tpu.memory_space<semaphore_mem>>) src(%dma_wait3A_970 : memref<16x128xf32, #tpu.memory_space<hbm>>) dst(%dma_wait3A_967 : memref<16x128xf32, #tpu.memory_space<vmem>>)
        %dma_wait3A_971 = arith.constant 3 : i32
        %dma_wait3A_972 = arith.constant 4 : i32
        %dma_wait3A_973 = arith.constant 0 : i32
        %dma_wait3A_974 = arith.constant 0 : i32
        %dma_wait3A_975 = tpu.memref_slice %arg6[%dma_wait3A_971, %dma_wait3A_972, %dma_wait3A_973, %dma_wait3A_974] : memref<6x8x16x128xf32, #tpu.memory_space<vmem>> -> memref<1x1x16x128xf32, #tpu.memory_space<vmem>>
        %dma_wait3A_976 = tpu.memref_squeeze %dma_wait3A_975 : memref<1x1x16x128xf32, #tpu.memory_space<vmem>> -> memref<16x128xf32, #tpu.memory_space<vmem>>
        %dma_wait3A_977 = arith.constant 0 : i32
        %dma_wait3A_978 = arith.constant 0 : i32
        %dma_wait3A_979 = tpu.memref_slice %arg2[%dma_wait3A_977, %dma_wait3A_978] : memref<16x1000000xf32, #tpu.memory_space<hbm>> -> memref<16x128xf32, #tpu.memory_space<hbm>>
        %dma_wait3A_980 = arith.constant 0 : i32
        %dma_wait3A_981 = arith.constant 0 : i32
        %dma_wait3A_982 = tpu.memref_slice %arg6[%dma_wait3A_971, %dma_wait3A_972, %dma_wait3A_980, %dma_wait3A_981] : memref<6x8x16x128xf32, #tpu.memory_space<vmem>> -> memref<1x1x16x128xf32, #tpu.memory_space<vmem>>
        %dma_wait3A_983 = tpu.memref_squeeze %dma_wait3A_982 : memref<1x1x16x128xf32, #tpu.memory_space<vmem>> -> memref<16x128xf32, #tpu.memory_space<vmem>>
        %dma_wait3A_984 = arith.constant 0 : i32
        %dma_wait3A_985 = arith.constant 0 : i32
        %dma_wait3A_986 = tpu.memref_slice %arg2[%dma_wait3A_984, %dma_wait3A_985] : memref<16x1000000xf32, #tpu.memory_space<hbm>> -> memref<16x128xf32, #tpu.memory_space<hbm>>
        tpu.wait_dma2 semaphore(%arg11 : memref<!tpu.dma_semaphore, #tpu.memory_space<semaphore_mem>>) src(%dma_wait3A_986 : memref<16x128xf32, #tpu.memory_space<hbm>>) dst(%dma_wait3A_983 : memref<16x128xf32, #tpu.memory_space<vmem>>)
        %dma_wait3A_987 = arith.constant 3 : i32
        %dma_wait3A_988 = arith.constant 5 : i32
        %dma_wait3A_989 = arith.constant 0 : i32
        %dma_wait3A_990 = arith.constant 0 : i32
        %dma_wait3A_991 = tpu.memref_slice %arg6[%dma_wait3A_987, %dma_wait3A_988, %dma_wait3A_989, %dma_wait3A_990] : memref<6x8x16x128xf32, #tpu.memory_space<vmem>> -> memref<1x1x16x128xf32, #tpu.memory_space<vmem>>
        %dma_wait3A_992 = tpu.memref_squeeze %dma_wait3A_991 : memref<1x1x16x128xf32, #tpu.memory_space<vmem>> -> memref<16x128xf32, #tpu.memory_space<vmem>>
        %dma_wait3A_993 = arith.constant 0 : i32
        %dma_wait3A_994 = arith.constant 0 : i32
        %dma_wait3A_995 = tpu.memref_slice %arg2[%dma_wait3A_993, %dma_wait3A_994] : memref<16x1000000xf32, #tpu.memory_space<hbm>> -> memref<16x128xf32, #tpu.memory_space<hbm>>
        %dma_wait3A_996 = arith.constant 0 : i32
        %dma_wait3A_997 = arith.constant 0 : i32
        %dma_wait3A_998 = tpu.memref_slice %arg6[%dma_wait3A_987, %dma_wait3A_988, %dma_wait3A_996, %dma_wait3A_997] : memref<6x8x16x128xf32, #tpu.memory_space<vmem>> -> memref<1x1x16x128xf32, #tpu.memory_space<vmem>>
        %dma_wait3A_999 = tpu.memref_squeeze %dma_wait3A_998 : memref<1x1x16x128xf32, #tpu.memory_space<vmem>> -> memref<16x128xf32, #tpu.memory_space<vmem>>
        %dma_wait3A_1000 = arith.constant 0 : i32
        %dma_wait3A_1001 = arith.constant 0 : i32
        %dma_wait3A_1002 = tpu.memref_slice %arg2[%dma_wait3A_1000, %dma_wait3A_1001] : memref<16x1000000xf32, #tpu.memory_space<hbm>> -> memref<16x128xf32, #tpu.memory_space<hbm>>
        tpu.wait_dma2 semaphore(%arg11 : memref<!tpu.dma_semaphore, #tpu.memory_space<semaphore_mem>>) src(%dma_wait3A_1002 : memref<16x128xf32, #tpu.memory_space<hbm>>) dst(%dma_wait3A_999 : memref<16x128xf32, #tpu.memory_space<vmem>>)
        %dma_wait3A_1003 = arith.constant 3 : i32
        %dma_wait3A_1004 = arith.constant 6 : i32
        %dma_wait3A_1005 = arith.constant 0 : i32
        %dma_wait3A_1006 = arith.constant 0 : i32
        %dma_wait3A_1007 = tpu.memref_slice %arg6[%dma_wait3A_1003, %dma_wait3A_1004, %dma_wait3A_1005, %dma_wait3A_1006] : memref<6x8x16x128xf32, #tpu.memory_space<vmem>> -> memref<1x1x16x128xf32, #tpu.memory_space<vmem>>
        %dma_wait3A_1008 = tpu.memref_squeeze %dma_wait3A_1007 : memref<1x1x16x128xf32, #tpu.memory_space<vmem>> -> memref<16x128xf32, #tpu.memory_space<vmem>>
        %dma_wait3A_1009 = arith.constant 0 : i32
        %dma_wait3A_1010 = arith.constant 0 : i32
        %dma_wait3A_1011 = tpu.memref_slice %arg2[%dma_wait3A_1009, %dma_wait3A_1010] : memref<16x1000000xf32, #tpu.memory_space<hbm>> -> memref<16x128xf32, #tpu.memory_space<hbm>>
        %dma_wait3A_1012 = arith.constant 0 : i32
        %dma_wait3A_1013 = arith.constant 0 : i32
        %dma_wait3A_1014 = tpu.memref_slice %arg6[%dma_wait3A_1003, %dma_wait3A_1004, %dma_wait3A_1012, %dma_wait3A_1013] : memref<6x8x16x128xf32, #tpu.memory_space<vmem>> -> memref<1x1x16x128xf32, #tpu.memory_space<vmem>>
        %dma_wait3A_1015 = tpu.memref_squeeze %dma_wait3A_1014 : memref<1x1x16x128xf32, #tpu.memory_space<vmem>> -> memref<16x128xf32, #tpu.memory_space<vmem>>
        %dma_wait3A_1016 = arith.constant 0 : i32
        %dma_wait3A_1017 = arith.constant 0 : i32
        %dma_wait3A_1018 = tpu.memref_slice %arg2[%dma_wait3A_1016, %dma_wait3A_1017] : memref<16x1000000xf32, #tpu.memory_space<hbm>> -> memref<16x128xf32, #tpu.memory_space<hbm>>
        tpu.wait_dma2 semaphore(%arg11 : memref<!tpu.dma_semaphore, #tpu.memory_space<semaphore_mem>>) src(%dma_wait3A_1018 : memref<16x128xf32, #tpu.memory_space<hbm>>) dst(%dma_wait3A_1015 : memref<16x128xf32, #tpu.memory_space<vmem>>)
        %dma_wait3A_1019 = arith.constant 3 : i32
        %dma_wait3A_1020 = arith.constant 7 : i32
        %dma_wait3A_1021 = arith.constant 0 : i32
        %dma_wait3A_1022 = arith.constant 0 : i32
        %dma_wait3A_1023 = tpu.memref_slice %arg6[%dma_wait3A_1019, %dma_wait3A_1020, %dma_wait3A_1021, %dma_wait3A_1022] : memref<6x8x16x128xf32, #tpu.memory_space<vmem>> -> memref<1x1x16x128xf32, #tpu.memory_space<vmem>>
        %dma_wait3A_1024 = tpu.memref_squeeze %dma_wait3A_1023 : memref<1x1x16x128xf32, #tpu.memory_space<vmem>> -> memref<16x128xf32, #tpu.memory_space<vmem>>
        %dma_wait3A_1025 = arith.constant 0 : i32
        %dma_wait3A_1026 = arith.constant 0 : i32
        %dma_wait3A_1027 = tpu.memref_slice %arg2[%dma_wait3A_1025, %dma_wait3A_1026] : memref<16x1000000xf32, #tpu.memory_space<hbm>> -> memref<16x128xf32, #tpu.memory_space<hbm>>
        %dma_wait3A_1028 = arith.constant 0 : i32
        %dma_wait3A_1029 = arith.constant 0 : i32
        %dma_wait3A_1030 = tpu.memref_slice %arg6[%dma_wait3A_1019, %dma_wait3A_1020, %dma_wait3A_1028, %dma_wait3A_1029] : memref<6x8x16x128xf32, #tpu.memory_space<vmem>> -> memref<1x1x16x128xf32, #tpu.memory_space<vmem>>
        %dma_wait3A_1031 = tpu.memref_squeeze %dma_wait3A_1030 : memref<1x1x16x128xf32, #tpu.memory_space<vmem>> -> memref<16x128xf32, #tpu.memory_space<vmem>>
        %dma_wait3A_1032 = arith.constant 0 : i32
        %dma_wait3A_1033 = arith.constant 0 : i32
        %dma_wait3A_1034 = tpu.memref_slice %arg2[%dma_wait3A_1032, %dma_wait3A_1033] : memref<16x1000000xf32, #tpu.memory_space<hbm>> -> memref<16x128xf32, #tpu.memory_space<hbm>>
        tpu.wait_dma2 semaphore(%arg11 : memref<!tpu.dma_semaphore, #tpu.memory_space<semaphore_mem>>) src(%dma_wait3A_1034 : memref<16x128xf32, #tpu.memory_space<hbm>>) dst(%dma_wait3A_1031 : memref<16x128xf32, #tpu.memory_space<vmem>>)
        %mul3A_1035 = arith.constant 8 : i32
        %mul3A_1036 = arith.muli %scan3A_781, %mul3A_1035 : i32
        %multiple_of3A_1037 = tpu.assume_multiple %mul3A_1036, 8 : i32
        %get3A_1038 = arith.index_cast %multiple_of3A_1037 : i32 to index
        %get3A_1039 = tpu.vector_load %arg5[%get3A_1038] {strides = array<i32>} : memref<528xi32, #tpu.memory_space<vmem>>, vector<16xi32>,
        %and3A_1040 = arith.constant 127 : i32
        %and3A_1041 = vector.broadcast %and3A_1040 : i32 to vector<16xi32>
        %and3A_1042 = arith.andi %get3A_1039, %and3A_1041 : vector<16xi32>
        %slice3A_1043 = vector.extract_strided_slice %and3A_1042 {offsets = [0], sizes = [1], strides = [1]} : vector<16xi32> to vector<1xi32>
        %squeeze3A_1044 = vector.extract %slice3A_1043[0] : i32 from vector<1xi32>
        %broadcast_in_dim3A = vector.broadcast %squeeze3A_1044 : i32 to vector<16xi32>
        %gather3A = arith.constant 3 : i32
        %gather3A_1045 = arith.constant 0 : i32
        %gather3A_1046 = arith.constant 0 : i32
        %gather3A_1047 = arith.constant 0 : i32
        %gather3A_1048 = tpu.memref_slice %arg6[%gather3A, %gather3A_1045, %gather3A_1046, %gather3A_1047] : memref<6x8x16x128xf32, #tpu.memory_space<vmem>> -> memref<1x1x16x128xf32, #tpu.memory_space<vmem>>
        %gather3A_1049 = tpu.memref_squeeze %gather3A_1048 : memref<1x1x16x128xf32, #tpu.memory_space<vmem>> -> memref<16x128xf32, #tpu.memory_space<vmem>>
        %gather3A_1050 = tpu.vector_load_idx %gather3A_1049[%iota3A, %broadcast_in_dim3A] : memref<16x128xf32, #tpu.memory_space<vmem>>[vector<16xi32>, vector<16xi32>], vector<16xf32>,
        %add3A_1051 = arith.constant 0 : i32
        %add3A_1052 = arith.addi %multiple_of3A_1037, %add3A_1051 : i32
        %broadcast_in_dim3A_1053 = vector.broadcast %add3A_1052 : i32 to vector<16xi32>
        tpu.vector_store_idx %arg7[%iota3A, %broadcast_in_dim3A_1053], %gather3A_1050 : memref<16x512xf32, #tpu.memory_space<vmem>>[vector<16xi32>, vector<16xi32>], vector<16xf32>,
        %slice3A_1054 = vector.extract_strided_slice %and3A_1042 {offsets = [1], sizes = [1], strides = [1]} : vector<16xi32> to vector<1xi32>
        %squeeze3A_1055 = vector.extract %slice3A_1054[0] : i32 from vector<1xi32>
        %broadcast_in_dim3A_1056 = vector.broadcast %squeeze3A_1055 : i32 to vector<16xi32>
        %gather3A_1057 = arith.constant 3 : i32
        %gather3A_1058 = arith.constant 1 : i32
        %gather3A_1059 = arith.constant 0 : i32
        %gather3A_1060 = arith.constant 0 : i32
        %gather3A_1061 = tpu.memref_slice %arg6[%gather3A_1057, %gather3A_1058, %gather3A_1059, %gather3A_1060] : memref<6x8x16x128xf32, #tpu.memory_space<vmem>> -> memref<1x1x16x128xf32, #tpu.memory_space<vmem>>
        %gather3A_1062 = tpu.memref_squeeze %gather3A_1061 : memref<1x1x16x128xf32, #tpu.memory_space<vmem>> -> memref<16x128xf32, #tpu.memory_space<vmem>>
        %gather3A_1063 = tpu.vector_load_idx %gather3A_1062[%iota3A, %broadcast_in_dim3A_1056] : memref<16x128xf32, #tpu.memory_space<vmem>>[vector<16xi32>, vector<16xi32>], vector<16xf32>,
        %add3A_1064 = arith.constant 1 : i32
        %add3A_1065 = arith.addi %multiple_of3A_1037, %add3A_1064 : i32
        %broadcast_in_dim3A_1066 = vector.broadcast %add3A_1065 : i32 to vector<16xi32>
        tpu.vector_store_idx %arg7[%iota3A, %broadcast_in_dim3A_1066], %gather3A_1063 : memref<16x512xf32, #tpu.memory_space<vmem>>[vector<16xi32>, vector<16xi32>], vector<16xf32>,
        %slice3A_1067 = vector.extract_strided_slice %and3A_1042 {offsets = [2], sizes = [1], strides = [1]} : vector<16xi32> to vector<1xi32>
        %squeeze3A_1068 = vector.extract %slice3A_1067[0] : i32 from vector<1xi32>
        %broadcast_in_dim3A_1069 = vector.broadcast %squeeze3A_1068 : i32 to vector<16xi32>
        %gather3A_1070 = arith.constant 3 : i32
        %gather3A_1071 = arith.constant 2 : i32
        %gather3A_1072 = arith.constant 0 : i32
        %gather3A_1073 = arith.constant 0 : i32
        %gather3A_1074 = tpu.memref_slice %arg6[%gather3A_1070, %gather3A_1071, %gather3A_1072, %gather3A_1073] : memref<6x8x16x128xf32, #tpu.memory_space<vmem>> -> memref<1x1x16x128xf32, #tpu.memory_space<vmem>>
        %gather3A_1075 = tpu.memref_squeeze %gather3A_1074 : memref<1x1x16x128xf32, #tpu.memory_space<vmem>> -> memref<16x128xf32, #tpu.memory_space<vmem>>
        %gather3A_1076 = tpu.vector_load_idx %gather3A_1075[%iota3A, %broadcast_in_dim3A_1069] : memref<16x128xf32, #tpu.memory_space<vmem>>[vector<16xi32>, vector<16xi32>], vector<16xf32>,
        %add3A_1077 = arith.constant 2 : i32
        %add3A_1078 = arith.addi %multiple_of3A_1037, %add3A_1077 : i32
        %broadcast_in_dim3A_1079 = vector.broadcast %add3A_1078 : i32 to vector<16xi32>
        tpu.vector_store_idx %arg7[%iota3A, %broadcast_in_dim3A_1079], %gather3A_1076 : memref<16x512xf32, #tpu.memory_space<vmem>>[vector<16xi32>, vector<16xi32>], vector<16xf32>,
        %slice3A_1080 = vector.extract_strided_slice %and3A_1042 {offsets = [3], sizes = [1], strides = [1]} : vector<16xi32> to vector<1xi32>
        %squeeze3A_1081 = vector.extract %slice3A_1080[0] : i32 from vector<1xi32>
        %broadcast_in_dim3A_1082 = vector.broadcast %squeeze3A_1081 : i32 to vector<16xi32>
        %gather3A_1083 = arith.constant 3 : i32
        %gather3A_1084 = arith.constant 3 : i32
        %gather3A_1085 = arith.constant 0 : i32
        %gather3A_1086 = arith.constant 0 : i32
        %gather3A_1087 = tpu.memref_slice %arg6[%gather3A_1083, %gather3A_1084, %gather3A_1085, %gather3A_1086] : memref<6x8x16x128xf32, #tpu.memory_space<vmem>> -> memref<1x1x16x128xf32, #tpu.memory_space<vmem>>
        %gather3A_1088 = tpu.memref_squeeze %gather3A_1087 : memref<1x1x16x128xf32, #tpu.memory_space<vmem>> -> memref<16x128xf32, #tpu.memory_space<vmem>>
        %gather3A_1089 = tpu.vector_load_idx %gather3A_1088[%iota3A, %broadcast_in_dim3A_1082] : memref<16x128xf32, #tpu.memory_space<vmem>>[vector<16xi32>, vector<16xi32>], vector<16xf32>,
        %add3A_1090 = arith.constant 3 : i32
        %add3A_1091 = arith.addi %multiple_of3A_1037, %add3A_1090 : i32
        %broadcast_in_dim3A_1092 = vector.broadcast %add3A_1091 : i32 to vector<16xi32>
        tpu.vector_store_idx %arg7[%iota3A, %broadcast_in_dim3A_1092], %gather3A_1089 : memref<16x512xf32, #tpu.memory_space<vmem>>[vector<16xi32>, vector<16xi32>], vector<16xf32>,
        %slice3A_1093 = vector.extract_strided_slice %and3A_1042 {offsets = [4], sizes = [1], strides = [1]} : vector<16xi32> to vector<1xi32>
        %squeeze3A_1094 = vector.extract %slice3A_1093[0] : i32 from vector<1xi32>
        %broadcast_in_dim3A_1095 = vector.broadcast %squeeze3A_1094 : i32 to vector<16xi32>
        %gather3A_1096 = arith.constant 3 : i32
        %gather3A_1097 = arith.constant 4 : i32
        %gather3A_1098 = arith.constant 0 : i32
        %gather3A_1099 = arith.constant 0 : i32
        %gather3A_1100 = tpu.memref_slice %arg6[%gather3A_1096, %gather3A_1097, %gather3A_1098, %gather3A_1099] : memref<6x8x16x128xf32, #tpu.memory_space<vmem>> -> memref<1x1x16x128xf32, #tpu.memory_space<vmem>>
        %gather3A_1101 = tpu.memref_squeeze %gather3A_1100 : memref<1x1x16x128xf32, #tpu.memory_space<vmem>> -> memref<16x128xf32, #tpu.memory_space<vmem>>
        %gather3A_1102 = tpu.vector_load_idx %gather3A_1101[%iota3A, %broadcast_in_dim3A_1095] : memref<16x128xf32, #tpu.memory_space<vmem>>[vector<16xi32>, vector<16xi32>], vector<16xf32>,
        %add3A_1103 = arith.constant 4 : i32
        %add3A_1104 = arith.addi %multiple_of3A_1037, %add3A_1103 : i32
        %broadcast_in_dim3A_1105 = vector.broadcast %add3A_1104 : i32 to vector<16xi32>
        tpu.vector_store_idx %arg7[%iota3A, %broadcast_in_dim3A_1105], %gather3A_1102 : memref<16x512xf32, #tpu.memory_space<vmem>>[vector<16xi32>, vector<16xi32>], vector<16xf32>,
        %slice3A_1106 = vector.extract_strided_slice %and3A_1042 {offsets = [5], sizes = [1], strides = [1]} : vector<16xi32> to vector<1xi32>
        %squeeze3A_1107 = vector.extract %slice3A_1106[0] : i32 from vector<1xi32>
        %broadcast_in_dim3A_1108 = vector.broadcast %squeeze3A_1107 : i32 to vector<16xi32>
        %gather3A_1109 = arith.constant 3 : i32
        %gather3A_1110 = arith.constant 5 : i32
        %gather3A_1111 = arith.constant 0 : i32
        %gather3A_1112 = arith.constant 0 : i32
        %gather3A_1113 = tpu.memref_slice %arg6[%gather3A_1109, %gather3A_1110, %gather3A_1111, %gather3A_1112] : memref<6x8x16x128xf32, #tpu.memory_space<vmem>> -> memref<1x1x16x128xf32, #tpu.memory_space<vmem>>
        %gather3A_1114 = tpu.memref_squeeze %gather3A_1113 : memref<1x1x16x128xf32, #tpu.memory_space<vmem>> -> memref<16x128xf32, #tpu.memory_space<vmem>>
        %gather3A_1115 = tpu.vector_load_idx %gather3A_1114[%iota3A, %broadcast_in_dim3A_1108] : memref<16x128xf32, #tpu.memory_space<vmem>>[vector<16xi32>, vector<16xi32>], vector<16xf32>,
        %add3A_1116 = arith.constant 5 : i32
        %add3A_1117 = arith.addi %multiple_of3A_1037, %add3A_1116 : i32
        %broadcast_in_dim3A_1118 = vector.broadcast %add3A_1117 : i32 to vector<16xi32>
        tpu.vector_store_idx %arg7[%iota3A, %broadcast_in_dim3A_1118], %gather3A_1115 : memref<16x512xf32, #tpu.memory_space<vmem>>[vector<16xi32>, vector<16xi32>], vector<16xf32>,
        %slice3A_1119 = vector.extract_strided_slice %and3A_1042 {offsets = [6], sizes = [1], strides = [1]} : vector<16xi32> to vector<1xi32>
        %squeeze3A_1120 = vector.extract %slice3A_1119[0] : i32 from vector<1xi32>
        %broadcast_in_dim3A_1121 = vector.broadcast %squeeze3A_1120 : i32 to vector<16xi32>
        %gather3A_1122 = arith.constant 3 : i32
        %gather3A_1123 = arith.constant 6 : i32
        %gather3A_1124 = arith.constant 0 : i32
        %gather3A_1125 = arith.constant 0 : i32
        %gather3A_1126 = tpu.memref_slice %arg6[%gather3A_1122, %gather3A_1123, %gather3A_1124, %gather3A_1125] : memref<6x8x16x128xf32, #tpu.memory_space<vmem>> -> memref<1x1x16x128xf32, #tpu.memory_space<vmem>>
        %gather3A_1127 = tpu.memref_squeeze %gather3A_1126 : memref<1x1x16x128xf32, #tpu.memory_space<vmem>> -> memref<16x128xf32, #tpu.memory_space<vmem>>
        %gather3A_1128 = tpu.vector_load_idx %gather3A_1127[%iota3A, %broadcast_in_dim3A_1121] : memref<16x128xf32, #tpu.memory_space<vmem>>[vector<16xi32>, vector<16xi32>], vector<16xf32>,
        %add3A_1129 = arith.constant 6 : i32
        %add3A_1130 = arith.addi %multiple_of3A_1037, %add3A_1129 : i32
        %broadcast_in_dim3A_1131 = vector.broadcast %add3A_1130 : i32 to vector<16xi32>
        tpu.vector_store_idx %arg7[%iota3A, %broadcast_in_dim3A_1131], %gather3A_1128 : memref<16x512xf32, #tpu.memory_space<vmem>>[vector<16xi32>, vector<16xi32>], vector<16xf32>,
        %slice3A_1132 = vector.extract_strided_slice %and3A_1042 {offsets = [7], sizes = [1], strides = [1]} : vector<16xi32> to vector<1xi32>
        %squeeze3A_1133 = vector.extract %slice3A_1132[0] : i32 from vector<1xi32>
        %broadcast_in_dim3A_1134 = vector.broadcast %squeeze3A_1133 : i32 to vector<16xi32>
        %gather3A_1135 = arith.constant 3 : i32
        %gather3A_1136 = arith.constant 7 : i32
        %gather3A_1137 = arith.constant 0 : i32
        %gather3A_1138 = arith.constant 0 : i32
        %gather3A_1139 = tpu.memref_slice %arg6[%gather3A_1135, %gather3A_1136, %gather3A_1137, %gather3A_1138] : memref<6x8x16x128xf32, #tpu.memory_space<vmem>> -> memref<1x1x16x128xf32, #tpu.memory_space<vmem>>
        %gather3A_1140 = tpu.memref_squeeze %gather3A_1139 : memref<1x1x16x128xf32, #tpu.memory_space<vmem>> -> memref<16x128xf32, #tpu.memory_space<vmem>>
        %gather3A_1141 = tpu.vector_load_idx %gather3A_1140[%iota3A, %broadcast_in_dim3A_1134] : memref<16x128xf32, #tpu.memory_space<vmem>>[vector<16xi32>, vector<16xi32>], vector<16xf32>,
        %add3A_1142 = arith.constant 7 : i32
        %add3A_1143 = arith.addi %multiple_of3A_1037, %add3A_1142 : i32
        %broadcast_in_dim3A_1144 = vector.broadcast %add3A_1143 : i32 to vector<16xi32>
        tpu.vector_store_idx %arg7[%iota3A, %broadcast_in_dim3A_1144], %gather3A_1141 : memref<16x512xf32, #tpu.memory_space<vmem>>[vector<16xi32>, vector<16xi32>], vector<16xf32>,
      } else {
      }
      %jit3A_858 = arith.constant 6 : i32
      %eq3A_859 = arith.constant 0 : i32
      %eq3A_860 = arith.cmpi eq, %jit3A_858, %eq3A_859 : i32
      %jit3A_861 = arith.constant 1 : i32
      %select_n3A_862 = arith.select %eq3A_860, %jit3A_861, %jit3A_858 : i32
      %rem3A_863 = arith.remsi %scan3A_781, %select_n3A_862 : i32
      %ne3A_864 = arith.constant 0 : i32
      %ne3A_865 = arith.cmpi ne, %rem3A_863, %ne3A_864 : i32
      %lt3A_866 = arith.constant 0 : i32
      %lt3A_867 = arith.cmpi slt, %rem3A_863, %lt3A_866 : i32
      %lt3A_868 = arith.constant 0 : i32
      %lt3A_869 = arith.cmpi slt, %select_n3A_862, %lt3A_868 : i32
      %ne3A_870 = arith.xori %lt3A_867, %lt3A_869 : i1
      %and3A_871 = arith.andi %ne3A_870, %ne3A_865 : i1
      %add3A_872 = arith.addi %rem3A_863, %select_n3A_862 : i32
      %select_n3A_873 = arith.select %and3A_871, %add3A_872, %rem3A_863 : i32
      %eq3A_874 = arith.constant 4 : i32
      %eq3A_875 = arith.cmpi eq, %select_n3A_873, %eq3A_874 : i32
      %convert_element_type3A_876 = arith.extui %eq3A_875 : i1 to i32
      %cond3A_877 = arith.constant 0 : i32
      %cond3A_878 = arith.cmpi ne, %convert_element_type3A_876, %cond3A_877 : i32
      scf.if %cond3A_878 {
        %add3A_900 = arith.constant 6 : i32
        %add3A_901 = arith.addi %scan3A_781, %add3A_900 : i32
        %sub3A = arith.constant 1 : i32
        %sub3A_902 = arith.subi %add3A_901, %sub3A : i32
        %lt3A_903 = arith.constant 64 : i32
        %lt3A_904 = arith.cmpi slt, %sub3A_902, %lt3A_903 : i32
        %convert_element_type3A_905 = arith.extui %lt3A_904 : i1 to i32
        %cond3A_906 = arith.constant 0 : i32
        %cond3A_907 = arith.cmpi ne, %convert_element_type3A_905, %cond3A_906 : i32
        scf.if %cond3A_907 {
          %add3A_1145 = arith.constant 6 : i32
          %add3A_1146 = arith.addi %scan3A_781, %add3A_1145 : i32
          %sub3A_1147 = arith.constant 1 : i32
          %sub3A_1148 = arith.subi %add3A_1146, %sub3A_1147 : i32
          %mul3A_1149 = arith.constant 8 : i32
          %mul3A_1150 = arith.muli %sub3A_1148, %mul3A_1149 : i32
          %multiple_of3A_1151 = tpu.assume_multiple %mul3A_1150, 8 : i32
          %get3A_1152 = arith.index_cast %multiple_of3A_1151 : i32 to index
          %get3A_1153 = tpu.vector_load %arg5[%get3A_1152] {strides = array<i32>} : memref<528xi32, #tpu.memory_space<vmem>>, vector<16xi32>,
          %slice3A_1154 = vector.extract_strided_slice %get3A_1153 {offsets = [0], sizes = [1], strides = [1]} : vector<16xi32> to vector<1xi32>
          %squeeze3A_1155 = vector.extract %slice3A_1154[0] : i32 from vector<1xi32>
          %and3A_1156 = arith.constant -128 : i32
          %and3A_1157 = arith.andi %squeeze3A_1155, %and3A_1156 : i32
          %multiple_of3A_1158 = tpu.assume_multiple %and3A_1157, 128 : i32
          %dma_start3A_1159 = arith.constant 3 : i32
          %dma_start3A_1160 = arith.constant 0 : i32
          %dma_start3A_1161 = arith.constant 0 : i32
          %dma_start3A_1162 = arith.constant 0 : i32
          %dma_start3A_1163 = tpu.memref_slice %arg6[%dma_start3A_1159, %dma_start3A_1160, %dma_start3A_1161, %dma_start3A_1162] : memref<6x8x16x128xf32, #tpu.memory_space<vmem>> -> memref<1x1x16x128xf32, #tpu.memory_space<vmem>>
          %dma_start3A_1164 = tpu.memref_squeeze %dma_start3A_1163 : memref<1x1x16x128xf32, #tpu.memory_space<vmem>> -> memref<16x128xf32, #tpu.memory_space<vmem>>
          %dma_start3A_1165 = arith.constant 0 : i32
          %dma_start3A_1166 = tpu.memref_slice %arg2[%dma_start3A_1165, %multiple_of3A_1158] : memref<16x1000000xf32, #tpu.memory_space<hbm>> -> memref<16x128xf32, #tpu.memory_space<hbm>>
          %dma_start3A_1167 = arith.constant 0 : i32
          %dma_start3A_1168 = arith.constant 0 : i32
          %dma_start3A_1169 = tpu.memref_slice %arg6[%dma_start3A_1159, %dma_start3A_1160, %dma_start3A_1167, %dma_start3A_1168] : memref<6x8x16x128xf32, #tpu.memory_space<vmem>> -> memref<1x1x16x128xf32, #tpu.memory_space<vmem>>
          %dma_start3A_1170 = tpu.memref_squeeze %dma_start3A_1169 : memref<1x1x16x128xf32, #tpu.memory_space<vmem>> -> memref<16x128xf32, #tpu.memory_space<vmem>>
          %dma_start3A_1171 = arith.constant 0 : i32
          %dma_start3A_1172 = tpu.memref_slice %arg2[%dma_start3A_1171, %multiple_of3A_1158] : memref<16x1000000xf32, #tpu.memory_space<hbm>> -> memref<16x128xf32, #tpu.memory_space<hbm>>
          tpu.enqueue_dma source(%dma_start3A_1172 : memref<16x128xf32, #tpu.memory_space<hbm>>) target(%dma_start3A_1170 : memref<16x128xf32, #tpu.memory_space<vmem>>) target_semaphore(%arg11 : memref<!tpu.dma_semaphore, #tpu.memory_space<semaphore_mem>>)
          %slice3A_1173 = vector.extract_strided_slice %get3A_1153 {offsets = [1], sizes = [1], strides = [1]} : vector<16xi32> to vector<1xi32>
          %squeeze3A_1174 = vector.extract %slice3A_1173[0] : i32 from vector<1xi32>
          %and3A_1175 = arith.constant -128 : i32
          %and3A_1176 = arith.andi %squeeze3A_1174, %and3A_1175 : i32
          %multiple_of3A_1177 = tpu.assume_multiple %and3A_1176, 128 : i32
          %dma_start3A_1178 = arith.constant 3 : i32
          %dma_start3A_1179 = arith.constant 1 : i32
          %dma_start3A_1180 = arith.constant 0 : i32
          %dma_start3A_1181 = arith.constant 0 : i32
          %dma_start3A_1182 = tpu.memref_slice %arg6[%dma_start3A_1178, %dma_start3A_1179, %dma_start3A_1180, %dma_start3A_1181] : memref<6x8x16x128xf32, #tpu.memory_space<vmem>> -> memref<1x1x16x128xf32, #tpu.memory_space<vmem>>
          %dma_start3A_1183 = tpu.memref_squeeze %dma_start3A_1182 : memref<1x1x16x128xf32, #tpu.memory_space<vmem>> -> memref<16x128xf32, #tpu.memory_space<vmem>>
          %dma_start3A_1184 = arith.constant 0 : i32
          %dma_start3A_1185 = tpu.memref_slice %arg2[%dma_start3A_1184, %multiple_of3A_1177] : memref<16x1000000xf32, #tpu.memory_space<hbm>> -> memref<16x128xf32, #tpu.memory_space<hbm>>
          %dma_start3A_1186 = arith.constant 0 : i32
          %dma_start3A_1187 = arith.constant 0 : i32
          %dma_start3A_1188 = tpu.memref_slice %arg6[%dma_start3A_1178, %dma_start3A_1179, %dma_start3A_1186, %dma_start3A_1187] : memref<6x8x16x128xf32, #tpu.memory_space<vmem>> -> memref<1x1x16x128xf32, #tpu.memory_space<vmem>>
          %dma_start3A_1189 = tpu.memref_squeeze %dma_start3A_1188 : memref<1x1x16x128xf32, #tpu.memory_space<vmem>> -> memref<16x128xf32, #tpu.memory_space<vmem>>
          %dma_start3A_1190 = arith.constant 0 : i32
          %dma_start3A_1191 = tpu.memref_slice %arg2[%dma_start3A_1190, %multiple_of3A_1177] : memref<16x1000000xf32, #tpu.memory_space<hbm>> -> memref<16x128xf32, #tpu.memory_space<hbm>>
          tpu.enqueue_dma source(%dma_start3A_1191 : memref<16x128xf32, #tpu.memory_space<hbm>>) target(%dma_start3A_1189 : memref<16x128xf32, #tpu.memory_space<vmem>>) target_semaphore(%arg11 : memref<!tpu.dma_semaphore, #tpu.memory_space<semaphore_mem>>)
          %slice3A_1192 = vector.extract_strided_slice %get3A_1153 {offsets = [2], sizes = [1], strides = [1]} : vector<16xi32> to vector<1xi32>
          %squeeze3A_1193 = vector.extract %slice3A_1192[0] : i32 from vector<1xi32>
          %and3A_1194 = arith.constant -128 : i32
          %and3A_1195 = arith.andi %squeeze3A_1193, %and3A_1194 : i32
          %multiple_of3A_1196 = tpu.assume_multiple %and3A_1195, 128 : i32
          %dma_start3A_1197 = arith.constant 3 : i32
          %dma_start3A_1198 = arith.constant 2 : i32
          %dma_start3A_1199 = arith.constant 0 : i32
          %dma_start3A_1200 = arith.constant 0 : i32
          %dma_start3A_1201 = tpu.memref_slice %arg6[%dma_start3A_1197, %dma_start3A_1198, %dma_start3A_1199, %dma_start3A_1200] : memref<6x8x16x128xf32, #tpu.memory_space<vmem>> -> memref<1x1x16x128xf32, #tpu.memory_space<vmem>>
          %dma_start3A_1202 = tpu.memref_squeeze %dma_start3A_1201 : memref<1x1x16x128xf32, #tpu.memory_space<vmem>> -> memref<16x128xf32, #tpu.memory_space<vmem>>
          %dma_start3A_1203 = arith.constant 0 : i32
          %dma_start3A_1204 = tpu.memref_slice %arg2[%dma_start3A_1203, %multiple_of3A_1196] : memref<16x1000000xf32, #tpu.memory_space<hbm>> -> memref<16x128xf32, #tpu.memory_space<hbm>>
          %dma_start3A_1205 = arith.constant 0 : i32
          %dma_start3A_1206 = arith.constant 0 : i32
          %dma_start3A_1207 = tpu.memref_slice %arg6[%dma_start3A_1197, %dma_start3A_1198, %dma_start3A_1205, %dma_start3A_1206] : memref<6x8x16x128xf32, #tpu.memory_space<vmem>> -> memref<1x1x16x128xf32, #tpu.memory_space<vmem>>
          %dma_start3A_1208 = tpu.memref_squeeze %dma_start3A_1207 : memref<1x1x16x128xf32, #tpu.memory_space<vmem>> -> memref<16x128xf32, #tpu.memory_space<vmem>>
          %dma_start3A_1209 = arith.constant 0 : i32
          %dma_start3A_1210 = tpu.memref_slice %arg2[%dma_start3A_1209, %multiple_of3A_1196] : memref<16x1000000xf32, #tpu.memory_space<hbm>> -> memref<16x128xf32, #tpu.memory_space<hbm>>
          tpu.enqueue_dma source(%dma_start3A_1210 : memref<16x128xf32, #tpu.memory_space<hbm>>) target(%dma_start3A_1208 : memref<16x128xf32, #tpu.memory_space<vmem>>) target_semaphore(%arg11 : memref<!tpu.dma_semaphore, #tpu.memory_space<semaphore_mem>>)
          %slice3A_1211 = vector.extract_strided_slice %get3A_1153 {offsets = [3], sizes = [1], strides = [1]} : vector<16xi32> to vector<1xi32>
          %squeeze3A_1212 = vector.extract %slice3A_1211[0] : i32 from vector<1xi32>
          %and3A_1213 = arith.constant -128 : i32
          %and3A_1214 = arith.andi %squeeze3A_1212, %and3A_1213 : i32
          %multiple_of3A_1215 = tpu.assume_multiple %and3A_1214, 128 : i32
          %dma_start3A_1216 = arith.constant 3 : i32
          %dma_start3A_1217 = arith.constant 3 : i32
          %dma_start3A_1218 = arith.constant 0 : i32
          %dma_start3A_1219 = arith.constant 0 : i32
          %dma_start3A_1220 = tpu.memref_slice %arg6[%dma_start3A_1216, %dma_start3A_1217, %dma_start3A_1218, %dma_start3A_1219] : memref<6x8x16x128xf32, #tpu.memory_space<vmem>> -> memref<1x1x16x128xf32, #tpu.memory_space<vmem>>
          %dma_start3A_1221 = tpu.memref_squeeze %dma_start3A_1220 : memref<1x1x16x128xf32, #tpu.memory_space<vmem>> -> memref<16x128xf32, #tpu.memory_space<vmem>>
          %dma_start3A_1222 = arith.constant 0 : i32
          %dma_start3A_1223 = tpu.memref_slice %arg2[%dma_start3A_1222, %multiple_of3A_1215] : memref<16x1000000xf32, #tpu.memory_space<hbm>> -> memref<16x128xf32, #tpu.memory_space<hbm>>
          %dma_start3A_1224 = arith.constant 0 : i32
          %dma_start3A_1225 = arith.constant 0 : i32
          %dma_start3A_1226 = tpu.memref_slice %arg6[%dma_start3A_1216, %dma_start3A_1217, %dma_start3A_1224, %dma_start3A_1225] : memref<6x8x16x128xf32, #tpu.memory_space<vmem>> -> memref<1x1x16x128xf32, #tpu.memory_space<vmem>>
          %dma_start3A_1227 = tpu.memref_squeeze %dma_start3A_1226 : memref<1x1x16x128xf32, #tpu.memory_space<vmem>> -> memref<16x128xf32, #tpu.memory_space<vmem>>
          %dma_start3A_1228 = arith.constant 0 : i32
          %dma_start3A_1229 = tpu.memref_slice %arg2[%dma_start3A_1228, %multiple_of3A_1215] : memref<16x1000000xf32, #tpu.memory_space<hbm>> -> memref<16x128xf32, #tpu.memory_space<hbm>>
          tpu.enqueue_dma source(%dma_start3A_1229 : memref<16x128xf32, #tpu.memory_space<hbm>>) target(%dma_start3A_1227 : memref<16x128xf32, #tpu.memory_space<vmem>>) target_semaphore(%arg11 : memref<!tpu.dma_semaphore, #tpu.memory_space<semaphore_mem>>)
          %slice3A_1230 = vector.extract_strided_slice %get3A_1153 {offsets = [4], sizes = [1], strides = [1]} : vector<16xi32> to vector<1xi32>
          %squeeze3A_1231 = vector.extract %slice3A_1230[0] : i32 from vector<1xi32>
          %and3A_1232 = arith.constant -128 : i32
          %and3A_1233 = arith.andi %squeeze3A_1231, %and3A_1232 : i32
          %multiple_of3A_1234 = tpu.assume_multiple %and3A_1233, 128 : i32
          %dma_start3A_1235 = arith.constant 3 : i32
          %dma_start3A_1236 = arith.constant 4 : i32
          %dma_start3A_1237 = arith.constant 0 : i32
          %dma_start3A_1238 = arith.constant 0 : i32
          %dma_start3A_1239 = tpu.memref_slice %arg6[%dma_start3A_1235, %dma_start3A_1236, %dma_start3A_1237, %dma_start3A_1238] : memref<6x8x16x128xf32, #tpu.memory_space<vmem>> -> memref<1x1x16x128xf32, #tpu.memory_space<vmem>>
          %dma_start3A_1240 = tpu.memref_squeeze %dma_start3A_1239 : memref<1x1x16x128xf32, #tpu.memory_space<vmem>> -> memref<16x128xf32, #tpu.memory_space<vmem>>
          %dma_start3A_1241 = arith.constant 0 : i32
          %dma_start3A_1242 = tpu.memref_slice %arg2[%dma_start3A_1241, %multiple_of3A_1234] : memref<16x1000000xf32, #tpu.memory_space<hbm>> -> memref<16x128xf32, #tpu.memory_space<hbm>>
          %dma_start3A_1243 = arith.constant 0 : i32
          %dma_start3A_1244 = arith.constant 0 : i32
          %dma_start3A_1245 = tpu.memref_slice %arg6[%dma_start3A_1235, %dma_start3A_1236, %dma_start3A_1243, %dma_start3A_1244] : memref<6x8x16x128xf32, #tpu.memory_space<vmem>> -> memref<1x1x16x128xf32, #tpu.memory_space<vmem>>
          %dma_start3A_1246 = tpu.memref_squeeze %dma_start3A_1245 : memref<1x1x16x128xf32, #tpu.memory_space<vmem>> -> memref<16x128xf32, #tpu.memory_space<vmem>>
          %dma_start3A_1247 = arith.constant 0 : i32
          %dma_start3A_1248 = tpu.memref_slice %arg2[%dma_start3A_1247, %multiple_of3A_1234] : memref<16x1000000xf32, #tpu.memory_space<hbm>> -> memref<16x128xf32, #tpu.memory_space<hbm>>
          tpu.enqueue_dma source(%dma_start3A_1248 : memref<16x128xf32, #tpu.memory_space<hbm>>) target(%dma_start3A_1246 : memref<16x128xf32, #tpu.memory_space<vmem>>) target_semaphore(%arg11 : memref<!tpu.dma_semaphore, #tpu.memory_space<semaphore_mem>>)
          %slice3A_1249 = vector.extract_strided_slice %get3A_1153 {offsets = [5], sizes = [1], strides = [1]} : vector<16xi32> to vector<1xi32>
          %squeeze3A_1250 = vector.extract %slice3A_1249[0] : i32 from vector<1xi32>
          %and3A_1251 = arith.constant -128 : i32
          %and3A_1252 = arith.andi %squeeze3A_1250, %and3A_1251 : i32
          %multiple_of3A_1253 = tpu.assume_multiple %and3A_1252, 128 : i32
          %dma_start3A_1254 = arith.constant 3 : i32
          %dma_start3A_1255 = arith.constant 5 : i32
          %dma_start3A_1256 = arith.constant 0 : i32
          %dma_start3A_1257 = arith.constant 0 : i32
          %dma_start3A_1258 = tpu.memref_slice %arg6[%dma_start3A_1254, %dma_start3A_1255, %dma_start3A_1256, %dma_start3A_1257] : memref<6x8x16x128xf32, #tpu.memory_space<vmem>> -> memref<1x1x16x128xf32, #tpu.memory_space<vmem>>
          %dma_start3A_1259 = tpu.memref_squeeze %dma_start3A_1258 : memref<1x1x16x128xf32, #tpu.memory_space<vmem>> -> memref<16x128xf32, #tpu.memory_space<vmem>>
          %dma_start3A_1260 = arith.constant 0 : i32
          %dma_start3A_1261 = tpu.memref_slice %arg2[%dma_start3A_1260, %multiple_of3A_1253] : memref<16x1000000xf32, #tpu.memory_space<hbm>> -> memref<16x128xf32, #tpu.memory_space<hbm>>
          %dma_start3A_1262 = arith.constant 0 : i32
          %dma_start3A_1263 = arith.constant 0 : i32
          %dma_start3A_1264 = tpu.memref_slice %arg6[%dma_start3A_1254, %dma_start3A_1255, %dma_start3A_1262, %dma_start3A_1263] : memref<6x8x16x128xf32, #tpu.memory_space<vmem>> -> memref<1x1x16x128xf32, #tpu.memory_space<vmem>>
          %dma_start3A_1265 = tpu.memref_squeeze %dma_start3A_1264 : memref<1x1x16x128xf32, #tpu.memory_space<vmem>> -> memref<16x128xf32, #tpu.memory_space<vmem>>
          %dma_start3A_1266 = arith.constant 0 : i32
          %dma_start3A_1267 = tpu.memref_slice %arg2[%dma_start3A_1266, %multiple_of3A_1253] : memref<16x1000000xf32, #tpu.memory_space<hbm>> -> memref<16x128xf32, #tpu.memory_space<hbm>>
          tpu.enqueue_dma source(%dma_start3A_1267 : memref<16x128xf32, #tpu.memory_space<hbm>>) target(%dma_start3A_1265 : memref<16x128xf32, #tpu.memory_space<vmem>>) target_semaphore(%arg11 : memref<!tpu.dma_semaphore, #tpu.memory_space<semaphore_mem>>)
          %slice3A_1268 = vector.extract_strided_slice %get3A_1153 {offsets = [6], sizes = [1], strides = [1]} : vector<16xi32> to vector<1xi32>
          %squeeze3A_1269 = vector.extract %slice3A_1268[0] : i32 from vector<1xi32>
          %and3A_1270 = arith.constant -128 : i32
          %and3A_1271 = arith.andi %squeeze3A_1269, %and3A_1270 : i32
          %multiple_of3A_1272 = tpu.assume_multiple %and3A_1271, 128 : i32
          %dma_start3A_1273 = arith.constant 3 : i32
          %dma_start3A_1274 = arith.constant 6 : i32
          %dma_start3A_1275 = arith.constant 0 : i32
          %dma_start3A_1276 = arith.constant 0 : i32
          %dma_start3A_1277 = tpu.memref_slice %arg6[%dma_start3A_1273, %dma_start3A_1274, %dma_start3A_1275, %dma_start3A_1276] : memref<6x8x16x128xf32, #tpu.memory_space<vmem>> -> memref<1x1x16x128xf32, #tpu.memory_space<vmem>>
          %dma_start3A_1278 = tpu.memref_squeeze %dma_start3A_1277 : memref<1x1x16x128xf32, #tpu.memory_space<vmem>> -> memref<16x128xf32, #tpu.memory_space<vmem>>
          %dma_start3A_1279 = arith.constant 0 : i32
          %dma_start3A_1280 = tpu.memref_slice %arg2[%dma_start3A_1279, %multiple_of3A_1272] : memref<16x1000000xf32, #tpu.memory_space<hbm>> -> memref<16x128xf32, #tpu.memory_space<hbm>>
          %dma_start3A_1281 = arith.constant 0 : i32
          %dma_start3A_1282 = arith.constant 0 : i32
          %dma_start3A_1283 = tpu.memref_slice %arg6[%dma_start3A_1273, %dma_start3A_1274, %dma_start3A_1281, %dma_start3A_1282] : memref<6x8x16x128xf32, #tpu.memory_space<vmem>> -> memref<1x1x16x128xf32, #tpu.memory_space<vmem>>
          %dma_start3A_1284 = tpu.memref_squeeze %dma_start3A_1283 : memref<1x1x16x128xf32, #tpu.memory_space<vmem>> -> memref<16x128xf32, #tpu.memory_space<vmem>>
          %dma_start3A_1285 = arith.constant 0 : i32
          %dma_start3A_1286 = tpu.memref_slice %arg2[%dma_start3A_1285, %multiple_of3A_1272] : memref<16x1000000xf32, #tpu.memory_space<hbm>> -> memref<16x128xf32, #tpu.memory_space<hbm>>
          tpu.enqueue_dma source(%dma_start3A_1286 : memref<16x128xf32, #tpu.memory_space<hbm>>) target(%dma_start3A_1284 : memref<16x128xf32, #tpu.memory_space<vmem>>) target_semaphore(%arg11 : memref<!tpu.dma_semaphore, #tpu.memory_space<semaphore_mem>>)
          %slice3A_1287 = vector.extract_strided_slice %get3A_1153 {offsets = [7], sizes = [1], strides = [1]} : vector<16xi32> to vector<1xi32>
          %squeeze3A_1288 = vector.extract %slice3A_1287[0] : i32 from vector<1xi32>
          %and3A_1289 = arith.constant -128 : i32
          %and3A_1290 = arith.andi %squeeze3A_1288, %and3A_1289 : i32
          %multiple_of3A_1291 = tpu.assume_multiple %and3A_1290, 128 : i32
          %dma_start3A_1292 = arith.constant 3 : i32
          %dma_start3A_1293 = arith.constant 7 : i32
          %dma_start3A_1294 = arith.constant 0 : i32
          %dma_start3A_1295 = arith.constant 0 : i32
          %dma_start3A_1296 = tpu.memref_slice %arg6[%dma_start3A_1292, %dma_start3A_1293, %dma_start3A_1294, %dma_start3A_1295] : memref<6x8x16x128xf32, #tpu.memory_space<vmem>> -> memref<1x1x16x128xf32, #tpu.memory_space<vmem>>
          %dma_start3A_1297 = tpu.memref_squeeze %dma_start3A_1296 : memref<1x1x16x128xf32, #tpu.memory_space<vmem>> -> memref<16x128xf32, #tpu.memory_space<vmem>>
          %dma_start3A_1298 = arith.constant 0 : i32
          %dma_start3A_1299 = tpu.memref_slice %arg2[%dma_start3A_1298, %multiple_of3A_1291] : memref<16x1000000xf32, #tpu.memory_space<hbm>> -> memref<16x128xf32, #tpu.memory_space<hbm>>
          %dma_start3A_1300 = arith.constant 0 : i32
          %dma_start3A_1301 = arith.constant 0 : i32
          %dma_start3A_1302 = tpu.memref_slice %arg6[%dma_start3A_1292, %dma_start3A_1293, %dma_start3A_1300, %dma_start3A_1301] : memref<6x8x16x128xf32, #tpu.memory_space<vmem>> -> memref<1x1x16x128xf32, #tpu.memory_space<vmem>>
          %dma_start3A_1303 = tpu.memref_squeeze %dma_start3A_1302 : memref<1x1x16x128xf32, #tpu.memory_space<vmem>> -> memref<16x128xf32, #tpu.memory_space<vmem>>
          %dma_start3A_1304 = arith.constant 0 : i32
          %dma_start3A_1305 = tpu.memref_slice %arg2[%dma_start3A_1304, %multiple_of3A_1291] : memref<16x1000000xf32, #tpu.memory_space<hbm>> -> memref<16x128xf32, #tpu.memory_space<hbm>>
          tpu.enqueue_dma source(%dma_start3A_1305 : memref<16x128xf32, #tpu.memory_space<hbm>>) target(%dma_start3A_1303 : memref<16x128xf32, #tpu.memory_space<vmem>>) target_semaphore(%arg11 : memref<!tpu.dma_semaphore, #tpu.memory_space<semaphore_mem>>)
        } else {
        }
        %dma_wait3A = arith.constant 4 : i32
        %dma_wait3A_908 = arith.constant 0 : i32
        %dma_wait3A_909 = arith.constant 0 : i32
        %dma_wait3A_910 = arith.constant 0 : i32
        %dma_wait3A_911 = tpu.memref_slice %arg6[%dma_wait3A, %dma_wait3A_908, %dma_wait3A_909, %dma_wait3A_910] : memref<6x8x16x128xf32, #tpu.memory_space<vmem>> -> memref<1x1x16x128xf32, #tpu.memory_space<vmem>>
        %dma_wait3A_912 = tpu.memref_squeeze %dma_wait3A_911 : memref<1x1x16x128xf32, #tpu.memory_space<vmem>> -> memref<16x128xf32, #tpu.memory_space<vmem>>
        %dma_wait3A_913 = arith.constant 0 : i32
        %dma_wait3A_914 = arith.constant 0 : i32
        %dma_wait3A_915 = tpu.memref_slice %arg2[%dma_wait3A_913, %dma_wait3A_914] : memref<16x1000000xf32, #tpu.memory_space<hbm>> -> memref<16x128xf32, #tpu.memory_space<hbm>>
        %dma_wait3A_916 = arith.constant 0 : i32
        %dma_wait3A_917 = arith.constant 0 : i32
        %dma_wait3A_918 = tpu.memref_slice %arg6[%dma_wait3A, %dma_wait3A_908, %dma_wait3A_916, %dma_wait3A_917] : memref<6x8x16x128xf32, #tpu.memory_space<vmem>> -> memref<1x1x16x128xf32, #tpu.memory_space<vmem>>
        %dma_wait3A_919 = tpu.memref_squeeze %dma_wait3A_918 : memref<1x1x16x128xf32, #tpu.memory_space<vmem>> -> memref<16x128xf32, #tpu.memory_space<vmem>>
        %dma_wait3A_920 = arith.constant 0 : i32
        %dma_wait3A_921 = arith.constant 0 : i32
        %dma_wait3A_922 = tpu.memref_slice %arg2[%dma_wait3A_920, %dma_wait3A_921] : memref<16x1000000xf32, #tpu.memory_space<hbm>> -> memref<16x128xf32, #tpu.memory_space<hbm>>
        tpu.wait_dma2 semaphore(%arg12 : memref<!tpu.dma_semaphore, #tpu.memory_space<semaphore_mem>>) src(%dma_wait3A_922 : memref<16x128xf32, #tpu.memory_space<hbm>>) dst(%dma_wait3A_919 : memref<16x128xf32, #tpu.memory_space<vmem>>)
        %dma_wait3A_923 = arith.constant 4 : i32
        %dma_wait3A_924 = arith.constant 1 : i32
        %dma_wait3A_925 = arith.constant 0 : i32
        %dma_wait3A_926 = arith.constant 0 : i32
        %dma_wait3A_927 = tpu.memref_slice %arg6[%dma_wait3A_923, %dma_wait3A_924, %dma_wait3A_925, %dma_wait3A_926] : memref<6x8x16x128xf32, #tpu.memory_space<vmem>> -> memref<1x1x16x128xf32, #tpu.memory_space<vmem>>
        %dma_wait3A_928 = tpu.memref_squeeze %dma_wait3A_927 : memref<1x1x16x128xf32, #tpu.memory_space<vmem>> -> memref<16x128xf32, #tpu.memory_space<vmem>>
        %dma_wait3A_929 = arith.constant 0 : i32
        %dma_wait3A_930 = arith.constant 0 : i32
        %dma_wait3A_931 = tpu.memref_slice %arg2[%dma_wait3A_929, %dma_wait3A_930] : memref<16x1000000xf32, #tpu.memory_space<hbm>> -> memref<16x128xf32, #tpu.memory_space<hbm>>
        %dma_wait3A_932 = arith.constant 0 : i32
        %dma_wait3A_933 = arith.constant 0 : i32
        %dma_wait3A_934 = tpu.memref_slice %arg6[%dma_wait3A_923, %dma_wait3A_924, %dma_wait3A_932, %dma_wait3A_933] : memref<6x8x16x128xf32, #tpu.memory_space<vmem>> -> memref<1x1x16x128xf32, #tpu.memory_space<vmem>>
        %dma_wait3A_935 = tpu.memref_squeeze %dma_wait3A_934 : memref<1x1x16x128xf32, #tpu.memory_space<vmem>> -> memref<16x128xf32, #tpu.memory_space<vmem>>
        %dma_wait3A_936 = arith.constant 0 : i32
        %dma_wait3A_937 = arith.constant 0 : i32
        %dma_wait3A_938 = tpu.memref_slice %arg2[%dma_wait3A_936, %dma_wait3A_937] : memref<16x1000000xf32, #tpu.memory_space<hbm>> -> memref<16x128xf32, #tpu.memory_space<hbm>>
        tpu.wait_dma2 semaphore(%arg12 : memref<!tpu.dma_semaphore, #tpu.memory_space<semaphore_mem>>) src(%dma_wait3A_938 : memref<16x128xf32, #tpu.memory_space<hbm>>) dst(%dma_wait3A_935 : memref<16x128xf32, #tpu.memory_space<vmem>>)
        %dma_wait3A_939 = arith.constant 4 : i32
        %dma_wait3A_940 = arith.constant 2 : i32
        %dma_wait3A_941 = arith.constant 0 : i32
        %dma_wait3A_942 = arith.constant 0 : i32
        %dma_wait3A_943 = tpu.memref_slice %arg6[%dma_wait3A_939, %dma_wait3A_940, %dma_wait3A_941, %dma_wait3A_942] : memref<6x8x16x128xf32, #tpu.memory_space<vmem>> -> memref<1x1x16x128xf32, #tpu.memory_space<vmem>>
        %dma_wait3A_944 = tpu.memref_squeeze %dma_wait3A_943 : memref<1x1x16x128xf32, #tpu.memory_space<vmem>> -> memref<16x128xf32, #tpu.memory_space<vmem>>
        %dma_wait3A_945 = arith.constant 0 : i32
        %dma_wait3A_946 = arith.constant 0 : i32
        %dma_wait3A_947 = tpu.memref_slice %arg2[%dma_wait3A_945, %dma_wait3A_946] : memref<16x1000000xf32, #tpu.memory_space<hbm>> -> memref<16x128xf32, #tpu.memory_space<hbm>>
        %dma_wait3A_948 = arith.constant 0 : i32
        %dma_wait3A_949 = arith.constant 0 : i32
        %dma_wait3A_950 = tpu.memref_slice %arg6[%dma_wait3A_939, %dma_wait3A_940, %dma_wait3A_948, %dma_wait3A_949] : memref<6x8x16x128xf32, #tpu.memory_space<vmem>> -> memref<1x1x16x128xf32, #tpu.memory_space<vmem>>
        %dma_wait3A_951 = tpu.memref_squeeze %dma_wait3A_950 : memref<1x1x16x128xf32, #tpu.memory_space<vmem>> -> memref<16x128xf32, #tpu.memory_space<vmem>>
        %dma_wait3A_952 = arith.constant 0 : i32
        %dma_wait3A_953 = arith.constant 0 : i32
        %dma_wait3A_954 = tpu.memref_slice %arg2[%dma_wait3A_952, %dma_wait3A_953] : memref<16x1000000xf32, #tpu.memory_space<hbm>> -> memref<16x128xf32, #tpu.memory_space<hbm>>
        tpu.wait_dma2 semaphore(%arg12 : memref<!tpu.dma_semaphore, #tpu.memory_space<semaphore_mem>>) src(%dma_wait3A_954 : memref<16x128xf32, #tpu.memory_space<hbm>>) dst(%dma_wait3A_951 : memref<16x128xf32, #tpu.memory_space<vmem>>)
        %dma_wait3A_955 = arith.constant 4 : i32
        %dma_wait3A_956 = arith.constant 3 : i32
        %dma_wait3A_957 = arith.constant 0 : i32
        %dma_wait3A_958 = arith.constant 0 : i32
        %dma_wait3A_959 = tpu.memref_slice %arg6[%dma_wait3A_955, %dma_wait3A_956, %dma_wait3A_957, %dma_wait3A_958] : memref<6x8x16x128xf32, #tpu.memory_space<vmem>> -> memref<1x1x16x128xf32, #tpu.memory_space<vmem>>
        %dma_wait3A_960 = tpu.memref_squeeze %dma_wait3A_959 : memref<1x1x16x128xf32, #tpu.memory_space<vmem>> -> memref<16x128xf32, #tpu.memory_space<vmem>>
        %dma_wait3A_961 = arith.constant 0 : i32
        %dma_wait3A_962 = arith.constant 0 : i32
        %dma_wait3A_963 = tpu.memref_slice %arg2[%dma_wait3A_961, %dma_wait3A_962] : memref<16x1000000xf32, #tpu.memory_space<hbm>> -> memref<16x128xf32, #tpu.memory_space<hbm>>
        %dma_wait3A_964 = arith.constant 0 : i32
        %dma_wait3A_965 = arith.constant 0 : i32
        %dma_wait3A_966 = tpu.memref_slice %arg6[%dma_wait3A_955, %dma_wait3A_956, %dma_wait3A_964, %dma_wait3A_965] : memref<6x8x16x128xf32, #tpu.memory_space<vmem>> -> memref<1x1x16x128xf32, #tpu.memory_space<vmem>>
        %dma_wait3A_967 = tpu.memref_squeeze %dma_wait3A_966 : memref<1x1x16x128xf32, #tpu.memory_space<vmem>> -> memref<16x128xf32, #tpu.memory_space<vmem>>
        %dma_wait3A_968 = arith.constant 0 : i32
        %dma_wait3A_969 = arith.constant 0 : i32
        %dma_wait3A_970 = tpu.memref_slice %arg2[%dma_wait3A_968, %dma_wait3A_969] : memref<16x1000000xf32, #tpu.memory_space<hbm>> -> memref<16x128xf32, #tpu.memory_space<hbm>>
        tpu.wait_dma2 semaphore(%arg12 : memref<!tpu.dma_semaphore, #tpu.memory_space<semaphore_mem>>) src(%dma_wait3A_970 : memref<16x128xf32, #tpu.memory_space<hbm>>) dst(%dma_wait3A_967 : memref<16x128xf32, #tpu.memory_space<vmem>>)
        %dma_wait3A_971 = arith.constant 4 : i32
        %dma_wait3A_972 = arith.constant 4 : i32
        %dma_wait3A_973 = arith.constant 0 : i32
        %dma_wait3A_974 = arith.constant 0 : i32
        %dma_wait3A_975 = tpu.memref_slice %arg6[%dma_wait3A_971, %dma_wait3A_972, %dma_wait3A_973, %dma_wait3A_974] : memref<6x8x16x128xf32, #tpu.memory_space<vmem>> -> memref<1x1x16x128xf32, #tpu.memory_space<vmem>>
        %dma_wait3A_976 = tpu.memref_squeeze %dma_wait3A_975 : memref<1x1x16x128xf32, #tpu.memory_space<vmem>> -> memref<16x128xf32, #tpu.memory_space<vmem>>
        %dma_wait3A_977 = arith.constant 0 : i32
        %dma_wait3A_978 = arith.constant 0 : i32
        %dma_wait3A_979 = tpu.memref_slice %arg2[%dma_wait3A_977, %dma_wait3A_978] : memref<16x1000000xf32, #tpu.memory_space<hbm>> -> memref<16x128xf32, #tpu.memory_space<hbm>>
        %dma_wait3A_980 = arith.constant 0 : i32
        %dma_wait3A_981 = arith.constant 0 : i32
        %dma_wait3A_982 = tpu.memref_slice %arg6[%dma_wait3A_971, %dma_wait3A_972, %dma_wait3A_980, %dma_wait3A_981] : memref<6x8x16x128xf32, #tpu.memory_space<vmem>> -> memref<1x1x16x128xf32, #tpu.memory_space<vmem>>
        %dma_wait3A_983 = tpu.memref_squeeze %dma_wait3A_982 : memref<1x1x16x128xf32, #tpu.memory_space<vmem>> -> memref<16x128xf32, #tpu.memory_space<vmem>>
        %dma_wait3A_984 = arith.constant 0 : i32
        %dma_wait3A_985 = arith.constant 0 : i32
        %dma_wait3A_986 = tpu.memref_slice %arg2[%dma_wait3A_984, %dma_wait3A_985] : memref<16x1000000xf32, #tpu.memory_space<hbm>> -> memref<16x128xf32, #tpu.memory_space<hbm>>
        tpu.wait_dma2 semaphore(%arg12 : memref<!tpu.dma_semaphore, #tpu.memory_space<semaphore_mem>>) src(%dma_wait3A_986 : memref<16x128xf32, #tpu.memory_space<hbm>>) dst(%dma_wait3A_983 : memref<16x128xf32, #tpu.memory_space<vmem>>)
        %dma_wait3A_987 = arith.constant 4 : i32
        %dma_wait3A_988 = arith.constant 5 : i32
        %dma_wait3A_989 = arith.constant 0 : i32
        %dma_wait3A_990 = arith.constant 0 : i32
        %dma_wait3A_991 = tpu.memref_slice %arg6[%dma_wait3A_987, %dma_wait3A_988, %dma_wait3A_989, %dma_wait3A_990] : memref<6x8x16x128xf32, #tpu.memory_space<vmem>> -> memref<1x1x16x128xf32, #tpu.memory_space<vmem>>
        %dma_wait3A_992 = tpu.memref_squeeze %dma_wait3A_991 : memref<1x1x16x128xf32, #tpu.memory_space<vmem>> -> memref<16x128xf32, #tpu.memory_space<vmem>>
        %dma_wait3A_993 = arith.constant 0 : i32
        %dma_wait3A_994 = arith.constant 0 : i32
        %dma_wait3A_995 = tpu.memref_slice %arg2[%dma_wait3A_993, %dma_wait3A_994] : memref<16x1000000xf32, #tpu.memory_space<hbm>> -> memref<16x128xf32, #tpu.memory_space<hbm>>
        %dma_wait3A_996 = arith.constant 0 : i32
        %dma_wait3A_997 = arith.constant 0 : i32
        %dma_wait3A_998 = tpu.memref_slice %arg6[%dma_wait3A_987, %dma_wait3A_988, %dma_wait3A_996, %dma_wait3A_997] : memref<6x8x16x128xf32, #tpu.memory_space<vmem>> -> memref<1x1x16x128xf32, #tpu.memory_space<vmem>>
        %dma_wait3A_999 = tpu.memref_squeeze %dma_wait3A_998 : memref<1x1x16x128xf32, #tpu.memory_space<vmem>> -> memref<16x128xf32, #tpu.memory_space<vmem>>
        %dma_wait3A_1000 = arith.constant 0 : i32
        %dma_wait3A_1001 = arith.constant 0 : i32
        %dma_wait3A_1002 = tpu.memref_slice %arg2[%dma_wait3A_1000, %dma_wait3A_1001] : memref<16x1000000xf32, #tpu.memory_space<hbm>> -> memref<16x128xf32, #tpu.memory_space<hbm>>
        tpu.wait_dma2 semaphore(%arg12 : memref<!tpu.dma_semaphore, #tpu.memory_space<semaphore_mem>>) src(%dma_wait3A_1002 : memref<16x128xf32, #tpu.memory_space<hbm>>) dst(%dma_wait3A_999 : memref<16x128xf32, #tpu.memory_space<vmem>>)
        %dma_wait3A_1003 = arith.constant 4 : i32
        %dma_wait3A_1004 = arith.constant 6 : i32
        %dma_wait3A_1005 = arith.constant 0 : i32
        %dma_wait3A_1006 = arith.constant 0 : i32
        %dma_wait3A_1007 = tpu.memref_slice %arg6[%dma_wait3A_1003, %dma_wait3A_1004, %dma_wait3A_1005, %dma_wait3A_1006] : memref<6x8x16x128xf32, #tpu.memory_space<vmem>> -> memref<1x1x16x128xf32, #tpu.memory_space<vmem>>
        %dma_wait3A_1008 = tpu.memref_squeeze %dma_wait3A_1007 : memref<1x1x16x128xf32, #tpu.memory_space<vmem>> -> memref<16x128xf32, #tpu.memory_space<vmem>>
        %dma_wait3A_1009 = arith.constant 0 : i32
        %dma_wait3A_1010 = arith.constant 0 : i32
        %dma_wait3A_1011 = tpu.memref_slice %arg2[%dma_wait3A_1009, %dma_wait3A_1010] : memref<16x1000000xf32, #tpu.memory_space<hbm>> -> memref<16x128xf32, #tpu.memory_space<hbm>>
        %dma_wait3A_1012 = arith.constant 0 : i32
        %dma_wait3A_1013 = arith.constant 0 : i32
        %dma_wait3A_1014 = tpu.memref_slice %arg6[%dma_wait3A_1003, %dma_wait3A_1004, %dma_wait3A_1012, %dma_wait3A_1013] : memref<6x8x16x128xf32, #tpu.memory_space<vmem>> -> memref<1x1x16x128xf32, #tpu.memory_space<vmem>>
        %dma_wait3A_1015 = tpu.memref_squeeze %dma_wait3A_1014 : memref<1x1x16x128xf32, #tpu.memory_space<vmem>> -> memref<16x128xf32, #tpu.memory_space<vmem>>
        %dma_wait3A_1016 = arith.constant 0 : i32
        %dma_wait3A_1017 = arith.constant 0 : i32
        %dma_wait3A_1018 = tpu.memref_slice %arg2[%dma_wait3A_1016, %dma_wait3A_1017] : memref<16x1000000xf32, #tpu.memory_space<hbm>> -> memref<16x128xf32, #tpu.memory_space<hbm>>
        tpu.wait_dma2 semaphore(%arg12 : memref<!tpu.dma_semaphore, #tpu.memory_space<semaphore_mem>>) src(%dma_wait3A_1018 : memref<16x128xf32, #tpu.memory_space<hbm>>) dst(%dma_wait3A_1015 : memref<16x128xf32, #tpu.memory_space<vmem>>)
        %dma_wait3A_1019 = arith.constant 4 : i32
        %dma_wait3A_1020 = arith.constant 7 : i32
        %dma_wait3A_1021 = arith.constant 0 : i32
        %dma_wait3A_1022 = arith.constant 0 : i32
        %dma_wait3A_1023 = tpu.memref_slice %arg6[%dma_wait3A_1019, %dma_wait3A_1020, %dma_wait3A_1021, %dma_wait3A_1022] : memref<6x8x16x128xf32, #tpu.memory_space<vmem>> -> memref<1x1x16x128xf32, #tpu.memory_space<vmem>>
        %dma_wait3A_1024 = tpu.memref_squeeze %dma_wait3A_1023 : memref<1x1x16x128xf32, #tpu.memory_space<vmem>> -> memref<16x128xf32, #tpu.memory_space<vmem>>
        %dma_wait3A_1025 = arith.constant 0 : i32
        %dma_wait3A_1026 = arith.constant 0 : i32
        %dma_wait3A_1027 = tpu.memref_slice %arg2[%dma_wait3A_1025, %dma_wait3A_1026] : memref<16x1000000xf32, #tpu.memory_space<hbm>> -> memref<16x128xf32, #tpu.memory_space<hbm>>
        %dma_wait3A_1028 = arith.constant 0 : i32
        %dma_wait3A_1029 = arith.constant 0 : i32
        %dma_wait3A_1030 = tpu.memref_slice %arg6[%dma_wait3A_1019, %dma_wait3A_1020, %dma_wait3A_1028, %dma_wait3A_1029] : memref<6x8x16x128xf32, #tpu.memory_space<vmem>> -> memref<1x1x16x128xf32, #tpu.memory_space<vmem>>
        %dma_wait3A_1031 = tpu.memref_squeeze %dma_wait3A_1030 : memref<1x1x16x128xf32, #tpu.memory_space<vmem>> -> memref<16x128xf32, #tpu.memory_space<vmem>>
        %dma_wait3A_1032 = arith.constant 0 : i32
        %dma_wait3A_1033 = arith.constant 0 : i32
        %dma_wait3A_1034 = tpu.memref_slice %arg2[%dma_wait3A_1032, %dma_wait3A_1033] : memref<16x1000000xf32, #tpu.memory_space<hbm>> -> memref<16x128xf32, #tpu.memory_space<hbm>>
        tpu.wait_dma2 semaphore(%arg12 : memref<!tpu.dma_semaphore, #tpu.memory_space<semaphore_mem>>) src(%dma_wait3A_1034 : memref<16x128xf32, #tpu.memory_space<hbm>>) dst(%dma_wait3A_1031 : memref<16x128xf32, #tpu.memory_space<vmem>>)
        %mul3A_1035 = arith.constant 8 : i32
        %mul3A_1036 = arith.muli %scan3A_781, %mul3A_1035 : i32
        %multiple_of3A_1037 = tpu.assume_multiple %mul3A_1036, 8 : i32
        %get3A_1038 = arith.index_cast %multiple_of3A_1037 : i32 to index
        %get3A_1039 = tpu.vector_load %arg5[%get3A_1038] {strides = array<i32>} : memref<528xi32, #tpu.memory_space<vmem>>, vector<16xi32>,
        %and3A_1040 = arith.constant 127 : i32
        %and3A_1041 = vector.broadcast %and3A_1040 : i32 to vector<16xi32>
        %and3A_1042 = arith.andi %get3A_1039, %and3A_1041 : vector<16xi32>
        %slice3A_1043 = vector.extract_strided_slice %and3A_1042 {offsets = [0], sizes = [1], strides = [1]} : vector<16xi32> to vector<1xi32>
        %squeeze3A_1044 = vector.extract %slice3A_1043[0] : i32 from vector<1xi32>
        %broadcast_in_dim3A = vector.broadcast %squeeze3A_1044 : i32 to vector<16xi32>
        %gather3A = arith.constant 4 : i32
        %gather3A_1045 = arith.constant 0 : i32
        %gather3A_1046 = arith.constant 0 : i32
        %gather3A_1047 = arith.constant 0 : i32
        %gather3A_1048 = tpu.memref_slice %arg6[%gather3A, %gather3A_1045, %gather3A_1046, %gather3A_1047] : memref<6x8x16x128xf32, #tpu.memory_space<vmem>> -> memref<1x1x16x128xf32, #tpu.memory_space<vmem>>
        %gather3A_1049 = tpu.memref_squeeze %gather3A_1048 : memref<1x1x16x128xf32, #tpu.memory_space<vmem>> -> memref<16x128xf32, #tpu.memory_space<vmem>>
        %gather3A_1050 = tpu.vector_load_idx %gather3A_1049[%iota3A, %broadcast_in_dim3A] : memref<16x128xf32, #tpu.memory_space<vmem>>[vector<16xi32>, vector<16xi32>], vector<16xf32>,
        %add3A_1051 = arith.constant 0 : i32
        %add3A_1052 = arith.addi %multiple_of3A_1037, %add3A_1051 : i32
        %broadcast_in_dim3A_1053 = vector.broadcast %add3A_1052 : i32 to vector<16xi32>
        tpu.vector_store_idx %arg7[%iota3A, %broadcast_in_dim3A_1053], %gather3A_1050 : memref<16x512xf32, #tpu.memory_space<vmem>>[vector<16xi32>, vector<16xi32>], vector<16xf32>,
        %slice3A_1054 = vector.extract_strided_slice %and3A_1042 {offsets = [1], sizes = [1], strides = [1]} : vector<16xi32> to vector<1xi32>
        %squeeze3A_1055 = vector.extract %slice3A_1054[0] : i32 from vector<1xi32>
        %broadcast_in_dim3A_1056 = vector.broadcast %squeeze3A_1055 : i32 to vector<16xi32>
        %gather3A_1057 = arith.constant 4 : i32
        %gather3A_1058 = arith.constant 1 : i32
        %gather3A_1059 = arith.constant 0 : i32
        %gather3A_1060 = arith.constant 0 : i32
        %gather3A_1061 = tpu.memref_slice %arg6[%gather3A_1057, %gather3A_1058, %gather3A_1059, %gather3A_1060] : memref<6x8x16x128xf32, #tpu.memory_space<vmem>> -> memref<1x1x16x128xf32, #tpu.memory_space<vmem>>
        %gather3A_1062 = tpu.memref_squeeze %gather3A_1061 : memref<1x1x16x128xf32, #tpu.memory_space<vmem>> -> memref<16x128xf32, #tpu.memory_space<vmem>>
        %gather3A_1063 = tpu.vector_load_idx %gather3A_1062[%iota3A, %broadcast_in_dim3A_1056] : memref<16x128xf32, #tpu.memory_space<vmem>>[vector<16xi32>, vector<16xi32>], vector<16xf32>,
        %add3A_1064 = arith.constant 1 : i32
        %add3A_1065 = arith.addi %multiple_of3A_1037, %add3A_1064 : i32
        %broadcast_in_dim3A_1066 = vector.broadcast %add3A_1065 : i32 to vector<16xi32>
        tpu.vector_store_idx %arg7[%iota3A, %broadcast_in_dim3A_1066], %gather3A_1063 : memref<16x512xf32, #tpu.memory_space<vmem>>[vector<16xi32>, vector<16xi32>], vector<16xf32>,
        %slice3A_1067 = vector.extract_strided_slice %and3A_1042 {offsets = [2], sizes = [1], strides = [1]} : vector<16xi32> to vector<1xi32>
        %squeeze3A_1068 = vector.extract %slice3A_1067[0] : i32 from vector<1xi32>
        %broadcast_in_dim3A_1069 = vector.broadcast %squeeze3A_1068 : i32 to vector<16xi32>
        %gather3A_1070 = arith.constant 4 : i32
        %gather3A_1071 = arith.constant 2 : i32
        %gather3A_1072 = arith.constant 0 : i32
        %gather3A_1073 = arith.constant 0 : i32
        %gather3A_1074 = tpu.memref_slice %arg6[%gather3A_1070, %gather3A_1071, %gather3A_1072, %gather3A_1073] : memref<6x8x16x128xf32, #tpu.memory_space<vmem>> -> memref<1x1x16x128xf32, #tpu.memory_space<vmem>>
        %gather3A_1075 = tpu.memref_squeeze %gather3A_1074 : memref<1x1x16x128xf32, #tpu.memory_space<vmem>> -> memref<16x128xf32, #tpu.memory_space<vmem>>
        %gather3A_1076 = tpu.vector_load_idx %gather3A_1075[%iota3A, %broadcast_in_dim3A_1069] : memref<16x128xf32, #tpu.memory_space<vmem>>[vector<16xi32>, vector<16xi32>], vector<16xf32>,
        %add3A_1077 = arith.constant 2 : i32
        %add3A_1078 = arith.addi %multiple_of3A_1037, %add3A_1077 : i32
        %broadcast_in_dim3A_1079 = vector.broadcast %add3A_1078 : i32 to vector<16xi32>
        tpu.vector_store_idx %arg7[%iota3A, %broadcast_in_dim3A_1079], %gather3A_1076 : memref<16x512xf32, #tpu.memory_space<vmem>>[vector<16xi32>, vector<16xi32>], vector<16xf32>,
        %slice3A_1080 = vector.extract_strided_slice %and3A_1042 {offsets = [3], sizes = [1], strides = [1]} : vector<16xi32> to vector<1xi32>
        %squeeze3A_1081 = vector.extract %slice3A_1080[0] : i32 from vector<1xi32>
        %broadcast_in_dim3A_1082 = vector.broadcast %squeeze3A_1081 : i32 to vector<16xi32>
        %gather3A_1083 = arith.constant 4 : i32
        %gather3A_1084 = arith.constant 3 : i32
        %gather3A_1085 = arith.constant 0 : i32
        %gather3A_1086 = arith.constant 0 : i32
        %gather3A_1087 = tpu.memref_slice %arg6[%gather3A_1083, %gather3A_1084, %gather3A_1085, %gather3A_1086] : memref<6x8x16x128xf32, #tpu.memory_space<vmem>> -> memref<1x1x16x128xf32, #tpu.memory_space<vmem>>
        %gather3A_1088 = tpu.memref_squeeze %gather3A_1087 : memref<1x1x16x128xf32, #tpu.memory_space<vmem>> -> memref<16x128xf32, #tpu.memory_space<vmem>>
        %gather3A_1089 = tpu.vector_load_idx %gather3A_1088[%iota3A, %broadcast_in_dim3A_1082] : memref<16x128xf32, #tpu.memory_space<vmem>>[vector<16xi32>, vector<16xi32>], vector<16xf32>,
        %add3A_1090 = arith.constant 3 : i32
        %add3A_1091 = arith.addi %multiple_of3A_1037, %add3A_1090 : i32
        %broadcast_in_dim3A_1092 = vector.broadcast %add3A_1091 : i32 to vector<16xi32>
        tpu.vector_store_idx %arg7[%iota3A, %broadcast_in_dim3A_1092], %gather3A_1089 : memref<16x512xf32, #tpu.memory_space<vmem>>[vector<16xi32>, vector<16xi32>], vector<16xf32>,
        %slice3A_1093 = vector.extract_strided_slice %and3A_1042 {offsets = [4], sizes = [1], strides = [1]} : vector<16xi32> to vector<1xi32>
        %squeeze3A_1094 = vector.extract %slice3A_1093[0] : i32 from vector<1xi32>
        %broadcast_in_dim3A_1095 = vector.broadcast %squeeze3A_1094 : i32 to vector<16xi32>
        %gather3A_1096 = arith.constant 4 : i32
        %gather3A_1097 = arith.constant 4 : i32
        %gather3A_1098 = arith.constant 0 : i32
        %gather3A_1099 = arith.constant 0 : i32
        %gather3A_1100 = tpu.memref_slice %arg6[%gather3A_1096, %gather3A_1097, %gather3A_1098, %gather3A_1099] : memref<6x8x16x128xf32, #tpu.memory_space<vmem>> -> memref<1x1x16x128xf32, #tpu.memory_space<vmem>>
        %gather3A_1101 = tpu.memref_squeeze %gather3A_1100 : memref<1x1x16x128xf32, #tpu.memory_space<vmem>> -> memref<16x128xf32, #tpu.memory_space<vmem>>
        %gather3A_1102 = tpu.vector_load_idx %gather3A_1101[%iota3A, %broadcast_in_dim3A_1095] : memref<16x128xf32, #tpu.memory_space<vmem>>[vector<16xi32>, vector<16xi32>], vector<16xf32>,
        %add3A_1103 = arith.constant 4 : i32
        %add3A_1104 = arith.addi %multiple_of3A_1037, %add3A_1103 : i32
        %broadcast_in_dim3A_1105 = vector.broadcast %add3A_1104 : i32 to vector<16xi32>
        tpu.vector_store_idx %arg7[%iota3A, %broadcast_in_dim3A_1105], %gather3A_1102 : memref<16x512xf32, #tpu.memory_space<vmem>>[vector<16xi32>, vector<16xi32>], vector<16xf32>,
        %slice3A_1106 = vector.extract_strided_slice %and3A_1042 {offsets = [5], sizes = [1], strides = [1]} : vector<16xi32> to vector<1xi32>
        %squeeze3A_1107 = vector.extract %slice3A_1106[0] : i32 from vector<1xi32>
        %broadcast_in_dim3A_1108 = vector.broadcast %squeeze3A_1107 : i32 to vector<16xi32>
        %gather3A_1109 = arith.constant 4 : i32
        %gather3A_1110 = arith.constant 5 : i32
        %gather3A_1111 = arith.constant 0 : i32
        %gather3A_1112 = arith.constant 0 : i32
        %gather3A_1113 = tpu.memref_slice %arg6[%gather3A_1109, %gather3A_1110, %gather3A_1111, %gather3A_1112] : memref<6x8x16x128xf32, #tpu.memory_space<vmem>> -> memref<1x1x16x128xf32, #tpu.memory_space<vmem>>
        %gather3A_1114 = tpu.memref_squeeze %gather3A_1113 : memref<1x1x16x128xf32, #tpu.memory_space<vmem>> -> memref<16x128xf32, #tpu.memory_space<vmem>>
        %gather3A_1115 = tpu.vector_load_idx %gather3A_1114[%iota3A, %broadcast_in_dim3A_1108] : memref<16x128xf32, #tpu.memory_space<vmem>>[vector<16xi32>, vector<16xi32>], vector<16xf32>,
        %add3A_1116 = arith.constant 5 : i32
        %add3A_1117 = arith.addi %multiple_of3A_1037, %add3A_1116 : i32
        %broadcast_in_dim3A_1118 = vector.broadcast %add3A_1117 : i32 to vector<16xi32>
        tpu.vector_store_idx %arg7[%iota3A, %broadcast_in_dim3A_1118], %gather3A_1115 : memref<16x512xf32, #tpu.memory_space<vmem>>[vector<16xi32>, vector<16xi32>], vector<16xf32>,
        %slice3A_1119 = vector.extract_strided_slice %and3A_1042 {offsets = [6], sizes = [1], strides = [1]} : vector<16xi32> to vector<1xi32>
        %squeeze3A_1120 = vector.extract %slice3A_1119[0] : i32 from vector<1xi32>
        %broadcast_in_dim3A_1121 = vector.broadcast %squeeze3A_1120 : i32 to vector<16xi32>
        %gather3A_1122 = arith.constant 4 : i32
        %gather3A_1123 = arith.constant 6 : i32
        %gather3A_1124 = arith.constant 0 : i32
        %gather3A_1125 = arith.constant 0 : i32
        %gather3A_1126 = tpu.memref_slice %arg6[%gather3A_1122, %gather3A_1123, %gather3A_1124, %gather3A_1125] : memref<6x8x16x128xf32, #tpu.memory_space<vmem>> -> memref<1x1x16x128xf32, #tpu.memory_space<vmem>>
        %gather3A_1127 = tpu.memref_squeeze %gather3A_1126 : memref<1x1x16x128xf32, #tpu.memory_space<vmem>> -> memref<16x128xf32, #tpu.memory_space<vmem>>
        %gather3A_1128 = tpu.vector_load_idx %gather3A_1127[%iota3A, %broadcast_in_dim3A_1121] : memref<16x128xf32, #tpu.memory_space<vmem>>[vector<16xi32>, vector<16xi32>], vector<16xf32>,
        %add3A_1129 = arith.constant 6 : i32
        %add3A_1130 = arith.addi %multiple_of3A_1037, %add3A_1129 : i32
        %broadcast_in_dim3A_1131 = vector.broadcast %add3A_1130 : i32 to vector<16xi32>
        tpu.vector_store_idx %arg7[%iota3A, %broadcast_in_dim3A_1131], %gather3A_1128 : memref<16x512xf32, #tpu.memory_space<vmem>>[vector<16xi32>, vector<16xi32>], vector<16xf32>,
        %slice3A_1132 = vector.extract_strided_slice %and3A_1042 {offsets = [7], sizes = [1], strides = [1]} : vector<16xi32> to vector<1xi32>
        %squeeze3A_1133 = vector.extract %slice3A_1132[0] : i32 from vector<1xi32>
        %broadcast_in_dim3A_1134 = vector.broadcast %squeeze3A_1133 : i32 to vector<16xi32>
        %gather3A_1135 = arith.constant 4 : i32
        %gather3A_1136 = arith.constant 7 : i32
        %gather3A_1137 = arith.constant 0 : i32
        %gather3A_1138 = arith.constant 0 : i32
        %gather3A_1139 = tpu.memref_slice %arg6[%gather3A_1135, %gather3A_1136, %gather3A_1137, %gather3A_1138] : memref<6x8x16x128xf32, #tpu.memory_space<vmem>> -> memref<1x1x16x128xf32, #tpu.memory_space<vmem>>
        %gather3A_1140 = tpu.memref_squeeze %gather3A_1139 : memref<1x1x16x128xf32, #tpu.memory_space<vmem>> -> memref<16x128xf32, #tpu.memory_space<vmem>>
        %gather3A_1141 = tpu.vector_load_idx %gather3A_1140[%iota3A, %broadcast_in_dim3A_1134] : memref<16x128xf32, #tpu.memory_space<vmem>>[vector<16xi32>, vector<16xi32>], vector<16xf32>,
        %add3A_1142 = arith.constant 7 : i32
        %add3A_1143 = arith.addi %multiple_of3A_1037, %add3A_1142 : i32
        %broadcast_in_dim3A_1144 = vector.broadcast %add3A_1143 : i32 to vector<16xi32>
        tpu.vector_store_idx %arg7[%iota3A, %broadcast_in_dim3A_1144], %gather3A_1141 : memref<16x512xf32, #tpu.memory_space<vmem>>[vector<16xi32>, vector<16xi32>], vector<16xf32>,
      } else {
      }
      %jit3A_879 = arith.constant 6 : i32
      %eq3A_880 = arith.constant 0 : i32
      %eq3A_881 = arith.cmpi eq, %jit3A_879, %eq3A_880 : i32
      %jit3A_882 = arith.constant 1 : i32
      %select_n3A_883 = arith.select %eq3A_881, %jit3A_882, %jit3A_879 : i32
      %rem3A_884 = arith.remsi %scan3A_781, %select_n3A_883 : i32
      %ne3A_885 = arith.constant 0 : i32
      %ne3A_886 = arith.cmpi ne, %rem3A_884, %ne3A_885 : i32
      %lt3A_887 = arith.constant 0 : i32
      %lt3A_888 = arith.cmpi slt, %rem3A_884, %lt3A_887 : i32
      %lt3A_889 = arith.constant 0 : i32
      %lt3A_890 = arith.cmpi slt, %select_n3A_883, %lt3A_889 : i32
      %ne3A_891 = arith.xori %lt3A_888, %lt3A_890 : i1
      %and3A_892 = arith.andi %ne3A_891, %ne3A_886 : i1
      %add3A_893 = arith.addi %rem3A_884, %select_n3A_883 : i32
      %select_n3A_894 = arith.select %and3A_892, %add3A_893, %rem3A_884 : i32
      %eq3A_895 = arith.constant 5 : i32
      %eq3A_896 = arith.cmpi eq, %select_n3A_894, %eq3A_895 : i32
      %convert_element_type3A_897 = arith.extui %eq3A_896 : i1 to i32
      %cond3A_898 = arith.constant 0 : i32
      %cond3A_899 = arith.cmpi ne, %convert_element_type3A_897, %cond3A_898 : i32
      scf.if %cond3A_899 {
        %add3A_900 = arith.constant 6 : i32
        %add3A_901 = arith.addi %scan3A_781, %add3A_900 : i32
        %sub3A = arith.constant 1 : i32
        %sub3A_902 = arith.subi %add3A_901, %sub3A : i32
        %lt3A_903 = arith.constant 64 : i32
        %lt3A_904 = arith.cmpi slt, %sub3A_902, %lt3A_903 : i32
        %convert_element_type3A_905 = arith.extui %lt3A_904 : i1 to i32
        %cond3A_906 = arith.constant 0 : i32
        %cond3A_907 = arith.cmpi ne, %convert_element_type3A_905, %cond3A_906 : i32
        scf.if %cond3A_907 {
          %add3A_1145 = arith.constant 6 : i32
          %add3A_1146 = arith.addi %scan3A_781, %add3A_1145 : i32
          %sub3A_1147 = arith.constant 1 : i32
          %sub3A_1148 = arith.subi %add3A_1146, %sub3A_1147 : i32
          %mul3A_1149 = arith.constant 8 : i32
          %mul3A_1150 = arith.muli %sub3A_1148, %mul3A_1149 : i32
          %multiple_of3A_1151 = tpu.assume_multiple %mul3A_1150, 8 : i32
          %get3A_1152 = arith.index_cast %multiple_of3A_1151 : i32 to index
          %get3A_1153 = tpu.vector_load %arg5[%get3A_1152] {strides = array<i32>} : memref<528xi32, #tpu.memory_space<vmem>>, vector<16xi32>,
          %slice3A_1154 = vector.extract_strided_slice %get3A_1153 {offsets = [0], sizes = [1], strides = [1]} : vector<16xi32> to vector<1xi32>
          %squeeze3A_1155 = vector.extract %slice3A_1154[0] : i32 from vector<1xi32>
          %and3A_1156 = arith.constant -128 : i32
          %and3A_1157 = arith.andi %squeeze3A_1155, %and3A_1156 : i32
          %multiple_of3A_1158 = tpu.assume_multiple %and3A_1157, 128 : i32
          %dma_start3A_1159 = arith.constant 4 : i32
          %dma_start3A_1160 = arith.constant 0 : i32
          %dma_start3A_1161 = arith.constant 0 : i32
          %dma_start3A_1162 = arith.constant 0 : i32
          %dma_start3A_1163 = tpu.memref_slice %arg6[%dma_start3A_1159, %dma_start3A_1160, %dma_start3A_1161, %dma_start3A_1162] : memref<6x8x16x128xf32, #tpu.memory_space<vmem>> -> memref<1x1x16x128xf32, #tpu.memory_space<vmem>>
          %dma_start3A_1164 = tpu.memref_squeeze %dma_start3A_1163 : memref<1x1x16x128xf32, #tpu.memory_space<vmem>> -> memref<16x128xf32, #tpu.memory_space<vmem>>
          %dma_start3A_1165 = arith.constant 0 : i32
          %dma_start3A_1166 = tpu.memref_slice %arg2[%dma_start3A_1165, %multiple_of3A_1158] : memref<16x1000000xf32, #tpu.memory_space<hbm>> -> memref<16x128xf32, #tpu.memory_space<hbm>>
          %dma_start3A_1167 = arith.constant 0 : i32
          %dma_start3A_1168 = arith.constant 0 : i32
          %dma_start3A_1169 = tpu.memref_slice %arg6[%dma_start3A_1159, %dma_start3A_1160, %dma_start3A_1167, %dma_start3A_1168] : memref<6x8x16x128xf32, #tpu.memory_space<vmem>> -> memref<1x1x16x128xf32, #tpu.memory_space<vmem>>
          %dma_start3A_1170 = tpu.memref_squeeze %dma_start3A_1169 : memref<1x1x16x128xf32, #tpu.memory_space<vmem>> -> memref<16x128xf32, #tpu.memory_space<vmem>>
          %dma_start3A_1171 = arith.constant 0 : i32
          %dma_start3A_1172 = tpu.memref_slice %arg2[%dma_start3A_1171, %multiple_of3A_1158] : memref<16x1000000xf32, #tpu.memory_space<hbm>> -> memref<16x128xf32, #tpu.memory_space<hbm>>
          tpu.enqueue_dma source(%dma_start3A_1172 : memref<16x128xf32, #tpu.memory_space<hbm>>) target(%dma_start3A_1170 : memref<16x128xf32, #tpu.memory_space<vmem>>) target_semaphore(%arg12 : memref<!tpu.dma_semaphore, #tpu.memory_space<semaphore_mem>>)
          %slice3A_1173 = vector.extract_strided_slice %get3A_1153 {offsets = [1], sizes = [1], strides = [1]} : vector<16xi32> to vector<1xi32>
          %squeeze3A_1174 = vector.extract %slice3A_1173[0] : i32 from vector<1xi32>
          %and3A_1175 = arith.constant -128 : i32
          %and3A_1176 = arith.andi %squeeze3A_1174, %and3A_1175 : i32
          %multiple_of3A_1177 = tpu.assume_multiple %and3A_1176, 128 : i32
          %dma_start3A_1178 = arith.constant 4 : i32
          %dma_start3A_1179 = arith.constant 1 : i32
          %dma_start3A_1180 = arith.constant 0 : i32
          %dma_start3A_1181 = arith.constant 0 : i32
          %dma_start3A_1182 = tpu.memref_slice %arg6[%dma_start3A_1178, %dma_start3A_1179, %dma_start3A_1180, %dma_start3A_1181] : memref<6x8x16x128xf32, #tpu.memory_space<vmem>> -> memref<1x1x16x128xf32, #tpu.memory_space<vmem>>
          %dma_start3A_1183 = tpu.memref_squeeze %dma_start3A_1182 : memref<1x1x16x128xf32, #tpu.memory_space<vmem>> -> memref<16x128xf32, #tpu.memory_space<vmem>>
          %dma_start3A_1184 = arith.constant 0 : i32
          %dma_start3A_1185 = tpu.memref_slice %arg2[%dma_start3A_1184, %multiple_of3A_1177] : memref<16x1000000xf32, #tpu.memory_space<hbm>> -> memref<16x128xf32, #tpu.memory_space<hbm>>
          %dma_start3A_1186 = arith.constant 0 : i32
          %dma_start3A_1187 = arith.constant 0 : i32
          %dma_start3A_1188 = tpu.memref_slice %arg6[%dma_start3A_1178, %dma_start3A_1179, %dma_start3A_1186, %dma_start3A_1187] : memref<6x8x16x128xf32, #tpu.memory_space<vmem>> -> memref<1x1x16x128xf32, #tpu.memory_space<vmem>>
          %dma_start3A_1189 = tpu.memref_squeeze %dma_start3A_1188 : memref<1x1x16x128xf32, #tpu.memory_space<vmem>> -> memref<16x128xf32, #tpu.memory_space<vmem>>
          %dma_start3A_1190 = arith.constant 0 : i32
          %dma_start3A_1191 = tpu.memref_slice %arg2[%dma_start3A_1190, %multiple_of3A_1177] : memref<16x1000000xf32, #tpu.memory_space<hbm>> -> memref<16x128xf32, #tpu.memory_space<hbm>>
          tpu.enqueue_dma source(%dma_start3A_1191 : memref<16x128xf32, #tpu.memory_space<hbm>>) target(%dma_start3A_1189 : memref<16x128xf32, #tpu.memory_space<vmem>>) target_semaphore(%arg12 : memref<!tpu.dma_semaphore, #tpu.memory_space<semaphore_mem>>)
          %slice3A_1192 = vector.extract_strided_slice %get3A_1153 {offsets = [2], sizes = [1], strides = [1]} : vector<16xi32> to vector<1xi32>
          %squeeze3A_1193 = vector.extract %slice3A_1192[0] : i32 from vector<1xi32>
          %and3A_1194 = arith.constant -128 : i32
          %and3A_1195 = arith.andi %squeeze3A_1193, %and3A_1194 : i32
          %multiple_of3A_1196 = tpu.assume_multiple %and3A_1195, 128 : i32
          %dma_start3A_1197 = arith.constant 4 : i32
          %dma_start3A_1198 = arith.constant 2 : i32
          %dma_start3A_1199 = arith.constant 0 : i32
          %dma_start3A_1200 = arith.constant 0 : i32
          %dma_start3A_1201 = tpu.memref_slice %arg6[%dma_start3A_1197, %dma_start3A_1198, %dma_start3A_1199, %dma_start3A_1200] : memref<6x8x16x128xf32, #tpu.memory_space<vmem>> -> memref<1x1x16x128xf32, #tpu.memory_space<vmem>>
          %dma_start3A_1202 = tpu.memref_squeeze %dma_start3A_1201 : memref<1x1x16x128xf32, #tpu.memory_space<vmem>> -> memref<16x128xf32, #tpu.memory_space<vmem>>
          %dma_start3A_1203 = arith.constant 0 : i32
          %dma_start3A_1204 = tpu.memref_slice %arg2[%dma_start3A_1203, %multiple_of3A_1196] : memref<16x1000000xf32, #tpu.memory_space<hbm>> -> memref<16x128xf32, #tpu.memory_space<hbm>>
          %dma_start3A_1205 = arith.constant 0 : i32
          %dma_start3A_1206 = arith.constant 0 : i32
          %dma_start3A_1207 = tpu.memref_slice %arg6[%dma_start3A_1197, %dma_start3A_1198, %dma_start3A_1205, %dma_start3A_1206] : memref<6x8x16x128xf32, #tpu.memory_space<vmem>> -> memref<1x1x16x128xf32, #tpu.memory_space<vmem>>
          %dma_start3A_1208 = tpu.memref_squeeze %dma_start3A_1207 : memref<1x1x16x128xf32, #tpu.memory_space<vmem>> -> memref<16x128xf32, #tpu.memory_space<vmem>>
          %dma_start3A_1209 = arith.constant 0 : i32
          %dma_start3A_1210 = tpu.memref_slice %arg2[%dma_start3A_1209, %multiple_of3A_1196] : memref<16x1000000xf32, #tpu.memory_space<hbm>> -> memref<16x128xf32, #tpu.memory_space<hbm>>
          tpu.enqueue_dma source(%dma_start3A_1210 : memref<16x128xf32, #tpu.memory_space<hbm>>) target(%dma_start3A_1208 : memref<16x128xf32, #tpu.memory_space<vmem>>) target_semaphore(%arg12 : memref<!tpu.dma_semaphore, #tpu.memory_space<semaphore_mem>>)
          %slice3A_1211 = vector.extract_strided_slice %get3A_1153 {offsets = [3], sizes = [1], strides = [1]} : vector<16xi32> to vector<1xi32>
          %squeeze3A_1212 = vector.extract %slice3A_1211[0] : i32 from vector<1xi32>
          %and3A_1213 = arith.constant -128 : i32
          %and3A_1214 = arith.andi %squeeze3A_1212, %and3A_1213 : i32
          %multiple_of3A_1215 = tpu.assume_multiple %and3A_1214, 128 : i32
          %dma_start3A_1216 = arith.constant 4 : i32
          %dma_start3A_1217 = arith.constant 3 : i32
          %dma_start3A_1218 = arith.constant 0 : i32
          %dma_start3A_1219 = arith.constant 0 : i32
          %dma_start3A_1220 = tpu.memref_slice %arg6[%dma_start3A_1216, %dma_start3A_1217, %dma_start3A_1218, %dma_start3A_1219] : memref<6x8x16x128xf32, #tpu.memory_space<vmem>> -> memref<1x1x16x128xf32, #tpu.memory_space<vmem>>
          %dma_start3A_1221 = tpu.memref_squeeze %dma_start3A_1220 : memref<1x1x16x128xf32, #tpu.memory_space<vmem>> -> memref<16x128xf32, #tpu.memory_space<vmem>>
          %dma_start3A_1222 = arith.constant 0 : i32
          %dma_start3A_1223 = tpu.memref_slice %arg2[%dma_start3A_1222, %multiple_of3A_1215] : memref<16x1000000xf32, #tpu.memory_space<hbm>> -> memref<16x128xf32, #tpu.memory_space<hbm>>
          %dma_start3A_1224 = arith.constant 0 : i32
          %dma_start3A_1225 = arith.constant 0 : i32
          %dma_start3A_1226 = tpu.memref_slice %arg6[%dma_start3A_1216, %dma_start3A_1217, %dma_start3A_1224, %dma_start3A_1225] : memref<6x8x16x128xf32, #tpu.memory_space<vmem>> -> memref<1x1x16x128xf32, #tpu.memory_space<vmem>>
          %dma_start3A_1227 = tpu.memref_squeeze %dma_start3A_1226 : memref<1x1x16x128xf32, #tpu.memory_space<vmem>> -> memref<16x128xf32, #tpu.memory_space<vmem>>
          %dma_start3A_1228 = arith.constant 0 : i32
          %dma_start3A_1229 = tpu.memref_slice %arg2[%dma_start3A_1228, %multiple_of3A_1215] : memref<16x1000000xf32, #tpu.memory_space<hbm>> -> memref<16x128xf32, #tpu.memory_space<hbm>>
          tpu.enqueue_dma source(%dma_start3A_1229 : memref<16x128xf32, #tpu.memory_space<hbm>>) target(%dma_start3A_1227 : memref<16x128xf32, #tpu.memory_space<vmem>>) target_semaphore(%arg12 : memref<!tpu.dma_semaphore, #tpu.memory_space<semaphore_mem>>)
          %slice3A_1230 = vector.extract_strided_slice %get3A_1153 {offsets = [4], sizes = [1], strides = [1]} : vector<16xi32> to vector<1xi32>
          %squeeze3A_1231 = vector.extract %slice3A_1230[0] : i32 from vector<1xi32>
          %and3A_1232 = arith.constant -128 : i32
          %and3A_1233 = arith.andi %squeeze3A_1231, %and3A_1232 : i32
          %multiple_of3A_1234 = tpu.assume_multiple %and3A_1233, 128 : i32
          %dma_start3A_1235 = arith.constant 4 : i32
          %dma_start3A_1236 = arith.constant 4 : i32
          %dma_start3A_1237 = arith.constant 0 : i32
          %dma_start3A_1238 = arith.constant 0 : i32
          %dma_start3A_1239 = tpu.memref_slice %arg6[%dma_start3A_1235, %dma_start3A_1236, %dma_start3A_1237, %dma_start3A_1238] : memref<6x8x16x128xf32, #tpu.memory_space<vmem>> -> memref<1x1x16x128xf32, #tpu.memory_space<vmem>>
          %dma_start3A_1240 = tpu.memref_squeeze %dma_start3A_1239 : memref<1x1x16x128xf32, #tpu.memory_space<vmem>> -> memref<16x128xf32, #tpu.memory_space<vmem>>
          %dma_start3A_1241 = arith.constant 0 : i32
          %dma_start3A_1242 = tpu.memref_slice %arg2[%dma_start3A_1241, %multiple_of3A_1234] : memref<16x1000000xf32, #tpu.memory_space<hbm>> -> memref<16x128xf32, #tpu.memory_space<hbm>>
          %dma_start3A_1243 = arith.constant 0 : i32
          %dma_start3A_1244 = arith.constant 0 : i32
          %dma_start3A_1245 = tpu.memref_slice %arg6[%dma_start3A_1235, %dma_start3A_1236, %dma_start3A_1243, %dma_start3A_1244] : memref<6x8x16x128xf32, #tpu.memory_space<vmem>> -> memref<1x1x16x128xf32, #tpu.memory_space<vmem>>
          %dma_start3A_1246 = tpu.memref_squeeze %dma_start3A_1245 : memref<1x1x16x128xf32, #tpu.memory_space<vmem>> -> memref<16x128xf32, #tpu.memory_space<vmem>>
          %dma_start3A_1247 = arith.constant 0 : i32
          %dma_start3A_1248 = tpu.memref_slice %arg2[%dma_start3A_1247, %multiple_of3A_1234] : memref<16x1000000xf32, #tpu.memory_space<hbm>> -> memref<16x128xf32, #tpu.memory_space<hbm>>
          tpu.enqueue_dma source(%dma_start3A_1248 : memref<16x128xf32, #tpu.memory_space<hbm>>) target(%dma_start3A_1246 : memref<16x128xf32, #tpu.memory_space<vmem>>) target_semaphore(%arg12 : memref<!tpu.dma_semaphore, #tpu.memory_space<semaphore_mem>>)
          %slice3A_1249 = vector.extract_strided_slice %get3A_1153 {offsets = [5], sizes = [1], strides = [1]} : vector<16xi32> to vector<1xi32>
          %squeeze3A_1250 = vector.extract %slice3A_1249[0] : i32 from vector<1xi32>
          %and3A_1251 = arith.constant -128 : i32
          %and3A_1252 = arith.andi %squeeze3A_1250, %and3A_1251 : i32
          %multiple_of3A_1253 = tpu.assume_multiple %and3A_1252, 128 : i32
          %dma_start3A_1254 = arith.constant 4 : i32
          %dma_start3A_1255 = arith.constant 5 : i32
          %dma_start3A_1256 = arith.constant 0 : i32
          %dma_start3A_1257 = arith.constant 0 : i32
          %dma_start3A_1258 = tpu.memref_slice %arg6[%dma_start3A_1254, %dma_start3A_1255, %dma_start3A_1256, %dma_start3A_1257] : memref<6x8x16x128xf32, #tpu.memory_space<vmem>> -> memref<1x1x16x128xf32, #tpu.memory_space<vmem>>
          %dma_start3A_1259 = tpu.memref_squeeze %dma_start3A_1258 : memref<1x1x16x128xf32, #tpu.memory_space<vmem>> -> memref<16x128xf32, #tpu.memory_space<vmem>>
          %dma_start3A_1260 = arith.constant 0 : i32
          %dma_start3A_1261 = tpu.memref_slice %arg2[%dma_start3A_1260, %multiple_of3A_1253] : memref<16x1000000xf32, #tpu.memory_space<hbm>> -> memref<16x128xf32, #tpu.memory_space<hbm>>
          %dma_start3A_1262 = arith.constant 0 : i32
          %dma_start3A_1263 = arith.constant 0 : i32
          %dma_start3A_1264 = tpu.memref_slice %arg6[%dma_start3A_1254, %dma_start3A_1255, %dma_start3A_1262, %dma_start3A_1263] : memref<6x8x16x128xf32, #tpu.memory_space<vmem>> -> memref<1x1x16x128xf32, #tpu.memory_space<vmem>>
          %dma_start3A_1265 = tpu.memref_squeeze %dma_start3A_1264 : memref<1x1x16x128xf32, #tpu.memory_space<vmem>> -> memref<16x128xf32, #tpu.memory_space<vmem>>
          %dma_start3A_1266 = arith.constant 0 : i32
          %dma_start3A_1267 = tpu.memref_slice %arg2[%dma_start3A_1266, %multiple_of3A_1253] : memref<16x1000000xf32, #tpu.memory_space<hbm>> -> memref<16x128xf32, #tpu.memory_space<hbm>>
          tpu.enqueue_dma source(%dma_start3A_1267 : memref<16x128xf32, #tpu.memory_space<hbm>>) target(%dma_start3A_1265 : memref<16x128xf32, #tpu.memory_space<vmem>>) target_semaphore(%arg12 : memref<!tpu.dma_semaphore, #tpu.memory_space<semaphore_mem>>)
          %slice3A_1268 = vector.extract_strided_slice %get3A_1153 {offsets = [6], sizes = [1], strides = [1]} : vector<16xi32> to vector<1xi32>
          %squeeze3A_1269 = vector.extract %slice3A_1268[0] : i32 from vector<1xi32>
          %and3A_1270 = arith.constant -128 : i32
          %and3A_1271 = arith.andi %squeeze3A_1269, %and3A_1270 : i32
          %multiple_of3A_1272 = tpu.assume_multiple %and3A_1271, 128 : i32
          %dma_start3A_1273 = arith.constant 4 : i32
          %dma_start3A_1274 = arith.constant 6 : i32
          %dma_start3A_1275 = arith.constant 0 : i32
          %dma_start3A_1276 = arith.constant 0 : i32
          %dma_start3A_1277 = tpu.memref_slice %arg6[%dma_start3A_1273, %dma_start3A_1274, %dma_start3A_1275, %dma_start3A_1276] : memref<6x8x16x128xf32, #tpu.memory_space<vmem>> -> memref<1x1x16x128xf32, #tpu.memory_space<vmem>>
          %dma_start3A_1278 = tpu.memref_squeeze %dma_start3A_1277 : memref<1x1x16x128xf32, #tpu.memory_space<vmem>> -> memref<16x128xf32, #tpu.memory_space<vmem>>
          %dma_start3A_1279 = arith.constant 0 : i32
          %dma_start3A_1280 = tpu.memref_slice %arg2[%dma_start3A_1279, %multiple_of3A_1272] : memref<16x1000000xf32, #tpu.memory_space<hbm>> -> memref<16x128xf32, #tpu.memory_space<hbm>>
          %dma_start3A_1281 = arith.constant 0 : i32
          %dma_start3A_1282 = arith.constant 0 : i32
          %dma_start3A_1283 = tpu.memref_slice %arg6[%dma_start3A_1273, %dma_start3A_1274, %dma_start3A_1281, %dma_start3A_1282] : memref<6x8x16x128xf32, #tpu.memory_space<vmem>> -> memref<1x1x16x128xf32, #tpu.memory_space<vmem>>
          %dma_start3A_1284 = tpu.memref_squeeze %dma_start3A_1283 : memref<1x1x16x128xf32, #tpu.memory_space<vmem>> -> memref<16x128xf32, #tpu.memory_space<vmem>>
          %dma_start3A_1285 = arith.constant 0 : i32
          %dma_start3A_1286 = tpu.memref_slice %arg2[%dma_start3A_1285, %multiple_of3A_1272] : memref<16x1000000xf32, #tpu.memory_space<hbm>> -> memref<16x128xf32, #tpu.memory_space<hbm>>
          tpu.enqueue_dma source(%dma_start3A_1286 : memref<16x128xf32, #tpu.memory_space<hbm>>) target(%dma_start3A_1284 : memref<16x128xf32, #tpu.memory_space<vmem>>) target_semaphore(%arg12 : memref<!tpu.dma_semaphore, #tpu.memory_space<semaphore_mem>>)
          %slice3A_1287 = vector.extract_strided_slice %get3A_1153 {offsets = [7], sizes = [1], strides = [1]} : vector<16xi32> to vector<1xi32>
          %squeeze3A_1288 = vector.extract %slice3A_1287[0] : i32 from vector<1xi32>
          %and3A_1289 = arith.constant -128 : i32
          %and3A_1290 = arith.andi %squeeze3A_1288, %and3A_1289 : i32
          %multiple_of3A_1291 = tpu.assume_multiple %and3A_1290, 128 : i32
          %dma_start3A_1292 = arith.constant 4 : i32
          %dma_start3A_1293 = arith.constant 7 : i32
          %dma_start3A_1294 = arith.constant 0 : i32
          %dma_start3A_1295 = arith.constant 0 : i32
          %dma_start3A_1296 = tpu.memref_slice %arg6[%dma_start3A_1292, %dma_start3A_1293, %dma_start3A_1294, %dma_start3A_1295] : memref<6x8x16x128xf32, #tpu.memory_space<vmem>> -> memref<1x1x16x128xf32, #tpu.memory_space<vmem>>
          %dma_start3A_1297 = tpu.memref_squeeze %dma_start3A_1296 : memref<1x1x16x128xf32, #tpu.memory_space<vmem>> -> memref<16x128xf32, #tpu.memory_space<vmem>>
          %dma_start3A_1298 = arith.constant 0 : i32
          %dma_start3A_1299 = tpu.memref_slice %arg2[%dma_start3A_1298, %multiple_of3A_1291] : memref<16x1000000xf32, #tpu.memory_space<hbm>> -> memref<16x128xf32, #tpu.memory_space<hbm>>
          %dma_start3A_1300 = arith.constant 0 : i32
          %dma_start3A_1301 = arith.constant 0 : i32
          %dma_start3A_1302 = tpu.memref_slice %arg6[%dma_start3A_1292, %dma_start3A_1293, %dma_start3A_1300, %dma_start3A_1301] : memref<6x8x16x128xf32, #tpu.memory_space<vmem>> -> memref<1x1x16x128xf32, #tpu.memory_space<vmem>>
          %dma_start3A_1303 = tpu.memref_squeeze %dma_start3A_1302 : memref<1x1x16x128xf32, #tpu.memory_space<vmem>> -> memref<16x128xf32, #tpu.memory_space<vmem>>
          %dma_start3A_1304 = arith.constant 0 : i32
          %dma_start3A_1305 = tpu.memref_slice %arg2[%dma_start3A_1304, %multiple_of3A_1291] : memref<16x1000000xf32, #tpu.memory_space<hbm>> -> memref<16x128xf32, #tpu.memory_space<hbm>>
          tpu.enqueue_dma source(%dma_start3A_1305 : memref<16x128xf32, #tpu.memory_space<hbm>>) target(%dma_start3A_1303 : memref<16x128xf32, #tpu.memory_space<vmem>>) target_semaphore(%arg12 : memref<!tpu.dma_semaphore, #tpu.memory_space<semaphore_mem>>)
        } else {
        }
        %dma_wait3A = arith.constant 5 : i32
        %dma_wait3A_908 = arith.constant 0 : i32
        %dma_wait3A_909 = arith.constant 0 : i32
        %dma_wait3A_910 = arith.constant 0 : i32
        %dma_wait3A_911 = tpu.memref_slice %arg6[%dma_wait3A, %dma_wait3A_908, %dma_wait3A_909, %dma_wait3A_910] : memref<6x8x16x128xf32, #tpu.memory_space<vmem>> -> memref<1x1x16x128xf32, #tpu.memory_space<vmem>>
        %dma_wait3A_912 = tpu.memref_squeeze %dma_wait3A_911 : memref<1x1x16x128xf32, #tpu.memory_space<vmem>> -> memref<16x128xf32, #tpu.memory_space<vmem>>
        %dma_wait3A_913 = arith.constant 0 : i32
        %dma_wait3A_914 = arith.constant 0 : i32
        %dma_wait3A_915 = tpu.memref_slice %arg2[%dma_wait3A_913, %dma_wait3A_914] : memref<16x1000000xf32, #tpu.memory_space<hbm>> -> memref<16x128xf32, #tpu.memory_space<hbm>>
        %dma_wait3A_916 = arith.constant 0 : i32
        %dma_wait3A_917 = arith.constant 0 : i32
        %dma_wait3A_918 = tpu.memref_slice %arg6[%dma_wait3A, %dma_wait3A_908, %dma_wait3A_916, %dma_wait3A_917] : memref<6x8x16x128xf32, #tpu.memory_space<vmem>> -> memref<1x1x16x128xf32, #tpu.memory_space<vmem>>
        %dma_wait3A_919 = tpu.memref_squeeze %dma_wait3A_918 : memref<1x1x16x128xf32, #tpu.memory_space<vmem>> -> memref<16x128xf32, #tpu.memory_space<vmem>>
        %dma_wait3A_920 = arith.constant 0 : i32
        %dma_wait3A_921 = arith.constant 0 : i32
        %dma_wait3A_922 = tpu.memref_slice %arg2[%dma_wait3A_920, %dma_wait3A_921] : memref<16x1000000xf32, #tpu.memory_space<hbm>> -> memref<16x128xf32, #tpu.memory_space<hbm>>
        tpu.wait_dma2 semaphore(%arg13 : memref<!tpu.dma_semaphore, #tpu.memory_space<semaphore_mem>>) src(%dma_wait3A_922 : memref<16x128xf32, #tpu.memory_space<hbm>>) dst(%dma_wait3A_919 : memref<16x128xf32, #tpu.memory_space<vmem>>)
        %dma_wait3A_923 = arith.constant 5 : i32
        %dma_wait3A_924 = arith.constant 1 : i32
        %dma_wait3A_925 = arith.constant 0 : i32
        %dma_wait3A_926 = arith.constant 0 : i32
        %dma_wait3A_927 = tpu.memref_slice %arg6[%dma_wait3A_923, %dma_wait3A_924, %dma_wait3A_925, %dma_wait3A_926] : memref<6x8x16x128xf32, #tpu.memory_space<vmem>> -> memref<1x1x16x128xf32, #tpu.memory_space<vmem>>
        %dma_wait3A_928 = tpu.memref_squeeze %dma_wait3A_927 : memref<1x1x16x128xf32, #tpu.memory_space<vmem>> -> memref<16x128xf32, #tpu.memory_space<vmem>>
        %dma_wait3A_929 = arith.constant 0 : i32
        %dma_wait3A_930 = arith.constant 0 : i32
        %dma_wait3A_931 = tpu.memref_slice %arg2[%dma_wait3A_929, %dma_wait3A_930] : memref<16x1000000xf32, #tpu.memory_space<hbm>> -> memref<16x128xf32, #tpu.memory_space<hbm>>
        %dma_wait3A_932 = arith.constant 0 : i32
        %dma_wait3A_933 = arith.constant 0 : i32
        %dma_wait3A_934 = tpu.memref_slice %arg6[%dma_wait3A_923, %dma_wait3A_924, %dma_wait3A_932, %dma_wait3A_933] : memref<6x8x16x128xf32, #tpu.memory_space<vmem>> -> memref<1x1x16x128xf32, #tpu.memory_space<vmem>>
        %dma_wait3A_935 = tpu.memref_squeeze %dma_wait3A_934 : memref<1x1x16x128xf32, #tpu.memory_space<vmem>> -> memref<16x128xf32, #tpu.memory_space<vmem>>
        %dma_wait3A_936 = arith.constant 0 : i32
        %dma_wait3A_937 = arith.constant 0 : i32
        %dma_wait3A_938 = tpu.memref_slice %arg2[%dma_wait3A_936, %dma_wait3A_937] : memref<16x1000000xf32, #tpu.memory_space<hbm>> -> memref<16x128xf32, #tpu.memory_space<hbm>>
        tpu.wait_dma2 semaphore(%arg13 : memref<!tpu.dma_semaphore, #tpu.memory_space<semaphore_mem>>) src(%dma_wait3A_938 : memref<16x128xf32, #tpu.memory_space<hbm>>) dst(%dma_wait3A_935 : memref<16x128xf32, #tpu.memory_space<vmem>>)
        %dma_wait3A_939 = arith.constant 5 : i32
        %dma_wait3A_940 = arith.constant 2 : i32
        %dma_wait3A_941 = arith.constant 0 : i32
        %dma_wait3A_942 = arith.constant 0 : i32
        %dma_wait3A_943 = tpu.memref_slice %arg6[%dma_wait3A_939, %dma_wait3A_940, %dma_wait3A_941, %dma_wait3A_942] : memref<6x8x16x128xf32, #tpu.memory_space<vmem>> -> memref<1x1x16x128xf32, #tpu.memory_space<vmem>>
        %dma_wait3A_944 = tpu.memref_squeeze %dma_wait3A_943 : memref<1x1x16x128xf32, #tpu.memory_space<vmem>> -> memref<16x128xf32, #tpu.memory_space<vmem>>
        %dma_wait3A_945 = arith.constant 0 : i32
        %dma_wait3A_946 = arith.constant 0 : i32
        %dma_wait3A_947 = tpu.memref_slice %arg2[%dma_wait3A_945, %dma_wait3A_946] : memref<16x1000000xf32, #tpu.memory_space<hbm>> -> memref<16x128xf32, #tpu.memory_space<hbm>>
        %dma_wait3A_948 = arith.constant 0 : i32
        %dma_wait3A_949 = arith.constant 0 : i32
        %dma_wait3A_950 = tpu.memref_slice %arg6[%dma_wait3A_939, %dma_wait3A_940, %dma_wait3A_948, %dma_wait3A_949] : memref<6x8x16x128xf32, #tpu.memory_space<vmem>> -> memref<1x1x16x128xf32, #tpu.memory_space<vmem>>
        %dma_wait3A_951 = tpu.memref_squeeze %dma_wait3A_950 : memref<1x1x16x128xf32, #tpu.memory_space<vmem>> -> memref<16x128xf32, #tpu.memory_space<vmem>>
        %dma_wait3A_952 = arith.constant 0 : i32
        %dma_wait3A_953 = arith.constant 0 : i32
        %dma_wait3A_954 = tpu.memref_slice %arg2[%dma_wait3A_952, %dma_wait3A_953] : memref<16x1000000xf32, #tpu.memory_space<hbm>> -> memref<16x128xf32, #tpu.memory_space<hbm>>
        tpu.wait_dma2 semaphore(%arg13 : memref<!tpu.dma_semaphore, #tpu.memory_space<semaphore_mem>>) src(%dma_wait3A_954 : memref<16x128xf32, #tpu.memory_space<hbm>>) dst(%dma_wait3A_951 : memref<16x128xf32, #tpu.memory_space<vmem>>)
        %dma_wait3A_955 = arith.constant 5 : i32
        %dma_wait3A_956 = arith.constant 3 : i32
        %dma_wait3A_957 = arith.constant 0 : i32
        %dma_wait3A_958 = arith.constant 0 : i32
        %dma_wait3A_959 = tpu.memref_slice %arg6[%dma_wait3A_955, %dma_wait3A_956, %dma_wait3A_957, %dma_wait3A_958] : memref<6x8x16x128xf32, #tpu.memory_space<vmem>> -> memref<1x1x16x128xf32, #tpu.memory_space<vmem>>
        %dma_wait3A_960 = tpu.memref_squeeze %dma_wait3A_959 : memref<1x1x16x128xf32, #tpu.memory_space<vmem>> -> memref<16x128xf32, #tpu.memory_space<vmem>>
        %dma_wait3A_961 = arith.constant 0 : i32
        %dma_wait3A_962 = arith.constant 0 : i32
        %dma_wait3A_963 = tpu.memref_slice %arg2[%dma_wait3A_961, %dma_wait3A_962] : memref<16x1000000xf32, #tpu.memory_space<hbm>> -> memref<16x128xf32, #tpu.memory_space<hbm>>
        %dma_wait3A_964 = arith.constant 0 : i32
        %dma_wait3A_965 = arith.constant 0 : i32
        %dma_wait3A_966 = tpu.memref_slice %arg6[%dma_wait3A_955, %dma_wait3A_956, %dma_wait3A_964, %dma_wait3A_965] : memref<6x8x16x128xf32, #tpu.memory_space<vmem>> -> memref<1x1x16x128xf32, #tpu.memory_space<vmem>>
        %dma_wait3A_967 = tpu.memref_squeeze %dma_wait3A_966 : memref<1x1x16x128xf32, #tpu.memory_space<vmem>> -> memref<16x128xf32, #tpu.memory_space<vmem>>
        %dma_wait3A_968 = arith.constant 0 : i32
        %dma_wait3A_969 = arith.constant 0 : i32
        %dma_wait3A_970 = tpu.memref_slice %arg2[%dma_wait3A_968, %dma_wait3A_969] : memref<16x1000000xf32, #tpu.memory_space<hbm>> -> memref<16x128xf32, #tpu.memory_space<hbm>>
        tpu.wait_dma2 semaphore(%arg13 : memref<!tpu.dma_semaphore, #tpu.memory_space<semaphore_mem>>) src(%dma_wait3A_970 : memref<16x128xf32, #tpu.memory_space<hbm>>) dst(%dma_wait3A_967 : memref<16x128xf32, #tpu.memory_space<vmem>>)
        %dma_wait3A_971 = arith.constant 5 : i32
        %dma_wait3A_972 = arith.constant 4 : i32
        %dma_wait3A_973 = arith.constant 0 : i32
        %dma_wait3A_974 = arith.constant 0 : i32
        %dma_wait3A_975 = tpu.memref_slice %arg6[%dma_wait3A_971, %dma_wait3A_972, %dma_wait3A_973, %dma_wait3A_974] : memref<6x8x16x128xf32, #tpu.memory_space<vmem>> -> memref<1x1x16x128xf32, #tpu.memory_space<vmem>>
        %dma_wait3A_976 = tpu.memref_squeeze %dma_wait3A_975 : memref<1x1x16x128xf32, #tpu.memory_space<vmem>> -> memref<16x128xf32, #tpu.memory_space<vmem>>
        %dma_wait3A_977 = arith.constant 0 : i32
        %dma_wait3A_978 = arith.constant 0 : i32
        %dma_wait3A_979 = tpu.memref_slice %arg2[%dma_wait3A_977, %dma_wait3A_978] : memref<16x1000000xf32, #tpu.memory_space<hbm>> -> memref<16x128xf32, #tpu.memory_space<hbm>>
        %dma_wait3A_980 = arith.constant 0 : i32
        %dma_wait3A_981 = arith.constant 0 : i32
        %dma_wait3A_982 = tpu.memref_slice %arg6[%dma_wait3A_971, %dma_wait3A_972, %dma_wait3A_980, %dma_wait3A_981] : memref<6x8x16x128xf32, #tpu.memory_space<vmem>> -> memref<1x1x16x128xf32, #tpu.memory_space<vmem>>
        %dma_wait3A_983 = tpu.memref_squeeze %dma_wait3A_982 : memref<1x1x16x128xf32, #tpu.memory_space<vmem>> -> memref<16x128xf32, #tpu.memory_space<vmem>>
        %dma_wait3A_984 = arith.constant 0 : i32
        %dma_wait3A_985 = arith.constant 0 : i32
        %dma_wait3A_986 = tpu.memref_slice %arg2[%dma_wait3A_984, %dma_wait3A_985] : memref<16x1000000xf32, #tpu.memory_space<hbm>> -> memref<16x128xf32, #tpu.memory_space<hbm>>
        tpu.wait_dma2 semaphore(%arg13 : memref<!tpu.dma_semaphore, #tpu.memory_space<semaphore_mem>>) src(%dma_wait3A_986 : memref<16x128xf32, #tpu.memory_space<hbm>>) dst(%dma_wait3A_983 : memref<16x128xf32, #tpu.memory_space<vmem>>)
        %dma_wait3A_987 = arith.constant 5 : i32
        %dma_wait3A_988 = arith.constant 5 : i32
        %dma_wait3A_989 = arith.constant 0 : i32
        %dma_wait3A_990 = arith.constant 0 : i32
        %dma_wait3A_991 = tpu.memref_slice %arg6[%dma_wait3A_987, %dma_wait3A_988, %dma_wait3A_989, %dma_wait3A_990] : memref<6x8x16x128xf32, #tpu.memory_space<vmem>> -> memref<1x1x16x128xf32, #tpu.memory_space<vmem>>
        %dma_wait3A_992 = tpu.memref_squeeze %dma_wait3A_991 : memref<1x1x16x128xf32, #tpu.memory_space<vmem>> -> memref<16x128xf32, #tpu.memory_space<vmem>>
        %dma_wait3A_993 = arith.constant 0 : i32
        %dma_wait3A_994 = arith.constant 0 : i32
        %dma_wait3A_995 = tpu.memref_slice %arg2[%dma_wait3A_993, %dma_wait3A_994] : memref<16x1000000xf32, #tpu.memory_space<hbm>> -> memref<16x128xf32, #tpu.memory_space<hbm>>
        %dma_wait3A_996 = arith.constant 0 : i32
        %dma_wait3A_997 = arith.constant 0 : i32
        %dma_wait3A_998 = tpu.memref_slice %arg6[%dma_wait3A_987, %dma_wait3A_988, %dma_wait3A_996, %dma_wait3A_997] : memref<6x8x16x128xf32, #tpu.memory_space<vmem>> -> memref<1x1x16x128xf32, #tpu.memory_space<vmem>>
        %dma_wait3A_999 = tpu.memref_squeeze %dma_wait3A_998 : memref<1x1x16x128xf32, #tpu.memory_space<vmem>> -> memref<16x128xf32, #tpu.memory_space<vmem>>
        %dma_wait3A_1000 = arith.constant 0 : i32
        %dma_wait3A_1001 = arith.constant 0 : i32
        %dma_wait3A_1002 = tpu.memref_slice %arg2[%dma_wait3A_1000, %dma_wait3A_1001] : memref<16x1000000xf32, #tpu.memory_space<hbm>> -> memref<16x128xf32, #tpu.memory_space<hbm>>
        tpu.wait_dma2 semaphore(%arg13 : memref<!tpu.dma_semaphore, #tpu.memory_space<semaphore_mem>>) src(%dma_wait3A_1002 : memref<16x128xf32, #tpu.memory_space<hbm>>) dst(%dma_wait3A_999 : memref<16x128xf32, #tpu.memory_space<vmem>>)
        %dma_wait3A_1003 = arith.constant 5 : i32
        %dma_wait3A_1004 = arith.constant 6 : i32
        %dma_wait3A_1005 = arith.constant 0 : i32
        %dma_wait3A_1006 = arith.constant 0 : i32
        %dma_wait3A_1007 = tpu.memref_slice %arg6[%dma_wait3A_1003, %dma_wait3A_1004, %dma_wait3A_1005, %dma_wait3A_1006] : memref<6x8x16x128xf32, #tpu.memory_space<vmem>> -> memref<1x1x16x128xf32, #tpu.memory_space<vmem>>
        %dma_wait3A_1008 = tpu.memref_squeeze %dma_wait3A_1007 : memref<1x1x16x128xf32, #tpu.memory_space<vmem>> -> memref<16x128xf32, #tpu.memory_space<vmem>>
        %dma_wait3A_1009 = arith.constant 0 : i32
        %dma_wait3A_1010 = arith.constant 0 : i32
        %dma_wait3A_1011 = tpu.memref_slice %arg2[%dma_wait3A_1009, %dma_wait3A_1010] : memref<16x1000000xf32, #tpu.memory_space<hbm>> -> memref<16x128xf32, #tpu.memory_space<hbm>>
        %dma_wait3A_1012 = arith.constant 0 : i32
        %dma_wait3A_1013 = arith.constant 0 : i32
        %dma_wait3A_1014 = tpu.memref_slice %arg6[%dma_wait3A_1003, %dma_wait3A_1004, %dma_wait3A_1012, %dma_wait3A_1013] : memref<6x8x16x128xf32, #tpu.memory_space<vmem>> -> memref<1x1x16x128xf32, #tpu.memory_space<vmem>>
        %dma_wait3A_1015 = tpu.memref_squeeze %dma_wait3A_1014 : memref<1x1x16x128xf32, #tpu.memory_space<vmem>> -> memref<16x128xf32, #tpu.memory_space<vmem>>
        %dma_wait3A_1016 = arith.constant 0 : i32
        %dma_wait3A_1017 = arith.constant 0 : i32
        %dma_wait3A_1018 = tpu.memref_slice %arg2[%dma_wait3A_1016, %dma_wait3A_1017] : memref<16x1000000xf32, #tpu.memory_space<hbm>> -> memref<16x128xf32, #tpu.memory_space<hbm>>
        tpu.wait_dma2 semaphore(%arg13 : memref<!tpu.dma_semaphore, #tpu.memory_space<semaphore_mem>>) src(%dma_wait3A_1018 : memref<16x128xf32, #tpu.memory_space<hbm>>) dst(%dma_wait3A_1015 : memref<16x128xf32, #tpu.memory_space<vmem>>)
        %dma_wait3A_1019 = arith.constant 5 : i32
        %dma_wait3A_1020 = arith.constant 7 : i32
        %dma_wait3A_1021 = arith.constant 0 : i32
        %dma_wait3A_1022 = arith.constant 0 : i32
        %dma_wait3A_1023 = tpu.memref_slice %arg6[%dma_wait3A_1019, %dma_wait3A_1020, %dma_wait3A_1021, %dma_wait3A_1022] : memref<6x8x16x128xf32, #tpu.memory_space<vmem>> -> memref<1x1x16x128xf32, #tpu.memory_space<vmem>>
        %dma_wait3A_1024 = tpu.memref_squeeze %dma_wait3A_1023 : memref<1x1x16x128xf32, #tpu.memory_space<vmem>> -> memref<16x128xf32, #tpu.memory_space<vmem>>
        %dma_wait3A_1025 = arith.constant 0 : i32
        %dma_wait3A_1026 = arith.constant 0 : i32
        %dma_wait3A_1027 = tpu.memref_slice %arg2[%dma_wait3A_1025, %dma_wait3A_1026] : memref<16x1000000xf32, #tpu.memory_space<hbm>> -> memref<16x128xf32, #tpu.memory_space<hbm>>
        %dma_wait3A_1028 = arith.constant 0 : i32
        %dma_wait3A_1029 = arith.constant 0 : i32
        %dma_wait3A_1030 = tpu.memref_slice %arg6[%dma_wait3A_1019, %dma_wait3A_1020, %dma_wait3A_1028, %dma_wait3A_1029] : memref<6x8x16x128xf32, #tpu.memory_space<vmem>> -> memref<1x1x16x128xf32, #tpu.memory_space<vmem>>
        %dma_wait3A_1031 = tpu.memref_squeeze %dma_wait3A_1030 : memref<1x1x16x128xf32, #tpu.memory_space<vmem>> -> memref<16x128xf32, #tpu.memory_space<vmem>>
        %dma_wait3A_1032 = arith.constant 0 : i32
        %dma_wait3A_1033 = arith.constant 0 : i32
        %dma_wait3A_1034 = tpu.memref_slice %arg2[%dma_wait3A_1032, %dma_wait3A_1033] : memref<16x1000000xf32, #tpu.memory_space<hbm>> -> memref<16x128xf32, #tpu.memory_space<hbm>>
        tpu.wait_dma2 semaphore(%arg13 : memref<!tpu.dma_semaphore, #tpu.memory_space<semaphore_mem>>) src(%dma_wait3A_1034 : memref<16x128xf32, #tpu.memory_space<hbm>>) dst(%dma_wait3A_1031 : memref<16x128xf32, #tpu.memory_space<vmem>>)
        %mul3A_1035 = arith.constant 8 : i32
        %mul3A_1036 = arith.muli %scan3A_781, %mul3A_1035 : i32
        %multiple_of3A_1037 = tpu.assume_multiple %mul3A_1036, 8 : i32
        %get3A_1038 = arith.index_cast %multiple_of3A_1037 : i32 to index
        %get3A_1039 = tpu.vector_load %arg5[%get3A_1038] {strides = array<i32>} : memref<528xi32, #tpu.memory_space<vmem>>, vector<16xi32>,
        %and3A_1040 = arith.constant 127 : i32
        %and3A_1041 = vector.broadcast %and3A_1040 : i32 to vector<16xi32>
        %and3A_1042 = arith.andi %get3A_1039, %and3A_1041 : vector<16xi32>
        %slice3A_1043 = vector.extract_strided_slice %and3A_1042 {offsets = [0], sizes = [1], strides = [1]} : vector<16xi32> to vector<1xi32>
        %squeeze3A_1044 = vector.extract %slice3A_1043[0] : i32 from vector<1xi32>
        %broadcast_in_dim3A = vector.broadcast %squeeze3A_1044 : i32 to vector<16xi32>
        %gather3A = arith.constant 5 : i32
        %gather3A_1045 = arith.constant 0 : i32
        %gather3A_1046 = arith.constant 0 : i32
        %gather3A_1047 = arith.constant 0 : i32
        %gather3A_1048 = tpu.memref_slice %arg6[%gather3A, %gather3A_1045, %gather3A_1046, %gather3A_1047] : memref<6x8x16x128xf32, #tpu.memory_space<vmem>> -> memref<1x1x16x128xf32, #tpu.memory_space<vmem>>
        %gather3A_1049 = tpu.memref_squeeze %gather3A_1048 : memref<1x1x16x128xf32, #tpu.memory_space<vmem>> -> memref<16x128xf32, #tpu.memory_space<vmem>>
        %gather3A_1050 = tpu.vector_load_idx %gather3A_1049[%iota3A, %broadcast_in_dim3A] : memref<16x128xf32, #tpu.memory_space<vmem>>[vector<16xi32>, vector<16xi32>], vector<16xf32>,
        %add3A_1051 = arith.constant 0 : i32
        %add3A_1052 = arith.addi %multiple_of3A_1037, %add3A_1051 : i32
        %broadcast_in_dim3A_1053 = vector.broadcast %add3A_1052 : i32 to vector<16xi32>
        tpu.vector_store_idx %arg7[%iota3A, %broadcast_in_dim3A_1053], %gather3A_1050 : memref<16x512xf32, #tpu.memory_space<vmem>>[vector<16xi32>, vector<16xi32>], vector<16xf32>,
        %slice3A_1054 = vector.extract_strided_slice %and3A_1042 {offsets = [1], sizes = [1], strides = [1]} : vector<16xi32> to vector<1xi32>
        %squeeze3A_1055 = vector.extract %slice3A_1054[0] : i32 from vector<1xi32>
        %broadcast_in_dim3A_1056 = vector.broadcast %squeeze3A_1055 : i32 to vector<16xi32>
        %gather3A_1057 = arith.constant 5 : i32
        %gather3A_1058 = arith.constant 1 : i32
        %gather3A_1059 = arith.constant 0 : i32
        %gather3A_1060 = arith.constant 0 : i32
        %gather3A_1061 = tpu.memref_slice %arg6[%gather3A_1057, %gather3A_1058, %gather3A_1059, %gather3A_1060] : memref<6x8x16x128xf32, #tpu.memory_space<vmem>> -> memref<1x1x16x128xf32, #tpu.memory_space<vmem>>
        %gather3A_1062 = tpu.memref_squeeze %gather3A_1061 : memref<1x1x16x128xf32, #tpu.memory_space<vmem>> -> memref<16x128xf32, #tpu.memory_space<vmem>>
        %gather3A_1063 = tpu.vector_load_idx %gather3A_1062[%iota3A, %broadcast_in_dim3A_1056] : memref<16x128xf32, #tpu.memory_space<vmem>>[vector<16xi32>, vector<16xi32>], vector<16xf32>,
        %add3A_1064 = arith.constant 1 : i32
        %add3A_1065 = arith.addi %multiple_of3A_1037, %add3A_1064 : i32
        %broadcast_in_dim3A_1066 = vector.broadcast %add3A_1065 : i32 to vector<16xi32>
        tpu.vector_store_idx %arg7[%iota3A, %broadcast_in_dim3A_1066], %gather3A_1063 : memref<16x512xf32, #tpu.memory_space<vmem>>[vector<16xi32>, vector<16xi32>], vector<16xf32>,
        %slice3A_1067 = vector.extract_strided_slice %and3A_1042 {offsets = [2], sizes = [1], strides = [1]} : vector<16xi32> to vector<1xi32>
        %squeeze3A_1068 = vector.extract %slice3A_1067[0] : i32 from vector<1xi32>
        %broadcast_in_dim3A_1069 = vector.broadcast %squeeze3A_1068 : i32 to vector<16xi32>
        %gather3A_1070 = arith.constant 5 : i32
        %gather3A_1071 = arith.constant 2 : i32
        %gather3A_1072 = arith.constant 0 : i32
        %gather3A_1073 = arith.constant 0 : i32
        %gather3A_1074 = tpu.memref_slice %arg6[%gather3A_1070, %gather3A_1071, %gather3A_1072, %gather3A_1073] : memref<6x8x16x128xf32, #tpu.memory_space<vmem>> -> memref<1x1x16x128xf32, #tpu.memory_space<vmem>>
        %gather3A_1075 = tpu.memref_squeeze %gather3A_1074 : memref<1x1x16x128xf32, #tpu.memory_space<vmem>> -> memref<16x128xf32, #tpu.memory_space<vmem>>
        %gather3A_1076 = tpu.vector_load_idx %gather3A_1075[%iota3A, %broadcast_in_dim3A_1069] : memref<16x128xf32, #tpu.memory_space<vmem>>[vector<16xi32>, vector<16xi32>], vector<16xf32>,
        %add3A_1077 = arith.constant 2 : i32
        %add3A_1078 = arith.addi %multiple_of3A_1037, %add3A_1077 : i32
        %broadcast_in_dim3A_1079 = vector.broadcast %add3A_1078 : i32 to vector<16xi32>
        tpu.vector_store_idx %arg7[%iota3A, %broadcast_in_dim3A_1079], %gather3A_1076 : memref<16x512xf32, #tpu.memory_space<vmem>>[vector<16xi32>, vector<16xi32>], vector<16xf32>,
        %slice3A_1080 = vector.extract_strided_slice %and3A_1042 {offsets = [3], sizes = [1], strides = [1]} : vector<16xi32> to vector<1xi32>
        %squeeze3A_1081 = vector.extract %slice3A_1080[0] : i32 from vector<1xi32>
        %broadcast_in_dim3A_1082 = vector.broadcast %squeeze3A_1081 : i32 to vector<16xi32>
        %gather3A_1083 = arith.constant 5 : i32
        %gather3A_1084 = arith.constant 3 : i32
        %gather3A_1085 = arith.constant 0 : i32
        %gather3A_1086 = arith.constant 0 : i32
        %gather3A_1087 = tpu.memref_slice %arg6[%gather3A_1083, %gather3A_1084, %gather3A_1085, %gather3A_1086] : memref<6x8x16x128xf32, #tpu.memory_space<vmem>> -> memref<1x1x16x128xf32, #tpu.memory_space<vmem>>
        %gather3A_1088 = tpu.memref_squeeze %gather3A_1087 : memref<1x1x16x128xf32, #tpu.memory_space<vmem>> -> memref<16x128xf32, #tpu.memory_space<vmem>>
        %gather3A_1089 = tpu.vector_load_idx %gather3A_1088[%iota3A, %broadcast_in_dim3A_1082] : memref<16x128xf32, #tpu.memory_space<vmem>>[vector<16xi32>, vector<16xi32>], vector<16xf32>,
        %add3A_1090 = arith.constant 3 : i32
        %add3A_1091 = arith.addi %multiple_of3A_1037, %add3A_1090 : i32
        %broadcast_in_dim3A_1092 = vector.broadcast %add3A_1091 : i32 to vector<16xi32>
        tpu.vector_store_idx %arg7[%iota3A, %broadcast_in_dim3A_1092], %gather3A_1089 : memref<16x512xf32, #tpu.memory_space<vmem>>[vector<16xi32>, vector<16xi32>], vector<16xf32>,
        %slice3A_1093 = vector.extract_strided_slice %and3A_1042 {offsets = [4], sizes = [1], strides = [1]} : vector<16xi32> to vector<1xi32>
        %squeeze3A_1094 = vector.extract %slice3A_1093[0] : i32 from vector<1xi32>
        %broadcast_in_dim3A_1095 = vector.broadcast %squeeze3A_1094 : i32 to vector<16xi32>
        %gather3A_1096 = arith.constant 5 : i32
        %gather3A_1097 = arith.constant 4 : i32
        %gather3A_1098 = arith.constant 0 : i32
        %gather3A_1099 = arith.constant 0 : i32
        %gather3A_1100 = tpu.memref_slice %arg6[%gather3A_1096, %gather3A_1097, %gather3A_1098, %gather3A_1099] : memref<6x8x16x128xf32, #tpu.memory_space<vmem>> -> memref<1x1x16x128xf32, #tpu.memory_space<vmem>>
        %gather3A_1101 = tpu.memref_squeeze %gather3A_1100 : memref<1x1x16x128xf32, #tpu.memory_space<vmem>> -> memref<16x128xf32, #tpu.memory_space<vmem>>
        %gather3A_1102 = tpu.vector_load_idx %gather3A_1101[%iota3A, %broadcast_in_dim3A_1095] : memref<16x128xf32, #tpu.memory_space<vmem>>[vector<16xi32>, vector<16xi32>], vector<16xf32>,
        %add3A_1103 = arith.constant 4 : i32
        %add3A_1104 = arith.addi %multiple_of3A_1037, %add3A_1103 : i32
        %broadcast_in_dim3A_1105 = vector.broadcast %add3A_1104 : i32 to vector<16xi32>
        tpu.vector_store_idx %arg7[%iota3A, %broadcast_in_dim3A_1105], %gather3A_1102 : memref<16x512xf32, #tpu.memory_space<vmem>>[vector<16xi32>, vector<16xi32>], vector<16xf32>,
        %slice3A_1106 = vector.extract_strided_slice %and3A_1042 {offsets = [5], sizes = [1], strides = [1]} : vector<16xi32> to vector<1xi32>
        %squeeze3A_1107 = vector.extract %slice3A_1106[0] : i32 from vector<1xi32>
        %broadcast_in_dim3A_1108 = vector.broadcast %squeeze3A_1107 : i32 to vector<16xi32>
        %gather3A_1109 = arith.constant 5 : i32
        %gather3A_1110 = arith.constant 5 : i32
        %gather3A_1111 = arith.constant 0 : i32
        %gather3A_1112 = arith.constant 0 : i32
        %gather3A_1113 = tpu.memref_slice %arg6[%gather3A_1109, %gather3A_1110, %gather3A_1111, %gather3A_1112] : memref<6x8x16x128xf32, #tpu.memory_space<vmem>> -> memref<1x1x16x128xf32, #tpu.memory_space<vmem>>
        %gather3A_1114 = tpu.memref_squeeze %gather3A_1113 : memref<1x1x16x128xf32, #tpu.memory_space<vmem>> -> memref<16x128xf32, #tpu.memory_space<vmem>>
        %gather3A_1115 = tpu.vector_load_idx %gather3A_1114[%iota3A, %broadcast_in_dim3A_1108] : memref<16x128xf32, #tpu.memory_space<vmem>>[vector<16xi32>, vector<16xi32>], vector<16xf32>,
        %add3A_1116 = arith.constant 5 : i32
        %add3A_1117 = arith.addi %multiple_of3A_1037, %add3A_1116 : i32
        %broadcast_in_dim3A_1118 = vector.broadcast %add3A_1117 : i32 to vector<16xi32>
        tpu.vector_store_idx %arg7[%iota3A, %broadcast_in_dim3A_1118], %gather3A_1115 : memref<16x512xf32, #tpu.memory_space<vmem>>[vector<16xi32>, vector<16xi32>], vector<16xf32>,
        %slice3A_1119 = vector.extract_strided_slice %and3A_1042 {offsets = [6], sizes = [1], strides = [1]} : vector<16xi32> to vector<1xi32>
        %squeeze3A_1120 = vector.extract %slice3A_1119[0] : i32 from vector<1xi32>
        %broadcast_in_dim3A_1121 = vector.broadcast %squeeze3A_1120 : i32 to vector<16xi32>
        %gather3A_1122 = arith.constant 5 : i32
        %gather3A_1123 = arith.constant 6 : i32
        %gather3A_1124 = arith.constant 0 : i32
        %gather3A_1125 = arith.constant 0 : i32
        %gather3A_1126 = tpu.memref_slice %arg6[%gather3A_1122, %gather3A_1123, %gather3A_1124, %gather3A_1125] : memref<6x8x16x128xf32, #tpu.memory_space<vmem>> -> memref<1x1x16x128xf32, #tpu.memory_space<vmem>>
        %gather3A_1127 = tpu.memref_squeeze %gather3A_1126 : memref<1x1x16x128xf32, #tpu.memory_space<vmem>> -> memref<16x128xf32, #tpu.memory_space<vmem>>
        %gather3A_1128 = tpu.vector_load_idx %gather3A_1127[%iota3A, %broadcast_in_dim3A_1121] : memref<16x128xf32, #tpu.memory_space<vmem>>[vector<16xi32>, vector<16xi32>], vector<16xf32>,
        %add3A_1129 = arith.constant 6 : i32
        %add3A_1130 = arith.addi %multiple_of3A_1037, %add3A_1129 : i32
        %broadcast_in_dim3A_1131 = vector.broadcast %add3A_1130 : i32 to vector<16xi32>
        tpu.vector_store_idx %arg7[%iota3A, %broadcast_in_dim3A_1131], %gather3A_1128 : memref<16x512xf32, #tpu.memory_space<vmem>>[vector<16xi32>, vector<16xi32>], vector<16xf32>,
        %slice3A_1132 = vector.extract_strided_slice %and3A_1042 {offsets = [7], sizes = [1], strides = [1]} : vector<16xi32> to vector<1xi32>
        %squeeze3A_1133 = vector.extract %slice3A_1132[0] : i32 from vector<1xi32>
        %broadcast_in_dim3A_1134 = vector.broadcast %squeeze3A_1133 : i32 to vector<16xi32>
        %gather3A_1135 = arith.constant 5 : i32
        %gather3A_1136 = arith.constant 7 : i32
        %gather3A_1137 = arith.constant 0 : i32
        %gather3A_1138 = arith.constant 0 : i32
        %gather3A_1139 = tpu.memref_slice %arg6[%gather3A_1135, %gather3A_1136, %gather3A_1137, %gather3A_1138] : memref<6x8x16x128xf32, #tpu.memory_space<vmem>> -> memref<1x1x16x128xf32, #tpu.memory_space<vmem>>
        %gather3A_1140 = tpu.memref_squeeze %gather3A_1139 : memref<1x1x16x128xf32, #tpu.memory_space<vmem>> -> memref<16x128xf32, #tpu.memory_space<vmem>>
        %gather3A_1141 = tpu.vector_load_idx %gather3A_1140[%iota3A, %broadcast_in_dim3A_1134] : memref<16x128xf32, #tpu.memory_space<vmem>>[vector<16xi32>, vector<16xi32>], vector<16xf32>,
        %add3A_1142 = arith.constant 7 : i32
        %add3A_1143 = arith.addi %multiple_of3A_1037, %add3A_1142 : i32
        %broadcast_in_dim3A_1144 = vector.broadcast %add3A_1143 : i32 to vector<16xi32>
        tpu.vector_store_idx %arg7[%iota3A, %broadcast_in_dim3A_1144], %gather3A_1141 : memref<16x512xf32, #tpu.memory_space<vmem>>[vector<16xi32>, vector<16xi32>], vector<16xf32>,
      } else {
      }
    }
    %scan3A_780 = arith.constant 64 : i32
    "tpu.region"() ({
      %run_scoped3A = tpu.sem_alloc : memref<!tpu.dma_semaphore, #tpu.memory_space<semaphore_mem>>
      %dma_start3A_781 = arith.constant 0 : i32
      %dma_start3A_782 = tpu.memref_slice %arg4[%dma_start3A_781, %mul3A_2] : memref<16x16384xf32, #tpu.memory_space<hbm>> -> memref<16x512xf32, #tpu.memory_space<hbm>>
      %dma_start3A_783 = arith.constant 0 : i32
      %dma_start3A_784 = tpu.memref_slice %arg4[%dma_start3A_783, %mul3A_2] : memref<16x16384xf32, #tpu.memory_space<hbm>> -> memref<16x512xf32, #tpu.memory_space<hbm>>
      tpu.enqueue_dma source(%arg7 : memref<16x512xf32, #tpu.memory_space<vmem>>) target(%dma_start3A_784 : memref<16x512xf32, #tpu.memory_space<hbm>>) target_semaphore(%run_scoped3A : memref<!tpu.dma_semaphore, #tpu.memory_space<semaphore_mem>>)
      %dma_wait3A = arith.constant 0 : i32
      %dma_wait3A_785 = tpu.memref_slice %arg4[%dma_wait3A, %mul3A_2] : memref<16x16384xf32, #tpu.memory_space<hbm>> -> memref<16x512xf32, #tpu.memory_space<hbm>>
      %dma_wait3A_786 = arith.constant 0 : i32
      %dma_wait3A_787 = tpu.memref_slice %arg4[%dma_wait3A_786, %mul3A_2] : memref<16x16384xf32, #tpu.memory_space<hbm>> -> memref<16x512xf32, #tpu.memory_space<hbm>>
      tpu.wait_dma2 semaphore(%run_scoped3A : memref<!tpu.dma_semaphore, #tpu.memory_space<semaphore_mem>>) src(%arg7 : memref<16x512xf32, #tpu.memory_space<vmem>>) dst(%dma_wait3A_787 : memref<16x512xf32, #tpu.memory_space<hbm>>)
      tpu.yield
    }) : () -> ()
    return
  }
}

</mosaic_0001>

<sc_bundles>
// kernel: kernel.3.cloned.1.call-start
scs
__scs_entry_jumppad:
0x0: {  	(pc) =	sbr.rel $0x88, $3  }
0x1: {  	(tag) =	ssettag $0x0;
	lr =	simm.s32 $0x1  }
0x2: {  	[smem:$0x3F9F] =	sst lr;
	_ =	strace $0xD0000000  }
0x3: {  	_ = 	snop  }
0x4: {  	_ = 	snop  }
0x5: {  	_ = 	snop  }
0x6: {  	_ = 	snop  }
0x7: {  	_ = 	snop  }
__scs_overlays_trampoline_lowered:
0x8: {  	[smem:$0x3FAE] =	sst s0  }
0x9: {  	[smem:$0x3FAF] =	sst s1  }
0xa: {  	[smem:$0x3FB0] =	sst s2  }
0xb: {  	[smem:$0x3FB1] =	sst s3  }
0xc: {  	[smem:$0x3FB2] =	sst s4  }
0xd: {  	[smem:$0x3FB3] =	sst s5  }
0xe: {  	[smem:$0x3FB4] =	sst s6  }
0xf: {  	[smem:$0x3FB5] =	sst s7  }
0x10: {  	[smem:$0x3FB6] =	sst s8  }
0x11: {  	[smem:$0x3FB7] =	sst s9;
	s0 =	simm.s32 @!p0 $0x0  }
0x12: {  	s1 =	sld [smem:$0x3F9D];
	s0 =	simm.s32 @p0 $0x1  }
0x13: {  	[smem:$0x3FB8] =	sst s0;
	s0 =	simm.s32 @!p1 $0x0  }
0x14: {  	s2 =	sld [smem:$0x3F9C];
	s0 =	simm.s32 @p1 $0x1  }
0x15: {  	[smem:$0x3FB9] =	sst s0;
	s0 =	simm.s32 @!p2 $0x0  }
0x16: {  	s3 =	sld [smem:$0x3FDB];
	s0 =	simm.s32 @p2 $0x1  }
0x17: {  	s4 =	simm.s32 $0x1BF5;
	[smem:$0x3FBB] =	sst s0  }
0x18: {  	s0 =	sld [smem:$0x3F9E];
	_ =	swait.ge [sflag:s4], $0x0  }
0x19: {  	s7 =	sld [smem:$0x3F9F]  }
0x1a: {  	s8 =	sadd.s32 $0xFFFFE003, lr  }
0x1b: {  	s9 =	sadd.s32 $0xFFFFFEF7, lr;
	s5 =	simm.s32 $0xFFFFFFFF;
	p2 =	slt.u32 s8, $0xFFFFF086  }
0x1c: {  	p1 =	slt.u32 s9, $0xF7A;
	s5 =	simm.s32 @!p2 $0x0  }
0x1d: {  	s5 =	simm.s32 @p1 $0x1;
	p0 =	seq.s32 s7, s2  }
0x1e: {  	s7 =	smul.u32 @!p0 $0xF7A, s2;
	p2 =	seq.s32 @!p0 s5, $0x0  }
0x1f: {  	s9 =	smul.u32 $0xF7A, s1;
	s8 =	simm.s32 @!p0 $0x1BF5;
	p2 =	por !p2, p0  }
0x20: {  	[sflag:s8] =	ssyncset.s32 @!p0 $0xFFFFF086;
	s6 =	sadd.s32 @!p0 s3, s7;
	s7 =	simm.s32 @!p0 $0x108  }
0x21: {  	s3 =	sadd.s32 s3, s9;
	s6 =	sadd.s32 @!p0 $0x88, s6;
	s7 =	simm.s32 @p2 $0x1082  }
0x22: {  	[simem:s7], [sflag:s8] =	dma.local @!p0 [hbm:s6], $0xF7A  }
0x23: {  	s9 =	sor.u32 $0xD0000000, s2;
	s6 =	simm.s32 $0x108;
	_ =	swait.ge @!p0 [sflag:s8], $0x0  }
0x24: {  	s3 =	sadd.s32 $0x88, s3;
	s6 =	simm.s32 @!p1 $0x1082;
	[sflag:s4] =	ssyncset.s32 $0xFFFFF086  }
0x25: {  	[simem:s6], [sflag:s4] =	dma.local [hbm:s3], $0xF7A  }
0x26: {  	[smem:$0x3F9F] =	sst s1;
	(tag) =	ssettag s2;
	_ =	strace s9  }
0x27: {  	s1 =	sld [smem:$0x3FAF]  }
0x28: {  	s2 =	sld [smem:$0x3FB0]  }
0x29: {  	s4 =	sld [smem:$0x3FB2]  }
0x2a: {  	p0 =	seq.s32 s5, $0x0;
	s5 =	sld [smem:$0x3FB3]  }
0x2b: {  	s6 =	sld [smem:$0x3FB4]  }
0x2c: {  	s7 =	sld [smem:$0x3FB5]  }
0x2d: {  	s3 =	simm.s32 $0x108;
	s8 =	sld [smem:$0x3FB6]  }
0x2e: {  	s3 =	simm.s32 @!p0 $0x1082;
	s9 =	sld [smem:$0x3FB7]  }
0x2f: {  	lr =	sadd.s32 s0, s3;
	s0 =	sld [smem:$0x3FAE]  }
0x30: {  	s3 =	sld [smem:$0x3FB1]  }
0x31: {  	[smem:$0x3FBA] =	sst s10  }
0x32: {  	s10 =	sld [smem:$0x3FB8];
	_ =	sdelay $0x3  }
0x33: {  	p0 =	seq.s32 s10, $0x1;
	s10 =	sld [smem:$0x3FBA];
	_ =	sdelay $0x3  }
0x34: {  	[smem:$0x3FBA] =	sst s10  }
0x35: {  	s10 =	sld [smem:$0x3FB9];
	_ =	sdelay $0x3  }
0x36: {  	p1 =	seq.s32 s10, $0x1;
	s10 =	sld [smem:$0x3FBA];
	_ =	sdelay $0x3  }
0x37: {  	[smem:$0x3FBA] =	sst s10  }
0x38: {  	s10 =	sld [smem:$0x3FBB]  }
0x39: {  	_ = 	snop;
	(pc) =	sbr.ind lr, $3  }
0x3a: {  	_ = 	snop  }
0x3b: {  	_ = 	snop  }
0x3c: {  	p2 =	seq.s32 s10, $0x1;
	s10 =	sld [smem:$0x3FBA]  }
0x3d: {  	_ =	shalt  }
0x3e: {  	_ =	shalt  }
0x3f: {  	_ =	shalt  }
0x40: {  	_ =	shalt  }
0x41: {  	_ =	shalt  }
0x42: {  	_ =	shalt  }
0x43: {  	_ =	shalt  }
0x44: {  	_ =	shalt  }
0x45: {  	_ =	shalt  }
0x46: {  	_ =	shalt  }
0x47: {  	_ =	shalt  }
0x48: {  	_ =	shalt  }
0x49: {  	_ =	shalt  }
0x4a: {  	_ =	shalt  }
0x4b: {  	_ =	shalt  }
0x4c: {  	_ =	shalt  }
0x4d: {  	_ =	shalt  }
0x4e: {  	_ =	shalt  }
0x4f: {  	_ =	shalt  }
0x50: {  	_ =	shalt  }
0x51: {  	_ =	shalt  }
0x52: {  	_ =	shalt  }
0x53: {  	_ =	shalt  }
0x54: {  	_ =	shalt  }
0x55: {  	_ =	shalt  }
0x56: {  	_ =	shalt  }
0x57: {  	_ =	shalt  }
0x58: {  	_ =	shalt  }
0x59: {  	_ =	shalt  }
0x5a: {  	_ =	shalt  }
0x5b: {  	_ =	shalt  }
0x5c: {  	_ =	shalt  }
0x5d: {  	_ =	shalt  }
0x5e: {  	_ =	shalt  }
0x5f: {  	_ =	shalt  }
0x60: {  	_ =	shalt  }
0x61: {  	_ =	shalt  }
0x62: {  	_ =	shalt  }
0x63: {  	_ =	shalt  }
0x64: {  	_ =	shalt  }
0x65: {  	_ =	shalt  }
0x66: {  	_ =	shalt  }
0x67: {  	_ =	shalt  }
0x68: {  	_ =	shalt  }
0x69: {  	_ =	shalt  }
0x6a: {  	_ =	shalt  }
0x6b: {  	_ =	shalt  }
0x6c: {  	_ =	shalt  }
0x6d: {  	_ =	shalt  }
0x6e: {  	_ =	shalt  }
0x6f: {  	_ =	shalt  }
0x70: {  	_ =	shalt  }
0x71: {  	_ =	shalt  }
0x72: {  	_ =	shalt  }
0x73: {  	_ =	shalt  }
0x74: {  	_ =	shalt  }
0x75: {  	_ =	shalt  }
0x76: {  	_ =	shalt  }
0x77: {  	_ =	shalt  }
0x78: {  	_ =	shalt  }
0x79: {  	_ =	shalt  }
0x7a: {  	_ =	shalt  }
0x7b: {  	_ =	shalt  }
0x7c: {  	_ =	shalt  }
0x7d: {  	_ =	shalt  }
0x7e: {  	_ =	shalt  }
0x7f: {  	_ =	shalt  }
0x80: {  	_ =	shalt  }
0x81: {  	_ =	shalt  }
0x82: {  	_ =	shalt  }
0x83: {  	_ =	shalt  }
0x84: {  	_ =	shalt  }
0x85: {  	_ =	shalt  }
0x86: {  	_ =	shalt  }
0x87: {  	_ =	shalt  }
.Lfunc_end0:
.L_simem_size_0:
called_computation_lowered:
.L_overlay_start_0:
0x88: {  	s2 =	sld [smem:$0x3FD9]  }
0x89: {  	s3 =	sld [smem:$0x3FFE];
	_ =	sdelay $0x1  }
0x8a: {  	s1 =	srdreg.scid  }
0x8b: {  	s0 =	sand.u32 $0x1, s1  }
0x8c: {  	s18 =	sshll.u32 s0, $0xA;
	s2 =	sadd.s32 s3, s2  }
0x8d: {  	s2 =	sadd.s32 s2, s18  }
0x8e: {  	[smem:$0x3FC6] =	sst s2  }
0x8f: {  	_ = 	snop  }
0x90: {  	s2 =	sld [smem:$0x3FC9]  }
0x91: {  	s19 =	sld [smem:$0x3FC8]  }
0x92: {  	s4 =	sld [smem:$0x3FD0];
	(tm) =	ssettm $0x1  }
0x93: {  	s5 =	sld [smem:$0x3FFB];
	_ =	sdelay $0x3  }
0x94: {  	_ =	strace s5  }
0x95: {  	s5 =	sld [smem:$0x3FFC];
	_ =	sdelay $0x3  }
0x96: {  	_ =	strace s5  }
0x97: {  	s5 =	sld [smem:$0x3FFD];
	_ =	sdelay $0x3  }
0x98: {  	_ =	strace s5  }
0x99: {  	_ =	strace $0x8FFFFFFF  }
0x9a: {  	s20 =	sld [smem:$0x3FDB];
	_ =	sdelay $0x1  }
0x9b: {  	s6 =	simm.s32 $_scs_section_size  }
0x9c: {  	s7 =	simm.s32 $_size__tile_overlayer_lowered;
	s8 =	simm.s32 $_tile_overlayer_lowered  }
0x9d: {  	s23 =	simm.s32 $0x1BFF;
	s22 =	sshll.u32 s8, $0x1;
	s5 =	sadd.s32 s6, s20  }
0x9e: {  	s9 =	simm.s32 $0x0;
	s21 =	sshll.u32 s7, $0x1;
	s7 =	sadd.s32 s22, s5  }
0x9f: {  	[timem:s9], [sflag:s23] =	dma.local [hbm:s7], s21  }
0xa0: {  	_ =	swait.ge [sflag:s23], s21  }
0xa1: {  	s6 =	ssub.s32 $0x0, s21;
	[sflag:s23] =	ssyncset.done $0x0  }
0xa2: {  	[sflag:s23] =	ssyncadd.s32 s6;
	_ =	sdelay $0x1  }
0xa3: {  	s24 =	simm.s32 $0x1B8B  }
0xa4: {  	_ =	swait.ge [sflag:s24], $0x1  }
0xa5: {  	[sflag:s24] =	ssyncset.done $0x0  }
0xa6: {  	s25 =	simm.s32 $0x1B8E;
	[sflag:s24] =	ssyncadd.s32 $0xFFFFFFFF  }
0xa7: {  	s26 =	simm.s32 $execute0_lowered;
	[smem:$0x3FD2] =	sst s25  }
0xa8: {  	s6 =	sshll.u32 s26, $0x1;
	_ =	strace $0x80000046;
	[dreg:$0x1] =	wrdreg $0xFFFFFFFF  }
0xa9: {  	s28 =	simm.s32 $_size_execute0_lowered;
	s5 =	sadd.s32 s5, s6;
	[dreg:$0x0] =	wrdreg $0x0  }
0xaa: {  	s6 =	sshll.u32 s28, $0x1;
	[dreg:$0x2] =	wrdreg s5  }
0xab: {  	[dreg:$0x3] =	wrdreg s6  }
0xac: {  	[dreg:$0x4] =	wrdreg $0xC0  }
0xad: {  	_ =	task [dreg:s9], $0x5FFFF  }
0xae: {  	[dreg:$0x1] =	wrdreg $0xFFFFFFFF  }
0xaf: {  	[dreg:$0x0] =	wrdreg $0x60  }
0xb0: {  	[dreg:$0x2] =	wrdreg s2  }
0xb1: {  	[dreg:$0x3] =	wrdreg s19  }
0xb2: {  	[dreg:$0x4] =	wrdreg s4  }
0xb3: {  	[dreg:$0x5] =	wrdreg $0x9  }
0xb4: {  	_ =	task.clear_ibuf [dreg:s9], $0x6FFFF;
	_ =	strace $0x90000046  }
0xb5: {  	s29 =	simm.s32 $0x9;
	_ =	strace $0x80000048  }
0xb6: {  	_ =	swait.ge [sflag:s29], $0x1  }
0xb7: {  	[sflag:s29] =	ssyncadd.s32 $0xFFFFFFFF  }
0xb8: {  	_ =	strace $0x90000048  }
0xb9: {  	_ =	sfence  }
0xba: {  	s30 =	sld [smem:$0x0];
	_ =	sdelay $0x2  }
0xbb: {  	s31 =	sshll.u32 s1, $0xD;
	s1 =	sshrl.u32 s1, $0x2  }
0xbc: {  	s3 =	sand.u32 $0x4000, s31;
	s1 =	sadd.s32 s1, s30  }
0xbd: {  	s0 =	sor.u32 s3, s0;
	s1 =	sshll.u32 s1, $0x11  }
0xbe: {  	s0 =	sor.u32 s1, s0  }
0xbf: {  	s0 =	sadd.s32 $0x8F2B, s0  }
0xc0: {  	[sflag:s0] =	ssyncadd.remote.s32 $0x1  }
0xc1: {  	_ =	sfence.sel $0xFFFF  }
0xc2: {  	[dreg:$0x0] =	wrdreg $0xFFFFFFFF;
	(pc) =	sbr.abs _section_cstart, $3  }
0xc3: {  	[dreg:$0x1] =	wrdreg $0xFFFFFFFF  }
0xc4: {  	_ =	task.clear_ibuf [dreg:s9], $0x2FFFF;
	_ =	strace $0x9FFFFFFF  }
0xc5: {  	(tm) =	ssettm $0x7FFFFFFF  }
tec
execute0_lowered:
.L_overlay_start_1:
0x0: {  	(tag) =	ssettag $0x1  }
0x1: {  	v0 =	vimm.s32 $0x1380;
	vm0 =	vcmask $0x300  }
0x2: {  	vm14 =	vcmask $0x704;
	v0 =	vsel vm0, $0x0, v0  }
0x3: {  	s1 =	rddreg [dreg:$0x0];
	vm15 =	vcmask $0xB08;
	v0 =	vsel vm14, $0x80, v0  }
0x4: {  	s0 =	rddreg [dreg:$0x1];
	vm4 =	vcmask $0xF0C;
	v0 =	vsel vm15, $0x100, v0  }
0x5: {  	s2 =	rddreg [dreg:$0x2];
	vm5 =	vcmask $0x1310;
	v0 =	vsel vm4, $0x180, v0  }
0x6: {  	s3 =	srdreg.scid;
	s4 =	stileid.u32;
	vm6 =	vcmask $0x1714;
	v0 =	vsel vm5, $0x200, v0  }
0x7: {  	s6 =	simm.s32 $0x0;
	s7 =	simm.s32 $0x400;
	s8 =	simm.s32 $0x7A1400;
	vm7 =	vcmask $0x1B18;
	v0 =	vsel vm6, $0x280, v0  }
0x8: {  	vm8 =	vcmask $0x1F1C;
	s16 =	simm.s32 $0x10280;
	s17 =	simm.s32 $0x10A80;
	s18 =	simm.s32 $0x11280;
	v0 =	vsel vm7, $0x300, v0  }
0x9: {  	vm9 =	vcmask $0x2320;
	s19 =	simm.s32 $0x11A80;
	s20 =	simm.s32 $0x12280;
	s21 =	simm.s32 $0x12A80;
	v0 =	vsel vm8, $0x380, v0  }
0xa: {  	vm10 =	vcmask $0x2724;
	s22 =	simm.s32 $0x13280;
	s23 =	simm.s32 $0x13A80;
	s24 =	simm.s32 $0x18280;
	v0 =	vsel vm9, $0x1000, v0  }
0xb: {  	vm11 =	vcmask $0x2B28;
	s25 =	simm.s32 $0x1000;
	s26 =	simm.s32 $0x20000;
	s28 =	simm.s32 $0x7;
	v0 =	vsel vm10, $0x1080, v0  }
.Ltmp0:
0xc: {  	vm12 =	vcmask $0x2F2C;
	s29 =	simm.s32 $0x0;
	s3 =	sand.u32 $0x1, s3;
	v0 =	vsel vm11, $0x1100, v0;
	(pc) =	sbr.rel .LBB2_1-.Ltmp0, $4  }
0xd: {  	vm13 =	vcmask $0x3330;
	s4 =	sshll.u32 s4, $0xA;
	s5 =	sshll.u32 s3, $0x9;
	s3 =	ssub.s32 $0x2, s3;
	v0 =	vsel vm12, $0x1180, v0  }
0xe: {  	[smem:$0x7FF] =	sst s6;
	vm14 =	vcmask $0x3734;
	s5 =	sor.u32 s5, s4;
	s30 =	sshrl.u32 s3, $0x1;
	v0 =	vsel vm13, $0x1200, v0  }
0xf: {  	v1 =	vlaneseq.u32;
	_ =	strace $0x80000047;
	vm15 =	vcmask $0x3B38;
	s31 =	sshrl.u32 s5, $0x3;
	s3 =	ssub.s32 s3, s30;
	v2 =	vsel vm14, $0x1280, v0  }
0x10: {  	s5 =	sadd.s32 s2, s5;
	s4 =	sadd.s32 s0, s31;
	s6 =	smax.u32 s3, $0x1;
	v0 =	vmul.u32 $0x80, v1;
	v1 =	vsel vm15, $0x1300, v2  }
.LBB2_14:
0x11: {  	s29 =	sadd.s32 $0x1, s29  }
0x12: {  	p0 =	sne.s32 s29, s6  }
.Ltmp1:
0x13: {  	_ = 	snop;
	(pc) =	sbr.rel @!p0 .LBB2_15-.Ltmp1, $4  }
0x14: {  	[hbm4b:s5+s25] =	stream.strided.scatter [tilespmem:s24], [sflag:$0x7], $0x2000, s26, s25, $0x38;
	[tilespmem:$0x1A280] =	vst v63  }
0x15: {  	_ =	swait.ge [sflag:s28], $0x2000  }
0x16: {  	[sflag:s28] =	ssyncset.done $0x0  }
0x17: {  	[sflag:s28] =	ssyncadd.s32 $0xFFFFE000  }
.LBB2_1:
0x18: {  	s0 =	simm.s32 $0x0  }
0x19: {  	[tilespmem:s0], [sflag:$0x7] =	stream.linear.gather [hbm4b:s4+s0], $0x200, $0x38;
	[tilespmem:$0x1A280] =	vst v63  }
0x1a: {  	_ =	swait.ge [sflag:s28], $0x200  }
0x1b: {  	[sflag:s28] =	ssyncset.done $0x0  }
0x1c: {  	[sflag:s28] =	ssyncadd.s32 $0xFFFFFE00  }
0x1d: {  	v2 =	vld [tilespmem:$0x0];
	_ =	sdelay $0x4  }
0x1e: {  	(v2sf) =	vpush v2, $0x0;
	_ =	sdelay $0x1  }
0x1f: {  	(v2sf) =	vpush v2, $0x1;
	_ =	sdelay $0x1  }
0x20: {  	(v2sf) =	vpush v2, $0x2;
	_ =	sdelay $0x5  }
0x21: {  	(v2sf) =	vpush v2, $0x3;
	_ =	sdelay $0x4  }
0x22: {  	s13 =	spop (v2sf);
	(v2sf) =	vpush v2, $0x4;
	_ =	sdelay $0x1  }
0x23: {  	s14 =	spop (v2sf);
	(v2sf) =	vpush v2, $0x5  }
0x24: {  	s0 =	sand.u32 $0xFFFFF80, s13  }
0x25: {  	s2 =	simm.s32 $0x280;
	s0 =	sadd.s32 s1, s0;
	s3 =	spop (v2sf)  }
0x26: {  	(v2sf) =	vpush v2, $0x6;
	[tilespmem:s2], [sflag:$0x1] =	stream.strided.gather [hbm4b:s0+s7], $0x800, s8, s7, $0x38;
	[tilespmem:$0x1A280] =	vst v63  }
0x27: {  	s0 =	sand.u32 $0xFFFFF80, s14  }
0x28: {  	s15 =	simm.s32 $0xA80;
	s0 =	sadd.s32 s1, s0  }
0x29: {  	(v2sf) =	vpush v2, $0x7;
	[tilespmem:s15], [sflag:$0x1] =	stream.strided.gather [hbm4b:s0+s7], $0x800, s8, s7, $0x38;
	[tilespmem:$0x1A280] =	vst v63  }
0x2a: {  	s0 =	sand.u32 $0xFFFFF80, s3  }
0x2b: {  	s9 =	simm.s32 $0x1280;
	s10 =	spop (v2sf);
	s0 =	sadd.s32 s1, s0  }
0x2c: {  	[tilespmem:s9], [sflag:$0x1] =	stream.strided.gather [hbm4b:s0+s7], $0x800, s8, s7, $0x38;
	[tilespmem:$0x1A280] =	vst v63  }
0x2d: {  	s0 =	sand.u32 $0xFFFFF80, s10  }
0x2e: {  	s11 =	simm.s32 $0x1A80;
	s0 =	sadd.s32 s1, s0  }
0x2f: {  	[tilespmem:s11], [sflag:$0x1] =	stream.strided.gather [hbm4b:s0+s7], $0x800, s8, s7, $0x38;
	[tilespmem:$0x1A280] =	vst v63  }
0x30: {  	s12 =	spop (v2sf)  }
0x31: {  	s0 =	sand.u32 $0xFFFFF80, s12  }
0x32: {  	s13 =	simm.s32 $0x2280;
	s14 =	spop (v2sf);
	s0 =	sadd.s32 s1, s0  }
0x33: {  	[tilespmem:s13], [sflag:$0x1] =	stream.strided.gather [hbm4b:s0+s7], $0x800, s8, s7, $0x38;
	[tilespmem:$0x1A280] =	vst v63  }
0x34: {  	s0 =	sand.u32 $0xFFFFF80, s14  }
0x35: {  	s15 =	simm.s32 $0x2A80;
	s3 =	spop (v2sf);
	s0 =	sadd.s32 s1, s0  }
0x36: {  	[tilespmem:s15], [sflag:$0x1] =	stream.strided.gather [hbm4b:s0+s7], $0x800, s8, s7, $0x38;
	[tilespmem:$0x1A280] =	vst v63  }
0x37: {  	s0 =	sand.u32 $0xFFFFF80, s3  }
0x38: {  	s9 =	simm.s32 $0x3280;
	s10 =	spop (v2sf);
	s0 =	sadd.s32 s1, s0  }
0x39: {  	[tilespmem:s9], [sflag:$0x1] =	stream.strided.gather [hbm4b:s0+s7], $0x800, s8, s7, $0x38;
	[tilespmem:$0x1A280] =	vst v63  }
0x3a: {  	s0 =	sand.u32 $0xFFFFF80, s10  }
0x3b: {  	s11 =	simm.s32 $0x3A80;
	s0 =	sadd.s32 s1, s0  }
0x3c: {  	[tilespmem:s11], [sflag:$0x1] =	stream.strided.gather [hbm4b:s0+s7], $0x800, s8, s7, $0x38;
	[tilespmem:$0x1A280] =	vst v63  }
0x3d: {  	v2 =	vld [tilespmem:$0x8];
	_ =	sdelay $0x4  }
0x3e: {  	(v2sf) =	vpush v2, $0x0;
	_ =	sdelay $0x1  }
0x3f: {  	(v2sf) =	vpush v2, $0x1;
	_ =	sdelay $0x1  }
0x40: {  	(v2sf) =	vpush v2, $0x2  }
0x41: {  	(v2sf) =	vpush v2, $0x3;
	_ =	sdelay $0x5  }
0x42: {  	(v2sf) =	vpush v2, $0x4;
	_ =	sdelay $0x3  }
0x43: {  	s12 =	spop (v2sf)  }
0x44: {  	(v2sf) =	vpush v2, $0x5;
	s0 =	sand.u32 $0xFFFFF80, s12  }
0x45: {  	s13 =	simm.s32 $0x4280;
	s14 =	spop (v2sf);
	s0 =	sadd.s32 s1, s0  }
0x46: {  	(v2sf) =	vpush v2, $0x6;
	[tilespmem:s13], [sflag:$0x2] =	stream.strided.gather [hbm4b:s0+s7], $0x800, s8, s7, $0x38;
	[tilespmem:$0x1A280] =	vst v63  }
0x47: {  	s3 =	spop (v2sf);
	s0 =	sand.u32 $0xFFFFF80, s14  }
0x48: {  	s15 =	simm.s32 $0x4A80;
	s10 =	spop (v2sf);
	s0 =	sadd.s32 s1, s0  }
0x49: {  	(v2sf) =	vpush v2, $0x7;
	[tilespmem:s15], [sflag:$0x2] =	stream.strided.gather [hbm4b:s0+s7], $0x800, s8, s7, $0x38;
	[tilespmem:$0x1A280] =	vst v63  }
0x4a: {  	s0 =	sand.u32 $0xFFFFF80, s3  }
0x4b: {  	s9 =	simm.s32 $0x5280;
	s0 =	sadd.s32 s1, s0  }
0x4c: {  	[tilespmem:s9], [sflag:$0x2] =	stream.strided.gather [hbm4b:s0+s7], $0x800, s8, s7, $0x38;
	[tilespmem:$0x1A280] =	vst v63  }
0x4d: {  	s0 =	sand.u32 $0xFFFFF80, s10  }
0x4e: {  	s11 =	simm.s32 $0x5A80;
	s12 =	spop (v2sf);
	s0 =	sadd.s32 s1, s0  }
0x4f: {  	[tilespmem:s11], [sflag:$0x2] =	stream.strided.gather [hbm4b:s0+s7], $0x800, s8, s7, $0x38;
	[tilespmem:$0x1A280] =	vst v63  }
0x50: {  	s0 =	sand.u32 $0xFFFFF80, s12  }
0x51: {  	s13 =	simm.s32 $0x6280;
	s0 =	sadd.s32 s1, s0  }
0x52: {  	[tilespmem:s13], [sflag:$0x2] =	stream.strided.gather [hbm4b:s0+s7], $0x800, s8, s7, $0x38;
	[tilespmem:$0x1A280] =	vst v63  }
0x53: {  	s14 =	spop (v2sf)  }
0x54: {  	s0 =	sand.u32 $0xFFFFF80, s14  }
0x55: {  	s15 =	simm.s32 $0x6A80;
	s3 =	spop (v2sf);
	s0 =	sadd.s32 s1, s0  }
0x56: {  	[tilespmem:s15], [sflag:$0x2] =	stream.strided.gather [hbm4b:s0+s7], $0x800, s8, s7, $0x38;
	[tilespmem:$0x1A280] =	vst v63  }
0x57: {  	s0 =	sand.u32 $0xFFFFF80, s3  }
0x58: {  	s9 =	simm.s32 $0x7280;
	s10 =	spop (v2sf);
	s0 =	sadd.s32 s1, s0  }
0x59: {  	[tilespmem:s9], [sflag:$0x2] =	stream.strided.gather [hbm4b:s0+s7], $0x800, s8, s7, $0x38;
	[tilespmem:$0x1A280] =	vst v63  }
0x5a: {  	s0 =	sand.u32 $0xFFFFF80, s10  }
0x5b: {  	s11 =	simm.s32 $0x7A80;
	s0 =	sadd.s32 s1, s0  }
0x5c: {  	[tilespmem:s11], [sflag:$0x2] =	stream.strided.gather [hbm4b:s0+s7], $0x800, s8, s7, $0x38;
	[tilespmem:$0x1A280] =	vst v63  }
0x5d: {  	v2 =	vld [tilespmem:$0x10];
	_ =	sdelay $0x4  }
0x5e: {  	(v2sf) =	vpush v2, $0x0;
	_ =	sdelay $0x1  }
0x5f: {  	(v2sf) =	vpush v2, $0x1;
	_ =	sdelay $0x1  }
0x60: {  	(v2sf) =	vpush v2, $0x2  }
0x61: {  	(v2sf) =	vpush v2, $0x3;
	_ =	sdelay $0x5  }
0x62: {  	(v2sf) =	vpush v2, $0x4;
	_ =	sdelay $0x3  }
0x63: {  	s12 =	spop (v2sf)  }
0x64: {  	(v2sf) =	vpush v2, $0x5;
	s0 =	sand.u32 $0xFFFFF80, s12  }
0x65: {  	s13 =	simm.s32 $0x8280;
	s14 =	spop (v2sf);
	s0 =	sadd.s32 s1, s0  }
0x66: {  	(v2sf) =	vpush v2, $0x6;
	[tilespmem:s13], [sflag:$0x3] =	stream.strided.gather [hbm4b:s0+s7], $0x800, s8, s7, $0x38;
	[tilespmem:$0x1A280] =	vst v63  }
0x67: {  	s3 =	spop (v2sf);
	s0 =	sand.u32 $0xFFFFF80, s14  }
0x68: {  	s15 =	simm.s32 $0x8A80;
	s10 =	spop (v2sf);
	s0 =	sadd.s32 s1, s0  }
0x69: {  	(v2sf) =	vpush v2, $0x7;
	[tilespmem:s15], [sflag:$0x3] =	stream.strided.gather [hbm4b:s0+s7], $0x800, s8, s7, $0x38;
	[tilespmem:$0x1A280] =	vst v63  }
0x6a: {  	s0 =	sand.u32 $0xFFFFF80, s3  }
0x6b: {  	s9 =	simm.s32 $0x9280;
	s0 =	sadd.s32 s1, s0  }
0x6c: {  	[tilespmem:s9], [sflag:$0x3] =	stream.strided.gather [hbm4b:s0+s7], $0x800, s8, s7, $0x38;
	[tilespmem:$0x1A280] =	vst v63  }
0x6d: {  	s0 =	sand.u32 $0xFFFFF80, s10  }
0x6e: {  	s11 =	simm.s32 $0x9A80;
	s12 =	spop (v2sf);
	s0 =	sadd.s32 s1, s0  }
0x6f: {  	[tilespmem:s11], [sflag:$0x3] =	stream.strided.gather [hbm4b:s0+s7], $0x800, s8, s7, $0x38;
	[tilespmem:$0x1A280] =	vst v63  }
0x70: {  	s0 =	sand.u32 $0xFFFFF80, s12  }
0x71: {  	s13 =	simm.s32 $0xA280;
	s0 =	sadd.s32 s1, s0  }
0x72: {  	[tilespmem:s13], [sflag:$0x3] =	stream.strided.gather [hbm4b:s0+s7], $0x800, s8, s7, $0x38;
	[tilespmem:$0x1A280] =	vst v63  }
0x73: {  	s14 =	spop (v2sf)  }
0x74: {  	s0 =	sand.u32 $0xFFFFF80, s14  }
0x75: {  	s15 =	simm.s32 $0xAA80;
	s3 =	spop (v2sf);
	s0 =	sadd.s32 s1, s0  }
0x76: {  	[tilespmem:s15], [sflag:$0x3] =	stream.strided.gather [hbm4b:s0+s7], $0x800, s8, s7, $0x38;
	[tilespmem:$0x1A280] =	vst v63  }
0x77: {  	s0 =	sand.u32 $0xFFFFF80, s3  }
0x78: {  	s9 =	simm.s32 $0xB280;
	s10 =	spop (v2sf);
	s0 =	sadd.s32 s1, s0  }
0x79: {  	[tilespmem:s9], [sflag:$0x3] =	stream.strided.gather [hbm4b:s0+s7], $0x800, s8, s7, $0x38;
	[tilespmem:$0x1A280] =	vst v63  }
0x7a: {  	s0 =	sand.u32 $0xFFFFF80, s10  }
0x7b: {  	s11 =	simm.s32 $0xBA80;
	s0 =	sadd.s32 s1, s0  }
0x7c: {  	[tilespmem:s11], [sflag:$0x3] =	stream.strided.gather [hbm4b:s0+s7], $0x800, s8, s7, $0x38;
	[tilespmem:$0x1A280] =	vst v63  }
0x7d: {  	v2 =	vld [tilespmem:$0x18];
	_ =	sdelay $0x4  }
0x7e: {  	(v2sf) =	vpush v2, $0x0;
	_ =	sdelay $0x1  }
0x7f: {  	(v2sf) =	vpush v2, $0x1;
	_ =	sdelay $0x1  }
0x80: {  	(v2sf) =	vpush v2, $0x2  }
0x81: {  	(v2sf) =	vpush v2, $0x3;
	_ =	sdelay $0x5  }
0x82: {  	(v2sf) =	vpush v2, $0x4;
	_ =	sdelay $0x3  }
0x83: {  	s12 =	spop (v2sf)  }
0x84: {  	(v2sf) =	vpush v2, $0x5;
	s0 =	sand.u32 $0xFFFFF80, s12  }
0x85: {  	s13 =	simm.s32 $0xC280;
	s14 =	spop (v2sf);
	s0 =	sadd.s32 s1, s0  }
0x86: {  	(v2sf) =	vpush v2, $0x6;
	[tilespmem:s13], [sflag:$0x4] =	stream.strided.gather [hbm4b:s0+s7], $0x800, s8, s7, $0x38;
	[tilespmem:$0x1A280] =	vst v63  }
0x87: {  	s3 =	spop (v2sf);
	s0 =	sand.u32 $0xFFFFF80, s14  }
0x88: {  	s15 =	simm.s32 $0xCA80;
	s10 =	spop (v2sf);
	s0 =	sadd.s32 s1, s0  }
0x89: {  	(v2sf) =	vpush v2, $0x7;
	[tilespmem:s15], [sflag:$0x4] =	stream.strided.gather [hbm4b:s0+s7], $0x800, s8, s7, $0x38;
	[tilespmem:$0x1A280] =	vst v63  }
0x8a: {  	s0 =	sand.u32 $0xFFFFF80, s3  }
0x8b: {  	s9 =	simm.s32 $0xD280;
	s0 =	sadd.s32 s1, s0  }
0x8c: {  	[tilespmem:s9], [sflag:$0x4] =	stream.strided.gather [hbm4b:s0+s7], $0x800, s8, s7, $0x38;
	[tilespmem:$0x1A280] =	vst v63  }
0x8d: {  	s0 =	sand.u32 $0xFFFFF80, s10  }
0x8e: {  	s11 =	simm.s32 $0xDA80;
	s12 =	spop (v2sf);
	s0 =	sadd.s32 s1, s0  }
0x8f: {  	[tilespmem:s11], [sflag:$0x4] =	stream.strided.gather [hbm4b:s0+s7], $0x800, s8, s7, $0x38;
	[tilespmem:$0x1A280] =	vst v63  }
0x90: {  	s0 =	sand.u32 $0xFFFFF80, s12  }
0x91: {  	s13 =	simm.s32 $0xE280;
	s0 =	sadd.s32 s1, s0  }
0x92: {  	[tilespmem:s13], [sflag:$0x4] =	stream.strided.gather [hbm4b:s0+s7], $0x800, s8, s7, $0x38;
	[tilespmem:$0x1A280] =	vst v63  }
0x93: {  	s14 =	spop (v2sf)  }
0x94: {  	s0 =	sand.u32 $0xFFFFF80, s14  }
0x95: {  	s15 =	simm.s32 $0xEA80;
	s3 =	spop (v2sf);
	s0 =	sadd.s32 s1, s0  }
0x96: {  	[tilespmem:s15], [sflag:$0x4] =	stream.strided.gather [hbm4b:s0+s7], $0x800, s8, s7, $0x38;
	[tilespmem:$0x1A280] =	vst v63  }
0x97: {  	s0 =	sand.u32 $0xFFFFF80, s3  }
0x98: {  	s9 =	simm.s32 $0xF280;
	s10 =	spop (v2sf);
	s0 =	sadd.s32 s1, s0  }
0x99: {  	[tilespmem:s9], [sflag:$0x4] =	stream.strided.gather [hbm4b:s0+s7], $0x800, s8, s7, $0x38;
	[tilespmem:$0x1A280] =	vst v63  }
0x9a: {  	s0 =	sand.u32 $0xFFFFF80, s10  }
0x9b: {  	s11 =	simm.s32 $0xFA80;
	s0 =	sadd.s32 s1, s0  }
0x9c: {  	[tilespmem:s11], [sflag:$0x4] =	stream.strided.gather [hbm4b:s0+s7], $0x800, s8, s7, $0x38;
	[tilespmem:$0x1A280] =	vst v63  }
0x9d: {  	v2 =	vld [tilespmem:$0x20];
	_ =	sdelay $0x4  }
0x9e: {  	(v2sf) =	vpush v2, $0x0  }
0x9f: {  	(v2sf) =	vpush v2, $0x1;
	_ =	sdelay $0x4  }
0xa0: {  	(v2sf) =	vpush v2, $0x2;
	_ =	sdelay $0x1  }
0xa1: {  	(v2sf) =	vpush v2, $0x3  }
0xa2: {  	(v2sf) =	vpush v2, $0x4;
	_ =	sdelay $0x5  }
0xa3: {  	s12 =	spop (v2sf);
	(v2sf) =	vpush v2, $0x5  }
0xa4: {  	s13 =	spop (v2sf);
	(v2sf) =	vpush v2, $0x6  }
0xa5: {  	s0 =	sand.u32 $0xFFFFF80, s12  }
0xa6: {  	s0 =	sadd.s32 s1, s0  }
0xa7: {  	[tilespmem:s16], [sflag:$0x5] =	stream.strided.gather [hbm4b:s0+s7], $0x800, s8, s7, $0x38;
	[tilespmem:$0x1A280] =	vst v63  }
0xa8: {  	s0 =	sand.u32 $0xFFFFF80, s13  }
0xa9: {  	s14 =	spop (v2sf);
	(v2sf) =	vpush v2, $0x7;
	s0 =	sadd.s32 s1, s0  }
0xaa: {  	[tilespmem:s17], [sflag:$0x5] =	stream.strided.gather [hbm4b:s0+s7], $0x800, s8, s7, $0x38;
	[tilespmem:$0x1A280] =	vst v63  }
0xab: {  	s15 =	spop (v2sf);
	s0 =	sand.u32 $0xFFFFF80, s14  }
0xac: {  	s3 =	sand.u32 $0xFFFFF80, s15;
	s9 =	spop (v2sf);
	s0 =	sadd.s32 s1, s0  }
0xad: {  	[tilespmem:s18], [sflag:$0x5] =	stream.strided.gather [hbm4b:s0+s7], $0x800, s8, s7, $0x38;
	[tilespmem:$0x1A280] =	vst v63  }
0xae: {  	s10 =	sand.u32 $0xFFFFF80, s9;
	s0 =	sadd.s32 s1, s3  }
0xaf: {  	[tilespmem:s19], [sflag:$0x5] =	stream.strided.gather [hbm4b:s0+s7], $0x800, s8, s7, $0x38;
	[tilespmem:$0x1A280] =	vst v63  }
0xb0: {  	s0 =	sadd.s32 s1, s10  }
0xb1: {  	[tilespmem:s20], [sflag:$0x5] =	stream.strided.gather [hbm4b:s0+s7], $0x800, s8, s7, $0x38;
	[tilespmem:$0x1A280] =	vst v63  }
0xb2: {  	s11 =	spop (v2sf)  }
0xb3: {  	s12 =	sand.u32 $0xFFFFF80, s11;
	s13 =	spop (v2sf)  }
0xb4: {  	s0 =	sadd.s32 s1, s12;
	s14 =	sand.u32 $0xFFFFF80, s13  }
0xb5: {  	[tilespmem:s21], [sflag:$0x5] =	stream.strided.gather [hbm4b:s0+s7], $0x800, s8, s7, $0x38;
	[tilespmem:$0x1A280] =	vst v63  }
0xb6: {  	s0 =	sadd.s32 s1, s14  }
0xb7: {  	[tilespmem:s22], [sflag:$0x5] =	stream.strided.gather [hbm4b:s0+s7], $0x800, s8, s7, $0x38;
	[tilespmem:$0x1A280] =	vst v63  }
.Ltmp2:
0xb8: {  	s15 =	spop (v2sf);
	(pc) =	sbr.rel .LBB2_2-.Ltmp2, $4  }
0xb9: {  	s0 =	sand.u32 $0xFFFFF80, s15  }
0xba: {  	s0 =	sadd.s32 s1, s0  }
0xbb: {  	[tilespmem:s23], [sflag:$0x5] =	stream.strided.gather [hbm4b:s0+s7], $0x800, s8, s7, $0x38;
	[tilespmem:$0x1A280] =	vst v63  }
0xbc: {  	s30 =	simm.s32 $0x28;
	s31 =	simm.s32 $0x7;
	s0 =	simm.s32 $0x0  }
.LBB2_9:
0xbd: {  	p0 =	sgt.u32 s0, $0x3A  }
0xbe: {  	v2 =	vld @!p0 [tilespmem:s30+$0x0];
	_ =	sdelay $0x4  }
0xbf: {  	(v2sf) =	vpush @!p0 v2, $0x0;
	_ =	sdelay $0x3  }
0xc0: {  	(v2sf) =	vpush @!p0 v2, $0x1;
	_ =	sdelay $0x3  }
0xc1: {  	(v2sf) =	vpush @!p0 v2, $0x2;
	_ =	sdelay $0x1  }
0xc2: {  	(v2sf) =	vpush @!p0 v2, $0x3;
	_ =	sdelay $0x2  }
0xc3: {  	(v2sf) =	vpush @!p0 v2, $0x4;
	_ =	sdelay $0x1  }
0xc4: {  	s2 =	spop @!p0 (v2sf)  }
0xc5: {  	s3 =	simm.s32 @!p0 $0x400;
	s2 =	sand.u32 @!p0 $0xFFFFF80, s2  }
0xc6: {  	s9 =	simm.s32 @!p0 $0x7A1400;
	s10 =	simm.s32 @!p0 $0x14280;
	s2 =	sadd.s32 @!p0 s1, s2  }
0xc7: {  	(v2sf) =	vpush @!p0 v2, $0x5;
	[tilespmem:s10], [sflag:$0x6] =	stream.strided.gather @!p0 [hbm4b:s2+s3], $0x800, s9, s3, $0x38;
	[tilespmem:$0x1A280] =	vst v63  }
0xc8: {  	s2 =	spop @!p0 (v2sf)  }
0xc9: {  	(v2sf) =	vpush @!p0 v2, $0x6;
	s2 =	sand.u32 @!p0 $0xFFFFF80, s2  }
0xca: {  	s10 =	simm.s32 @!p0 $0x14A80;
	s2 =	sadd.s32 @!p0 s1, s2  }
0xcb: {  	[tilespmem:s10], [sflag:$0x6] =	stream.strided.gather @!p0 [hbm4b:s2+s3], $0x800, s9, s3, $0x38;
	[tilespmem:$0x1A280] =	vst v63  }
0xcc: {  	s2 =	spop @!p0 (v2sf)  }
0xcd: {  	s2 =	sand.u32 @!p0 $0xFFFFF80, s2  }
0xce: {  	s11 =	simm.s32 @!p0 $0x15280;
	(v2sf) =	vpush @!p0 v2, $0x7;
	s10 =	spop @!p0 (v2sf);
	s2 =	sadd.s32 @!p0 s1, s2  }
0xcf: {  	[tilespmem:s11], [sflag:$0x6] =	stream.strided.gather @!p0 [hbm4b:s2+s3], $0x800, s9, s3, $0x38;
	[tilespmem:$0x1A280] =	vst v63  }
0xd0: {  	s2 =	sand.u32 @!p0 $0xFFFFF80, s10  }
0xd1: {  	s10 =	spop @!p0 (v2sf);
	s11 =	simm.s32 @!p0 $0x15A80;
	s2 =	sadd.s32 @!p0 s1, s2  }
0xd2: {  	[tilespmem:s11], [sflag:$0x6] =	stream.strided.gather @!p0 [hbm4b:s2+s3], $0x800, s9, s3, $0x38;
	[tilespmem:$0x1A280] =	vst v63  }
0xd3: {  	s2 =	sand.u32 @!p0 $0xFFFFF80, s10  }
0xd4: {  	s11 =	simm.s32 @!p0 $0x16280;
	s2 =	sadd.s32 @!p0 s1, s2  }
0xd5: {  	[tilespmem:s11], [sflag:$0x6] =	stream.strided.gather @!p0 [hbm4b:s2+s3], $0x800, s9, s3, $0x38;
	[tilespmem:$0x1A280] =	vst v63  }
0xd6: {  	s10 =	spop @!p0 (v2sf)  }
0xd7: {  	s12 =	simm.s32 @!p0 $0xA80;
	s2 =	sand.u32 @!p0 $0xFFFFF80, s10  }
0xd8: {  	s11 =	simm.s32 @!p0 $0x16A80;
	s2 =	sadd.s32 @!p0 s1, s2;
	s10 =	spop @!p0 (v2sf)  }
0xd9: {  	[tilespmem:s11], [sflag:$0x6] =	stream.strided.gather @!p0 [hbm4b:s2+s3], $0x800, s9, s3, $0x38;
	[tilespmem:$0x1A280] =	vst v63  }
0xda: {  	s15 =	simm.s32 @!p0 $0x280;
	s14 =	simm.s32 @!p0 $0x1280;
	s2 =	sand.u32 @!p0 $0xFFFFF80, s10  }
0xdb: {  	s13 =	simm.s32 @!p0 $0x2280;
	s10 =	simm.s32 @!p0 $0x17280;
	s2 =	sadd.s32 @!p0 s1, s2  }
0xdc: {  	[tilespmem:s10], [sflag:$0x6] =	stream.strided.gather @!p0 [hbm4b:s2+s3], $0x800, s9, s3, $0x38;
	[tilespmem:$0x1A280] =	vst v63  }
0xdd: {  	s15 =	simm.s32 @p0 $0x280;
	s12 =	simm.s32 @p0 $0xA80;
	s2 =	spop @!p0 (v2sf)  }
0xde: {  	s14 =	simm.s32 @p0 $0x1280;
	s13 =	simm.s32 @p0 $0x2280;
	s2 =	sand.u32 @!p0 $0xFFFFF80, s2  }
0xdf: {  	s11 =	simm.s32 @!p0 $0x3280;
	s10 =	simm.s32 @!p0 $0x17A80;
	s2 =	sadd.s32 @!p0 s1, s2  }
0xe0: {  	[tilespmem:s10], [sflag:$0x6] =	stream.strided.gather @!p0 [hbm4b:s2+s3], $0x800, s9, s3, $0x38;
	[tilespmem:$0x1A280] =	vst v63  }
0xe1: {  	s11 =	simm.s32 @p0 $0x3280;
	s2 =	simm.s32 @!p0 $0x3A80;
	s3 =	simm.s32 @!p0 $0x1  }
0xe2: {  	s9 =	simm.s32 @!p0 $0x2A80;
	s10 =	simm.s32 @!p0 $0x1A80;
	s3 =	simm.s32 @p0 $0x1  }
0xe3: {  	s10 =	simm.s32 @p0 $0x1A80;
	s9 =	simm.s32 @p0 $0x2A80;
	s2 =	simm.s32 @p0 $0x3A80  }
.LBB2_13:
0xe4: {  	_ =	swait.ge [sflag:s3], $0x800  }
0xe5: {  	[sflag:s3] =	ssyncset.done $0x0  }
0xe6: {  	[sflag:s3] =	ssyncadd.s32 $0xFFFFF800  }
0xe7: {  	_ =	swait.ge [sflag:s3], $0x800  }
0xe8: {  	[sflag:s3] =	ssyncset.done $0x0  }
0xe9: {  	[sflag:s3] =	ssyncadd.s32 $0xFFFFF800  }
0xea: {  	_ =	swait.ge [sflag:s3], $0x800  }
0xeb: {  	[sflag:s3] =	ssyncset.done $0x0  }
0xec: {  	[sflag:s3] =	ssyncadd.s32 $0xFFFFF800  }
0xed: {  	_ =	swait.ge [sflag:s3], $0x800  }
0xee: {  	[sflag:s3] =	ssyncset.done $0x0  }
0xef: {  	[sflag:s3] =	ssyncadd.s32 $0xFFFFF800  }
0xf0: {  	_ =	swait.ge [sflag:s3], $0x800  }
0xf1: {  	[sflag:s3] =	ssyncset.done $0x0  }
0xf2: {  	[sflag:s3] =	ssyncadd.s32 $0xFFFFF800  }
0xf3: {  	_ =	swait.ge [sflag:s3], $0x800  }
0xf4: {  	[sflag:s3] =	ssyncset.done $0x0  }
0xf5: {  	[sflag:s3] =	ssyncadd.s32 $0xFFFFF800  }
0xf6: {  	_ =	swait.ge [sflag:s3], $0x800  }
0xf7: {  	[sflag:s3] =	ssyncset.done $0x0  }
0xf8: {  	[sflag:s3] =	ssyncadd.s32 $0xFFFFF800  }
0xf9: {  	_ =	swait.ge [sflag:s3], $0x800  }
0xfa: {  	[sflag:s3] =	ssyncset.done $0x0  }
0xfb: {  	[sflag:s3] =	ssyncadd.s32 $0xFFFFF800  }
0xfc: {  	v2 =	vld [tilespmem:s30+$0xFFFFFFD8];
	_ =	sdelay $0x4  }
0xfd: {  	v2 =	vand.u32 $0x7F, v2  }
0xfe: {  	v3 =	vbroadcast v2, $0x0;
	_ =	sdelay $0x1  }
0xff: {  	s3 =	sadd.s32 $0xFFFFFFF9, s31;
	v3 =	vor.u32 v0, v3  }
0x100: {  	v4 =	vmov s3  }
0x101: {  	v5 =	vshll.u32 v4, $0x3  }
0x102: {  	v4 =	vand.u32 $0x78, v4;
	v5 =	vand.u32 $0xC00, v5  }
0x103: {  	v4 =	vor.u32 v5, v4;
	v46 =	vbroadcast v2, $0x1  }
0x104: {  	v4 =	vor.u32 v1, v4;
	v3 =	vld.idx.msk [tilespmem:v3+s15+$0x0], $0xffff  }
0x105: {  	v5 =	vor.u32 v0, v46;
	s15 =	sadd.s32 $0xFFFFFFFA, s31  }
0x106: {  	v6 =	vmov s15  }
0x107: {  	v7 =	vshll.u32 v6, $0x3  }
0x108: {  	v6 =	vand.u32 $0x79, v6;
	v7 =	vand.u32 $0xC00, v7  }
0x109: {  	v47 =	vbroadcast v2, $0x2;
	[tilespmem:v4+s24+$0x0] =	vst.idx.msk $0xffff, v3;
	v3 =	vor.u32 v7, v6  }
0x10a: {  	v5 =	vld.idx.msk [tilespmem:v5+s12+$0x0], $0xffff;
	v3 =	vor.u32 v1, v3  }
0x10b: {  	v4 =	vor.u32 v0, v47;
	s12 =	sadd.s32 $0xFFFFFFFB, s31  }
0x10c: {  	v48 =	vmov s12  }
0x10d: {  	v49 =	vshll.u32 v48, $0x3  }
0x10e: {  	v6 =	vand.u32 $0x7A, v48;
	v7 =	vand.u32 $0xC00, v49  }
0x10f: {  	v50 =	vbroadcast v2, $0x3;
	[tilespmem:v3+s24+$0x0] =	vst.idx.msk $0xffff, v5;
	v3 =	vor.u32 v7, v6  }
0x110: {  	v4 =	vld.idx.msk [tilespmem:v4+s14+$0x0], $0xffff;
	v3 =	vor.u32 v1, v3  }
0x111: {  	s15 =	sadd.s32 $0xFFFFFFFC, s31;
	v5 =	vor.u32 v0, v50  }
0x112: {  	v51 =	vmov s15  }
0x113: {  	v52 =	vshll.u32 v51, $0x3  }
0x114: {  	v6 =	vand.u32 $0x7B, v51;
	v7 =	vand.u32 $0xC00, v52  }
0x115: {  	v53 =	vbroadcast v2, $0x4;
	[tilespmem:v3+s24+$0x0] =	vst.idx.msk $0xffff, v4;
	v3 =	vor.u32 v7, v6  }
0x116: {  	v5 =	vld.idx.msk [tilespmem:v5+s10+$0x0], $0xffff;
	v3 =	vor.u32 v1, v3  }
0x117: {  	s12 =	sadd.s32 $0xFFFFFFFD, s31;
	v4 =	vor.u32 v0, v53  }
0x118: {  	v54 =	vmov s12  }
0x119: {  	v55 =	vshll.u32 v54, $0x3  }
0x11a: {  	v6 =	vand.u32 $0x7C, v54;
	v7 =	vand.u32 $0xC00, v55  }
0x11b: {  	v56 =	vbroadcast v2, $0x5;
	[tilespmem:v3+s24+$0x0] =	vst.idx.msk $0xffff, v5;
	v3 =	vor.u32 v7, v6  }
0x11c: {  	v4 =	vld.idx.msk [tilespmem:v4+s13+$0x0], $0xffff;
	v3 =	vor.u32 v1, v3  }
0x11d: {  	s14 =	sadd.s32 $0xFFFFFFFE, s31;
	v5 =	vor.u32 v0, v56  }
0x11e: {  	v57 =	vmov s14  }
0x11f: {  	v58 =	vshll.u32 v57, $0x3  }
0x120: {  	v6 =	vand.u32 $0x7D, v57;
	v7 =	vand.u32 $0xC00, v58  }
0x121: {  	v59 =	vbroadcast v2, $0x6;
	[tilespmem:v3+s24+$0x0] =	vst.idx.msk $0xffff, v4;
	v3 =	vor.u32 v7, v6  }
0x122: {  	v5 =	vld.idx.msk [tilespmem:v5+s9+$0x0], $0xffff;
	v3 =	vor.u32 v1, v3  }
0x123: {  	s15 =	sadd.s32 $0xFFFFFFFF, s31;
	v4 =	vor.u32 v0, v59  }
0x124: {  	v60 =	vmov s15  }
0x125: {  	v61 =	vshll.u32 v60, $0x3  }
0x126: {  	v6 =	vand.u32 $0x7E, v60;
	v7 =	vand.u32 $0xC00, v61  }
0x127: {  	v2 =	vbroadcast v2, $0x7;
	[tilespmem:v3+s24+$0x0] =	vst.idx.msk $0xffff, v5;
	v3 =	vor.u32 v7, v6  }
0x128: {  	v4 =	vld.idx.msk [tilespmem:v4+s11+$0x0], $0xffff;
	v3 =	vor.u32 v1, v3  }
0x129: {  	v2 =	vor.u32 v0, v2  }
0x12a: {  	v62 =	vmov s31  }
0x12b: {  	v63 =	vshll.u32 v62, $0x3  }
0x12c: {  	v5 =	vand.u32 $0x7F, v62;
	v6 =	vand.u32 $0xC00, v63  }
0x12d: {  	s31 =	sadd.s32 $0x8, s31;
	[tilespmem:v3+s24+$0x0] =	vst.idx.msk $0xffff, v4;
	v3 =	vor.u32 v6, v5  }
0x12e: {  	p0 =	sne.s32 s31, $0x207;
	v2 =	vld.idx.msk [tilespmem:v2+s2+$0x0], $0xffff;
	v3 =	vor.u32 v1, v3  }
.Ltmp3:
0x12f: {  	_ = 	snop;
	(pc) =	sbr.rel @!p0 .LBB2_14-.Ltmp3, $2  }
0x130: {  	_ =	sdelay $0x2  }
0x131: {  	s0 =	sadd.s32 $0x1, s0;
	s30 =	sadd.s32 $0x8, s30;
	[tilespmem:v3+s24+$0x0] =	vst.idx.msk $0xffff, v2  }
.LBB2_2:
0x132: {  	s2 =	smul.u32 $0xAB, s0;
	_ =	sdelay $0x1  }
0x133: {  	s2 =	sshrl.u32 s2, $0xA  }
0x134: {  	s2 =	sand.u32 $0x3F, s2  }
0x135: {  	s2 =	smul.u32 $0x6, s2;
	_ =	sdelay $0x1  }
0x136: {  	s2 =	ssub.s32 s0, s2  }
0x137: {  	s2 =	sand.u32 $0xFF, s2  }
0x138: {  	p0 =	sgt.s32 s2, $0x2  }
.Ltmp4:
0x139: {  	_ = 	snop;
	(pc) =	sbr.rel @p0 .LBB2_6-.Ltmp4, $1  }
0x13a: {  	_ =	sdelay $0x3  }
0x13b: {  	p0 =	seq.s32 s2, $0x0  }
.Ltmp5:
0x13c: {  	_ = 	snop;
	(pc) =	sbr.rel @p0 .LBB2_9-.Ltmp5, $1  }
0x13d: {  	_ =	sdelay $0x3  }
0x13e: {  	p0 =	seq.s32 s2, $0x1  }
.Ltmp6:
0x13f: {  	_ = 	snop;
	(pc) =	sbr.rel @!p0 .LBB2_10-.Ltmp6, $1  }
0x140: {  	_ =	sdelay $0x3  }
0x141: {  	p0 =	sgt.u32 s0, $0x3A  }
0x142: {  	v2 =	vld @!p0 [tilespmem:s30+$0x0];
	_ =	sdelay $0x4  }
0x143: {  	(v2sf) =	vpush @!p0 v2, $0x0;
	_ =	sdelay $0x3  }
0x144: {  	(v2sf) =	vpush @!p0 v2, $0x1;
	_ =	sdelay $0x3  }
0x145: {  	(v2sf) =	vpush @!p0 v2, $0x2;
	_ =	sdelay $0x1  }
0x146: {  	(v2sf) =	vpush @!p0 v2, $0x3;
	_ =	sdelay $0x2  }
0x147: {  	(v2sf) =	vpush @!p0 v2, $0x4;
	_ =	sdelay $0x1  }
0x148: {  	s2 =	spop @!p0 (v2sf)  }
0x149: {  	s3 =	simm.s32 @!p0 $0x400;
	s2 =	sand.u32 @!p0 $0xFFFFF80, s2  }
0x14a: {  	s9 =	simm.s32 @!p0 $0x7A1400;
	s10 =	simm.s32 @!p0 $0x280;
	s2 =	sadd.s32 @!p0 s1, s2  }
0x14b: {  	(v2sf) =	vpush @!p0 v2, $0x5;
	[tilespmem:s10], [sflag:$0x1] =	stream.strided.gather @!p0 [hbm4b:s2+s3], $0x800, s9, s3, $0x38;
	[tilespmem:$0x1A280] =	vst v63  }
0x14c: {  	s2 =	spop @!p0 (v2sf)  }
0x14d: {  	(v2sf) =	vpush @!p0 v2, $0x6;
	s2 =	sand.u32 @!p0 $0xFFFFF80, s2  }
0x14e: {  	s10 =	simm.s32 @!p0 $0xA80;
	s2 =	sadd.s32 @!p0 s1, s2  }
0x14f: {  	[tilespmem:s10], [sflag:$0x1] =	stream.strided.gather @!p0 [hbm4b:s2+s3], $0x800, s9, s3, $0x38;
	[tilespmem:$0x1A280] =	vst v63  }
0x150: {  	s2 =	spop @!p0 (v2sf)  }
0x151: {  	s2 =	sand.u32 @!p0 $0xFFFFF80, s2  }
0x152: {  	s11 =	simm.s32 @!p0 $0x1280;
	(v2sf) =	vpush @!p0 v2, $0x7;
	s10 =	spop @!p0 (v2sf);
	s2 =	sadd.s32 @!p0 s1, s2  }
0x153: {  	[tilespmem:s11], [sflag:$0x1] =	stream.strided.gather @!p0 [hbm4b:s2+s3], $0x800, s9, s3, $0x38;
	[tilespmem:$0x1A280] =	vst v63  }
0x154: {  	s2 =	sand.u32 @!p0 $0xFFFFF80, s10  }
0x155: {  	s10 =	spop @!p0 (v2sf);
	s11 =	simm.s32 @!p0 $0x1A80;
	s2 =	sadd.s32 @!p0 s1, s2  }
0x156: {  	[tilespmem:s11], [sflag:$0x1] =	stream.strided.gather @!p0 [hbm4b:s2+s3], $0x800, s9, s3, $0x38;
	[tilespmem:$0x1A280] =	vst v63  }
0x157: {  	s2 =	sand.u32 @!p0 $0xFFFFF80, s10  }
0x158: {  	s11 =	simm.s32 @!p0 $0x2280;
	s2 =	sadd.s32 @!p0 s1, s2  }
0x159: {  	[tilespmem:s11], [sflag:$0x1] =	stream.strided.gather @!p0 [hbm4b:s2+s3], $0x800, s9, s3, $0x38;
	[tilespmem:$0x1A280] =	vst v63  }
0x15a: {  	s10 =	spop @!p0 (v2sf)  }
0x15b: {  	s12 =	simm.s32 @!p0 $0x4A80;
	s15 =	simm.s32 @!p0 $0x4280;
	s2 =	sand.u32 @!p0 $0xFFFFF80, s10  }
0x15c: {  	s11 =	simm.s32 @!p0 $0x2A80;
	s2 =	sadd.s32 @!p0 s1, s2;
	s10 =	spop @!p0 (v2sf)  }
0x15d: {  	[tilespmem:s11], [sflag:$0x1] =	stream.strided.gather @!p0 [hbm4b:s2+s3], $0x800, s9, s3, $0x38;
	[tilespmem:$0x1A280] =	vst v63  }
0x15e: {  	s14 =	simm.s32 @!p0 $0x5280;
	s13 =	simm.s32 @!p0 $0x6280;
	s2 =	sand.u32 @!p0 $0xFFFFF80, s10  }
0x15f: {  	s15 =	simm.s32 @p0 $0x4280;
	s10 =	simm.s32 @!p0 $0x3280;
	s2 =	sadd.s32 @!p0 s1, s2  }
0x160: {  	[tilespmem:s10], [sflag:$0x1] =	stream.strided.gather @!p0 [hbm4b:s2+s3], $0x800, s9, s3, $0x38;
	[tilespmem:$0x1A280] =	vst v63  }
0x161: {  	s12 =	simm.s32 @p0 $0x4A80;
	s14 =	simm.s32 @p0 $0x5280;
	s2 =	spop @!p0 (v2sf)  }
0x162: {  	s13 =	simm.s32 @p0 $0x6280;
	s11 =	simm.s32 @!p0 $0x7280;
	s2 =	sand.u32 @!p0 $0xFFFFF80, s2  }
.Ltmp7:
0x163: {  	s10 =	simm.s32 @!p0 $0x3A80;
	s2 =	sadd.s32 @!p0 s1, s2;
	(pc) =	sbr.rel .LBB2_13-.Ltmp7, $4  }
0x164: {  	[tilespmem:s10], [sflag:$0x1] =	stream.strided.gather @!p0 [hbm4b:s2+s3], $0x800, s9, s3, $0x38;
	[tilespmem:$0x1A280] =	vst v63  }
0x165: {  	s11 =	simm.s32 @p0 $0x7280;
	s2 =	simm.s32 @!p0 $0x7A80;
	s3 =	simm.s32 @!p0 $0x2  }
0x166: {  	s9 =	simm.s32 @!p0 $0x6A80;
	s10 =	simm.s32 @!p0 $0x5A80;
	s3 =	simm.s32 @p0 $0x2  }
0x167: {  	s10 =	simm.s32 @p0 $0x5A80;
	s9 =	simm.s32 @p0 $0x6A80;
	s2 =	simm.s32 @p0 $0x7A80  }
.LBB2_6:
0x168: {  	p1 =	seq.s32 s2, $0x3  }
.Ltmp8:
0x169: {  	_ = 	snop;
	(pc) =	sbr.rel @p1 .LBB2_11-.Ltmp8, $2  }
0x16a: {  	_ =	sdelay $0x2  }
0x16b: {  	p0 =	sgt.u32 s0, $0x3A  }
0x16c: {  	p1 =	seq.s32 s2, $0x4  }
.Ltmp9:
0x16d: {  	_ = 	snop;
	(pc) =	sbr.rel @!p1 .LBB2_12-.Ltmp9, $1  }
0x16e: {  	_ =	sdelay $0x3  }
0x16f: {  	v2 =	vld @!p0 [tilespmem:s30+$0x0];
	_ =	sdelay $0x4  }
0x170: {  	(v2sf) =	vpush @!p0 v2, $0x0;
	_ =	sdelay $0x3  }
0x171: {  	(v2sf) =	vpush @!p0 v2, $0x1;
	_ =	sdelay $0x3  }
0x172: {  	(v2sf) =	vpush @!p0 v2, $0x2;
	_ =	sdelay $0x1  }
0x173: {  	(v2sf) =	vpush @!p0 v2, $0x3;
	_ =	sdelay $0x2  }
0x174: {  	(v2sf) =	vpush @!p0 v2, $0x4;
	_ =	sdelay $0x1  }
0x175: {  	s2 =	spop @!p0 (v2sf)  }
0x176: {  	s3 =	simm.s32 @!p0 $0x400;
	s2 =	sand.u32 @!p0 $0xFFFFF80, s2  }
0x177: {  	s9 =	simm.s32 @!p0 $0x7A1400;
	s10 =	simm.s32 @!p0 $0xC280;
	s2 =	sadd.s32 @!p0 s1, s2  }
0x178: {  	(v2sf) =	vpush @!p0 v2, $0x5;
	[tilespmem:s10], [sflag:$0x4] =	stream.strided.gather @!p0 [hbm4b:s2+s3], $0x800, s9, s3, $0x38;
	[tilespmem:$0x1A280] =	vst v63  }
0x179: {  	s2 =	spop @!p0 (v2sf)  }
0x17a: {  	(v2sf) =	vpush @!p0 v2, $0x6;
	s2 =	sand.u32 @!p0 $0xFFFFF80, s2  }
0x17b: {  	s10 =	simm.s32 @!p0 $0xCA80;
	s2 =	sadd.s32 @!p0 s1, s2  }
0x17c: {  	[tilespmem:s10], [sflag:$0x4] =	stream.strided.gather @!p0 [hbm4b:s2+s3], $0x800, s9, s3, $0x38;
	[tilespmem:$0x1A280] =	vst v63  }
0x17d: {  	s2 =	spop @!p0 (v2sf)  }
0x17e: {  	s2 =	sand.u32 @!p0 $0xFFFFF80, s2  }
0x17f: {  	s11 =	simm.s32 @!p0 $0xD280;
	(v2sf) =	vpush @!p0 v2, $0x7;
	s10 =	spop @!p0 (v2sf);
	s2 =	sadd.s32 @!p0 s1, s2  }
0x180: {  	[tilespmem:s11], [sflag:$0x4] =	stream.strided.gather @!p0 [hbm4b:s2+s3], $0x800, s9, s3, $0x38;
	[tilespmem:$0x1A280] =	vst v63  }
0x181: {  	s2 =	sand.u32 @!p0 $0xFFFFF80, s10  }
0x182: {  	s10 =	spop @!p0 (v2sf);
	s11 =	simm.s32 @!p0 $0xDA80;
	s2 =	sadd.s32 @!p0 s1, s2  }
0x183: {  	[tilespmem:s11], [sflag:$0x4] =	stream.strided.gather @!p0 [hbm4b:s2+s3], $0x800, s9, s3, $0x38;
	[tilespmem:$0x1A280] =	vst v63  }
0x184: {  	s2 =	sand.u32 @!p0 $0xFFFFF80, s10  }
0x185: {  	s11 =	simm.s32 @!p0 $0xE280;
	s2 =	sadd.s32 @!p0 s1, s2  }
0x186: {  	[tilespmem:s11], [sflag:$0x4] =	stream.strided.gather @!p0 [hbm4b:s2+s3], $0x800, s9, s3, $0x38;
	[tilespmem:$0x1A280] =	vst v63  }
0x187: {  	s10 =	spop @!p0 (v2sf)  }
0x188: {  	s12 =	simm.s32 @!p0 $0x10A80;
	s15 =	simm.s32 @!p0 $0x10280;
	s2 =	sand.u32 @!p0 $0xFFFFF80, s10  }
0x189: {  	s11 =	simm.s32 @!p0 $0xEA80;
	s2 =	sadd.s32 @!p0 s1, s2;
	s10 =	spop @!p0 (v2sf)  }
0x18a: {  	[tilespmem:s11], [sflag:$0x4] =	stream.strided.gather @!p0 [hbm4b:s2+s3], $0x800, s9, s3, $0x38;
	[tilespmem:$0x1A280] =	vst v63  }
0x18b: {  	s14 =	simm.s32 @!p0 $0x11280;
	s13 =	simm.s32 @!p0 $0x12280;
	s2 =	sand.u32 @!p0 $0xFFFFF80, s10  }
0x18c: {  	s15 =	simm.s32 @p0 $0x10280;
	s10 =	simm.s32 @!p0 $0xF280;
	s2 =	sadd.s32 @!p0 s1, s2  }
0x18d: {  	[tilespmem:s10], [sflag:$0x4] =	stream.strided.gather @!p0 [hbm4b:s2+s3], $0x800, s9, s3, $0x38;
	[tilespmem:$0x1A280] =	vst v63  }
0x18e: {  	s12 =	simm.s32 @p0 $0x10A80;
	s14 =	simm.s32 @p0 $0x11280;
	s2 =	spop @!p0 (v2sf)  }
0x18f: {  	s13 =	simm.s32 @p0 $0x12280;
	s11 =	simm.s32 @!p0 $0x13280;
	s2 =	sand.u32 @!p0 $0xFFFFF80, s2  }
.Ltmp10:
0x190: {  	s10 =	simm.s32 @!p0 $0xFA80;
	s2 =	sadd.s32 @!p0 s1, s2;
	(pc) =	sbr.rel .LBB2_13-.Ltmp10, $4  }
0x191: {  	[tilespmem:s10], [sflag:$0x4] =	stream.strided.gather @!p0 [hbm4b:s2+s3], $0x800, s9, s3, $0x38;
	[tilespmem:$0x1A280] =	vst v63  }
0x192: {  	s11 =	simm.s32 @p0 $0x13280;
	s2 =	simm.s32 @!p0 $0x13A80;
	s3 =	simm.s32 @!p0 $0x5  }
0x193: {  	s9 =	simm.s32 @!p0 $0x12A80;
	s10 =	simm.s32 @!p0 $0x11A80;
	s3 =	simm.s32 @p0 $0x5  }
0x194: {  	s10 =	simm.s32 @p0 $0x11A80;
	s9 =	simm.s32 @p0 $0x12A80;
	s2 =	simm.s32 @p0 $0x13A80  }
.LBB2_11:
0x195: {  	v2 =	vld @!p0 [tilespmem:s30+$0x0];
	_ =	sdelay $0x4  }
0x196: {  	(v2sf) =	vpush @!p0 v2, $0x0;
	_ =	sdelay $0x3  }
0x197: {  	(v2sf) =	vpush @!p0 v2, $0x1;
	_ =	sdelay $0x3  }
0x198: {  	(v2sf) =	vpush @!p0 v2, $0x2;
	_ =	sdelay $0x1  }
0x199: {  	(v2sf) =	vpush @!p0 v2, $0x3;
	_ =	sdelay $0x2  }
0x19a: {  	(v2sf) =	vpush @!p0 v2, $0x4;
	_ =	sdelay $0x1  }
0x19b: {  	s2 =	spop @!p0 (v2sf)  }
0x19c: {  	s3 =	simm.s32 @!p0 $0x400;
	s2 =	sand.u32 @!p0 $0xFFFFF80, s2  }
0x19d: {  	s9 =	simm.s32 @!p0 $0x7A1400;
	s10 =	simm.s32 @!p0 $0x8280;
	s2 =	sadd.s32 @!p0 s1, s2  }
0x19e: {  	(v2sf) =	vpush @!p0 v2, $0x5;
	[tilespmem:s10], [sflag:$0x3] =	stream.strided.gather @!p0 [hbm4b:s2+s3], $0x800, s9, s3, $0x38;
	[tilespmem:$0x1A280] =	vst v63  }
0x19f: {  	s2 =	spop @!p0 (v2sf)  }
0x1a0: {  	(v2sf) =	vpush @!p0 v2, $0x6;
	s2 =	sand.u32 @!p0 $0xFFFFF80, s2  }
0x1a1: {  	s10 =	simm.s32 @!p0 $0x8A80;
	s2 =	sadd.s32 @!p0 s1, s2  }
0x1a2: {  	[tilespmem:s10], [sflag:$0x3] =	stream.strided.gather @!p0 [hbm4b:s2+s3], $0x800, s9, s3, $0x38;
	[tilespmem:$0x1A280] =	vst v63  }
0x1a3: {  	s2 =	spop @!p0 (v2sf)  }
0x1a4: {  	s2 =	sand.u32 @!p0 $0xFFFFF80, s2  }
0x1a5: {  	s11 =	simm.s32 @!p0 $0x9280;
	(v2sf) =	vpush @!p0 v2, $0x7;
	s10 =	spop @!p0 (v2sf);
	s2 =	sadd.s32 @!p0 s1, s2  }
0x1a6: {  	[tilespmem:s11], [sflag:$0x3] =	stream.strided.gather @!p0 [hbm4b:s2+s3], $0x800, s9, s3, $0x38;
	[tilespmem:$0x1A280] =	vst v63  }
0x1a7: {  	s2 =	sand.u32 @!p0 $0xFFFFF80, s10  }
0x1a8: {  	s10 =	spop @!p0 (v2sf);
	s11 =	simm.s32 @!p0 $0x9A80;
	s2 =	sadd.s32 @!p0 s1, s2  }
0x1a9: {  	[tilespmem:s11], [sflag:$0x3] =	stream.strided.gather @!p0 [hbm4b:s2+s3], $0x800, s9, s3, $0x38;
	[tilespmem:$0x1A280] =	vst v63  }
0x1aa: {  	s2 =	sand.u32 @!p0 $0xFFFFF80, s10  }
0x1ab: {  	s11 =	simm.s32 @!p0 $0xA280;
	s2 =	sadd.s32 @!p0 s1, s2  }
0x1ac: {  	[tilespmem:s11], [sflag:$0x3] =	stream.strided.gather @!p0 [hbm4b:s2+s3], $0x800, s9, s3, $0x38;
	[tilespmem:$0x1A280] =	vst v63  }
0x1ad: {  	s10 =	spop @!p0 (v2sf)  }
0x1ae: {  	s12 =	simm.s32 @!p0 $0xCA80;
	s15 =	simm.s32 @!p0 $0xC280;
	s2 =	sand.u32 @!p0 $0xFFFFF80, s10  }
0x1af: {  	s11 =	simm.s32 @!p0 $0xAA80;
	s2 =	sadd.s32 @!p0 s1, s2;
	s10 =	spop @!p0 (v2sf)  }
0x1b0: {  	[tilespmem:s11], [sflag:$0x3] =	stream.strided.gather @!p0 [hbm4b:s2+s3], $0x800, s9, s3, $0x38;
	[tilespmem:$0x1A280] =	vst v63  }
0x1b1: {  	s14 =	simm.s32 @!p0 $0xD280;
	s13 =	simm.s32 @!p0 $0xE280;
	s2 =	sand.u32 @!p0 $0xFFFFF80, s10  }
0x1b2: {  	s15 =	simm.s32 @p0 $0xC280;
	s10 =	simm.s32 @!p0 $0xB280;
	s2 =	sadd.s32 @!p0 s1, s2  }
0x1b3: {  	[tilespmem:s10], [sflag:$0x3] =	stream.strided.gather @!p0 [hbm4b:s2+s3], $0x800, s9, s3, $0x38;
	[tilespmem:$0x1A280] =	vst v63  }
0x1b4: {  	s12 =	simm.s32 @p0 $0xCA80;
	s14 =	simm.s32 @p0 $0xD280;
	s2 =	spop @!p0 (v2sf)  }
0x1b5: {  	s13 =	simm.s32 @p0 $0xE280;
	s11 =	simm.s32 @!p0 $0xF280;
	s2 =	sand.u32 @!p0 $0xFFFFF80, s2  }
.Ltmp11:
0x1b6: {  	s10 =	simm.s32 @!p0 $0xBA80;
	s2 =	sadd.s32 @!p0 s1, s2;
	(pc) =	sbr.rel .LBB2_13-.Ltmp11, $4  }
0x1b7: {  	[tilespmem:s10], [sflag:$0x3] =	stream.strided.gather @!p0 [hbm4b:s2+s3], $0x800, s9, s3, $0x38;
	[tilespmem:$0x1A280] =	vst v63  }
0x1b8: {  	s11 =	simm.s32 @p0 $0xF280;
	s2 =	simm.s32 @!p0 $0xFA80;
	s3 =	simm.s32 @!p0 $0x4  }
0x1b9: {  	s9 =	simm.s32 @!p0 $0xEA80;
	s10 =	simm.s32 @!p0 $0xDA80;
	s3 =	simm.s32 @p0 $0x4  }
0x1ba: {  	s10 =	simm.s32 @p0 $0xDA80;
	s9 =	simm.s32 @p0 $0xEA80;
	s2 =	simm.s32 @p0 $0xFA80  }
.LBB2_10:
0x1bb: {  	p0 =	sgt.u32 s0, $0x3A  }
0x1bc: {  	v2 =	vld @!p0 [tilespmem:s30+$0x0];
	_ =	sdelay $0x4  }
0x1bd: {  	(v2sf) =	vpush @!p0 v2, $0x0;
	_ =	sdelay $0x3  }
0x1be: {  	(v2sf) =	vpush @!p0 v2, $0x1;
	_ =	sdelay $0x3  }
0x1bf: {  	(v2sf) =	vpush @!p0 v2, $0x2;
	_ =	sdelay $0x1  }
0x1c0: {  	(v2sf) =	vpush @!p0 v2, $0x3;
	_ =	sdelay $0x2  }
0x1c1: {  	(v2sf) =	vpush @!p0 v2, $0x4;
	_ =	sdelay $0x1  }
0x1c2: {  	s2 =	spop @!p0 (v2sf)  }
0x1c3: {  	s3 =	simm.s32 @!p0 $0x400;
	s2 =	sand.u32 @!p0 $0xFFFFF80, s2  }
0x1c4: {  	s9 =	simm.s32 @!p0 $0x7A1400;
	s10 =	simm.s32 @!p0 $0x4280;
	s2 =	sadd.s32 @!p0 s1, s2  }
0x1c5: {  	(v2sf) =	vpush @!p0 v2, $0x5;
	[tilespmem:s10], [sflag:$0x2] =	stream.strided.gather @!p0 [hbm4b:s2+s3], $0x800, s9, s3, $0x38;
	[tilespmem:$0x1A280] =	vst v63  }
0x1c6: {  	s2 =	spop @!p0 (v2sf)  }
0x1c7: {  	(v2sf) =	vpush @!p0 v2, $0x6;
	s2 =	sand.u32 @!p0 $0xFFFFF80, s2  }
0x1c8: {  	s10 =	simm.s32 @!p0 $0x4A80;
	s2 =	sadd.s32 @!p0 s1, s2  }
0x1c9: {  	[tilespmem:s10], [sflag:$0x2] =	stream.strided.gather @!p0 [hbm4b:s2+s3], $0x800, s9, s3, $0x38;
	[tilespmem:$0x1A280] =	vst v63  }
0x1ca: {  	s2 =	spop @!p0 (v2sf)  }
0x1cb: {  	s2 =	sand.u32 @!p0 $0xFFFFF80, s2  }
0x1cc: {  	s11 =	simm.s32 @!p0 $0x5280;
	(v2sf) =	vpush @!p0 v2, $0x7;
	s10 =	spop @!p0 (v2sf);
	s2 =	sadd.s32 @!p0 s1, s2  }
0x1cd: {  	[tilespmem:s11], [sflag:$0x2] =	stream.strided.gather @!p0 [hbm4b:s2+s3], $0x800, s9, s3, $0x38;
	[tilespmem:$0x1A280] =	vst v63  }
0x1ce: {  	s2 =	sand.u32 @!p0 $0xFFFFF80, s10  }
0x1cf: {  	s10 =	spop @!p0 (v2sf);
	s11 =	simm.s32 @!p0 $0x5A80;
	s2 =	sadd.s32 @!p0 s1, s2  }
0x1d0: {  	[tilespmem:s11], [sflag:$0x2] =	stream.strided.gather @!p0 [hbm4b:s2+s3], $0x800, s9, s3, $0x38;
	[tilespmem:$0x1A280] =	vst v63  }
0x1d1: {  	s2 =	sand.u32 @!p0 $0xFFFFF80, s10  }
0x1d2: {  	s11 =	simm.s32 @!p0 $0x6280;
	s2 =	sadd.s32 @!p0 s1, s2  }
0x1d3: {  	[tilespmem:s11], [sflag:$0x2] =	stream.strided.gather @!p0 [hbm4b:s2+s3], $0x800, s9, s3, $0x38;
	[tilespmem:$0x1A280] =	vst v63  }
0x1d4: {  	s10 =	spop @!p0 (v2sf)  }
0x1d5: {  	s12 =	simm.s32 @!p0 $0x8A80;
	s15 =	simm.s32 @!p0 $0x8280;
	s2 =	sand.u32 @!p0 $0xFFFFF80, s10  }
0x1d6: {  	s11 =	simm.s32 @!p0 $0x6A80;
	s2 =	sadd.s32 @!p0 s1, s2;
	s10 =	spop @!p0 (v2sf)  }
0x1d7: {  	[tilespmem:s11], [sflag:$0x2] =	stream.strided.gather @!p0 [hbm4b:s2+s3], $0x800, s9, s3, $0x38;
	[tilespmem:$0x1A280] =	vst v63  }
0x1d8: {  	s14 =	simm.s32 @!p0 $0x9280;
	s13 =	simm.s32 @!p0 $0xA280;
	s2 =	sand.u32 @!p0 $0xFFFFF80, s10  }
0x1d9: {  	s15 =	simm.s32 @p0 $0x8280;
	s10 =	simm.s32 @!p0 $0x7280;
	s2 =	sadd.s32 @!p0 s1, s2  }
0x1da: {  	[tilespmem:s10], [sflag:$0x2] =	stream.strided.gather @!p0 [hbm4b:s2+s3], $0x800, s9, s3, $0x38;
	[tilespmem:$0x1A280] =	vst v63  }
0x1db: {  	s12 =	simm.s32 @p0 $0x8A80;
	s14 =	simm.s32 @p0 $0x9280;
	s2 =	spop @!p0 (v2sf)  }
0x1dc: {  	s13 =	simm.s32 @p0 $0xA280;
	s11 =	simm.s32 @!p0 $0xB280;
	s2 =	sand.u32 @!p0 $0xFFFFF80, s2  }
.Ltmp12:
0x1dd: {  	s10 =	simm.s32 @!p0 $0x7A80;
	s2 =	sadd.s32 @!p0 s1, s2;
	(pc) =	sbr.rel .LBB2_13-.Ltmp12, $4  }
0x1de: {  	[tilespmem:s10], [sflag:$0x2] =	stream.strided.gather @!p0 [hbm4b:s2+s3], $0x800, s9, s3, $0x38;
	[tilespmem:$0x1A280] =	vst v63  }
0x1df: {  	s11 =	simm.s32 @p0 $0xB280;
	s2 =	simm.s32 @!p0 $0xBA80;
	s3 =	simm.s32 @!p0 $0x3  }
0x1e0: {  	s9 =	simm.s32 @!p0 $0xAA80;
	s10 =	simm.s32 @!p0 $0x9A80;
	s3 =	simm.s32 @p0 $0x3  }
0x1e1: {  	s10 =	simm.s32 @p0 $0x9A80;
	s9 =	simm.s32 @p0 $0xAA80;
	s2 =	simm.s32 @p0 $0xBA80  }
.LBB2_12:
0x1e2: {  	v2 =	vld @!p0 [tilespmem:s30+$0x0];
	_ =	sdelay $0x4  }
0x1e3: {  	(v2sf) =	vpush @!p0 v2, $0x0;
	_ =	sdelay $0x3  }
0x1e4: {  	(v2sf) =	vpush @!p0 v2, $0x1;
	_ =	sdelay $0x3  }
0x1e5: {  	(v2sf) =	vpush @!p0 v2, $0x2;
	_ =	sdelay $0x1  }
0x1e6: {  	(v2sf) =	vpush @!p0 v2, $0x3;
	_ =	sdelay $0x2  }
0x1e7: {  	(v2sf) =	vpush @!p0 v2, $0x4;
	_ =	sdelay $0x1  }
0x1e8: {  	s2 =	spop @!p0 (v2sf)  }
0x1e9: {  	s3 =	simm.s32 @!p0 $0x400;
	s2 =	sand.u32 @!p0 $0xFFFFF80, s2  }
0x1ea: {  	s9 =	simm.s32 @!p0 $0x7A1400;
	s10 =	simm.s32 @!p0 $0x10280;
	s2 =	sadd.s32 @!p0 s1, s2  }
0x1eb: {  	(v2sf) =	vpush @!p0 v2, $0x5;
	[tilespmem:s10], [sflag:$0x5] =	stream.strided.gather @!p0 [hbm4b:s2+s3], $0x800, s9, s3, $0x38;
	[tilespmem:$0x1A280] =	vst v63  }
0x1ec: {  	s2 =	spop @!p0 (v2sf)  }
0x1ed: {  	(v2sf) =	vpush @!p0 v2, $0x6;
	s2 =	sand.u32 @!p0 $0xFFFFF80, s2  }
0x1ee: {  	s10 =	simm.s32 @!p0 $0x10A80;
	s2 =	sadd.s32 @!p0 s1, s2  }
0x1ef: {  	[tilespmem:s10], [sflag:$0x5] =	stream.strided.gather @!p0 [hbm4b:s2+s3], $0x800, s9, s3, $0x38;
	[tilespmem:$0x1A280] =	vst v63  }
0x1f0: {  	s2 =	spop @!p0 (v2sf)  }
0x1f1: {  	s2 =	sand.u32 @!p0 $0xFFFFF80, s2  }
0x1f2: {  	s11 =	simm.s32 @!p0 $0x11280;
	(v2sf) =	vpush @!p0 v2, $0x7;
	s10 =	spop @!p0 (v2sf);
	s2 =	sadd.s32 @!p0 s1, s2  }
0x1f3: {  	[tilespmem:s11], [sflag:$0x5] =	stream.strided.gather @!p0 [hbm4b:s2+s3], $0x800, s9, s3, $0x38;
	[tilespmem:$0x1A280] =	vst v63  }
0x1f4: {  	s2 =	sand.u32 @!p0 $0xFFFFF80, s10  }
0x1f5: {  	s10 =	spop @!p0 (v2sf);
	s11 =	simm.s32 @!p0 $0x11A80;
	s2 =	sadd.s32 @!p0 s1, s2  }
0x1f6: {  	[tilespmem:s11], [sflag:$0x5] =	stream.strided.gather @!p0 [hbm4b:s2+s3], $0x800, s9, s3, $0x38;
	[tilespmem:$0x1A280] =	vst v63  }
0x1f7: {  	s2 =	sand.u32 @!p0 $0xFFFFF80, s10  }
0x1f8: {  	s11 =	simm.s32 @!p0 $0x12280;
	s2 =	sadd.s32 @!p0 s1, s2  }
0x1f9: {  	[tilespmem:s11], [sflag:$0x5] =	stream.strided.gather @!p0 [hbm4b:s2+s3], $0x800, s9, s3, $0x38;
	[tilespmem:$0x1A280] =	vst v63  }
0x1fa: {  	s10 =	spop @!p0 (v2sf)  }
0x1fb: {  	s12 =	simm.s32 @!p0 $0x14A80;
	s15 =	simm.s32 @!p0 $0x14280;
	s2 =	sand.u32 @!p0 $0xFFFFF80, s10  }
0x1fc: {  	s11 =	simm.s32 @!p0 $0x12A80;
	s2 =	sadd.s32 @!p0 s1, s2;
	s10 =	spop @!p0 (v2sf)  }
0x1fd: {  	[tilespmem:s11], [sflag:$0x5] =	stream.strided.gather @!p0 [hbm4b:s2+s3], $0x800, s9, s3, $0x38;
	[tilespmem:$0x1A280] =	vst v63  }
0x1fe: {  	s14 =	simm.s32 @!p0 $0x15280;
	s13 =	simm.s32 @!p0 $0x16280;
	s2 =	sand.u32 @!p0 $0xFFFFF80, s10  }
0x1ff: {  	s15 =	simm.s32 @p0 $0x14280;
	s10 =	simm.s32 @!p0 $0x13280;
	s2 =	sadd.s32 @!p0 s1, s2  }
0x200: {  	[tilespmem:s10], [sflag:$0x5] =	stream.strided.gather @!p0 [hbm4b:s2+s3], $0x800, s9, s3, $0x38;
	[tilespmem:$0x1A280] =	vst v63  }
0x201: {  	s12 =	simm.s32 @p0 $0x14A80;
	s14 =	simm.s32 @p0 $0x15280;
	s2 =	spop @!p0 (v2sf)  }
0x202: {  	s13 =	simm.s32 @p0 $0x16280;
	s11 =	simm.s32 @!p0 $0x17280;
	s2 =	sand.u32 @!p0 $0xFFFFF80, s2  }
.Ltmp13:
0x203: {  	s10 =	simm.s32 @!p0 $0x13A80;
	s2 =	sadd.s32 @!p0 s1, s2;
	(pc) =	sbr.rel .LBB2_13-.Ltmp13, $4  }
0x204: {  	[tilespmem:s10], [sflag:$0x5] =	stream.strided.gather @!p0 [hbm4b:s2+s3], $0x800, s9, s3, $0x38;
	[tilespmem:$0x1A280] =	vst v63  }
0x205: {  	s11 =	simm.s32 @p0 $0x17280;
	s2 =	simm.s32 @!p0 $0x17A80;
	s3 =	simm.s32 @!p0 $0x6  }
0x206: {  	s9 =	simm.s32 @!p0 $0x16A80;
	s10 =	simm.s32 @!p0 $0x15A80;
	s3 =	simm.s32 @p0 $0x6  }
0x207: {  	s10 =	simm.s32 @p0 $0x15A80;
	s9 =	simm.s32 @p0 $0x16A80;
	s2 =	simm.s32 @p0 $0x17A80  }
.LBB2_15:
0x208: {  	_ =	sfence.sel $0x180000  }
0x209: {  	[bflag:$0x0] =	sbarrier.arrive $0xFFFF  }
0x20a: {  	_ =	strace $0x90000047  }
0x20b: {  	s0 =	stileid.u32;
	[bflag:$0x2] =	sbarrier.arrive $0xFFFF  }
0x20c: {  	p0 =	sne.s32 s0, $0x0;
	s0 =	rddreg [dreg:$0x3]  }
0x20d: {  	s0 =	sadd.s32 @!p0 $0x100000, s0  }
0x20e: {  	[sflag:s0] =	ssyncadd.tile.s32 @!p0 $0x1;
	_ =	shalt  }
.Lfunc_end2:
_tile_overlayer_lowered:
.L_overlay_start_2:
0x20f: {  	(tag) =	ssettag $0x2  }
0x210: {  	s0 =	rddreg [dreg:$0x0];
	s2 =	stileid.u32  }
0x211: {  	s1 =	rddreg [dreg:$0x1];
	p0 =	sne.s32 s2, $0x0  }
0x212: {  	s3 =	rddreg [dreg:$0x2];
	[bflag:$0x3] =	sbarrier.arrive $0xFFFF;
	s2 =	simm.s32 @!p0 $0x1C07  }
0x213: {  	[timem:s3], [sflag:s2] =	dma.local @!p0 [hbm:s0], s1  }
0x214: {  	s0 =	simm.s32 @!p0 $0x7  }
0x215: {  	_ =	swait.ge @!p0 [sflag:s0], s1  }
0x216: {  	s1 =	ssub.s32 @!p0 $0x0, s1;
	[sflag:s0] =	ssyncset.done @!p0 $0x0  }
0x217: {  	[sflag:s0] =	ssyncadd.s32 @!p0 s1  }
0x218: {  	[bflag:$0x3] =	sbarrier.arrive $0xFFFF  }
0x219: {  	_ =	shalt  }

</sc_bundles>
